<compile_context>
chip_gen: v7x
topology: tpu7x:2x2x1
jax: 0.10.2.dev20260603
libtpu: 0.0.44.dev20260713+nightly
codegen_flags: <defaults>
</compile_context>

<pallas_src>
import functools

import jax
import jax.numpy as jnp
import numpy as np
from jax import lax
from jax.experimental import pallas as pl
from jax.experimental.pallas import tpu as pltpu
from jax.experimental.pallas import tpu_sc as plsc

_D = 64
_B = 16384
_H = 50
_TOTAL = _B * _H
_NC, _NS = 2, 16
_NW = _NC * _NS
_BPW = _B // _NW
_NBT = _BPW // 128
_PER_W = _BPW * _H
_NUNIT = _H * _NBT

_K = 2.0
_IR = np.float32(2.0 * _K / (1.0 + np.sqrt(1.0 + 4.0 * _K * _K)))
_EPS = np.float32(1e-05)


def _rsqrt(x):
    i = plsc.bitcast(x, jnp.int32)
    i = jnp.int32(0x5F3759DF) - (i >> 1)
    y = plsc.bitcast(i, jnp.float32)
    for _ in range(3):
        y = y * (jnp.float32(1.5) - jnp.float32(0.5) * x * y * y)
    return y


def _soft_clip_scale(sumsq):
    y = _rsqrt(sumsq)
    norm = sumsq * y
    one = jnp.full((16,), 1.0, jnp.float32)
    return jnp.where(norm <= _IR, _IR * y,
                     jnp.where(norm >= jnp.float32(1.0), (jnp.float32(1.0) - _EPS) * y,
                               one))


def _embed_body(idx_hbm, table_hbm, out_hbm, idx_v,
                idxh0, idxh1, idxh2, idxh3,
                in_v0, in_v1, in_v2, in_v3, out_t0, out_t1,
                sem_in0, sem_in1, sem_in2, sem_in3, sem_out0, sem_out1):
    wid = lax.axis_index("s") * _NC + lax.axis_index("c")
    base = wid * _PER_W
    bt_base = wid * _NBT
    pltpu.sync_copy(idx_hbm.at[pl.ds(base, _PER_W)], idx_v)
    idxhs = (idxh0, idxh1, idxh2, idxh3)
    in_bufs = (in_v0, in_v1, in_v2, in_v3)
    out_bufs = (out_t0, out_t1)
    sem_ins = (sem_in0, sem_in1, sem_in2, sem_in3)
    sem_outs = (sem_out0, sem_out1)
    lane = lax.iota(jnp.int32, 16)

    def build_idx(u, b):
        h = u // _NBT
        bt = u % _NBT
        for g in range(8):
            pos = jnp.full((16,), (bt * 128 + g * 16) * _H, jnp.int32) + lane * _H + h
            idxhs[b][pl.ds(g * 16, 16)] = plsc.load_gather(idx_v, [pos])

    def gather_desc(b):
        return pltpu.make_async_copy(table_hbm.at[idxhs[b]], in_bufs[b], sem_ins[b])

    def put_descs(u, b):
        h = u // _NBT
        btg = bt_base + u % _NBT
        return [pltpu.make_async_copy(
                    out_bufs[b].at[pl.ds(dt * 8, 8)],
                    out_hbm.at[h, dt, btg], sem_outs[b])
                for dt in range(_D // 8)]

    def compute(b):
        in_v, out_t = in_bufs[b], out_bufs[b % 2]

        def group_body(g, carry2):
            j0 = g * 16
            jrows = lane + jnp.full((16,), j0, jnp.int32)

            zero = jnp.zeros((16,), jnp.float32)

            @plsc.parallel_loop(0, 16, carry=(zero, zero, zero, zero), unroll=4)
            def accs(m, accs_in):
                dperm_m = (lane + m) & 15
                out = []
                for k in range(_D // 16):
                    dcol = dperm_m + 16 * k
                    val = plsc.load_gather(in_v, [jrows, dcol])
                    out.append(accs_in[k] + val * val)
                    plsc.store_scatter(out_t, [dcol, jrows], val)
                return tuple(out)
            acc = (accs[0] + accs[1]) + (accs[2] + accs[3])
            scale = _soft_clip_scale(acc)

            @plsc.parallel_loop(0, _D, unroll=8)
            def _scale_rows(d):
                t = out_t[d, pl.ds(j0, 16)]
                out_t[d, pl.ds(j0, 16)] = (t + jnp.float32(1e-15)) * scale

            return carry2

        lax.fori_loop(0, 8, group_body, 0, unroll=False)

    for b in range(4):
        build_idx(b, b)
        gather_desc(b).start()

    def quad_body(p, carry):
        u0 = p * 4
        for b in range(4):
            u = u0 + b
            gather_desc(b).wait()

            @pl.when(u >= 2)
            def _wait_out():
                for d in put_descs(u, b % 2):
                    d.wait()

            compute(b)
            for d in put_descs(u, b % 2):
                d.start()

            @pl.when(u < _NUNIT - 4)
            def _next_gather():
                build_idx(u + 4, b)
                gather_desc(b).start()

        return carry

    lax.fori_loop(0, _NUNIT // 4, quad_body, 0, unroll=False)
    for b in range(2):
        for d in put_descs(_NUNIT - 2 + b, b):
            d.wait()


_embed_sc = functools.partial(
    pl.kernel,
    out_type=jax.ShapeDtypeStruct((_H, _D // 8, _B // 128, 8, 128), jnp.float32),
    mesh=plsc.VectorSubcoreMesh(core_axis_name="c", subcore_axis_name="s"),
    compiler_params=pltpu.CompilerParams(needs_layout_passes=False,
                                         use_tc_tiling_on_sc=False,
                                         disable_bounds_checks=True),
    scratch_types=[
        pltpu.VMEM((_PER_W,), jnp.int32),
        pltpu.VMEM((128,), jnp.int32),
        pltpu.VMEM((128,), jnp.int32),
        pltpu.VMEM((128,), jnp.int32),
        pltpu.VMEM((128,), jnp.int32),
        pltpu.VMEM((128, _D), jnp.float32),
        pltpu.VMEM((128, _D), jnp.float32),
        pltpu.VMEM((128, _D), jnp.float32),
        pltpu.VMEM((128, _D), jnp.float32),
        pltpu.VMEM((64, 128), jnp.float32),
        pltpu.VMEM((64, 128), jnp.float32),
        pltpu.SemaphoreType.DMA,
        pltpu.SemaphoreType.DMA,
        pltpu.SemaphoreType.DMA,
        pltpu.SemaphoreType.DMA,
        pltpu.SemaphoreType.DMA,
        pltpu.SemaphoreType.DMA,
    ],
)(_embed_body)


def kernel(inputs, table):
    flat_idx = inputs.reshape(_TOTAL)
    out5 = _embed_sc(flat_idx, table)
    return out5.transpose(2, 4, 0, 1, 3).reshape(_B, _H, _D)

# --- scband reference (transcript-rebuilt; emitter-appended) ---
"""Pipeline reference for scband-embedder-85736137163348 (READ-ONLY COPY).

The authoritative reference and input builder live on the scoring server;
editing this copy changes nothing except your own understanding.
"""

import jax, jax.numpy as jnp
import numpy as np

N_CLASSES = 1000000
EMBED_DIM = 64
K = 2.0
INNER_RADIUS = 2.0 * K / (1.0 + np.sqrt(1.0 + 4.0 * K * K))
EPSILON = 1e-05
BATCH = 16384
HIST = 50


def setup_inputs(seed: int = 0) -> dict:
    key = jax.random.key(seed)
    k1, k2, k3 = jax.random.split(key, 3)
    inputs = jax.random.randint(k1, (BATCH, HIST), 0, N_CLASSES, dtype=jnp.int32)
    # Embedding table, initialized as in Embedder.__init__: random normal rows
    # rescaled so each row has norm inner_radius + U[0, 0.05).
    table = jax.random.normal(k2, (N_CLASSES, EMBED_DIM), dtype=jnp.float32)
    norm = jnp.linalg.norm(table, axis=1, keepdims=True)
    new_norm = INNER_RADIUS + jax.random.uniform(k3, (N_CLASSES, 1), dtype=jnp.float32) * 0.05
    table = new_norm * table / norm
    return {"inputs": inputs, "table": table}


def soft_clip(x):
    original_shape = x.shape
    x = x.reshape(-1, original_shape[-1])
    # norms computed under no_grad in torch -> constants w.r.t. autodiff
    norm = jnp.linalg.norm(x, axis=1, keepdims=True)
    scale = jnp.where(
        norm <= INNER_RADIUS,
        INNER_RADIUS / norm,
        jnp.where(norm >= 1.0, (1.0 - EPSILON) / norm, jnp.ones_like(norm)),
    )
    x = x * jax.lax.stop_gradient(scale)
    return x.reshape(original_shape)


def reference(inputs, table):
    embeds = jnp.take(table, inputs, axis=0)
    embeds = embeds + 1e-15
    # K is set, so forward applies soft_clip
    return soft_clip(embeds)

if __name__ == "__main__":
    import jax
    _d = setup_inputs()
    print(jax.jit(kernel)(*tuple(_d.values())))

</pallas_src>

<mosaic_0001>
#map = affine_map<(d0, d1) -> (0)>
#map1 = affine_map<(d0, d1) -> (0, 0)>
#map2 = affine_map<(d0, d1) -> (0, 0, 0, 0, 0)>
module attributes {stable_mosaic.version = 14 : i64} {
  func.func @_embed_body(%arg0: i32, %arg1: i32, %arg2: memref<819200xi32, #tpu.memory_space<hbm>>, %arg3: memref<1000000x64xf32, #tpu.memory_space<hbm>>, %arg4: memref<50x8x128x8x128xf32, #tpu.memory_space<hbm>>, %arg5: memref<25600xi32, #tpu.memory_space<vmem>>, %arg6: memref<128xi32, #tpu.memory_space<vmem>>, %arg7: memref<128xi32, #tpu.memory_space<vmem>>, %arg8: memref<128xi32, #tpu.memory_space<vmem>>, %arg9: memref<128xi32, #tpu.memory_space<vmem>>, %arg10: memref<128x64xf32, #tpu.memory_space<vmem>>, %arg11: memref<128x64xf32, #tpu.memory_space<vmem>>, %arg12: memref<128x64xf32, #tpu.memory_space<vmem>>, %arg13: memref<128x64xf32, #tpu.memory_space<vmem>>, %arg14: memref<64x128xf32, #tpu.memory_space<vmem>>, %arg15: memref<64x128xf32, #tpu.memory_space<vmem>>, %arg16: memref<!tpu.dma_semaphore, #tpu.memory_space<semaphore_mem>>, %arg17: memref<!tpu.dma_semaphore, #tpu.memory_space<semaphore_mem>>, %arg18: memref<!tpu.dma_semaphore, #tpu.memory_space<semaphore_mem>>, %arg19: memref<!tpu.dma_semaphore, #tpu.memory_space<semaphore_mem>>, %arg20: memref<!tpu.dma_semaphore, #tpu.memory_space<semaphore_mem>>, %arg21: memref<!tpu.dma_semaphore, #tpu.memory_space<semaphore_mem>>) attributes {dimension_semantics = [#tpu.dimension_semantics<core_parallel>, #tpu.dimension_semantics<subcore_parallel>], iteration_bounds = array<i64: 2, 16>, scalar_prefetch = 0 : i64, scratch_operands = 17 : i64, tpu.core_type = #tpu.core_type<sc_vector_subcore>, window_params = [{transform_indices = #map}, {transform_indices = #map1}, {transform_indices = #map2}]} {
    %mul3A = arith.constant 2 : i32
    %mul3A_0 = arith.muli %arg1, %mul3A : i32
    %add3A = arith.addi %mul3A_0, %arg0 : i32
    %mul3A_1 = arith.constant 25600 : i32
    %mul3A_2 = arith.muli %add3A, %mul3A_1 : i32
    %mul3A_3 = arith.constant 4 : i32
    %mul3A_4 = arith.muli %add3A, %mul3A_3 : i32
    "tpu.region"() ({
      %run_scoped3A = tpu.sem_alloc : memref<!tpu.dma_semaphore, #tpu.memory_space<semaphore_mem>>
      %dma_start3A_661 = tpu.memref_slice %arg2[%mul3A_2] : memref<819200xi32, #tpu.memory_space<hbm>> -> memref<25600xi32, #tpu.memory_space<hbm>>
      %dma_start3A_662 = tpu.memref_slice %arg2[%mul3A_2] : memref<819200xi32, #tpu.memory_space<hbm>> -> memref<25600xi32, #tpu.memory_space<hbm>>
      tpu.enqueue_dma source(%dma_start3A_662 : memref<25600xi32, #tpu.memory_space<hbm>>) target(%arg5 : memref<25600xi32, #tpu.memory_space<vmem>>) target_semaphore(%run_scoped3A : memref<!tpu.dma_semaphore, #tpu.memory_space<semaphore_mem>>)
      %dma_wait3A_663 = tpu.memref_slice %arg2[%mul3A_2] : memref<819200xi32, #tpu.memory_space<hbm>> -> memref<25600xi32, #tpu.memory_space<hbm>>
      %dma_wait3A_664 = tpu.memref_slice %arg2[%mul3A_2] : memref<819200xi32, #tpu.memory_space<hbm>> -> memref<25600xi32, #tpu.memory_space<hbm>>
      tpu.wait_dma2 semaphore(%run_scoped3A : memref<!tpu.dma_semaphore, #tpu.memory_space<semaphore_mem>>) src(%dma_wait3A_664 : memref<25600xi32, #tpu.memory_space<hbm>>) dst(%arg5 : memref<25600xi32, #tpu.memory_space<vmem>>)
      tpu.yield
    }) : () -> ()
    %iota3A = tpu.iota {dimensions = array<i32: 0>} : vector<16xi32>
    %broadcast_in_dim3A = arith.constant 0 : i32
    %broadcast_in_dim3A_5 = vector.broadcast %broadcast_in_dim3A : i32 to vector<16xi32>
    %mul3A_6 = arith.constant 50 : i32
    %mul3A_7 = vector.broadcast %mul3A_6 : i32 to vector<16xi32>
    %mul3A_8 = arith.muli %iota3A, %mul3A_7 : vector<16xi32>
    %add3A_9 = arith.addi %broadcast_in_dim3A_5, %mul3A_8 : vector<16xi32>
    %add3A_10 = arith.constant 0 : i32
    %add3A_11 = vector.broadcast %add3A_10 : i32 to vector<16xi32>
    %add3A_12 = arith.addi %add3A_9, %add3A_11 : vector<16xi32>
    %gather3A = tpu.vector_load_idx %arg5[%add3A_12] : memref<25600xi32, #tpu.memory_space<vmem>>[vector<16xi32>], vector<16xi32>,
    %swap3A = arith.constant 0 : index
    %swap3A_13 = tpu.vector_load %arg6[%swap3A] {strides = array<i32>} : memref<128xi32, #tpu.memory_space<vmem>>, vector<16xi32>,
    tpu.vector_store %arg6[%swap3A], %gather3A {strides = array<i32>} : memref<128xi32, #tpu.memory_space<vmem>>, vector<16xi32>,
    %broadcast_in_dim3A_14 = arith.constant 800 : i32
    %broadcast_in_dim3A_15 = vector.broadcast %broadcast_in_dim3A_14 : i32 to vector<16xi32>
    %mul3A_16 = arith.constant 50 : i32
    %mul3A_17 = vector.broadcast %mul3A_16 : i32 to vector<16xi32>
    %mul3A_18 = arith.muli %iota3A, %mul3A_17 : vector<16xi32>
    %add3A_19 = arith.addi %broadcast_in_dim3A_15, %mul3A_18 : vector<16xi32>
    %add3A_20 = arith.constant 0 : i32
    %add3A_21 = vector.broadcast %add3A_20 : i32 to vector<16xi32>
    %add3A_22 = arith.addi %add3A_19, %add3A_21 : vector<16xi32>
    %gather3A_23 = tpu.vector_load_idx %arg5[%add3A_22] : memref<25600xi32, #tpu.memory_space<vmem>>[vector<16xi32>], vector<16xi32>,
    %swap3A_24 = arith.constant 16 : index
    %swap3A_25 = tpu.vector_load %arg6[%swap3A_24] {strides = array<i32>} : memref<128xi32, #tpu.memory_space<vmem>>, vector<16xi32>,
    tpu.vector_store %arg6[%swap3A_24], %gather3A_23 {strides = array<i32>} : memref<128xi32, #tpu.memory_space<vmem>>, vector<16xi32>,
    %broadcast_in_dim3A_26 = arith.constant 1600 : i32
    %broadcast_in_dim3A_27 = vector.broadcast %broadcast_in_dim3A_26 : i32 to vector<16xi32>
    %mul3A_28 = arith.constant 50 : i32
    %mul3A_29 = vector.broadcast %mul3A_28 : i32 to vector<16xi32>
    %mul3A_30 = arith.muli %iota3A, %mul3A_29 : vector<16xi32>
    %add3A_31 = arith.addi %broadcast_in_dim3A_27, %mul3A_30 : vector<16xi32>
    %add3A_32 = arith.constant 0 : i32
    %add3A_33 = vector.broadcast %add3A_32 : i32 to vector<16xi32>
    %add3A_34 = arith.addi %add3A_31, %add3A_33 : vector<16xi32>
    %gather3A_35 = tpu.vector_load_idx %arg5[%add3A_34] : memref<25600xi32, #tpu.memory_space<vmem>>[vector<16xi32>], vector<16xi32>,
    %swap3A_36 = arith.constant 32 : index
    %swap3A_37 = tpu.vector_load %arg6[%swap3A_36] {strides = array<i32>} : memref<128xi32, #tpu.memory_space<vmem>>, vector<16xi32>,
    tpu.vector_store %arg6[%swap3A_36], %gather3A_35 {strides = array<i32>} : memref<128xi32, #tpu.memory_space<vmem>>, vector<16xi32>,
    %broadcast_in_dim3A_38 = arith.constant 2400 : i32
    %broadcast_in_dim3A_39 = vector.broadcast %broadcast_in_dim3A_38 : i32 to vector<16xi32>
    %mul3A_40 = arith.constant 50 : i32
    %mul3A_41 = vector.broadcast %mul3A_40 : i32 to vector<16xi32>
    %mul3A_42 = arith.muli %iota3A, %mul3A_41 : vector<16xi32>
    %add3A_43 = arith.addi %broadcast_in_dim3A_39, %mul3A_42 : vector<16xi32>
    %add3A_44 = arith.constant 0 : i32
    %add3A_45 = vector.broadcast %add3A_44 : i32 to vector<16xi32>
    %add3A_46 = arith.addi %add3A_43, %add3A_45 : vector<16xi32>
    %gather3A_47 = tpu.vector_load_idx %arg5[%add3A_46] : memref<25600xi32, #tpu.memory_space<vmem>>[vector<16xi32>], vector<16xi32>,
    %swap3A_48 = arith.constant 48 : index
    %swap3A_49 = tpu.vector_load %arg6[%swap3A_48] {strides = array<i32>} : memref<128xi32, #tpu.memory_space<vmem>>, vector<16xi32>,
    tpu.vector_store %arg6[%swap3A_48], %gather3A_47 {strides = array<i32>} : memref<128xi32, #tpu.memory_space<vmem>>, vector<16xi32>,
    %broadcast_in_dim3A_50 = arith.constant 3200 : i32
    %broadcast_in_dim3A_51 = vector.broadcast %broadcast_in_dim3A_50 : i32 to vector<16xi32>
    %mul3A_52 = arith.constant 50 : i32
    %mul3A_53 = vector.broadcast %mul3A_52 : i32 to vector<16xi32>
    %mul3A_54 = arith.muli %iota3A, %mul3A_53 : vector<16xi32>
    %add3A_55 = arith.addi %broadcast_in_dim3A_51, %mul3A_54 : vector<16xi32>
    %add3A_56 = arith.constant 0 : i32
    %add3A_57 = vector.broadcast %add3A_56 : i32 to vector<16xi32>
    %add3A_58 = arith.addi %add3A_55, %add3A_57 : vector<16xi32>
    %gather3A_59 = tpu.vector_load_idx %arg5[%add3A_58] : memref<25600xi32, #tpu.memory_space<vmem>>[vector<16xi32>], vector<16xi32>,
    %swap3A_60 = arith.constant 64 : index
    %swap3A_61 = tpu.vector_load %arg6[%swap3A_60] {strides = array<i32>} : memref<128xi32, #tpu.memory_space<vmem>>, vector<16xi32>,
    tpu.vector_store %arg6[%swap3A_60], %gather3A_59 {strides = array<i32>} : memref<128xi32, #tpu.memory_space<vmem>>, vector<16xi32>,
    %broadcast_in_dim3A_62 = arith.constant 4000 : i32
    %broadcast_in_dim3A_63 = vector.broadcast %broadcast_in_dim3A_62 : i32 to vector<16xi32>
    %mul3A_64 = arith.constant 50 : i32
    %mul3A_65 = vector.broadcast %mul3A_64 : i32 to vector<16xi32>
    %mul3A_66 = arith.muli %iota3A, %mul3A_65 : vector<16xi32>
    %add3A_67 = arith.addi %broadcast_in_dim3A_63, %mul3A_66 : vector<16xi32>
    %add3A_68 = arith.constant 0 : i32
    %add3A_69 = vector.broadcast %add3A_68 : i32 to vector<16xi32>
    %add3A_70 = arith.addi %add3A_67, %add3A_69 : vector<16xi32>
    %gather3A_71 = tpu.vector_load_idx %arg5[%add3A_70] : memref<25600xi32, #tpu.memory_space<vmem>>[vector<16xi32>], vector<16xi32>,
    %swap3A_72 = arith.constant 80 : index
    %swap3A_73 = tpu.vector_load %arg6[%swap3A_72] {strides = array<i32>} : memref<128xi32, #tpu.memory_space<vmem>>, vector<16xi32>,
    tpu.vector_store %arg6[%swap3A_72], %gather3A_71 {strides = array<i32>} : memref<128xi32, #tpu.memory_space<vmem>>, vector<16xi32>,
    %broadcast_in_dim3A_74 = arith.constant 4800 : i32
    %broadcast_in_dim3A_75 = vector.broadcast %broadcast_in_dim3A_74 : i32 to vector<16xi32>
    %mul3A_76 = arith.constant 50 : i32
    %mul3A_77 = vector.broadcast %mul3A_76 : i32 to vector<16xi32>
    %mul3A_78 = arith.muli %iota3A, %mul3A_77 : vector<16xi32>
    %add3A_79 = arith.addi %broadcast_in_dim3A_75, %mul3A_78 : vector<16xi32>
    %add3A_80 = arith.constant 0 : i32
    %add3A_81 = vector.broadcast %add3A_80 : i32 to vector<16xi32>
    %add3A_82 = arith.addi %add3A_79, %add3A_81 : vector<16xi32>
    %gather3A_83 = tpu.vector_load_idx %arg5[%add3A_82] : memref<25600xi32, #tpu.memory_space<vmem>>[vector<16xi32>], vector<16xi32>,
    %swap3A_84 = arith.constant 96 : index
    %swap3A_85 = tpu.vector_load %arg6[%swap3A_84] {strides = array<i32>} : memref<128xi32, #tpu.memory_space<vmem>>, vector<16xi32>,
    tpu.vector_store %arg6[%swap3A_84], %gather3A_83 {strides = array<i32>} : memref<128xi32, #tpu.memory_space<vmem>>, vector<16xi32>,
    %broadcast_in_dim3A_86 = arith.constant 5600 : i32
    %broadcast_in_dim3A_87 = vector.broadcast %broadcast_in_dim3A_86 : i32 to vector<16xi32>
    %mul3A_88 = arith.constant 50 : i32
    %mul3A_89 = vector.broadcast %mul3A_88 : i32 to vector<16xi32>
    %mul3A_90 = arith.muli %iota3A, %mul3A_89 : vector<16xi32>
    %add3A_91 = arith.addi %broadcast_in_dim3A_87, %mul3A_90 : vector<16xi32>
    %add3A_92 = arith.constant 0 : i32
    %add3A_93 = vector.broadcast %add3A_92 : i32 to vector<16xi32>
    %add3A_94 = arith.addi %add3A_91, %add3A_93 : vector<16xi32>
    %gather3A_95 = tpu.vector_load_idx %arg5[%add3A_94] : memref<25600xi32, #tpu.memory_space<vmem>>[vector<16xi32>], vector<16xi32>,
    %swap3A_96 = arith.constant 112 : index
    %swap3A_97 = tpu.vector_load %arg6[%swap3A_96] {strides = array<i32>} : memref<128xi32, #tpu.memory_space<vmem>>, vector<16xi32>,
    tpu.vector_store %arg6[%swap3A_96], %gather3A_95 {strides = array<i32>} : memref<128xi32, #tpu.memory_space<vmem>>, vector<16xi32>,
    %dma_start3A = arith.constant 0 : i32
    %dma_start3A_98 = arith.constant 0 : i32
    %dma_start3A_99 = tpu.memref_slice %arg3[%dma_start3A, %dma_start3A_98] : memref<1000000x64xf32, #tpu.memory_space<hbm>> -> memref<1000000x64xf32, #tpu.memory_space<hbm>>
    tpu.enqueue_indirect_dma source(%dma_start3A_99 : memref<1000000x64xf32, #tpu.memory_space<hbm>>) target(%arg10 : memref<128x64xf32, #tpu.memory_space<vmem>>) offsets(%arg6 : memref<128xi32, #tpu.memory_space<vmem>>) semaphore(%arg16 : memref<!tpu.dma_semaphore, #tpu.memory_space<semaphore_mem>>)
    %broadcast_in_dim3A_100 = arith.constant 6400 : i32
    %broadcast_in_dim3A_101 = vector.broadcast %broadcast_in_dim3A_100 : i32 to vector<16xi32>
    %mul3A_102 = arith.constant 50 : i32
    %mul3A_103 = vector.broadcast %mul3A_102 : i32 to vector<16xi32>
    %mul3A_104 = arith.muli %iota3A, %mul3A_103 : vector<16xi32>
    %add3A_105 = arith.addi %broadcast_in_dim3A_101, %mul3A_104 : vector<16xi32>
    %add3A_106 = arith.constant 0 : i32
    %add3A_107 = vector.broadcast %add3A_106 : i32 to vector<16xi32>
    %add3A_108 = arith.addi %add3A_105, %add3A_107 : vector<16xi32>
    %gather3A_109 = tpu.vector_load_idx %arg5[%add3A_108] : memref<25600xi32, #tpu.memory_space<vmem>>[vector<16xi32>], vector<16xi32>,
    %swap3A_110 = arith.constant 0 : index
    %swap3A_111 = tpu.vector_load %arg7[%swap3A_110] {strides = array<i32>} : memref<128xi32, #tpu.memory_space<vmem>>, vector<16xi32>,
    tpu.vector_store %arg7[%swap3A_110], %gather3A_109 {strides = array<i32>} : memref<128xi32, #tpu.memory_space<vmem>>, vector<16xi32>,
    %broadcast_in_dim3A_112 = arith.constant 7200 : i32
    %broadcast_in_dim3A_113 = vector.broadcast %broadcast_in_dim3A_112 : i32 to vector<16xi32>
    %mul3A_114 = arith.constant 50 : i32
    %mul3A_115 = vector.broadcast %mul3A_114 : i32 to vector<16xi32>
    %mul3A_116 = arith.muli %iota3A, %mul3A_115 : vector<16xi32>
    %add3A_117 = arith.addi %broadcast_in_dim3A_113, %mul3A_116 : vector<16xi32>
    %add3A_118 = arith.constant 0 : i32
    %add3A_119 = vector.broadcast %add3A_118 : i32 to vector<16xi32>
    %add3A_120 = arith.addi %add3A_117, %add3A_119 : vector<16xi32>
    %gather3A_121 = tpu.vector_load_idx %arg5[%add3A_120] : memref<25600xi32, #tpu.memory_space<vmem>>[vector<16xi32>], vector<16xi32>,
    %swap3A_122 = arith.constant 16 : index
    %swap3A_123 = tpu.vector_load %arg7[%swap3A_122] {strides = array<i32>} : memref<128xi32, #tpu.memory_space<vmem>>, vector<16xi32>,
    tpu.vector_store %arg7[%swap3A_122], %gather3A_121 {strides = array<i32>} : memref<128xi32, #tpu.memory_space<vmem>>, vector<16xi32>,
    %broadcast_in_dim3A_124 = arith.constant 8000 : i32
    %broadcast_in_dim3A_125 = vector.broadcast %broadcast_in_dim3A_124 : i32 to vector<16xi32>
    %mul3A_126 = arith.constant 50 : i32
    %mul3A_127 = vector.broadcast %mul3A_126 : i32 to vector<16xi32>
    %mul3A_128 = arith.muli %iota3A, %mul3A_127 : vector<16xi32>
    %add3A_129 = arith.addi %broadcast_in_dim3A_125, %mul3A_128 : vector<16xi32>
    %add3A_130 = arith.constant 0 : i32
    %add3A_131 = vector.broadcast %add3A_130 : i32 to vector<16xi32>
    %add3A_132 = arith.addi %add3A_129, %add3A_131 : vector<16xi32>
    %gather3A_133 = tpu.vector_load_idx %arg5[%add3A_132] : memref<25600xi32, #tpu.memory_space<vmem>>[vector<16xi32>], vector<16xi32>,
    %swap3A_134 = arith.constant 32 : index
    %swap3A_135 = tpu.vector_load %arg7[%swap3A_134] {strides = array<i32>} : memref<128xi32, #tpu.memory_space<vmem>>, vector<16xi32>,
    tpu.vector_store %arg7[%swap3A_134], %gather3A_133 {strides = array<i32>} : memref<128xi32, #tpu.memory_space<vmem>>, vector<16xi32>,
    %broadcast_in_dim3A_136 = arith.constant 8800 : i32
    %broadcast_in_dim3A_137 = vector.broadcast %broadcast_in_dim3A_136 : i32 to vector<16xi32>
    %mul3A_138 = arith.constant 50 : i32
    %mul3A_139 = vector.broadcast %mul3A_138 : i32 to vector<16xi32>
    %mul3A_140 = arith.muli %iota3A, %mul3A_139 : vector<16xi32>
    %add3A_141 = arith.addi %broadcast_in_dim3A_137, %mul3A_140 : vector<16xi32>
    %add3A_142 = arith.constant 0 : i32
    %add3A_143 = vector.broadcast %add3A_142 : i32 to vector<16xi32>
    %add3A_144 = arith.addi %add3A_141, %add3A_143 : vector<16xi32>
    %gather3A_145 = tpu.vector_load_idx %arg5[%add3A_144] : memref<25600xi32, #tpu.memory_space<vmem>>[vector<16xi32>], vector<16xi32>,
    %swap3A_146 = arith.constant 48 : index
    %swap3A_147 = tpu.vector_load %arg7[%swap3A_146] {strides = array<i32>} : memref<128xi32, #tpu.memory_space<vmem>>, vector<16xi32>,
    tpu.vector_store %arg7[%swap3A_146], %gather3A_145 {strides = array<i32>} : memref<128xi32, #tpu.memory_space<vmem>>, vector<16xi32>,
    %broadcast_in_dim3A_148 = arith.constant 9600 : i32
    %broadcast_in_dim3A_149 = vector.broadcast %broadcast_in_dim3A_148 : i32 to vector<16xi32>
    %mul3A_150 = arith.constant 50 : i32
    %mul3A_151 = vector.broadcast %mul3A_150 : i32 to vector<16xi32>
    %mul3A_152 = arith.muli %iota3A, %mul3A_151 : vector<16xi32>
    %add3A_153 = arith.addi %broadcast_in_dim3A_149, %mul3A_152 : vector<16xi32>
    %add3A_154 = arith.constant 0 : i32
    %add3A_155 = vector.broadcast %add3A_154 : i32 to vector<16xi32>
    %add3A_156 = arith.addi %add3A_153, %add3A_155 : vector<16xi32>
    %gather3A_157 = tpu.vector_load_idx %arg5[%add3A_156] : memref<25600xi32, #tpu.memory_space<vmem>>[vector<16xi32>], vector<16xi32>,
    %swap3A_158 = arith.constant 64 : index
    %swap3A_159 = tpu.vector_load %arg7[%swap3A_158] {strides = array<i32>} : memref<128xi32, #tpu.memory_space<vmem>>, vector<16xi32>,
    tpu.vector_store %arg7[%swap3A_158], %gather3A_157 {strides = array<i32>} : memref<128xi32, #tpu.memory_space<vmem>>, vector<16xi32>,
    %broadcast_in_dim3A_160 = arith.constant 10400 : i32
    %broadcast_in_dim3A_161 = vector.broadcast %broadcast_in_dim3A_160 : i32 to vector<16xi32>
    %mul3A_162 = arith.constant 50 : i32
    %mul3A_163 = vector.broadcast %mul3A_162 : i32 to vector<16xi32>
    %mul3A_164 = arith.muli %iota3A, %mul3A_163 : vector<16xi32>
    %add3A_165 = arith.addi %broadcast_in_dim3A_161, %mul3A_164 : vector<16xi32>
    %add3A_166 = arith.constant 0 : i32
    %add3A_167 = vector.broadcast %add3A_166 : i32 to vector<16xi32>
    %add3A_168 = arith.addi %add3A_165, %add3A_167 : vector<16xi32>
    %gather3A_169 = tpu.vector_load_idx %arg5[%add3A_168] : memref<25600xi32, #tpu.memory_space<vmem>>[vector<16xi32>], vector<16xi32>,
    %swap3A_170 = arith.constant 80 : index
    %swap3A_171 = tpu.vector_load %arg7[%swap3A_170] {strides = array<i32>} : memref<128xi32, #tpu.memory_space<vmem>>, vector<16xi32>,
    tpu.vector_store %arg7[%swap3A_170], %gather3A_169 {strides = array<i32>} : memref<128xi32, #tpu.memory_space<vmem>>, vector<16xi32>,
    %broadcast_in_dim3A_172 = arith.constant 11200 : i32
    %broadcast_in_dim3A_173 = vector.broadcast %broadcast_in_dim3A_172 : i32 to vector<16xi32>
    %mul3A_174 = arith.constant 50 : i32
    %mul3A_175 = vector.broadcast %mul3A_174 : i32 to vector<16xi32>
    %mul3A_176 = arith.muli %iota3A, %mul3A_175 : vector<16xi32>
    %add3A_177 = arith.addi %broadcast_in_dim3A_173, %mul3A_176 : vector<16xi32>
    %add3A_178 = arith.constant 0 : i32
    %add3A_179 = vector.broadcast %add3A_178 : i32 to vector<16xi32>
    %add3A_180 = arith.addi %add3A_177, %add3A_179 : vector<16xi32>
    %gather3A_181 = tpu.vector_load_idx %arg5[%add3A_180] : memref<25600xi32, #tpu.memory_space<vmem>>[vector<16xi32>], vector<16xi32>,
    %swap3A_182 = arith.constant 96 : index
    %swap3A_183 = tpu.vector_load %arg7[%swap3A_182] {strides = array<i32>} : memref<128xi32, #tpu.memory_space<vmem>>, vector<16xi32>,
    tpu.vector_store %arg7[%swap3A_182], %gather3A_181 {strides = array<i32>} : memref<128xi32, #tpu.memory_space<vmem>>, vector<16xi32>,
    %broadcast_in_dim3A_184 = arith.constant 12000 : i32
    %broadcast_in_dim3A_185 = vector.broadcast %broadcast_in_dim3A_184 : i32 to vector<16xi32>
    %mul3A_186 = arith.constant 50 : i32
    %mul3A_187 = vector.broadcast %mul3A_186 : i32 to vector<16xi32>
    %mul3A_188 = arith.muli %iota3A, %mul3A_187 : vector<16xi32>
    %add3A_189 = arith.addi %broadcast_in_dim3A_185, %mul3A_188 : vector<16xi32>
    %add3A_190 = arith.constant 0 : i32
    %add3A_191 = vector.broadcast %add3A_190 : i32 to vector<16xi32>
    %add3A_192 = arith.addi %add3A_189, %add3A_191 : vector<16xi32>
    %gather3A_193 = tpu.vector_load_idx %arg5[%add3A_192] : memref<25600xi32, #tpu.memory_space<vmem>>[vector<16xi32>], vector<16xi32>,
    %swap3A_194 = arith.constant 112 : index
    %swap3A_195 = tpu.vector_load %arg7[%swap3A_194] {strides = array<i32>} : memref<128xi32, #tpu.memory_space<vmem>>, vector<16xi32>,
    tpu.vector_store %arg7[%swap3A_194], %gather3A_193 {strides = array<i32>} : memref<128xi32, #tpu.memory_space<vmem>>, vector<16xi32>,
    %dma_start3A_196 = arith.constant 0 : i32
    %dma_start3A_197 = arith.constant 0 : i32
    %dma_start3A_198 = tpu.memref_slice %arg3[%dma_start3A_196, %dma_start3A_197] : memref<1000000x64xf32, #tpu.memory_space<hbm>> -> memref<1000000x64xf32, #tpu.memory_space<hbm>>
    tpu.enqueue_indirect_dma source(%dma_start3A_198 : memref<1000000x64xf32, #tpu.memory_space<hbm>>) target(%arg11 : memref<128x64xf32, #tpu.memory_space<vmem>>) offsets(%arg7 : memref<128xi32, #tpu.memory_space<vmem>>) semaphore(%arg17 : memref<!tpu.dma_semaphore, #tpu.memory_space<semaphore_mem>>)
    %broadcast_in_dim3A_199 = arith.constant 12800 : i32
    %broadcast_in_dim3A_200 = vector.broadcast %broadcast_in_dim3A_199 : i32 to vector<16xi32>
    %mul3A_201 = arith.constant 50 : i32
    %mul3A_202 = vector.broadcast %mul3A_201 : i32 to vector<16xi32>
    %mul3A_203 = arith.muli %iota3A, %mul3A_202 : vector<16xi32>
    %add3A_204 = arith.addi %broadcast_in_dim3A_200, %mul3A_203 : vector<16xi32>
    %add3A_205 = arith.constant 0 : i32
    %add3A_206 = vector.broadcast %add3A_205 : i32 to vector<16xi32>
    %add3A_207 = arith.addi %add3A_204, %add3A_206 : vector<16xi32>
    %gather3A_208 = tpu.vector_load_idx %arg5[%add3A_207] : memref<25600xi32, #tpu.memory_space<vmem>>[vector<16xi32>], vector<16xi32>,
    %swap3A_209 = arith.constant 0 : index
    %swap3A_210 = tpu.vector_load %arg8[%swap3A_209] {strides = array<i32>} : memref<128xi32, #tpu.memory_space<vmem>>, vector<16xi32>,
    tpu.vector_store %arg8[%swap3A_209], %gather3A_208 {strides = array<i32>} : memref<128xi32, #tpu.memory_space<vmem>>, vector<16xi32>,
    %broadcast_in_dim3A_211 = arith.constant 13600 : i32
    %broadcast_in_dim3A_212 = vector.broadcast %broadcast_in_dim3A_211 : i32 to vector<16xi32>
    %mul3A_213 = arith.constant 50 : i32
    %mul3A_214 = vector.broadcast %mul3A_213 : i32 to vector<16xi32>
    %mul3A_215 = arith.muli %iota3A, %mul3A_214 : vector<16xi32>
    %add3A_216 = arith.addi %broadcast_in_dim3A_212, %mul3A_215 : vector<16xi32>
    %add3A_217 = arith.constant 0 : i32
    %add3A_218 = vector.broadcast %add3A_217 : i32 to vector<16xi32>
    %add3A_219 = arith.addi %add3A_216, %add3A_218 : vector<16xi32>
    %gather3A_220 = tpu.vector_load_idx %arg5[%add3A_219] : memref<25600xi32, #tpu.memory_space<vmem>>[vector<16xi32>], vector<16xi32>,
    %swap3A_221 = arith.constant 16 : index
    %swap3A_222 = tpu.vector_load %arg8[%swap3A_221] {strides = array<i32>} : memref<128xi32, #tpu.memory_space<vmem>>, vector<16xi32>,
    tpu.vector_store %arg8[%swap3A_221], %gather3A_220 {strides = array<i32>} : memref<128xi32, #tpu.memory_space<vmem>>, vector<16xi32>,
    %broadcast_in_dim3A_223 = arith.constant 14400 : i32
    %broadcast_in_dim3A_224 = vector.broadcast %broadcast_in_dim3A_223 : i32 to vector<16xi32>
    %mul3A_225 = arith.constant 50 : i32
    %mul3A_226 = vector.broadcast %mul3A_225 : i32 to vector<16xi32>
    %mul3A_227 = arith.muli %iota3A, %mul3A_226 : vector<16xi32>
    %add3A_228 = arith.addi %broadcast_in_dim3A_224, %mul3A_227 : vector<16xi32>
    %add3A_229 = arith.constant 0 : i32
    %add3A_230 = vector.broadcast %add3A_229 : i32 to vector<16xi32>
    %add3A_231 = arith.addi %add3A_228, %add3A_230 : vector<16xi32>
    %gather3A_232 = tpu.vector_load_idx %arg5[%add3A_231] : memref<25600xi32, #tpu.memory_space<vmem>>[vector<16xi32>], vector<16xi32>,
    %swap3A_233 = arith.constant 32 : index
    %swap3A_234 = tpu.vector_load %arg8[%swap3A_233] {strides = array<i32>} : memref<128xi32, #tpu.memory_space<vmem>>, vector<16xi32>,
    tpu.vector_store %arg8[%swap3A_233], %gather3A_232 {strides = array<i32>} : memref<128xi32, #tpu.memory_space<vmem>>, vector<16xi32>,
    %broadcast_in_dim3A_235 = arith.constant 15200 : i32
    %broadcast_in_dim3A_236 = vector.broadcast %broadcast_in_dim3A_235 : i32 to vector<16xi32>
    %mul3A_237 = arith.constant 50 : i32
    %mul3A_238 = vector.broadcast %mul3A_237 : i32 to vector<16xi32>
    %mul3A_239 = arith.muli %iota3A, %mul3A_238 : vector<16xi32>
    %add3A_240 = arith.addi %broadcast_in_dim3A_236, %mul3A_239 : vector<16xi32>
    %add3A_241 = arith.constant 0 : i32
    %add3A_242 = vector.broadcast %add3A_241 : i32 to vector<16xi32>
    %add3A_243 = arith.addi %add3A_240, %add3A_242 : vector<16xi32>
    %gather3A_244 = tpu.vector_load_idx %arg5[%add3A_243] : memref<25600xi32, #tpu.memory_space<vmem>>[vector<16xi32>], vector<16xi32>,
    %swap3A_245 = arith.constant 48 : index
    %swap3A_246 = tpu.vector_load %arg8[%swap3A_245] {strides = array<i32>} : memref<128xi32, #tpu.memory_space<vmem>>, vector<16xi32>,
    tpu.vector_store %arg8[%swap3A_245], %gather3A_244 {strides = array<i32>} : memref<128xi32, #tpu.memory_space<vmem>>, vector<16xi32>,
    %broadcast_in_dim3A_247 = arith.constant 16000 : i32
    %broadcast_in_dim3A_248 = vector.broadcast %broadcast_in_dim3A_247 : i32 to vector<16xi32>
    %mul3A_249 = arith.constant 50 : i32
    %mul3A_250 = vector.broadcast %mul3A_249 : i32 to vector<16xi32>
    %mul3A_251 = arith.muli %iota3A, %mul3A_250 : vector<16xi32>
    %add3A_252 = arith.addi %broadcast_in_dim3A_248, %mul3A_251 : vector<16xi32>
    %add3A_253 = arith.constant 0 : i32
    %add3A_254 = vector.broadcast %add3A_253 : i32 to vector<16xi32>
    %add3A_255 = arith.addi %add3A_252, %add3A_254 : vector<16xi32>
    %gather3A_256 = tpu.vector_load_idx %arg5[%add3A_255] : memref<25600xi32, #tpu.memory_space<vmem>>[vector<16xi32>], vector<16xi32>,
    %swap3A_257 = arith.constant 64 : index
    %swap3A_258 = tpu.vector_load %arg8[%swap3A_257] {strides = array<i32>} : memref<128xi32, #tpu.memory_space<vmem>>, vector<16xi32>,
    tpu.vector_store %arg8[%swap3A_257], %gather3A_256 {strides = array<i32>} : memref<128xi32, #tpu.memory_space<vmem>>, vector<16xi32>,
    %broadcast_in_dim3A_259 = arith.constant 16800 : i32
    %broadcast_in_dim3A_260 = vector.broadcast %broadcast_in_dim3A_259 : i32 to vector<16xi32>
    %mul3A_261 = arith.constant 50 : i32
    %mul3A_262 = vector.broadcast %mul3A_261 : i32 to vector<16xi32>
    %mul3A_263 = arith.muli %iota3A, %mul3A_262 : vector<16xi32>
    %add3A_264 = arith.addi %broadcast_in_dim3A_260, %mul3A_263 : vector<16xi32>
    %add3A_265 = arith.constant 0 : i32
    %add3A_266 = vector.broadcast %add3A_265 : i32 to vector<16xi32>
    %add3A_267 = arith.addi %add3A_264, %add3A_266 : vector<16xi32>
    %gather3A_268 = tpu.vector_load_idx %arg5[%add3A_267] : memref<25600xi32, #tpu.memory_space<vmem>>[vector<16xi32>], vector<16xi32>,
    %swap3A_269 = arith.constant 80 : index
    %swap3A_270 = tpu.vector_load %arg8[%swap3A_269] {strides = array<i32>} : memref<128xi32, #tpu.memory_space<vmem>>, vector<16xi32>,
    tpu.vector_store %arg8[%swap3A_269], %gather3A_268 {strides = array<i32>} : memref<128xi32, #tpu.memory_space<vmem>>, vector<16xi32>,
    %broadcast_in_dim3A_271 = arith.constant 17600 : i32
    %broadcast_in_dim3A_272 = vector.broadcast %broadcast_in_dim3A_271 : i32 to vector<16xi32>
    %mul3A_273 = arith.constant 50 : i32
    %mul3A_274 = vector.broadcast %mul3A_273 : i32 to vector<16xi32>
    %mul3A_275 = arith.muli %iota3A, %mul3A_274 : vector<16xi32>
    %add3A_276 = arith.addi %broadcast_in_dim3A_272, %mul3A_275 : vector<16xi32>
    %add3A_277 = arith.constant 0 : i32
    %add3A_278 = vector.broadcast %add3A_277 : i32 to vector<16xi32>
    %add3A_279 = arith.addi %add3A_276, %add3A_278 : vector<16xi32>
    %gather3A_280 = tpu.vector_load_idx %arg5[%add3A_279] : memref<25600xi32, #tpu.memory_space<vmem>>[vector<16xi32>], vector<16xi32>,
    %swap3A_281 = arith.constant 96 : index
    %swap3A_282 = tpu.vector_load %arg8[%swap3A_281] {strides = array<i32>} : memref<128xi32, #tpu.memory_space<vmem>>, vector<16xi32>,
    tpu.vector_store %arg8[%swap3A_281], %gather3A_280 {strides = array<i32>} : memref<128xi32, #tpu.memory_space<vmem>>, vector<16xi32>,
    %broadcast_in_dim3A_283 = arith.constant 18400 : i32
    %broadcast_in_dim3A_284 = vector.broadcast %broadcast_in_dim3A_283 : i32 to vector<16xi32>
    %mul3A_285 = arith.constant 50 : i32
    %mul3A_286 = vector.broadcast %mul3A_285 : i32 to vector<16xi32>
    %mul3A_287 = arith.muli %iota3A, %mul3A_286 : vector<16xi32>
    %add3A_288 = arith.addi %broadcast_in_dim3A_284, %mul3A_287 : vector<16xi32>
    %add3A_289 = arith.constant 0 : i32
    %add3A_290 = vector.broadcast %add3A_289 : i32 to vector<16xi32>
    %add3A_291 = arith.addi %add3A_288, %add3A_290 : vector<16xi32>
    %gather3A_292 = tpu.vector_load_idx %arg5[%add3A_291] : memref<25600xi32, #tpu.memory_space<vmem>>[vector<16xi32>], vector<16xi32>,
    %swap3A_293 = arith.constant 112 : index
    %swap3A_294 = tpu.vector_load %arg8[%swap3A_293] {strides = array<i32>} : memref<128xi32, #tpu.memory_space<vmem>>, vector<16xi32>,
    tpu.vector_store %arg8[%swap3A_293], %gather3A_292 {strides = array<i32>} : memref<128xi32, #tpu.memory_space<vmem>>, vector<16xi32>,
    %dma_start3A_295 = arith.constant 0 : i32
    %dma_start3A_296 = arith.constant 0 : i32
    %dma_start3A_297 = tpu.memref_slice %arg3[%dma_start3A_295, %dma_start3A_296] : memref<1000000x64xf32, #tpu.memory_space<hbm>> -> memref<1000000x64xf32, #tpu.memory_space<hbm>>
    tpu.enqueue_indirect_dma source(%dma_start3A_297 : memref<1000000x64xf32, #tpu.memory_space<hbm>>) target(%arg12 : memref<128x64xf32, #tpu.memory_space<vmem>>) offsets(%arg8 : memref<128xi32, #tpu.memory_space<vmem>>) semaphore(%arg18 : memref<!tpu.dma_semaphore, #tpu.memory_space<semaphore_mem>>)
    %broadcast_in_dim3A_298 = arith.constant 19200 : i32
    %broadcast_in_dim3A_299 = vector.broadcast %broadcast_in_dim3A_298 : i32 to vector<16xi32>
    %mul3A_300 = arith.constant 50 : i32
    %mul3A_301 = vector.broadcast %mul3A_300 : i32 to vector<16xi32>
    %mul3A_302 = arith.muli %iota3A, %mul3A_301 : vector<16xi32>
    %add3A_303 = arith.addi %broadcast_in_dim3A_299, %mul3A_302 : vector<16xi32>
    %add3A_304 = arith.constant 0 : i32
    %add3A_305 = vector.broadcast %add3A_304 : i32 to vector<16xi32>
    %add3A_306 = arith.addi %add3A_303, %add3A_305 : vector<16xi32>
    %gather3A_307 = tpu.vector_load_idx %arg5[%add3A_306] : memref<25600xi32, #tpu.memory_space<vmem>>[vector<16xi32>], vector<16xi32>,
    %swap3A_308 = arith.constant 0 : index
    %swap3A_309 = tpu.vector_load %arg9[%swap3A_308] {strides = array<i32>} : memref<128xi32, #tpu.memory_space<vmem>>, vector<16xi32>,
    tpu.vector_store %arg9[%swap3A_308], %gather3A_307 {strides = array<i32>} : memref<128xi32, #tpu.memory_space<vmem>>, vector<16xi32>,
    %broadcast_in_dim3A_310 = arith.constant 20000 : i32
    %broadcast_in_dim3A_311 = vector.broadcast %broadcast_in_dim3A_310 : i32 to vector<16xi32>
    %mul3A_312 = arith.constant 50 : i32
    %mul3A_313 = vector.broadcast %mul3A_312 : i32 to vector<16xi32>
    %mul3A_314 = arith.muli %iota3A, %mul3A_313 : vector<16xi32>
    %add3A_315 = arith.addi %broadcast_in_dim3A_311, %mul3A_314 : vector<16xi32>
    %add3A_316 = arith.constant 0 : i32
    %add3A_317 = vector.broadcast %add3A_316 : i32 to vector<16xi32>
    %add3A_318 = arith.addi %add3A_315, %add3A_317 : vector<16xi32>
    %gather3A_319 = tpu.vector_load_idx %arg5[%add3A_318] : memref<25600xi32, #tpu.memory_space<vmem>>[vector<16xi32>], vector<16xi32>,
    %swap3A_320 = arith.constant 16 : index
    %swap3A_321 = tpu.vector_load %arg9[%swap3A_320] {strides = array<i32>} : memref<128xi32, #tpu.memory_space<vmem>>, vector<16xi32>,
    tpu.vector_store %arg9[%swap3A_320], %gather3A_319 {strides = array<i32>} : memref<128xi32, #tpu.memory_space<vmem>>, vector<16xi32>,
    %broadcast_in_dim3A_322 = arith.constant 20800 : i32
    %broadcast_in_dim3A_323 = vector.broadcast %broadcast_in_dim3A_322 : i32 to vector<16xi32>
    %mul3A_324 = arith.constant 50 : i32
    %mul3A_325 = vector.broadcast %mul3A_324 : i32 to vector<16xi32>
    %mul3A_326 = arith.muli %iota3A, %mul3A_325 : vector<16xi32>
    %add3A_327 = arith.addi %broadcast_in_dim3A_323, %mul3A_326 : vector<16xi32>
    %add3A_328 = arith.constant 0 : i32
    %add3A_329 = vector.broadcast %add3A_328 : i32 to vector<16xi32>
    %add3A_330 = arith.addi %add3A_327, %add3A_329 : vector<16xi32>
    %gather3A_331 = tpu.vector_load_idx %arg5[%add3A_330] : memref<25600xi32, #tpu.memory_space<vmem>>[vector<16xi32>], vector<16xi32>,
    %swap3A_332 = arith.constant 32 : index
    %swap3A_333 = tpu.vector_load %arg9[%swap3A_332] {strides = array<i32>} : memref<128xi32, #tpu.memory_space<vmem>>, vector<16xi32>,
    tpu.vector_store %arg9[%swap3A_332], %gather3A_331 {strides = array<i32>} : memref<128xi32, #tpu.memory_space<vmem>>, vector<16xi32>,
    %broadcast_in_dim3A_334 = arith.constant 21600 : i32
    %broadcast_in_dim3A_335 = vector.broadcast %broadcast_in_dim3A_334 : i32 to vector<16xi32>
    %mul3A_336 = arith.constant 50 : i32
    %mul3A_337 = vector.broadcast %mul3A_336 : i32 to vector<16xi32>
    %mul3A_338 = arith.muli %iota3A, %mul3A_337 : vector<16xi32>
    %add3A_339 = arith.addi %broadcast_in_dim3A_335, %mul3A_338 : vector<16xi32>
    %add3A_340 = arith.constant 0 : i32
    %add3A_341 = vector.broadcast %add3A_340 : i32 to vector<16xi32>
    %add3A_342 = arith.addi %add3A_339, %add3A_341 : vector<16xi32>
    %gather3A_343 = tpu.vector_load_idx %arg5[%add3A_342] : memref<25600xi32, #tpu.memory_space<vmem>>[vector<16xi32>], vector<16xi32>,
    %swap3A_344 = arith.constant 48 : index
    %swap3A_345 = tpu.vector_load %arg9[%swap3A_344] {strides = array<i32>} : memref<128xi32, #tpu.memory_space<vmem>>, vector<16xi32>,
    tpu.vector_store %arg9[%swap3A_344], %gather3A_343 {strides = array<i32>} : memref<128xi32, #tpu.memory_space<vmem>>, vector<16xi32>,
    %broadcast_in_dim3A_346 = arith.constant 22400 : i32
    %broadcast_in_dim3A_347 = vector.broadcast %broadcast_in_dim3A_346 : i32 to vector<16xi32>
    %mul3A_348 = arith.constant 50 : i32
    %mul3A_349 = vector.broadcast %mul3A_348 : i32 to vector<16xi32>
    %mul3A_350 = arith.muli %iota3A, %mul3A_349 : vector<16xi32>
    %add3A_351 = arith.addi %broadcast_in_dim3A_347, %mul3A_350 : vector<16xi32>
    %add3A_352 = arith.constant 0 : i32
    %add3A_353 = vector.broadcast %add3A_352 : i32 to vector<16xi32>
    %add3A_354 = arith.addi %add3A_351, %add3A_353 : vector<16xi32>
    %gather3A_355 = tpu.vector_load_idx %arg5[%add3A_354] : memref<25600xi32, #tpu.memory_space<vmem>>[vector<16xi32>], vector<16xi32>,
    %swap3A_356 = arith.constant 64 : index
    %swap3A_357 = tpu.vector_load %arg9[%swap3A_356] {strides = array<i32>} : memref<128xi32, #tpu.memory_space<vmem>>, vector<16xi32>,
    tpu.vector_store %arg9[%swap3A_356], %gather3A_355 {strides = array<i32>} : memref<128xi32, #tpu.memory_space<vmem>>, vector<16xi32>,
    %broadcast_in_dim3A_358 = arith.constant 23200 : i32
    %broadcast_in_dim3A_359 = vector.broadcast %broadcast_in_dim3A_358 : i32 to vector<16xi32>
    %mul3A_360 = arith.constant 50 : i32
    %mul3A_361 = vector.broadcast %mul3A_360 : i32 to vector<16xi32>
    %mul3A_362 = arith.muli %iota3A, %mul3A_361 : vector<16xi32>
    %add3A_363 = arith.addi %broadcast_in_dim3A_359, %mul3A_362 : vector<16xi32>
    %add3A_364 = arith.constant 0 : i32
    %add3A_365 = vector.broadcast %add3A_364 : i32 to vector<16xi32>
    %add3A_366 = arith.addi %add3A_363, %add3A_365 : vector<16xi32>
    %gather3A_367 = tpu.vector_load_idx %arg5[%add3A_366] : memref<25600xi32, #tpu.memory_space<vmem>>[vector<16xi32>], vector<16xi32>,
    %swap3A_368 = arith.constant 80 : index
    %swap3A_369 = tpu.vector_load %arg9[%swap3A_368] {strides = array<i32>} : memref<128xi32, #tpu.memory_space<vmem>>, vector<16xi32>,
    tpu.vector_store %arg9[%swap3A_368], %gather3A_367 {strides = array<i32>} : memref<128xi32, #tpu.memory_space<vmem>>, vector<16xi32>,
    %broadcast_in_dim3A_370 = arith.constant 24000 : i32
    %broadcast_in_dim3A_371 = vector.broadcast %broadcast_in_dim3A_370 : i32 to vector<16xi32>
    %mul3A_372 = arith.constant 50 : i32
    %mul3A_373 = vector.broadcast %mul3A_372 : i32 to vector<16xi32>
    %mul3A_374 = arith.muli %iota3A, %mul3A_373 : vector<16xi32>
    %add3A_375 = arith.addi %broadcast_in_dim3A_371, %mul3A_374 : vector<16xi32>
    %add3A_376 = arith.constant 0 : i32
    %add3A_377 = vector.broadcast %add3A_376 : i32 to vector<16xi32>
    %add3A_378 = arith.addi %add3A_375, %add3A_377 : vector<16xi32>
    %gather3A_379 = tpu.vector_load_idx %arg5[%add3A_378] : memref<25600xi32, #tpu.memory_space<vmem>>[vector<16xi32>], vector<16xi32>,
    %swap3A_380 = arith.constant 96 : index
    %swap3A_381 = tpu.vector_load %arg9[%swap3A_380] {strides = array<i32>} : memref<128xi32, #tpu.memory_space<vmem>>, vector<16xi32>,
    tpu.vector_store %arg9[%swap3A_380], %gather3A_379 {strides = array<i32>} : memref<128xi32, #tpu.memory_space<vmem>>, vector<16xi32>,
    %broadcast_in_dim3A_382 = arith.constant 24800 : i32
    %broadcast_in_dim3A_383 = vector.broadcast %broadcast_in_dim3A_382 : i32 to vector<16xi32>
    %mul3A_384 = arith.constant 50 : i32
    %mul3A_385 = vector.broadcast %mul3A_384 : i32 to vector<16xi32>
    %mul3A_386 = arith.muli %iota3A, %mul3A_385 : vector<16xi32>
    %add3A_387 = arith.addi %broadcast_in_dim3A_383, %mul3A_386 : vector<16xi32>
    %add3A_388 = arith.constant 0 : i32
    %add3A_389 = vector.broadcast %add3A_388 : i32 to vector<16xi32>
    %add3A_390 = arith.addi %add3A_387, %add3A_389 : vector<16xi32>
    %gather3A_391 = tpu.vector_load_idx %arg5[%add3A_390] : memref<25600xi32, #tpu.memory_space<vmem>>[vector<16xi32>], vector<16xi32>,
    %swap3A_392 = arith.constant 112 : index
    %swap3A_393 = tpu.vector_load %arg9[%swap3A_392] {strides = array<i32>} : memref<128xi32, #tpu.memory_space<vmem>>, vector<16xi32>,
    tpu.vector_store %arg9[%swap3A_392], %gather3A_391 {strides = array<i32>} : memref<128xi32, #tpu.memory_space<vmem>>, vector<16xi32>,
    %dma_start3A_394 = arith.constant 0 : i32
    %dma_start3A_395 = arith.constant 0 : i32
    %dma_start3A_396 = tpu.memref_slice %arg3[%dma_start3A_394, %dma_start3A_395] : memref<1000000x64xf32, #tpu.memory_space<hbm>> -> memref<1000000x64xf32, #tpu.memory_space<hbm>>
    tpu.enqueue_indirect_dma source(%dma_start3A_396 : memref<1000000x64xf32, #tpu.memory_space<hbm>>) target(%arg13 : memref<128x64xf32, #tpu.memory_space<vmem>>) offsets(%arg9 : memref<128xi32, #tpu.memory_space<vmem>>) semaphore(%arg19 : memref<!tpu.dma_semaphore, #tpu.memory_space<semaphore_mem>>)
    %scan3A = arith.constant 0 : i32
    %scan3A_397 = arith.constant 0 : i32
    %scan3A_398 = arith.constant 50 : i32
    %scan3A_399 = arith.addi %scan3A_397, %scan3A_398 : i32
    %scan3A_400 = arith.constant 1 : i32
    scf.for %scan3A_661 = %scan3A_397 to %scan3A_399 step %scan3A_400  : i32 {
      %mul3A_662 = arith.constant 4 : i32
      %mul3A_663 = arith.muli %scan3A_661, %mul3A_662 : i32
      %add3A_664 = arith.constant 0 : i32
      %add3A_665 = arith.addi %mul3A_663, %add3A_664 : i32
      %dma_wait3A_666 = arith.constant 0 : i32
      %dma_wait3A_667 = arith.constant 0 : i32
      %dma_wait3A_668 = tpu.memref_slice %arg3[%dma_wait3A_666, %dma_wait3A_667] : memref<1000000x64xf32, #tpu.memory_space<hbm>> -> memref<1000000x64xf32, #tpu.memory_space<hbm>>
      tpu.wait_indirect_dma semaphore(%arg16 : memref<!tpu.dma_semaphore, #tpu.memory_space<semaphore_mem>>) src(%dma_wait3A_668 : memref<1000000x64xf32, #tpu.memory_space<hbm>>) dst(%arg10 : memref<128x64xf32, #tpu.memory_space<vmem>>)
      %ge3A = arith.constant 2 : i32
      %ge3A_669 = arith.cmpi sge, %add3A_665, %ge3A : i32
      %convert_element_type3A = arith.extui %ge3A_669 : i1 to i32
      %cond3A = arith.constant 0 : i32
      %cond3A_670 = arith.cmpi ne, %convert_element_type3A, %cond3A : i32
      scf.if %cond3A_670 {
        %jit3A_1379 = arith.constant 4 : i32
        %div3A_1380 = arith.divsi %add3A_665, %jit3A_1379 : i32
        %sign3A_1381 = arith.constant 0 : i32
        %sign3A_1382 = arith.cmpi sgt, %add3A_665, %sign3A_1381 : i32
        %sign3A_1383 = arith.extui %sign3A_1382 : i1 to i32
        %sign3A_1384 = arith.constant 0 : i32
        %sign3A_1385 = arith.cmpi slt, %add3A_665, %sign3A_1384 : i32
        %sign3A_1386 = arith.extui %sign3A_1385 : i1 to i32
        %sign3A_1387 = arith.subi %sign3A_1383, %sign3A_1386 : i32
        %sign3A_1388 = arith.constant 0 : i32
        %sign3A_1389 = arith.cmpi sgt, %jit3A_1379, %sign3A_1388 : i32
        %sign3A_1390 = arith.extui %sign3A_1389 : i1 to i32
        %sign3A_1391 = arith.constant 0 : i32
        %sign3A_1392 = arith.cmpi slt, %jit3A_1379, %sign3A_1391 : i32
        %sign3A_1393 = arith.extui %sign3A_1392 : i1 to i32
        %sign3A_1394 = arith.subi %sign3A_1390, %sign3A_1393 : i32
        %ne3A_1395 = arith.cmpi ne, %sign3A_1387, %sign3A_1394 : i32
        %rem3A_1396 = arith.remsi %add3A_665, %jit3A_1379 : i32
        %ne3A_1397 = arith.constant 0 : i32
        %ne3A_1398 = arith.cmpi ne, %rem3A_1396, %ne3A_1397 : i32
        %and3A_1399 = arith.andi %ne3A_1395, %ne3A_1398 : i1
        %sub3A_1400 = arith.constant 1 : i32
        %sub3A_1401 = arith.subi %div3A_1380, %sub3A_1400 : i32
        %select_n3A_1402 = arith.select %and3A_1399, %sub3A_1401, %div3A_1380 : i32
        %jit3A_1403 = arith.constant 4 : i32
        %eq3A_1404 = arith.constant 0 : i32
        %eq3A_1405 = arith.cmpi eq, %jit3A_1403, %eq3A_1404 : i32
        %jit3A_1406 = arith.constant 1 : i32
        %select_n3A_1407 = arith.select %eq3A_1405, %jit3A_1406, %jit3A_1403 : i32
        %rem3A_1408 = arith.remsi %add3A_665, %select_n3A_1407 : i32
        %ne3A_1409 = arith.constant 0 : i32
        %ne3A_1410 = arith.cmpi ne, %rem3A_1408, %ne3A_1409 : i32
        %lt3A_1411 = arith.constant 0 : i32
        %lt3A_1412 = arith.cmpi slt, %rem3A_1408, %lt3A_1411 : i32
        %lt3A_1413 = arith.constant 0 : i32
        %lt3A_1414 = arith.cmpi slt, %select_n3A_1407, %lt3A_1413 : i32
        %ne3A_1415 = arith.xori %lt3A_1412, %lt3A_1414 : i1
        %and3A_1416 = arith.andi %ne3A_1415, %ne3A_1410 : i1
        %add3A_1417 = arith.addi %rem3A_1408, %select_n3A_1407 : i32
        %select_n3A_1418 = arith.select %and3A_1416, %add3A_1417, %rem3A_1408 : i32
        %add3A_1419 = arith.addi %mul3A_4, %select_n3A_1418 : i32
        %dma_wait3A_1420 = arith.constant 0 : i32
        %dma_wait3A_1421 = arith.constant 0 : i32
        %dma_wait3A_1422 = arith.constant 0 : i32
        %dma_wait3A_1423 = tpu.memref_slice %arg14[%dma_wait3A_1421, %dma_wait3A_1422] : memref<64x128xf32, #tpu.memory_space<vmem>> -> memref<8x128xf32, #tpu.memory_space<vmem>>
        %dma_wait3A_1424 = arith.constant 0 : i32
        %dma_wait3A_1425 = arith.constant 0 : i32
        %dma_wait3A_1426 = tpu.memref_slice %arg4[%select_n3A_1402, %dma_wait3A_1420, %add3A_1419, %dma_wait3A_1424, %dma_wait3A_1425] : memref<50x8x128x8x128xf32, #tpu.memory_space<hbm>> -> memref<1x1x1x8x128xf32, #tpu.memory_space<hbm>>
        %dma_wait3A_1427 = tpu.memref_squeeze %dma_wait3A_1426 : memref<1x1x1x8x128xf32, #tpu.memory_space<hbm>> -> memref<8x128xf32, #tpu.memory_space<hbm>>
        %dma_wait3A_1428 = arith.constant 0 : i32
        %dma_wait3A_1429 = arith.constant 0 : i32
        %dma_wait3A_1430 = tpu.memref_slice %arg4[%select_n3A_1402, %dma_wait3A_1420, %add3A_1419, %dma_wait3A_1428, %dma_wait3A_1429] : memref<50x8x128x8x128xf32, #tpu.memory_space<hbm>> -> memref<1x1x1x8x128xf32, #tpu.memory_space<hbm>>
        %dma_wait3A_1431 = tpu.memref_squeeze %dma_wait3A_1430 : memref<1x1x1x8x128xf32, #tpu.memory_space<hbm>> -> memref<8x128xf32, #tpu.memory_space<hbm>>
        %dma_wait3A_1432 = arith.constant 0 : i32
        %dma_wait3A_1433 = arith.constant 0 : i32
        %dma_wait3A_1434 = tpu.memref_slice %arg14[%dma_wait3A_1432, %dma_wait3A_1433] : memref<64x128xf32, #tpu.memory_space<vmem>> -> memref<8x128xf32, #tpu.memory_space<vmem>>
        tpu.wait_dma2 semaphore(%arg20 : memref<!tpu.dma_semaphore, #tpu.memory_space<semaphore_mem>>) src(%dma_wait3A_1434 : memref<8x128xf32, #tpu.memory_space<vmem>>) dst(%dma_wait3A_1431 : memref<8x128xf32, #tpu.memory_space<hbm>>)
        %dma_wait3A_1435 = arith.constant 1 : i32
        %dma_wait3A_1436 = arith.constant 8 : i32
        %dma_wait3A_1437 = arith.constant 0 : i32
        %dma_wait3A_1438 = tpu.memref_slice %arg14[%dma_wait3A_1436, %dma_wait3A_1437] : memref<64x128xf32, #tpu.memory_space<vmem>> -> memref<8x128xf32, #tpu.memory_space<vmem>>
        %dma_wait3A_1439 = arith.constant 0 : i32
        %dma_wait3A_1440 = arith.constant 0 : i32
        %dma_wait3A_1441 = tpu.memref_slice %arg4[%select_n3A_1402, %dma_wait3A_1435, %add3A_1419, %dma_wait3A_1439, %dma_wait3A_1440] : memref<50x8x128x8x128xf32, #tpu.memory_space<hbm>> -> memref<1x1x1x8x128xf32, #tpu.memory_space<hbm>>
        %dma_wait3A_1442 = tpu.memref_squeeze %dma_wait3A_1441 : memref<1x1x1x8x128xf32, #tpu.memory_space<hbm>> -> memref<8x128xf32, #tpu.memory_space<hbm>>
        %dma_wait3A_1443 = arith.constant 0 : i32
        %dma_wait3A_1444 = arith.constant 0 : i32
        %dma_wait3A_1445 = tpu.memref_slice %arg4[%select_n3A_1402, %dma_wait3A_1435, %add3A_1419, %dma_wait3A_1443, %dma_wait3A_1444] : memref<50x8x128x8x128xf32, #tpu.memory_space<hbm>> -> memref<1x1x1x8x128xf32, #tpu.memory_space<hbm>>
        %dma_wait3A_1446 = tpu.memref_squeeze %dma_wait3A_1445 : memref<1x1x1x8x128xf32, #tpu.memory_space<hbm>> -> memref<8x128xf32, #tpu.memory_space<hbm>>
        %dma_wait3A_1447 = arith.constant 8 : i32
        %dma_wait3A_1448 = arith.constant 0 : i32
        %dma_wait3A_1449 = tpu.memref_slice %arg14[%dma_wait3A_1447, %dma_wait3A_1448] : memref<64x128xf32, #tpu.memory_space<vmem>> -> memref<8x128xf32, #tpu.memory_space<vmem>>
        tpu.wait_dma2 semaphore(%arg20 : memref<!tpu.dma_semaphore, #tpu.memory_space<semaphore_mem>>) src(%dma_wait3A_1449 : memref<8x128xf32, #tpu.memory_space<vmem>>) dst(%dma_wait3A_1446 : memref<8x128xf32, #tpu.memory_space<hbm>>)
        %dma_wait3A_1450 = arith.constant 2 : i32
        %dma_wait3A_1451 = arith.constant 16 : i32
        %dma_wait3A_1452 = arith.constant 0 : i32
        %dma_wait3A_1453 = tpu.memref_slice %arg14[%dma_wait3A_1451, %dma_wait3A_1452] : memref<64x128xf32, #tpu.memory_space<vmem>> -> memref<8x128xf32, #tpu.memory_space<vmem>>
        %dma_wait3A_1454 = arith.constant 0 : i32
        %dma_wait3A_1455 = arith.constant 0 : i32
        %dma_wait3A_1456 = tpu.memref_slice %arg4[%select_n3A_1402, %dma_wait3A_1450, %add3A_1419, %dma_wait3A_1454, %dma_wait3A_1455] : memref<50x8x128x8x128xf32, #tpu.memory_space<hbm>> -> memref<1x1x1x8x128xf32, #tpu.memory_space<hbm>>
        %dma_wait3A_1457 = tpu.memref_squeeze %dma_wait3A_1456 : memref<1x1x1x8x128xf32, #tpu.memory_space<hbm>> -> memref<8x128xf32, #tpu.memory_space<hbm>>
        %dma_wait3A_1458 = arith.constant 0 : i32
        %dma_wait3A_1459 = arith.constant 0 : i32
        %dma_wait3A_1460 = tpu.memref_slice %arg4[%select_n3A_1402, %dma_wait3A_1450, %add3A_1419, %dma_wait3A_1458, %dma_wait3A_1459] : memref<50x8x128x8x128xf32, #tpu.memory_space<hbm>> -> memref<1x1x1x8x128xf32, #tpu.memory_space<hbm>>
        %dma_wait3A_1461 = tpu.memref_squeeze %dma_wait3A_1460 : memref<1x1x1x8x128xf32, #tpu.memory_space<hbm>> -> memref<8x128xf32, #tpu.memory_space<hbm>>
        %dma_wait3A_1462 = arith.constant 16 : i32
        %dma_wait3A_1463 = arith.constant 0 : i32
        %dma_wait3A_1464 = tpu.memref_slice %arg14[%dma_wait3A_1462, %dma_wait3A_1463] : memref<64x128xf32, #tpu.memory_space<vmem>> -> memref<8x128xf32, #tpu.memory_space<vmem>>
        tpu.wait_dma2 semaphore(%arg20 : memref<!tpu.dma_semaphore, #tpu.memory_space<semaphore_mem>>) src(%dma_wait3A_1464 : memref<8x128xf32, #tpu.memory_space<vmem>>) dst(%dma_wait3A_1461 : memref<8x128xf32, #tpu.memory_space<hbm>>)
        %dma_wait3A_1465 = arith.constant 3 : i32
        %dma_wait3A_1466 = arith.constant 24 : i32
        %dma_wait3A_1467 = arith.constant 0 : i32
        %dma_wait3A_1468 = tpu.memref_slice %arg14[%dma_wait3A_1466, %dma_wait3A_1467] : memref<64x128xf32, #tpu.memory_space<vmem>> -> memref<8x128xf32, #tpu.memory_space<vmem>>
        %dma_wait3A_1469 = arith.constant 0 : i32
        %dma_wait3A_1470 = arith.constant 0 : i32
        %dma_wait3A_1471 = tpu.memref_slice %arg4[%select_n3A_1402, %dma_wait3A_1465, %add3A_1419, %dma_wait3A_1469, %dma_wait3A_1470] : memref<50x8x128x8x128xf32, #tpu.memory_space<hbm>> -> memref<1x1x1x8x128xf32, #tpu.memory_space<hbm>>
        %dma_wait3A_1472 = tpu.memref_squeeze %dma_wait3A_1471 : memref<1x1x1x8x128xf32, #tpu.memory_space<hbm>> -> memref<8x128xf32, #tpu.memory_space<hbm>>
        %dma_wait3A_1473 = arith.constant 0 : i32
        %dma_wait3A_1474 = arith.constant 0 : i32
        %dma_wait3A_1475 = tpu.memref_slice %arg4[%select_n3A_1402, %dma_wait3A_1465, %add3A_1419, %dma_wait3A_1473, %dma_wait3A_1474] : memref<50x8x128x8x128xf32, #tpu.memory_space<hbm>> -> memref<1x1x1x8x128xf32, #tpu.memory_space<hbm>>
        %dma_wait3A_1476 = tpu.memref_squeeze %dma_wait3A_1475 : memref<1x1x1x8x128xf32, #tpu.memory_space<hbm>> -> memref<8x128xf32, #tpu.memory_space<hbm>>
        %dma_wait3A_1477 = arith.constant 24 : i32
        %dma_wait3A_1478 = arith.constant 0 : i32
        %dma_wait3A_1479 = tpu.memref_slice %arg14[%dma_wait3A_1477, %dma_wait3A_1478] : memref<64x128xf32, #tpu.memory_space<vmem>> -> memref<8x128xf32, #tpu.memory_space<vmem>>
        tpu.wait_dma2 semaphore(%arg20 : memref<!tpu.dma_semaphore, #tpu.memory_space<semaphore_mem>>) src(%dma_wait3A_1479 : memref<8x128xf32, #tpu.memory_space<vmem>>) dst(%dma_wait3A_1476 : memref<8x128xf32, #tpu.memory_space<hbm>>)
        %dma_wait3A_1480 = arith.constant 4 : i32
        %dma_wait3A_1481 = arith.constant 32 : i32
        %dma_wait3A_1482 = arith.constant 0 : i32
        %dma_wait3A_1483 = tpu.memref_slice %arg14[%dma_wait3A_1481, %dma_wait3A_1482] : memref<64x128xf32, #tpu.memory_space<vmem>> -> memref<8x128xf32, #tpu.memory_space<vmem>>
        %dma_wait3A_1484 = arith.constant 0 : i32
        %dma_wait3A_1485 = arith.constant 0 : i32
        %dma_wait3A_1486 = tpu.memref_slice %arg4[%select_n3A_1402, %dma_wait3A_1480, %add3A_1419, %dma_wait3A_1484, %dma_wait3A_1485] : memref<50x8x128x8x128xf32, #tpu.memory_space<hbm>> -> memref<1x1x1x8x128xf32, #tpu.memory_space<hbm>>
        %dma_wait3A_1487 = tpu.memref_squeeze %dma_wait3A_1486 : memref<1x1x1x8x128xf32, #tpu.memory_space<hbm>> -> memref<8x128xf32, #tpu.memory_space<hbm>>
        %dma_wait3A_1488 = arith.constant 0 : i32
        %dma_wait3A_1489 = arith.constant 0 : i32
        %dma_wait3A_1490 = tpu.memref_slice %arg4[%select_n3A_1402, %dma_wait3A_1480, %add3A_1419, %dma_wait3A_1488, %dma_wait3A_1489] : memref<50x8x128x8x128xf32, #tpu.memory_space<hbm>> -> memref<1x1x1x8x128xf32, #tpu.memory_space<hbm>>
        %dma_wait3A_1491 = tpu.memref_squeeze %dma_wait3A_1490 : memref<1x1x1x8x128xf32, #tpu.memory_space<hbm>> -> memref<8x128xf32, #tpu.memory_space<hbm>>
        %dma_wait3A_1492 = arith.constant 32 : i32
        %dma_wait3A_1493 = arith.constant 0 : i32
        %dma_wait3A_1494 = tpu.memref_slice %arg14[%dma_wait3A_1492, %dma_wait3A_1493] : memref<64x128xf32, #tpu.memory_space<vmem>> -> memref<8x128xf32, #tpu.memory_space<vmem>>
        tpu.wait_dma2 semaphore(%arg20 : memref<!tpu.dma_semaphore, #tpu.memory_space<semaphore_mem>>) src(%dma_wait3A_1494 : memref<8x128xf32, #tpu.memory_space<vmem>>) dst(%dma_wait3A_1491 : memref<8x128xf32, #tpu.memory_space<hbm>>)
        %dma_wait3A_1495 = arith.constant 5 : i32
        %dma_wait3A_1496 = arith.constant 40 : i32
        %dma_wait3A_1497 = arith.constant 0 : i32
        %dma_wait3A_1498 = tpu.memref_slice %arg14[%dma_wait3A_1496, %dma_wait3A_1497] : memref<64x128xf32, #tpu.memory_space<vmem>> -> memref<8x128xf32, #tpu.memory_space<vmem>>
        %dma_wait3A_1499 = arith.constant 0 : i32
        %dma_wait3A_1500 = arith.constant 0 : i32
        %dma_wait3A_1501 = tpu.memref_slice %arg4[%select_n3A_1402, %dma_wait3A_1495, %add3A_1419, %dma_wait3A_1499, %dma_wait3A_1500] : memref<50x8x128x8x128xf32, #tpu.memory_space<hbm>> -> memref<1x1x1x8x128xf32, #tpu.memory_space<hbm>>
        %dma_wait3A_1502 = tpu.memref_squeeze %dma_wait3A_1501 : memref<1x1x1x8x128xf32, #tpu.memory_space<hbm>> -> memref<8x128xf32, #tpu.memory_space<hbm>>
        %dma_wait3A_1503 = arith.constant 0 : i32
        %dma_wait3A_1504 = arith.constant 0 : i32
        %dma_wait3A_1505 = tpu.memref_slice %arg4[%select_n3A_1402, %dma_wait3A_1495, %add3A_1419, %dma_wait3A_1503, %dma_wait3A_1504] : memref<50x8x128x8x128xf32, #tpu.memory_space<hbm>> -> memref<1x1x1x8x128xf32, #tpu.memory_space<hbm>>
        %dma_wait3A_1506 = tpu.memref_squeeze %dma_wait3A_1505 : memref<1x1x1x8x128xf32, #tpu.memory_space<hbm>> -> memref<8x128xf32, #tpu.memory_space<hbm>>
        %dma_wait3A_1507 = arith.constant 40 : i32
        %dma_wait3A_1508 = arith.constant 0 : i32
        %dma_wait3A_1509 = tpu.memref_slice %arg14[%dma_wait3A_1507, %dma_wait3A_1508] : memref<64x128xf32, #tpu.memory_space<vmem>> -> memref<8x128xf32, #tpu.memory_space<vmem>>
        tpu.wait_dma2 semaphore(%arg20 : memref<!tpu.dma_semaphore, #tpu.memory_space<semaphore_mem>>) src(%dma_wait3A_1509 : memref<8x128xf32, #tpu.memory_space<vmem>>) dst(%dma_wait3A_1506 : memref<8x128xf32, #tpu.memory_space<hbm>>)
        %dma_wait3A_1510 = arith.constant 6 : i32
        %dma_wait3A_1511 = arith.constant 48 : i32
        %dma_wait3A_1512 = arith.constant 0 : i32
        %dma_wait3A_1513 = tpu.memref_slice %arg14[%dma_wait3A_1511, %dma_wait3A_1512] : memref<64x128xf32, #tpu.memory_space<vmem>> -> memref<8x128xf32, #tpu.memory_space<vmem>>
        %dma_wait3A_1514 = arith.constant 0 : i32
        %dma_wait3A_1515 = arith.constant 0 : i32
        %dma_wait3A_1516 = tpu.memref_slice %arg4[%select_n3A_1402, %dma_wait3A_1510, %add3A_1419, %dma_wait3A_1514, %dma_wait3A_1515] : memref<50x8x128x8x128xf32, #tpu.memory_space<hbm>> -> memref<1x1x1x8x128xf32, #tpu.memory_space<hbm>>
        %dma_wait3A_1517 = tpu.memref_squeeze %dma_wait3A_1516 : memref<1x1x1x8x128xf32, #tpu.memory_space<hbm>> -> memref<8x128xf32, #tpu.memory_space<hbm>>
        %dma_wait3A_1518 = arith.constant 0 : i32
        %dma_wait3A_1519 = arith.constant 0 : i32
        %dma_wait3A_1520 = tpu.memref_slice %arg4[%select_n3A_1402, %dma_wait3A_1510, %add3A_1419, %dma_wait3A_1518, %dma_wait3A_1519] : memref<50x8x128x8x128xf32, #tpu.memory_space<hbm>> -> memref<1x1x1x8x128xf32, #tpu.memory_space<hbm>>
        %dma_wait3A_1521 = tpu.memref_squeeze %dma_wait3A_1520 : memref<1x1x1x8x128xf32, #tpu.memory_space<hbm>> -> memref<8x128xf32, #tpu.memory_space<hbm>>
        %dma_wait3A_1522 = arith.constant 48 : i32
        %dma_wait3A_1523 = arith.constant 0 : i32
        %dma_wait3A_1524 = tpu.memref_slice %arg14[%dma_wait3A_1522, %dma_wait3A_1523] : memref<64x128xf32, #tpu.memory_space<vmem>> -> memref<8x128xf32, #tpu.memory_space<vmem>>
        tpu.wait_dma2 semaphore(%arg20 : memref<!tpu.dma_semaphore, #tpu.memory_space<semaphore_mem>>) src(%dma_wait3A_1524 : memref<8x128xf32, #tpu.memory_space<vmem>>) dst(%dma_wait3A_1521 : memref<8x128xf32, #tpu.memory_space<hbm>>)
        %dma_wait3A_1525 = arith.constant 7 : i32
        %dma_wait3A_1526 = arith.constant 56 : i32
        %dma_wait3A_1527 = arith.constant 0 : i32
        %dma_wait3A_1528 = tpu.memref_slice %arg14[%dma_wait3A_1526, %dma_wait3A_1527] : memref<64x128xf32, #tpu.memory_space<vmem>> -> memref<8x128xf32, #tpu.memory_space<vmem>>
        %dma_wait3A_1529 = arith.constant 0 : i32
        %dma_wait3A_1530 = arith.constant 0 : i32
        %dma_wait3A_1531 = tpu.memref_slice %arg4[%select_n3A_1402, %dma_wait3A_1525, %add3A_1419, %dma_wait3A_1529, %dma_wait3A_1530] : memref<50x8x128x8x128xf32, #tpu.memory_space<hbm>> -> memref<1x1x1x8x128xf32, #tpu.memory_space<hbm>>
        %dma_wait3A_1532 = tpu.memref_squeeze %dma_wait3A_1531 : memref<1x1x1x8x128xf32, #tpu.memory_space<hbm>> -> memref<8x128xf32, #tpu.memory_space<hbm>>
        %dma_wait3A_1533 = arith.constant 0 : i32
        %dma_wait3A_1534 = arith.constant 0 : i32
        %dma_wait3A_1535 = tpu.memref_slice %arg4[%select_n3A_1402, %dma_wait3A_1525, %add3A_1419, %dma_wait3A_1533, %dma_wait3A_1534] : memref<50x8x128x8x128xf32, #tpu.memory_space<hbm>> -> memref<1x1x1x8x128xf32, #tpu.memory_space<hbm>>
        %dma_wait3A_1536 = tpu.memref_squeeze %dma_wait3A_1535 : memref<1x1x1x8x128xf32, #tpu.memory_space<hbm>> -> memref<8x128xf32, #tpu.memory_space<hbm>>
        %dma_wait3A_1537 = arith.constant 56 : i32
        %dma_wait3A_1538 = arith.constant 0 : i32
        %dma_wait3A_1539 = tpu.memref_slice %arg14[%dma_wait3A_1537, %dma_wait3A_1538] : memref<64x128xf32, #tpu.memory_space<vmem>> -> memref<8x128xf32, #tpu.memory_space<vmem>>
        tpu.wait_dma2 semaphore(%arg20 : memref<!tpu.dma_semaphore, #tpu.memory_space<semaphore_mem>>) src(%dma_wait3A_1539 : memref<8x128xf32, #tpu.memory_space<vmem>>) dst(%dma_wait3A_1536 : memref<8x128xf32, #tpu.memory_space<hbm>>)
      } else {
      }
      %scan3A_671 = arith.constant 0 : i32
      %scan3A_672 = arith.constant 0 : i32
      %scan3A_673 = arith.constant 8 : i32
      %scan3A_674 = arith.addi %scan3A_672, %scan3A_673 : i32
      %scan3A_675 = arith.constant 1 : i32
      scf.for %scan3A_1379 = %scan3A_672 to %scan3A_674 step %scan3A_675  : i32 {
        %mul3A_1380 = arith.constant 16 : i32
        %mul3A_1381 = arith.muli %scan3A_1379, %mul3A_1380 : i32
        %broadcast_in_dim3A_1382 = vector.broadcast %mul3A_1381 : i32 to vector<16xi32>
        %add3A_1383 = arith.addi %iota3A, %broadcast_in_dim3A_1382 : vector<16xi32>
        %broadcast_in_dim3A_1384 = arith.constant 0.000000e+00 : f32
        %broadcast_in_dim3A_1385 = vector.broadcast %broadcast_in_dim3A_1384 : f32 to vector<16xf32>
        %parallel_loop3A = arith.constant 0 : i32
        %parallel_loop3A_1386 = arith.constant 16 : i32
        %parallel_loop3A_1387 = arith.constant 1 : i32
        %parallel_loop3A_1388:4 = scf.for %parallel_loop3A_1446 = %parallel_loop3A to %parallel_loop3A_1386 step %parallel_loop3A_1387 iter_args(%parallel_loop3A_1447 = %broadcast_in_dim3A_1385, %parallel_loop3A_1448 = %broadcast_in_dim3A_1385, %parallel_loop3A_1449 = %broadcast_in_dim3A_1385, %parallel_loop3A_1450 = %broadcast_in_dim3A_1385) -> (vector<16xf32>, vector<16xf32>, vector<16xf32>, vector<16xf32>)  : i32 {
          %parallel_loop3A_1451 = vector.broadcast %parallel_loop3A_1446 : i32 to vector<16xi32>
          %parallel_loop3A_1452 = arith.addi %iota3A, %parallel_loop3A_1451 : vector<16xi32>
          %parallel_loop3A_1453 = arith.constant 15 : i32
          %parallel_loop3A_1454 = vector.broadcast %parallel_loop3A_1453 : i32 to vector<16xi32>
          %parallel_loop3A_1455 = arith.andi %parallel_loop3A_1452, %parallel_loop3A_1454 : vector<16xi32>
          %parallel_loop3A_1456 = arith.constant 0 : i32
          %parallel_loop3A_1457 = vector.broadcast %parallel_loop3A_1456 : i32 to vector<16xi32>
          %parallel_loop3A_1458 = arith.addi %parallel_loop3A_1455, %parallel_loop3A_1457 : vector<16xi32>
          %parallel_loop3A_1459 = tpu.vector_load_idx %arg10[%add3A_1383, %parallel_loop3A_1458] : memref<128x64xf32, #tpu.memory_space<vmem>>[vector<16xi32>, vector<16xi32>], vector<16xf32>,
          %parallel_loop3A_1460 = arith.mulf %parallel_loop3A_1459, %parallel_loop3A_1459 : vector<16xf32>
          %parallel_loop3A_1461 = arith.addf %parallel_loop3A_1447, %parallel_loop3A_1460 : vector<16xf32>
          tpu.vector_store_idx %arg14[%parallel_loop3A_1458, %add3A_1383], %parallel_loop3A_1459 : memref<64x128xf32, #tpu.memory_space<vmem>>[vector<16xi32>, vector<16xi32>], vector<16xf32>,
          %parallel_loop3A_1462 = arith.constant 16 : i32
          %parallel_loop3A_1463 = vector.broadcast %parallel_loop3A_1462 : i32 to vector<16xi32>
          %parallel_loop3A_1464 = arith.addi %parallel_loop3A_1455, %parallel_loop3A_1463 : vector<16xi32>
          %parallel_loop3A_1465 = tpu.vector_load_idx %arg10[%add3A_1383, %parallel_loop3A_1464] : memref<128x64xf32, #tpu.memory_space<vmem>>[vector<16xi32>, vector<16xi32>], vector<16xf32>,
          %parallel_loop3A_1466 = arith.mulf %parallel_loop3A_1465, %parallel_loop3A_1465 : vector<16xf32>
          %parallel_loop3A_1467 = arith.addf %parallel_loop3A_1448, %parallel_loop3A_1466 : vector<16xf32>
          tpu.vector_store_idx %arg14[%parallel_loop3A_1464, %add3A_1383], %parallel_loop3A_1465 : memref<64x128xf32, #tpu.memory_space<vmem>>[vector<16xi32>, vector<16xi32>], vector<16xf32>,
          %parallel_loop3A_1468 = arith.constant 32 : i32
          %parallel_loop3A_1469 = vector.broadcast %parallel_loop3A_1468 : i32 to vector<16xi32>
          %parallel_loop3A_1470 = arith.addi %parallel_loop3A_1455, %parallel_loop3A_1469 : vector<16xi32>
          %parallel_loop3A_1471 = tpu.vector_load_idx %arg10[%add3A_1383, %parallel_loop3A_1470] : memref<128x64xf32, #tpu.memory_space<vmem>>[vector<16xi32>, vector<16xi32>], vector<16xf32>,
          %parallel_loop3A_1472 = arith.mulf %parallel_loop3A_1471, %parallel_loop3A_1471 : vector<16xf32>
          %parallel_loop3A_1473 = arith.addf %parallel_loop3A_1449, %parallel_loop3A_1472 : vector<16xf32>
          tpu.vector_store_idx %arg14[%parallel_loop3A_1470, %add3A_1383], %parallel_loop3A_1471 : memref<64x128xf32, #tpu.memory_space<vmem>>[vector<16xi32>, vector<16xi32>], vector<16xf32>,
          %parallel_loop3A_1474 = arith.constant 48 : i32
          %parallel_loop3A_1475 = vector.broadcast %parallel_loop3A_1474 : i32 to vector<16xi32>
          %parallel_loop3A_1476 = arith.addi %parallel_loop3A_1455, %parallel_loop3A_1475 : vector<16xi32>
          %parallel_loop3A_1477 = tpu.vector_load_idx %arg10[%add3A_1383, %parallel_loop3A_1476] : memref<128x64xf32, #tpu.memory_space<vmem>>[vector<16xi32>, vector<16xi32>], vector<16xf32>,
          %parallel_loop3A_1478 = arith.mulf %parallel_loop3A_1477, %parallel_loop3A_1477 : vector<16xf32>
          %parallel_loop3A_1479 = arith.addf %parallel_loop3A_1450, %parallel_loop3A_1478 : vector<16xf32>
          tpu.vector_store_idx %arg14[%parallel_loop3A_1476, %add3A_1383], %parallel_loop3A_1477 : memref<64x128xf32, #tpu.memory_space<vmem>>[vector<16xi32>, vector<16xi32>], vector<16xf32>,
          scf.yield %parallel_loop3A_1461, %parallel_loop3A_1467, %parallel_loop3A_1473, %parallel_loop3A_1479 : vector<16xf32>, vector<16xf32>, vector<16xf32>, vector<16xf32>
        } {sc.loop_unroll_factor = 4 : i64, sc.parallel_access}
        %add3A_1389 = arith.addf %parallel_loop3A_1388#0, %parallel_loop3A_1388#1 : vector<16xf32>
        %add3A_1390 = arith.addf %parallel_loop3A_1388#2, %parallel_loop3A_1388#3 : vector<16xf32>
        %add3A_1391 = arith.addf %add3A_1389, %add3A_1390 : vector<16xf32>
        %bitcast3A = vector.bitcast %add3A_1391 : vector<16xf32> to vector<16xi32>
        %shift_right_arithmetic3A = arith.constant 1 : i32
        %shift_right_arithmetic3A_1392 = vector.broadcast %shift_right_arithmetic3A : i32 to vector<16xi32>
        %shift_right_arithmetic3A_1393 = arith.shrsi %bitcast3A, %shift_right_arithmetic3A_1392 : vector<16xi32>
        %sub3A_1394 = arith.constant 1597463007 : i32
        %sub3A_1395 = vector.broadcast %sub3A_1394 : i32 to vector<16xi32>
        %sub3A_1396 = arith.subi %sub3A_1395, %shift_right_arithmetic3A_1393 : vector<16xi32>
        %bitcast3A_1397 = vector.bitcast %sub3A_1396 : vector<16xi32> to vector<16xf32>
        %mul3A_1398 = arith.constant 5.000000e-01 : f32
        %mul3A_1399 = vector.broadcast %mul3A_1398 : f32 to vector<16xf32>
        %mul3A_1400 = arith.mulf %mul3A_1399, %add3A_1391 : vector<16xf32>
        %mul3A_1401 = arith.mulf %mul3A_1400, %bitcast3A_1397 : vector<16xf32>
        %mul3A_1402 = arith.mulf %mul3A_1401, %bitcast3A_1397 : vector<16xf32>
        %sub3A_1403 = arith.constant 1.500000e+00 : f32
        %sub3A_1404 = vector.broadcast %sub3A_1403 : f32 to vector<16xf32>
        %sub3A_1405 = arith.subf %sub3A_1404, %mul3A_1402 : vector<16xf32>
        %mul3A_1406 = arith.mulf %bitcast3A_1397, %sub3A_1405 : vector<16xf32>
        %mul3A_1407 = arith.constant 5.000000e-01 : f32
        %mul3A_1408 = vector.broadcast %mul3A_1407 : f32 to vector<16xf32>
        %mul3A_1409 = arith.mulf %mul3A_1408, %add3A_1391 : vector<16xf32>
        %mul3A_1410 = arith.mulf %mul3A_1409, %mul3A_1406 : vector<16xf32>
        %mul3A_1411 = arith.mulf %mul3A_1410, %mul3A_1406 : vector<16xf32>
        %sub3A_1412 = arith.constant 1.500000e+00 : f32
        %sub3A_1413 = vector.broadcast %sub3A_1412 : f32 to vector<16xf32>
        %sub3A_1414 = arith.subf %sub3A_1413, %mul3A_1411 : vector<16xf32>
        %mul3A_1415 = arith.mulf %mul3A_1406, %sub3A_1414 : vector<16xf32>
        %mul3A_1416 = arith.constant 5.000000e-01 : f32
        %mul3A_1417 = vector.broadcast %mul3A_1416 : f32 to vector<16xf32>
        %mul3A_1418 = arith.mulf %mul3A_1417, %add3A_1391 : vector<16xf32>
        %mul3A_1419 = arith.mulf %mul3A_1418, %mul3A_1415 : vector<16xf32>
        %mul3A_1420 = arith.mulf %mul3A_1419, %mul3A_1415 : vector<16xf32>
        %sub3A_1421 = arith.constant 1.500000e+00 : f32
        %sub3A_1422 = vector.broadcast %sub3A_1421 : f32 to vector<16xf32>
        %sub3A_1423 = arith.subf %sub3A_1422, %mul3A_1420 : vector<16xf32>
        %mul3A_1424 = arith.mulf %mul3A_1415, %sub3A_1423 : vector<16xf32>
        %mul3A_1425 = arith.mulf %add3A_1391, %mul3A_1424 : vector<16xf32>
        %broadcast_in_dim3A_1426 = arith.constant 1.000000e+00 : f32
        %broadcast_in_dim3A_1427 = vector.broadcast %broadcast_in_dim3A_1426 : f32 to vector<16xf32>
        %le3A = arith.constant 0.780776381 : f32
        %le3A_1428 = vector.broadcast %le3A : f32 to vector<16xf32>
        %le3A_1429 = arith.cmpf ole, %mul3A_1425, %le3A_1428 : vector<16xf32>
        %mul3A_1430 = arith.constant 0.780776381 : f32
        %mul3A_1431 = vector.broadcast %mul3A_1430 : f32 to vector<16xf32>
        %mul3A_1432 = arith.mulf %mul3A_1431, %mul3A_1424 : vector<16xf32>
        %ge3A_1433 = arith.constant 1.000000e+00 : f32
        %ge3A_1434 = vector.broadcast %ge3A_1433 : f32 to vector<16xf32>
        %ge3A_1435 = arith.cmpf oge, %mul3A_1425, %ge3A_1434 : vector<16xf32>
        %sub3A_1436 = arith.constant 1.000000e+00 : f32
        %sub3A_1437 = arith.constant 9.99999974E-6 : f32
        %sub3A_1438 = arith.subf %sub3A_1436, %sub3A_1437 : f32
        %mul3A_1439 = vector.broadcast %sub3A_1438 : f32 to vector<16xf32>
        %mul3A_1440 = arith.mulf %mul3A_1439, %mul3A_1424 : vector<16xf32>
        %select_n3A_1441 = arith.select %ge3A_1435, %mul3A_1440, %broadcast_in_dim3A_1427 : vector<16xi1>, vector<16xf32>
        %select_n3A_1442 = arith.select %le3A_1429, %mul3A_1432, %select_n3A_1441 : vector<16xi1>, vector<16xf32>
        %parallel_loop3A_1443 = arith.constant 0 : i32
        %parallel_loop3A_1444 = arith.constant 64 : i32
        %parallel_loop3A_1445 = arith.constant 1 : i32
        scf.for %parallel_loop3A_1446 = %parallel_loop3A_1443 to %parallel_loop3A_1444 step %parallel_loop3A_1445  : i32 {
          %parallel_loop3A_1447 = arith.index_cast %parallel_loop3A_1446 : i32 to index
          %parallel_loop3A_1448 = arith.index_cast %mul3A_1381 : i32 to index
          %parallel_loop3A_1449 = tpu.vector_load %arg14[%parallel_loop3A_1447, %parallel_loop3A_1448] {strides = array<i32>} : memref<64x128xf32, #tpu.memory_space<vmem>>, vector<16xf32>,
          %parallel_loop3A_1450 = arith.constant 1.000000e-15 : f32
          %parallel_loop3A_1451 = vector.broadcast %parallel_loop3A_1450 : f32 to vector<16xf32>
          %parallel_loop3A_1452 = arith.addf %parallel_loop3A_1449, %parallel_loop3A_1451 : vector<16xf32>
          %parallel_loop3A_1453 = arith.mulf %parallel_loop3A_1452, %select_n3A_1442 : vector<16xf32>
          %parallel_loop3A_1454 = arith.index_cast %parallel_loop3A_1446 : i32 to index
          %parallel_loop3A_1455 = arith.index_cast %mul3A_1381 : i32 to index
          %parallel_loop3A_1456 = tpu.vector_load %arg14[%parallel_loop3A_1454, %parallel_loop3A_1455] {strides = array<i32>} : memref<64x128xf32, #tpu.memory_space<vmem>>, vector<16xf32>,
          tpu.vector_store %arg14[%parallel_loop3A_1454, %parallel_loop3A_1455], %parallel_loop3A_1453 {strides = array<i32>} : memref<64x128xf32, #tpu.memory_space<vmem>>, vector<16xf32>,
        } {sc.loop_unroll_factor = 8 : i64, sc.parallel_access}
      }
      %scan3A_676 = arith.constant 8 : i32
      %jit3A = arith.constant 4 : i32
      %div3A = arith.divsi %add3A_665, %jit3A : i32
      %sign3A = arith.constant 0 : i32
      %sign3A_677 = arith.cmpi sgt, %add3A_665, %sign3A : i32
      %sign3A_678 = arith.extui %sign3A_677 : i1 to i32
      %sign3A_679 = arith.constant 0 : i32
      %sign3A_680 = arith.cmpi slt, %add3A_665, %sign3A_679 : i32
      %sign3A_681 = arith.extui %sign3A_680 : i1 to i32
      %sign3A_682 = arith.subi %sign3A_678, %sign3A_681 : i32
      %sign3A_683 = arith.constant 0 : i32
      %sign3A_684 = arith.cmpi sgt, %jit3A, %sign3A_683 : i32
      %sign3A_685 = arith.extui %sign3A_684 : i1 to i32
      %sign3A_686 = arith.constant 0 : i32
      %sign3A_687 = arith.cmpi slt, %jit3A, %sign3A_686 : i32
      %sign3A_688 = arith.extui %sign3A_687 : i1 to i32
      %sign3A_689 = arith.subi %sign3A_685, %sign3A_688 : i32
      %ne3A = arith.cmpi ne, %sign3A_682, %sign3A_689 : i32
      %rem3A = arith.remsi %add3A_665, %jit3A : i32
      %ne3A_690 = arith.constant 0 : i32
      %ne3A_691 = arith.cmpi ne, %rem3A, %ne3A_690 : i32
      %and3A = arith.andi %ne3A, %ne3A_691 : i1
      %sub3A = arith.constant 1 : i32
      %sub3A_692 = arith.subi %div3A, %sub3A : i32
      %select_n3A = arith.select %and3A, %sub3A_692, %div3A : i32
      %jit3A_693 = arith.constant 4 : i32
      %eq3A = arith.constant 0 : i32
      %eq3A_694 = arith.cmpi eq, %jit3A_693, %eq3A : i32
      %jit3A_695 = arith.constant 1 : i32
      %select_n3A_696 = arith.select %eq3A_694, %jit3A_695, %jit3A_693 : i32
      %rem3A_697 = arith.remsi %add3A_665, %select_n3A_696 : i32
      %ne3A_698 = arith.constant 0 : i32
      %ne3A_699 = arith.cmpi ne, %rem3A_697, %ne3A_698 : i32
      %lt3A = arith.constant 0 : i32
      %lt3A_700 = arith.cmpi slt, %rem3A_697, %lt3A : i32
      %lt3A_701 = arith.constant 0 : i32
      %lt3A_702 = arith.cmpi slt, %select_n3A_696, %lt3A_701 : i32
      %ne3A_703 = arith.xori %lt3A_700, %lt3A_702 : i1
      %and3A_704 = arith.andi %ne3A_703, %ne3A_699 : i1
      %add3A_705 = arith.addi %rem3A_697, %select_n3A_696 : i32
      %select_n3A_706 = arith.select %and3A_704, %add3A_705, %rem3A_697 : i32
      %add3A_707 = arith.addi %mul3A_4, %select_n3A_706 : i32
      %dma_start3A_708 = arith.constant 0 : i32
      %dma_start3A_709 = arith.constant 0 : i32
      %dma_start3A_710 = arith.constant 0 : i32
      %dma_start3A_711 = tpu.memref_slice %arg14[%dma_start3A_709, %dma_start3A_710] : memref<64x128xf32, #tpu.memory_space<vmem>> -> memref<8x128xf32, #tpu.memory_space<vmem>>
      %dma_start3A_712 = arith.constant 0 : i32
      %dma_start3A_713 = arith.constant 0 : i32
      %dma_start3A_714 = tpu.memref_slice %arg4[%select_n3A, %dma_start3A_708, %add3A_707, %dma_start3A_712, %dma_start3A_713] : memref<50x8x128x8x128xf32, #tpu.memory_space<hbm>> -> memref<1x1x1x8x128xf32, #tpu.memory_space<hbm>>
      %dma_start3A_715 = tpu.memref_squeeze %dma_start3A_714 : memref<1x1x1x8x128xf32, #tpu.memory_space<hbm>> -> memref<8x128xf32, #tpu.memory_space<hbm>>
      %dma_start3A_716 = arith.constant 0 : i32
      %dma_start3A_717 = arith.constant 0 : i32
      %dma_start3A_718 = tpu.memref_slice %arg4[%select_n3A, %dma_start3A_708, %add3A_707, %dma_start3A_716, %dma_start3A_717] : memref<50x8x128x8x128xf32, #tpu.memory_space<hbm>> -> memref<1x1x1x8x128xf32, #tpu.memory_space<hbm>>
      %dma_start3A_719 = tpu.memref_squeeze %dma_start3A_718 : memref<1x1x1x8x128xf32, #tpu.memory_space<hbm>> -> memref<8x128xf32, #tpu.memory_space<hbm>>
      %dma_start3A_720 = arith.constant 0 : i32
      %dma_start3A_721 = arith.constant 0 : i32
      %dma_start3A_722 = tpu.memref_slice %arg14[%dma_start3A_720, %dma_start3A_721] : memref<64x128xf32, #tpu.memory_space<vmem>> -> memref<8x128xf32, #tpu.memory_space<vmem>>
      tpu.enqueue_dma source(%dma_start3A_722 : memref<8x128xf32, #tpu.memory_space<vmem>>) target(%dma_start3A_719 : memref<8x128xf32, #tpu.memory_space<hbm>>) target_semaphore(%arg20 : memref<!tpu.dma_semaphore, #tpu.memory_space<semaphore_mem>>)
      %dma_start3A_723 = arith.constant 1 : i32
      %dma_start3A_724 = arith.constant 8 : i32
      %dma_start3A_725 = arith.constant 0 : i32
      %dma_start3A_726 = tpu.memref_slice %arg14[%dma_start3A_724, %dma_start3A_725] : memref<64x128xf32, #tpu.memory_space<vmem>> -> memref<8x128xf32, #tpu.memory_space<vmem>>
      %dma_start3A_727 = arith.constant 0 : i32
      %dma_start3A_728 = arith.constant 0 : i32
      %dma_start3A_729 = tpu.memref_slice %arg4[%select_n3A, %dma_start3A_723, %add3A_707, %dma_start3A_727, %dma_start3A_728] : memref<50x8x128x8x128xf32, #tpu.memory_space<hbm>> -> memref<1x1x1x8x128xf32, #tpu.memory_space<hbm>>
      %dma_start3A_730 = tpu.memref_squeeze %dma_start3A_729 : memref<1x1x1x8x128xf32, #tpu.memory_space<hbm>> -> memref<8x128xf32, #tpu.memory_space<hbm>>
      %dma_start3A_731 = arith.constant 0 : i32
      %dma_start3A_732 = arith.constant 0 : i32
      %dma_start3A_733 = tpu.memref_slice %arg4[%select_n3A, %dma_start3A_723, %add3A_707, %dma_start3A_731, %dma_start3A_732] : memref<50x8x128x8x128xf32, #tpu.memory_space<hbm>> -> memref<1x1x1x8x128xf32, #tpu.memory_space<hbm>>
      %dma_start3A_734 = tpu.memref_squeeze %dma_start3A_733 : memref<1x1x1x8x128xf32, #tpu.memory_space<hbm>> -> memref<8x128xf32, #tpu.memory_space<hbm>>
      %dma_start3A_735 = arith.constant 8 : i32
      %dma_start3A_736 = arith.constant 0 : i32
      %dma_start3A_737 = tpu.memref_slice %arg14[%dma_start3A_735, %dma_start3A_736] : memref<64x128xf32, #tpu.memory_space<vmem>> -> memref<8x128xf32, #tpu.memory_space<vmem>>
      tpu.enqueue_dma source(%dma_start3A_737 : memref<8x128xf32, #tpu.memory_space<vmem>>) target(%dma_start3A_734 : memref<8x128xf32, #tpu.memory_space<hbm>>) target_semaphore(%arg20 : memref<!tpu.dma_semaphore, #tpu.memory_space<semaphore_mem>>)
      %dma_start3A_738 = arith.constant 2 : i32
      %dma_start3A_739 = arith.constant 16 : i32
      %dma_start3A_740 = arith.constant 0 : i32
      %dma_start3A_741 = tpu.memref_slice %arg14[%dma_start3A_739, %dma_start3A_740] : memref<64x128xf32, #tpu.memory_space<vmem>> -> memref<8x128xf32, #tpu.memory_space<vmem>>
      %dma_start3A_742 = arith.constant 0 : i32
      %dma_start3A_743 = arith.constant 0 : i32
      %dma_start3A_744 = tpu.memref_slice %arg4[%select_n3A, %dma_start3A_738, %add3A_707, %dma_start3A_742, %dma_start3A_743] : memref<50x8x128x8x128xf32, #tpu.memory_space<hbm>> -> memref<1x1x1x8x128xf32, #tpu.memory_space<hbm>>
      %dma_start3A_745 = tpu.memref_squeeze %dma_start3A_744 : memref<1x1x1x8x128xf32, #tpu.memory_space<hbm>> -> memref<8x128xf32, #tpu.memory_space<hbm>>
      %dma_start3A_746 = arith.constant 0 : i32
      %dma_start3A_747 = arith.constant 0 : i32
      %dma_start3A_748 = tpu.memref_slice %arg4[%select_n3A, %dma_start3A_738, %add3A_707, %dma_start3A_746, %dma_start3A_747] : memref<50x8x128x8x128xf32, #tpu.memory_space<hbm>> -> memref<1x1x1x8x128xf32, #tpu.memory_space<hbm>>
      %dma_start3A_749 = tpu.memref_squeeze %dma_start3A_748 : memref<1x1x1x8x128xf32, #tpu.memory_space<hbm>> -> memref<8x128xf32, #tpu.memory_space<hbm>>
      %dma_start3A_750 = arith.constant 16 : i32
      %dma_start3A_751 = arith.constant 0 : i32
      %dma_start3A_752 = tpu.memref_slice %arg14[%dma_start3A_750, %dma_start3A_751] : memref<64x128xf32, #tpu.memory_space<vmem>> -> memref<8x128xf32, #tpu.memory_space<vmem>>
      tpu.enqueue_dma source(%dma_start3A_752 : memref<8x128xf32, #tpu.memory_space<vmem>>) target(%dma_start3A_749 : memref<8x128xf32, #tpu.memory_space<hbm>>) target_semaphore(%arg20 : memref<!tpu.dma_semaphore, #tpu.memory_space<semaphore_mem>>)
      %dma_start3A_753 = arith.constant 3 : i32
      %dma_start3A_754 = arith.constant 24 : i32
      %dma_start3A_755 = arith.constant 0 : i32
      %dma_start3A_756 = tpu.memref_slice %arg14[%dma_start3A_754, %dma_start3A_755] : memref<64x128xf32, #tpu.memory_space<vmem>> -> memref<8x128xf32, #tpu.memory_space<vmem>>
      %dma_start3A_757 = arith.constant 0 : i32
      %dma_start3A_758 = arith.constant 0 : i32
      %dma_start3A_759 = tpu.memref_slice %arg4[%select_n3A, %dma_start3A_753, %add3A_707, %dma_start3A_757, %dma_start3A_758] : memref<50x8x128x8x128xf32, #tpu.memory_space<hbm>> -> memref<1x1x1x8x128xf32, #tpu.memory_space<hbm>>
      %dma_start3A_760 = tpu.memref_squeeze %dma_start3A_759 : memref<1x1x1x8x128xf32, #tpu.memory_space<hbm>> -> memref<8x128xf32, #tpu.memory_space<hbm>>
      %dma_start3A_761 = arith.constant 0 : i32
      %dma_start3A_762 = arith.constant 0 : i32
      %dma_start3A_763 = tpu.memref_slice %arg4[%select_n3A, %dma_start3A_753, %add3A_707, %dma_start3A_761, %dma_start3A_762] : memref<50x8x128x8x128xf32, #tpu.memory_space<hbm>> -> memref<1x1x1x8x128xf32, #tpu.memory_space<hbm>>
      %dma_start3A_764 = tpu.memref_squeeze %dma_start3A_763 : memref<1x1x1x8x128xf32, #tpu.memory_space<hbm>> -> memref<8x128xf32, #tpu.memory_space<hbm>>
      %dma_start3A_765 = arith.constant 24 : i32
      %dma_start3A_766 = arith.constant 0 : i32
      %dma_start3A_767 = tpu.memref_slice %arg14[%dma_start3A_765, %dma_start3A_766] : memref<64x128xf32, #tpu.memory_space<vmem>> -> memref<8x128xf32, #tpu.memory_space<vmem>>
      tpu.enqueue_dma source(%dma_start3A_767 : memref<8x128xf32, #tpu.memory_space<vmem>>) target(%dma_start3A_764 : memref<8x128xf32, #tpu.memory_space<hbm>>) target_semaphore(%arg20 : memref<!tpu.dma_semaphore, #tpu.memory_space<semaphore_mem>>)
      %dma_start3A_768 = arith.constant 4 : i32
      %dma_start3A_769 = arith.constant 32 : i32
      %dma_start3A_770 = arith.constant 0 : i32
      %dma_start3A_771 = tpu.memref_slice %arg14[%dma_start3A_769, %dma_start3A_770] : memref<64x128xf32, #tpu.memory_space<vmem>> -> memref<8x128xf32, #tpu.memory_space<vmem>>
      %dma_start3A_772 = arith.constant 0 : i32
      %dma_start3A_773 = arith.constant 0 : i32
      %dma_start3A_774 = tpu.memref_slice %arg4[%select_n3A, %dma_start3A_768, %add3A_707, %dma_start3A_772, %dma_start3A_773] : memref<50x8x128x8x128xf32, #tpu.memory_space<hbm>> -> memref<1x1x1x8x128xf32, #tpu.memory_space<hbm>>
      %dma_start3A_775 = tpu.memref_squeeze %dma_start3A_774 : memref<1x1x1x8x128xf32, #tpu.memory_space<hbm>> -> memref<8x128xf32, #tpu.memory_space<hbm>>
      %dma_start3A_776 = arith.constant 0 : i32
      %dma_start3A_777 = arith.constant 0 : i32
      %dma_start3A_778 = tpu.memref_slice %arg4[%select_n3A, %dma_start3A_768, %add3A_707, %dma_start3A_776, %dma_start3A_777] : memref<50x8x128x8x128xf32, #tpu.memory_space<hbm>> -> memref<1x1x1x8x128xf32, #tpu.memory_space<hbm>>
      %dma_start3A_779 = tpu.memref_squeeze %dma_start3A_778 : memref<1x1x1x8x128xf32, #tpu.memory_space<hbm>> -> memref<8x128xf32, #tpu.memory_space<hbm>>
      %dma_start3A_780 = arith.constant 32 : i32
      %dma_start3A_781 = arith.constant 0 : i32
      %dma_start3A_782 = tpu.memref_slice %arg14[%dma_start3A_780, %dma_start3A_781] : memref<64x128xf32, #tpu.memory_space<vmem>> -> memref<8x128xf32, #tpu.memory_space<vmem>>
      tpu.enqueue_dma source(%dma_start3A_782 : memref<8x128xf32, #tpu.memory_space<vmem>>) target(%dma_start3A_779 : memref<8x128xf32, #tpu.memory_space<hbm>>) target_semaphore(%arg20 : memref<!tpu.dma_semaphore, #tpu.memory_space<semaphore_mem>>)
      %dma_start3A_783 = arith.constant 5 : i32
      %dma_start3A_784 = arith.constant 40 : i32
      %dma_start3A_785 = arith.constant 0 : i32
      %dma_start3A_786 = tpu.memref_slice %arg14[%dma_start3A_784, %dma_start3A_785] : memref<64x128xf32, #tpu.memory_space<vmem>> -> memref<8x128xf32, #tpu.memory_space<vmem>>
      %dma_start3A_787 = arith.constant 0 : i32
      %dma_start3A_788 = arith.constant 0 : i32
      %dma_start3A_789 = tpu.memref_slice %arg4[%select_n3A, %dma_start3A_783, %add3A_707, %dma_start3A_787, %dma_start3A_788] : memref<50x8x128x8x128xf32, #tpu.memory_space<hbm>> -> memref<1x1x1x8x128xf32, #tpu.memory_space<hbm>>
      %dma_start3A_790 = tpu.memref_squeeze %dma_start3A_789 : memref<1x1x1x8x128xf32, #tpu.memory_space<hbm>> -> memref<8x128xf32, #tpu.memory_space<hbm>>
      %dma_start3A_791 = arith.constant 0 : i32
      %dma_start3A_792 = arith.constant 0 : i32
      %dma_start3A_793 = tpu.memref_slice %arg4[%select_n3A, %dma_start3A_783, %add3A_707, %dma_start3A_791, %dma_start3A_792] : memref<50x8x128x8x128xf32, #tpu.memory_space<hbm>> -> memref<1x1x1x8x128xf32, #tpu.memory_space<hbm>>
      %dma_start3A_794 = tpu.memref_squeeze %dma_start3A_793 : memref<1x1x1x8x128xf32, #tpu.memory_space<hbm>> -> memref<8x128xf32, #tpu.memory_space<hbm>>
      %dma_start3A_795 = arith.constant 40 : i32
      %dma_start3A_796 = arith.constant 0 : i32
      %dma_start3A_797 = tpu.memref_slice %arg14[%dma_start3A_795, %dma_start3A_796] : memref<64x128xf32, #tpu.memory_space<vmem>> -> memref<8x128xf32, #tpu.memory_space<vmem>>
      tpu.enqueue_dma source(%dma_start3A_797 : memref<8x128xf32, #tpu.memory_space<vmem>>) target(%dma_start3A_794 : memref<8x128xf32, #tpu.memory_space<hbm>>) target_semaphore(%arg20 : memref<!tpu.dma_semaphore, #tpu.memory_space<semaphore_mem>>)
      %dma_start3A_798 = arith.constant 6 : i32
      %dma_start3A_799 = arith.constant 48 : i32
      %dma_start3A_800 = arith.constant 0 : i32
      %dma_start3A_801 = tpu.memref_slice %arg14[%dma_start3A_799, %dma_start3A_800] : memref<64x128xf32, #tpu.memory_space<vmem>> -> memref<8x128xf32, #tpu.memory_space<vmem>>
      %dma_start3A_802 = arith.constant 0 : i32
      %dma_start3A_803 = arith.constant 0 : i32
      %dma_start3A_804 = tpu.memref_slice %arg4[%select_n3A, %dma_start3A_798, %add3A_707, %dma_start3A_802, %dma_start3A_803] : memref<50x8x128x8x128xf32, #tpu.memory_space<hbm>> -> memref<1x1x1x8x128xf32, #tpu.memory_space<hbm>>
      %dma_start3A_805 = tpu.memref_squeeze %dma_start3A_804 : memref<1x1x1x8x128xf32, #tpu.memory_space<hbm>> -> memref<8x128xf32, #tpu.memory_space<hbm>>
      %dma_start3A_806 = arith.constant 0 : i32
      %dma_start3A_807 = arith.constant 0 : i32
      %dma_start3A_808 = tpu.memref_slice %arg4[%select_n3A, %dma_start3A_798, %add3A_707, %dma_start3A_806, %dma_start3A_807] : memref<50x8x128x8x128xf32, #tpu.memory_space<hbm>> -> memref<1x1x1x8x128xf32, #tpu.memory_space<hbm>>
      %dma_start3A_809 = tpu.memref_squeeze %dma_start3A_808 : memref<1x1x1x8x128xf32, #tpu.memory_space<hbm>> -> memref<8x128xf32, #tpu.memory_space<hbm>>
      %dma_start3A_810 = arith.constant 48 : i32
      %dma_start3A_811 = arith.constant 0 : i32
      %dma_start3A_812 = tpu.memref_slice %arg14[%dma_start3A_810, %dma_start3A_811] : memref<64x128xf32, #tpu.memory_space<vmem>> -> memref<8x128xf32, #tpu.memory_space<vmem>>
      tpu.enqueue_dma source(%dma_start3A_812 : memref<8x128xf32, #tpu.memory_space<vmem>>) target(%dma_start3A_809 : memref<8x128xf32, #tpu.memory_space<hbm>>) target_semaphore(%arg20 : memref<!tpu.dma_semaphore, #tpu.memory_space<semaphore_mem>>)
      %dma_start3A_813 = arith.constant 7 : i32
      %dma_start3A_814 = arith.constant 56 : i32
      %dma_start3A_815 = arith.constant 0 : i32
      %dma_start3A_816 = tpu.memref_slice %arg14[%dma_start3A_814, %dma_start3A_815] : memref<64x128xf32, #tpu.memory_space<vmem>> -> memref<8x128xf32, #tpu.memory_space<vmem>>
      %dma_start3A_817 = arith.constant 0 : i32
      %dma_start3A_818 = arith.constant 0 : i32
      %dma_start3A_819 = tpu.memref_slice %arg4[%select_n3A, %dma_start3A_813, %add3A_707, %dma_start3A_817, %dma_start3A_818] : memref<50x8x128x8x128xf32, #tpu.memory_space<hbm>> -> memref<1x1x1x8x128xf32, #tpu.memory_space<hbm>>
      %dma_start3A_820 = tpu.memref_squeeze %dma_start3A_819 : memref<1x1x1x8x128xf32, #tpu.memory_space<hbm>> -> memref<8x128xf32, #tpu.memory_space<hbm>>
      %dma_start3A_821 = arith.constant 0 : i32
      %dma_start3A_822 = arith.constant 0 : i32
      %dma_start3A_823 = tpu.memref_slice %arg4[%select_n3A, %dma_start3A_813, %add3A_707, %dma_start3A_821, %dma_start3A_822] : memref<50x8x128x8x128xf32, #tpu.memory_space<hbm>> -> memref<1x1x1x8x128xf32, #tpu.memory_space<hbm>>
      %dma_start3A_824 = tpu.memref_squeeze %dma_start3A_823 : memref<1x1x1x8x128xf32, #tpu.memory_space<hbm>> -> memref<8x128xf32, #tpu.memory_space<hbm>>
      %dma_start3A_825 = arith.constant 56 : i32
      %dma_start3A_826 = arith.constant 0 : i32
      %dma_start3A_827 = tpu.memref_slice %arg14[%dma_start3A_825, %dma_start3A_826] : memref<64x128xf32, #tpu.memory_space<vmem>> -> memref<8x128xf32, #tpu.memory_space<vmem>>
      tpu.enqueue_dma source(%dma_start3A_827 : memref<8x128xf32, #tpu.memory_space<vmem>>) target(%dma_start3A_824 : memref<8x128xf32, #tpu.memory_space<hbm>>) target_semaphore(%arg20 : memref<!tpu.dma_semaphore, #tpu.memory_space<semaphore_mem>>)
      %lt3A_828 = arith.constant 196 : i32
      %lt3A_829 = arith.cmpi slt, %add3A_665, %lt3A_828 : i32
      %convert_element_type3A_830 = arith.extui %lt3A_829 : i1 to i32
      %cond3A_831 = arith.constant 0 : i32
      %cond3A_832 = arith.cmpi ne, %convert_element_type3A_830, %cond3A_831 : i32
      scf.if %cond3A_832 {
        %add3A_1379 = arith.constant 4 : i32
        %add3A_1380 = arith.addi %add3A_665, %add3A_1379 : i32
        %jit3A_1381 = arith.constant 4 : i32
        %div3A_1382 = arith.divsi %add3A_1380, %jit3A_1381 : i32
        %sign3A_1383 = arith.constant 0 : i32
        %sign3A_1384 = arith.cmpi sgt, %add3A_1380, %sign3A_1383 : i32
        %sign3A_1385 = arith.extui %sign3A_1384 : i1 to i32
        %sign3A_1386 = arith.constant 0 : i32
        %sign3A_1387 = arith.cmpi slt, %add3A_1380, %sign3A_1386 : i32
        %sign3A_1388 = arith.extui %sign3A_1387 : i1 to i32
        %sign3A_1389 = arith.subi %sign3A_1385, %sign3A_1388 : i32
        %sign3A_1390 = arith.constant 0 : i32
        %sign3A_1391 = arith.cmpi sgt, %jit3A_1381, %sign3A_1390 : i32
        %sign3A_1392 = arith.extui %sign3A_1391 : i1 to i32
        %sign3A_1393 = arith.constant 0 : i32
        %sign3A_1394 = arith.cmpi slt, %jit3A_1381, %sign3A_1393 : i32
        %sign3A_1395 = arith.extui %sign3A_1394 : i1 to i32
        %sign3A_1396 = arith.subi %sign3A_1392, %sign3A_1395 : i32
        %ne3A_1397 = arith.cmpi ne, %sign3A_1389, %sign3A_1396 : i32
        %rem3A_1398 = arith.remsi %add3A_1380, %jit3A_1381 : i32
        %ne3A_1399 = arith.constant 0 : i32
        %ne3A_1400 = arith.cmpi ne, %rem3A_1398, %ne3A_1399 : i32
        %and3A_1401 = arith.andi %ne3A_1397, %ne3A_1400 : i1
        %sub3A_1402 = arith.constant 1 : i32
        %sub3A_1403 = arith.subi %div3A_1382, %sub3A_1402 : i32
        %select_n3A_1404 = arith.select %and3A_1401, %sub3A_1403, %div3A_1382 : i32
        %jit3A_1405 = arith.constant 4 : i32
        %eq3A_1406 = arith.constant 0 : i32
        %eq3A_1407 = arith.cmpi eq, %jit3A_1405, %eq3A_1406 : i32
        %jit3A_1408 = arith.constant 1 : i32
        %select_n3A_1409 = arith.select %eq3A_1407, %jit3A_1408, %jit3A_1405 : i32
        %rem3A_1410 = arith.remsi %add3A_1380, %select_n3A_1409 : i32
        %ne3A_1411 = arith.constant 0 : i32
        %ne3A_1412 = arith.cmpi ne, %rem3A_1410, %ne3A_1411 : i32
        %lt3A_1413 = arith.constant 0 : i32
        %lt3A_1414 = arith.cmpi slt, %rem3A_1410, %lt3A_1413 : i32
        %lt3A_1415 = arith.constant 0 : i32
        %lt3A_1416 = arith.cmpi slt, %select_n3A_1409, %lt3A_1415 : i32
        %ne3A_1417 = arith.xori %lt3A_1414, %lt3A_1416 : i1
        %and3A_1418 = arith.andi %ne3A_1417, %ne3A_1412 : i1
        %add3A_1419 = arith.addi %rem3A_1410, %select_n3A_1409 : i32
        %select_n3A_1420 = arith.select %and3A_1418, %add3A_1419, %rem3A_1410 : i32
        %mul3A_1421 = arith.constant 128 : i32
        %mul3A_1422 = arith.muli %select_n3A_1420, %mul3A_1421 : i32
        %add3A_1423 = arith.constant 0 : i32
        %add3A_1424 = arith.addi %mul3A_1422, %add3A_1423 : i32
        %mul3A_1425 = arith.constant 50 : i32
        %mul3A_1426 = arith.muli %add3A_1424, %mul3A_1425 : i32
        %broadcast_in_dim3A_1427 = vector.broadcast %mul3A_1426 : i32 to vector<16xi32>
        %mul3A_1428 = arith.constant 50 : i32
        %mul3A_1429 = vector.broadcast %mul3A_1428 : i32 to vector<16xi32>
        %mul3A_1430 = arith.muli %iota3A, %mul3A_1429 : vector<16xi32>
        %add3A_1431 = arith.addi %broadcast_in_dim3A_1427, %mul3A_1430 : vector<16xi32>
        %add3A_1432 = vector.broadcast %select_n3A_1404 : i32 to vector<16xi32>
        %add3A_1433 = arith.addi %add3A_1431, %add3A_1432 : vector<16xi32>
        %gather3A_1434 = tpu.vector_load_idx %arg5[%add3A_1433] : memref<25600xi32, #tpu.memory_space<vmem>>[vector<16xi32>], vector<16xi32>,
        %swap3A_1435 = arith.constant 0 : index
        %swap3A_1436 = tpu.vector_load %arg6[%swap3A_1435] {strides = array<i32>} : memref<128xi32, #tpu.memory_space<vmem>>, vector<16xi32>,
        tpu.vector_store %arg6[%swap3A_1435], %gather3A_1434 {strides = array<i32>} : memref<128xi32, #tpu.memory_space<vmem>>, vector<16xi32>,
        %mul3A_1437 = arith.constant 128 : i32
        %mul3A_1438 = arith.muli %select_n3A_1420, %mul3A_1437 : i32
        %add3A_1439 = arith.constant 16 : i32
        %add3A_1440 = arith.addi %mul3A_1438, %add3A_1439 : i32
        %mul3A_1441 = arith.constant 50 : i32
        %mul3A_1442 = arith.muli %add3A_1440, %mul3A_1441 : i32
        %broadcast_in_dim3A_1443 = vector.broadcast %mul3A_1442 : i32 to vector<16xi32>
        %mul3A_1444 = arith.constant 50 : i32
        %mul3A_1445 = vector.broadcast %mul3A_1444 : i32 to vector<16xi32>
        %mul3A_1446 = arith.muli %iota3A, %mul3A_1445 : vector<16xi32>
        %add3A_1447 = arith.addi %broadcast_in_dim3A_1443, %mul3A_1446 : vector<16xi32>
        %add3A_1448 = vector.broadcast %select_n3A_1404 : i32 to vector<16xi32>
        %add3A_1449 = arith.addi %add3A_1447, %add3A_1448 : vector<16xi32>
        %gather3A_1450 = tpu.vector_load_idx %arg5[%add3A_1449] : memref<25600xi32, #tpu.memory_space<vmem>>[vector<16xi32>], vector<16xi32>,
        %swap3A_1451 = arith.constant 16 : index
        %swap3A_1452 = tpu.vector_load %arg6[%swap3A_1451] {strides = array<i32>} : memref<128xi32, #tpu.memory_space<vmem>>, vector<16xi32>,
        tpu.vector_store %arg6[%swap3A_1451], %gather3A_1450 {strides = array<i32>} : memref<128xi32, #tpu.memory_space<vmem>>, vector<16xi32>,
        %mul3A_1453 = arith.constant 128 : i32
        %mul3A_1454 = arith.muli %select_n3A_1420, %mul3A_1453 : i32
        %add3A_1455 = arith.constant 32 : i32
        %add3A_1456 = arith.addi %mul3A_1454, %add3A_1455 : i32
        %mul3A_1457 = arith.constant 50 : i32
        %mul3A_1458 = arith.muli %add3A_1456, %mul3A_1457 : i32
        %broadcast_in_dim3A_1459 = vector.broadcast %mul3A_1458 : i32 to vector<16xi32>
        %mul3A_1460 = arith.constant 50 : i32
        %mul3A_1461 = vector.broadcast %mul3A_1460 : i32 to vector<16xi32>
        %mul3A_1462 = arith.muli %iota3A, %mul3A_1461 : vector<16xi32>
        %add3A_1463 = arith.addi %broadcast_in_dim3A_1459, %mul3A_1462 : vector<16xi32>
        %add3A_1464 = vector.broadcast %select_n3A_1404 : i32 to vector<16xi32>
        %add3A_1465 = arith.addi %add3A_1463, %add3A_1464 : vector<16xi32>
        %gather3A_1466 = tpu.vector_load_idx %arg5[%add3A_1465] : memref<25600xi32, #tpu.memory_space<vmem>>[vector<16xi32>], vector<16xi32>,
        %swap3A_1467 = arith.constant 32 : index
        %swap3A_1468 = tpu.vector_load %arg6[%swap3A_1467] {strides = array<i32>} : memref<128xi32, #tpu.memory_space<vmem>>, vector<16xi32>,
        tpu.vector_store %arg6[%swap3A_1467], %gather3A_1466 {strides = array<i32>} : memref<128xi32, #tpu.memory_space<vmem>>, vector<16xi32>,
        %mul3A_1469 = arith.constant 128 : i32
        %mul3A_1470 = arith.muli %select_n3A_1420, %mul3A_1469 : i32
        %add3A_1471 = arith.constant 48 : i32
        %add3A_1472 = arith.addi %mul3A_1470, %add3A_1471 : i32
        %mul3A_1473 = arith.constant 50 : i32
        %mul3A_1474 = arith.muli %add3A_1472, %mul3A_1473 : i32
        %broadcast_in_dim3A_1475 = vector.broadcast %mul3A_1474 : i32 to vector<16xi32>
        %mul3A_1476 = arith.constant 50 : i32
        %mul3A_1477 = vector.broadcast %mul3A_1476 : i32 to vector<16xi32>
        %mul3A_1478 = arith.muli %iota3A, %mul3A_1477 : vector<16xi32>
        %add3A_1479 = arith.addi %broadcast_in_dim3A_1475, %mul3A_1478 : vector<16xi32>
        %add3A_1480 = vector.broadcast %select_n3A_1404 : i32 to vector<16xi32>
        %add3A_1481 = arith.addi %add3A_1479, %add3A_1480 : vector<16xi32>
        %gather3A_1482 = tpu.vector_load_idx %arg5[%add3A_1481] : memref<25600xi32, #tpu.memory_space<vmem>>[vector<16xi32>], vector<16xi32>,
        %swap3A_1483 = arith.constant 48 : index
        %swap3A_1484 = tpu.vector_load %arg6[%swap3A_1483] {strides = array<i32>} : memref<128xi32, #tpu.memory_space<vmem>>, vector<16xi32>,
        tpu.vector_store %arg6[%swap3A_1483], %gather3A_1482 {strides = array<i32>} : memref<128xi32, #tpu.memory_space<vmem>>, vector<16xi32>,
        %mul3A_1485 = arith.constant 128 : i32
        %mul3A_1486 = arith.muli %select_n3A_1420, %mul3A_1485 : i32
        %add3A_1487 = arith.constant 64 : i32
        %add3A_1488 = arith.addi %mul3A_1486, %add3A_1487 : i32
        %mul3A_1489 = arith.constant 50 : i32
        %mul3A_1490 = arith.muli %add3A_1488, %mul3A_1489 : i32
        %broadcast_in_dim3A_1491 = vector.broadcast %mul3A_1490 : i32 to vector<16xi32>
        %mul3A_1492 = arith.constant 50 : i32
        %mul3A_1493 = vector.broadcast %mul3A_1492 : i32 to vector<16xi32>
        %mul3A_1494 = arith.muli %iota3A, %mul3A_1493 : vector<16xi32>
        %add3A_1495 = arith.addi %broadcast_in_dim3A_1491, %mul3A_1494 : vector<16xi32>
        %add3A_1496 = vector.broadcast %select_n3A_1404 : i32 to vector<16xi32>
        %add3A_1497 = arith.addi %add3A_1495, %add3A_1496 : vector<16xi32>
        %gather3A_1498 = tpu.vector_load_idx %arg5[%add3A_1497] : memref<25600xi32, #tpu.memory_space<vmem>>[vector<16xi32>], vector<16xi32>,
        %swap3A_1499 = arith.constant 64 : index
        %swap3A_1500 = tpu.vector_load %arg6[%swap3A_1499] {strides = array<i32>} : memref<128xi32, #tpu.memory_space<vmem>>, vector<16xi32>,
        tpu.vector_store %arg6[%swap3A_1499], %gather3A_1498 {strides = array<i32>} : memref<128xi32, #tpu.memory_space<vmem>>, vector<16xi32>,
        %mul3A_1501 = arith.constant 128 : i32
        %mul3A_1502 = arith.muli %select_n3A_1420, %mul3A_1501 : i32
        %add3A_1503 = arith.constant 80 : i32
        %add3A_1504 = arith.addi %mul3A_1502, %add3A_1503 : i32
        %mul3A_1505 = arith.constant 50 : i32
        %mul3A_1506 = arith.muli %add3A_1504, %mul3A_1505 : i32
        %broadcast_in_dim3A_1507 = vector.broadcast %mul3A_1506 : i32 to vector<16xi32>
        %mul3A_1508 = arith.constant 50 : i32
        %mul3A_1509 = vector.broadcast %mul3A_1508 : i32 to vector<16xi32>
        %mul3A_1510 = arith.muli %iota3A, %mul3A_1509 : vector<16xi32>
        %add3A_1511 = arith.addi %broadcast_in_dim3A_1507, %mul3A_1510 : vector<16xi32>
        %add3A_1512 = vector.broadcast %select_n3A_1404 : i32 to vector<16xi32>
        %add3A_1513 = arith.addi %add3A_1511, %add3A_1512 : vector<16xi32>
        %gather3A_1514 = tpu.vector_load_idx %arg5[%add3A_1513] : memref<25600xi32, #tpu.memory_space<vmem>>[vector<16xi32>], vector<16xi32>,
        %swap3A_1515 = arith.constant 80 : index
        %swap3A_1516 = tpu.vector_load %arg6[%swap3A_1515] {strides = array<i32>} : memref<128xi32, #tpu.memory_space<vmem>>, vector<16xi32>,
        tpu.vector_store %arg6[%swap3A_1515], %gather3A_1514 {strides = array<i32>} : memref<128xi32, #tpu.memory_space<vmem>>, vector<16xi32>,
        %mul3A_1517 = arith.constant 128 : i32
        %mul3A_1518 = arith.muli %select_n3A_1420, %mul3A_1517 : i32
        %add3A_1519 = arith.constant 96 : i32
        %add3A_1520 = arith.addi %mul3A_1518, %add3A_1519 : i32
        %mul3A_1521 = arith.constant 50 : i32
        %mul3A_1522 = arith.muli %add3A_1520, %mul3A_1521 : i32
        %broadcast_in_dim3A_1523 = vector.broadcast %mul3A_1522 : i32 to vector<16xi32>
        %mul3A_1524 = arith.constant 50 : i32
        %mul3A_1525 = vector.broadcast %mul3A_1524 : i32 to vector<16xi32>
        %mul3A_1526 = arith.muli %iota3A, %mul3A_1525 : vector<16xi32>
        %add3A_1527 = arith.addi %broadcast_in_dim3A_1523, %mul3A_1526 : vector<16xi32>
        %add3A_1528 = vector.broadcast %select_n3A_1404 : i32 to vector<16xi32>
        %add3A_1529 = arith.addi %add3A_1527, %add3A_1528 : vector<16xi32>
        %gather3A_1530 = tpu.vector_load_idx %arg5[%add3A_1529] : memref<25600xi32, #tpu.memory_space<vmem>>[vector<16xi32>], vector<16xi32>,
        %swap3A_1531 = arith.constant 96 : index
        %swap3A_1532 = tpu.vector_load %arg6[%swap3A_1531] {strides = array<i32>} : memref<128xi32, #tpu.memory_space<vmem>>, vector<16xi32>,
        tpu.vector_store %arg6[%swap3A_1531], %gather3A_1530 {strides = array<i32>} : memref<128xi32, #tpu.memory_space<vmem>>, vector<16xi32>,
        %mul3A_1533 = arith.constant 128 : i32
        %mul3A_1534 = arith.muli %select_n3A_1420, %mul3A_1533 : i32
        %add3A_1535 = arith.constant 112 : i32
        %add3A_1536 = arith.addi %mul3A_1534, %add3A_1535 : i32
        %mul3A_1537 = arith.constant 50 : i32
        %mul3A_1538 = arith.muli %add3A_1536, %mul3A_1537 : i32
        %broadcast_in_dim3A_1539 = vector.broadcast %mul3A_1538 : i32 to vector<16xi32>
        %mul3A_1540 = arith.constant 50 : i32
        %mul3A_1541 = vector.broadcast %mul3A_1540 : i32 to vector<16xi32>
        %mul3A_1542 = arith.muli %iota3A, %mul3A_1541 : vector<16xi32>
        %add3A_1543 = arith.addi %broadcast_in_dim3A_1539, %mul3A_1542 : vector<16xi32>
        %add3A_1544 = vector.broadcast %select_n3A_1404 : i32 to vector<16xi32>
        %add3A_1545 = arith.addi %add3A_1543, %add3A_1544 : vector<16xi32>
        %gather3A_1546 = tpu.vector_load_idx %arg5[%add3A_1545] : memref<25600xi32, #tpu.memory_space<vmem>>[vector<16xi32>], vector<16xi32>,
        %swap3A_1547 = arith.constant 112 : index
        %swap3A_1548 = tpu.vector_load %arg6[%swap3A_1547] {strides = array<i32>} : memref<128xi32, #tpu.memory_space<vmem>>, vector<16xi32>,
        tpu.vector_store %arg6[%swap3A_1547], %gather3A_1546 {strides = array<i32>} : memref<128xi32, #tpu.memory_space<vmem>>, vector<16xi32>,
        %dma_start3A_1549 = arith.constant 0 : i32
        %dma_start3A_1550 = arith.constant 0 : i32
        %dma_start3A_1551 = tpu.memref_slice %arg3[%dma_start3A_1549, %dma_start3A_1550] : memref<1000000x64xf32, #tpu.memory_space<hbm>> -> memref<1000000x64xf32, #tpu.memory_space<hbm>>
        tpu.enqueue_indirect_dma source(%dma_start3A_1551 : memref<1000000x64xf32, #tpu.memory_space<hbm>>) target(%arg10 : memref<128x64xf32, #tpu.memory_space<vmem>>) offsets(%arg6 : memref<128xi32, #tpu.memory_space<vmem>>) semaphore(%arg16 : memref<!tpu.dma_semaphore, #tpu.memory_space<semaphore_mem>>)
      } else {
      }
      %add3A_833 = arith.constant 1 : i32
      %add3A_834 = arith.addi %mul3A_663, %add3A_833 : i32
      %dma_wait3A_835 = arith.constant 0 : i32
      %dma_wait3A_836 = arith.constant 0 : i32
      %dma_wait3A_837 = tpu.memref_slice %arg3[%dma_wait3A_835, %dma_wait3A_836] : memref<1000000x64xf32, #tpu.memory_space<hbm>> -> memref<1000000x64xf32, #tpu.memory_space<hbm>>
      tpu.wait_indirect_dma semaphore(%arg17 : memref<!tpu.dma_semaphore, #tpu.memory_space<semaphore_mem>>) src(%dma_wait3A_837 : memref<1000000x64xf32, #tpu.memory_space<hbm>>) dst(%arg11 : memref<128x64xf32, #tpu.memory_space<vmem>>)
      %ge3A_838 = arith.constant 2 : i32
      %ge3A_839 = arith.cmpi sge, %add3A_834, %ge3A_838 : i32
      %convert_element_type3A_840 = arith.extui %ge3A_839 : i1 to i32
      %cond3A_841 = arith.constant 0 : i32
      %cond3A_842 = arith.cmpi ne, %convert_element_type3A_840, %cond3A_841 : i32
      scf.if %cond3A_842 {
        %jit3A_1379 = arith.constant 4 : i32
        %div3A_1380 = arith.divsi %add3A_834, %jit3A_1379 : i32
        %sign3A_1381 = arith.constant 0 : i32
        %sign3A_1382 = arith.cmpi sgt, %add3A_834, %sign3A_1381 : i32
        %sign3A_1383 = arith.extui %sign3A_1382 : i1 to i32
        %sign3A_1384 = arith.constant 0 : i32
        %sign3A_1385 = arith.cmpi slt, %add3A_834, %sign3A_1384 : i32
        %sign3A_1386 = arith.extui %sign3A_1385 : i1 to i32
        %sign3A_1387 = arith.subi %sign3A_1383, %sign3A_1386 : i32
        %sign3A_1388 = arith.constant 0 : i32
        %sign3A_1389 = arith.cmpi sgt, %jit3A_1379, %sign3A_1388 : i32
        %sign3A_1390 = arith.extui %sign3A_1389 : i1 to i32
        %sign3A_1391 = arith.constant 0 : i32
        %sign3A_1392 = arith.cmpi slt, %jit3A_1379, %sign3A_1391 : i32
        %sign3A_1393 = arith.extui %sign3A_1392 : i1 to i32
        %sign3A_1394 = arith.subi %sign3A_1390, %sign3A_1393 : i32
        %ne3A_1395 = arith.cmpi ne, %sign3A_1387, %sign3A_1394 : i32
        %rem3A_1396 = arith.remsi %add3A_834, %jit3A_1379 : i32
        %ne3A_1397 = arith.constant 0 : i32
        %ne3A_1398 = arith.cmpi ne, %rem3A_1396, %ne3A_1397 : i32
        %and3A_1399 = arith.andi %ne3A_1395, %ne3A_1398 : i1
        %sub3A_1400 = arith.constant 1 : i32
        %sub3A_1401 = arith.subi %div3A_1380, %sub3A_1400 : i32
        %select_n3A_1402 = arith.select %and3A_1399, %sub3A_1401, %div3A_1380 : i32
        %jit3A_1403 = arith.constant 4 : i32
        %eq3A_1404 = arith.constant 0 : i32
        %eq3A_1405 = arith.cmpi eq, %jit3A_1403, %eq3A_1404 : i32
        %jit3A_1406 = arith.constant 1 : i32
        %select_n3A_1407 = arith.select %eq3A_1405, %jit3A_1406, %jit3A_1403 : i32
        %rem3A_1408 = arith.remsi %add3A_834, %select_n3A_1407 : i32
        %ne3A_1409 = arith.constant 0 : i32
        %ne3A_1410 = arith.cmpi ne, %rem3A_1408, %ne3A_1409 : i32
        %lt3A_1411 = arith.constant 0 : i32
        %lt3A_1412 = arith.cmpi slt, %rem3A_1408, %lt3A_1411 : i32
        %lt3A_1413 = arith.constant 0 : i32
        %lt3A_1414 = arith.cmpi slt, %select_n3A_1407, %lt3A_1413 : i32
        %ne3A_1415 = arith.xori %lt3A_1412, %lt3A_1414 : i1
        %and3A_1416 = arith.andi %ne3A_1415, %ne3A_1410 : i1
        %add3A_1417 = arith.addi %rem3A_1408, %select_n3A_1407 : i32
        %select_n3A_1418 = arith.select %and3A_1416, %add3A_1417, %rem3A_1408 : i32
        %add3A_1419 = arith.addi %mul3A_4, %select_n3A_1418 : i32
        %dma_wait3A_1420 = arith.constant 0 : i32
        %dma_wait3A_1421 = arith.constant 0 : i32
        %dma_wait3A_1422 = arith.constant 0 : i32
        %dma_wait3A_1423 = tpu.memref_slice %arg15[%dma_wait3A_1421, %dma_wait3A_1422] : memref<64x128xf32, #tpu.memory_space<vmem>> -> memref<8x128xf32, #tpu.memory_space<vmem>>
        %dma_wait3A_1424 = arith.constant 0 : i32
        %dma_wait3A_1425 = arith.constant 0 : i32
        %dma_wait3A_1426 = tpu.memref_slice %arg4[%select_n3A_1402, %dma_wait3A_1420, %add3A_1419, %dma_wait3A_1424, %dma_wait3A_1425] : memref<50x8x128x8x128xf32, #tpu.memory_space<hbm>> -> memref<1x1x1x8x128xf32, #tpu.memory_space<hbm>>
        %dma_wait3A_1427 = tpu.memref_squeeze %dma_wait3A_1426 : memref<1x1x1x8x128xf32, #tpu.memory_space<hbm>> -> memref<8x128xf32, #tpu.memory_space<hbm>>
        %dma_wait3A_1428 = arith.constant 0 : i32
        %dma_wait3A_1429 = arith.constant 0 : i32
        %dma_wait3A_1430 = tpu.memref_slice %arg4[%select_n3A_1402, %dma_wait3A_1420, %add3A_1419, %dma_wait3A_1428, %dma_wait3A_1429] : memref<50x8x128x8x128xf32, #tpu.memory_space<hbm>> -> memref<1x1x1x8x128xf32, #tpu.memory_space<hbm>>
        %dma_wait3A_1431 = tpu.memref_squeeze %dma_wait3A_1430 : memref<1x1x1x8x128xf32, #tpu.memory_space<hbm>> -> memref<8x128xf32, #tpu.memory_space<hbm>>
        %dma_wait3A_1432 = arith.constant 0 : i32
        %dma_wait3A_1433 = arith.constant 0 : i32
        %dma_wait3A_1434 = tpu.memref_slice %arg15[%dma_wait3A_1432, %dma_wait3A_1433] : memref<64x128xf32, #tpu.memory_space<vmem>> -> memref<8x128xf32, #tpu.memory_space<vmem>>
        tpu.wait_dma2 semaphore(%arg21 : memref<!tpu.dma_semaphore, #tpu.memory_space<semaphore_mem>>) src(%dma_wait3A_1434 : memref<8x128xf32, #tpu.memory_space<vmem>>) dst(%dma_wait3A_1431 : memref<8x128xf32, #tpu.memory_space<hbm>>)
        %dma_wait3A_1435 = arith.constant 1 : i32
        %dma_wait3A_1436 = arith.constant 8 : i32
        %dma_wait3A_1437 = arith.constant 0 : i32
        %dma_wait3A_1438 = tpu.memref_slice %arg15[%dma_wait3A_1436, %dma_wait3A_1437] : memref<64x128xf32, #tpu.memory_space<vmem>> -> memref<8x128xf32, #tpu.memory_space<vmem>>
        %dma_wait3A_1439 = arith.constant 0 : i32
        %dma_wait3A_1440 = arith.constant 0 : i32
        %dma_wait3A_1441 = tpu.memref_slice %arg4[%select_n3A_1402, %dma_wait3A_1435, %add3A_1419, %dma_wait3A_1439, %dma_wait3A_1440] : memref<50x8x128x8x128xf32, #tpu.memory_space<hbm>> -> memref<1x1x1x8x128xf32, #tpu.memory_space<hbm>>
        %dma_wait3A_1442 = tpu.memref_squeeze %dma_wait3A_1441 : memref<1x1x1x8x128xf32, #tpu.memory_space<hbm>> -> memref<8x128xf32, #tpu.memory_space<hbm>>
        %dma_wait3A_1443 = arith.constant 0 : i32
        %dma_wait3A_1444 = arith.constant 0 : i32
        %dma_wait3A_1445 = tpu.memref_slice %arg4[%select_n3A_1402, %dma_wait3A_1435, %add3A_1419, %dma_wait3A_1443, %dma_wait3A_1444] : memref<50x8x128x8x128xf32, #tpu.memory_space<hbm>> -> memref<1x1x1x8x128xf32, #tpu.memory_space<hbm>>
        %dma_wait3A_1446 = tpu.memref_squeeze %dma_wait3A_1445 : memref<1x1x1x8x128xf32, #tpu.memory_space<hbm>> -> memref<8x128xf32, #tpu.memory_space<hbm>>
        %dma_wait3A_1447 = arith.constant 8 : i32
        %dma_wait3A_1448 = arith.constant 0 : i32
        %dma_wait3A_1449 = tpu.memref_slice %arg15[%dma_wait3A_1447, %dma_wait3A_1448] : memref<64x128xf32, #tpu.memory_space<vmem>> -> memref<8x128xf32, #tpu.memory_space<vmem>>
        tpu.wait_dma2 semaphore(%arg21 : memref<!tpu.dma_semaphore, #tpu.memory_space<semaphore_mem>>) src(%dma_wait3A_1449 : memref<8x128xf32, #tpu.memory_space<vmem>>) dst(%dma_wait3A_1446 : memref<8x128xf32, #tpu.memory_space<hbm>>)
        %dma_wait3A_1450 = arith.constant 2 : i32
        %dma_wait3A_1451 = arith.constant 16 : i32
        %dma_wait3A_1452 = arith.constant 0 : i32
        %dma_wait3A_1453 = tpu.memref_slice %arg15[%dma_wait3A_1451, %dma_wait3A_1452] : memref<64x128xf32, #tpu.memory_space<vmem>> -> memref<8x128xf32, #tpu.memory_space<vmem>>
        %dma_wait3A_1454 = arith.constant 0 : i32
        %dma_wait3A_1455 = arith.constant 0 : i32
        %dma_wait3A_1456 = tpu.memref_slice %arg4[%select_n3A_1402, %dma_wait3A_1450, %add3A_1419, %dma_wait3A_1454, %dma_wait3A_1455] : memref<50x8x128x8x128xf32, #tpu.memory_space<hbm>> -> memref<1x1x1x8x128xf32, #tpu.memory_space<hbm>>
        %dma_wait3A_1457 = tpu.memref_squeeze %dma_wait3A_1456 : memref<1x1x1x8x128xf32, #tpu.memory_space<hbm>> -> memref<8x128xf32, #tpu.memory_space<hbm>>
        %dma_wait3A_1458 = arith.constant 0 : i32
        %dma_wait3A_1459 = arith.constant 0 : i32
        %dma_wait3A_1460 = tpu.memref_slice %arg4[%select_n3A_1402, %dma_wait3A_1450, %add3A_1419, %dma_wait3A_1458, %dma_wait3A_1459] : memref<50x8x128x8x128xf32, #tpu.memory_space<hbm>> -> memref<1x1x1x8x128xf32, #tpu.memory_space<hbm>>
        %dma_wait3A_1461 = tpu.memref_squeeze %dma_wait3A_1460 : memref<1x1x1x8x128xf32, #tpu.memory_space<hbm>> -> memref<8x128xf32, #tpu.memory_space<hbm>>
        %dma_wait3A_1462 = arith.constant 16 : i32
        %dma_wait3A_1463 = arith.constant 0 : i32
        %dma_wait3A_1464 = tpu.memref_slice %arg15[%dma_wait3A_1462, %dma_wait3A_1463] : memref<64x128xf32, #tpu.memory_space<vmem>> -> memref<8x128xf32, #tpu.memory_space<vmem>>
        tpu.wait_dma2 semaphore(%arg21 : memref<!tpu.dma_semaphore, #tpu.memory_space<semaphore_mem>>) src(%dma_wait3A_1464 : memref<8x128xf32, #tpu.memory_space<vmem>>) dst(%dma_wait3A_1461 : memref<8x128xf32, #tpu.memory_space<hbm>>)
        %dma_wait3A_1465 = arith.constant 3 : i32
        %dma_wait3A_1466 = arith.constant 24 : i32
        %dma_wait3A_1467 = arith.constant 0 : i32
        %dma_wait3A_1468 = tpu.memref_slice %arg15[%dma_wait3A_1466, %dma_wait3A_1467] : memref<64x128xf32, #tpu.memory_space<vmem>> -> memref<8x128xf32, #tpu.memory_space<vmem>>
        %dma_wait3A_1469 = arith.constant 0 : i32
        %dma_wait3A_1470 = arith.constant 0 : i32
        %dma_wait3A_1471 = tpu.memref_slice %arg4[%select_n3A_1402, %dma_wait3A_1465, %add3A_1419, %dma_wait3A_1469, %dma_wait3A_1470] : memref<50x8x128x8x128xf32, #tpu.memory_space<hbm>> -> memref<1x1x1x8x128xf32, #tpu.memory_space<hbm>>
        %dma_wait3A_1472 = tpu.memref_squeeze %dma_wait3A_1471 : memref<1x1x1x8x128xf32, #tpu.memory_space<hbm>> -> memref<8x128xf32, #tpu.memory_space<hbm>>
        %dma_wait3A_1473 = arith.constant 0 : i32
        %dma_wait3A_1474 = arith.constant 0 : i32
        %dma_wait3A_1475 = tpu.memref_slice %arg4[%select_n3A_1402, %dma_wait3A_1465, %add3A_1419, %dma_wait3A_1473, %dma_wait3A_1474] : memref<50x8x128x8x128xf32, #tpu.memory_space<hbm>> -> memref<1x1x1x8x128xf32, #tpu.memory_space<hbm>>
        %dma_wait3A_1476 = tpu.memref_squeeze %dma_wait3A_1475 : memref<1x1x1x8x128xf32, #tpu.memory_space<hbm>> -> memref<8x128xf32, #tpu.memory_space<hbm>>
        %dma_wait3A_1477 = arith.constant 24 : i32
        %dma_wait3A_1478 = arith.constant 0 : i32
        %dma_wait3A_1479 = tpu.memref_slice %arg15[%dma_wait3A_1477, %dma_wait3A_1478] : memref<64x128xf32, #tpu.memory_space<vmem>> -> memref<8x128xf32, #tpu.memory_space<vmem>>
        tpu.wait_dma2 semaphore(%arg21 : memref<!tpu.dma_semaphore, #tpu.memory_space<semaphore_mem>>) src(%dma_wait3A_1479 : memref<8x128xf32, #tpu.memory_space<vmem>>) dst(%dma_wait3A_1476 : memref<8x128xf32, #tpu.memory_space<hbm>>)
        %dma_wait3A_1480 = arith.constant 4 : i32
        %dma_wait3A_1481 = arith.constant 32 : i32
        %dma_wait3A_1482 = arith.constant 0 : i32
        %dma_wait3A_1483 = tpu.memref_slice %arg15[%dma_wait3A_1481, %dma_wait3A_1482] : memref<64x128xf32, #tpu.memory_space<vmem>> -> memref<8x128xf32, #tpu.memory_space<vmem>>
        %dma_wait3A_1484 = arith.constant 0 : i32
        %dma_wait3A_1485 = arith.constant 0 : i32
        %dma_wait3A_1486 = tpu.memref_slice %arg4[%select_n3A_1402, %dma_wait3A_1480, %add3A_1419, %dma_wait3A_1484, %dma_wait3A_1485] : memref<50x8x128x8x128xf32, #tpu.memory_space<hbm>> -> memref<1x1x1x8x128xf32, #tpu.memory_space<hbm>>
        %dma_wait3A_1487 = tpu.memref_squeeze %dma_wait3A_1486 : memref<1x1x1x8x128xf32, #tpu.memory_space<hbm>> -> memref<8x128xf32, #tpu.memory_space<hbm>>
        %dma_wait3A_1488 = arith.constant 0 : i32
        %dma_wait3A_1489 = arith.constant 0 : i32
        %dma_wait3A_1490 = tpu.memref_slice %arg4[%select_n3A_1402, %dma_wait3A_1480, %add3A_1419, %dma_wait3A_1488, %dma_wait3A_1489] : memref<50x8x128x8x128xf32, #tpu.memory_space<hbm>> -> memref<1x1x1x8x128xf32, #tpu.memory_space<hbm>>
        %dma_wait3A_1491 = tpu.memref_squeeze %dma_wait3A_1490 : memref<1x1x1x8x128xf32, #tpu.memory_space<hbm>> -> memref<8x128xf32, #tpu.memory_space<hbm>>
        %dma_wait3A_1492 = arith.constant 32 : i32
        %dma_wait3A_1493 = arith.constant 0 : i32
        %dma_wait3A_1494 = tpu.memref_slice %arg15[%dma_wait3A_1492, %dma_wait3A_1493] : memref<64x128xf32, #tpu.memory_space<vmem>> -> memref<8x128xf32, #tpu.memory_space<vmem>>
        tpu.wait_dma2 semaphore(%arg21 : memref<!tpu.dma_semaphore, #tpu.memory_space<semaphore_mem>>) src(%dma_wait3A_1494 : memref<8x128xf32, #tpu.memory_space<vmem>>) dst(%dma_wait3A_1491 : memref<8x128xf32, #tpu.memory_space<hbm>>)
        %dma_wait3A_1495 = arith.constant 5 : i32
        %dma_wait3A_1496 = arith.constant 40 : i32
        %dma_wait3A_1497 = arith.constant 0 : i32
        %dma_wait3A_1498 = tpu.memref_slice %arg15[%dma_wait3A_1496, %dma_wait3A_1497] : memref<64x128xf32, #tpu.memory_space<vmem>> -> memref<8x128xf32, #tpu.memory_space<vmem>>
        %dma_wait3A_1499 = arith.constant 0 : i32
        %dma_wait3A_1500 = arith.constant 0 : i32
        %dma_wait3A_1501 = tpu.memref_slice %arg4[%select_n3A_1402, %dma_wait3A_1495, %add3A_1419, %dma_wait3A_1499, %dma_wait3A_1500] : memref<50x8x128x8x128xf32, #tpu.memory_space<hbm>> -> memref<1x1x1x8x128xf32, #tpu.memory_space<hbm>>
        %dma_wait3A_1502 = tpu.memref_squeeze %dma_wait3A_1501 : memref<1x1x1x8x128xf32, #tpu.memory_space<hbm>> -> memref<8x128xf32, #tpu.memory_space<hbm>>
        %dma_wait3A_1503 = arith.constant 0 : i32
        %dma_wait3A_1504 = arith.constant 0 : i32
        %dma_wait3A_1505 = tpu.memref_slice %arg4[%select_n3A_1402, %dma_wait3A_1495, %add3A_1419, %dma_wait3A_1503, %dma_wait3A_1504] : memref<50x8x128x8x128xf32, #tpu.memory_space<hbm>> -> memref<1x1x1x8x128xf32, #tpu.memory_space<hbm>>
        %dma_wait3A_1506 = tpu.memref_squeeze %dma_wait3A_1505 : memref<1x1x1x8x128xf32, #tpu.memory_space<hbm>> -> memref<8x128xf32, #tpu.memory_space<hbm>>
        %dma_wait3A_1507 = arith.constant 40 : i32
        %dma_wait3A_1508 = arith.constant 0 : i32
        %dma_wait3A_1509 = tpu.memref_slice %arg15[%dma_wait3A_1507, %dma_wait3A_1508] : memref<64x128xf32, #tpu.memory_space<vmem>> -> memref<8x128xf32, #tpu.memory_space<vmem>>
        tpu.wait_dma2 semaphore(%arg21 : memref<!tpu.dma_semaphore, #tpu.memory_space<semaphore_mem>>) src(%dma_wait3A_1509 : memref<8x128xf32, #tpu.memory_space<vmem>>) dst(%dma_wait3A_1506 : memref<8x128xf32, #tpu.memory_space<hbm>>)
        %dma_wait3A_1510 = arith.constant 6 : i32
        %dma_wait3A_1511 = arith.constant 48 : i32
        %dma_wait3A_1512 = arith.constant 0 : i32
        %dma_wait3A_1513 = tpu.memref_slice %arg15[%dma_wait3A_1511, %dma_wait3A_1512] : memref<64x128xf32, #tpu.memory_space<vmem>> -> memref<8x128xf32, #tpu.memory_space<vmem>>
        %dma_wait3A_1514 = arith.constant 0 : i32
        %dma_wait3A_1515 = arith.constant 0 : i32
        %dma_wait3A_1516 = tpu.memref_slice %arg4[%select_n3A_1402, %dma_wait3A_1510, %add3A_1419, %dma_wait3A_1514, %dma_wait3A_1515] : memref<50x8x128x8x128xf32, #tpu.memory_space<hbm>> -> memref<1x1x1x8x128xf32, #tpu.memory_space<hbm>>
        %dma_wait3A_1517 = tpu.memref_squeeze %dma_wait3A_1516 : memref<1x1x1x8x128xf32, #tpu.memory_space<hbm>> -> memref<8x128xf32, #tpu.memory_space<hbm>>
        %dma_wait3A_1518 = arith.constant 0 : i32
        %dma_wait3A_1519 = arith.constant 0 : i32
        %dma_wait3A_1520 = tpu.memref_slice %arg4[%select_n3A_1402, %dma_wait3A_1510, %add3A_1419, %dma_wait3A_1518, %dma_wait3A_1519] : memref<50x8x128x8x128xf32, #tpu.memory_space<hbm>> -> memref<1x1x1x8x128xf32, #tpu.memory_space<hbm>>
        %dma_wait3A_1521 = tpu.memref_squeeze %dma_wait3A_1520 : memref<1x1x1x8x128xf32, #tpu.memory_space<hbm>> -> memref<8x128xf32, #tpu.memory_space<hbm>>
        %dma_wait3A_1522 = arith.constant 48 : i32
        %dma_wait3A_1523 = arith.constant 0 : i32
        %dma_wait3A_1524 = tpu.memref_slice %arg15[%dma_wait3A_1522, %dma_wait3A_1523] : memref<64x128xf32, #tpu.memory_space<vmem>> -> memref<8x128xf32, #tpu.memory_space<vmem>>
        tpu.wait_dma2 semaphore(%arg21 : memref<!tpu.dma_semaphore, #tpu.memory_space<semaphore_mem>>) src(%dma_wait3A_1524 : memref<8x128xf32, #tpu.memory_space<vmem>>) dst(%dma_wait3A_1521 : memref<8x128xf32, #tpu.memory_space<hbm>>)
        %dma_wait3A_1525 = arith.constant 7 : i32
        %dma_wait3A_1526 = arith.constant 56 : i32
        %dma_wait3A_1527 = arith.constant 0 : i32
        %dma_wait3A_1528 = tpu.memref_slice %arg15[%dma_wait3A_1526, %dma_wait3A_1527] : memref<64x128xf32, #tpu.memory_space<vmem>> -> memref<8x128xf32, #tpu.memory_space<vmem>>
        %dma_wait3A_1529 = arith.constant 0 : i32
        %dma_wait3A_1530 = arith.constant 0 : i32
        %dma_wait3A_1531 = tpu.memref_slice %arg4[%select_n3A_1402, %dma_wait3A_1525, %add3A_1419, %dma_wait3A_1529, %dma_wait3A_1530] : memref<50x8x128x8x128xf32, #tpu.memory_space<hbm>> -> memref<1x1x1x8x128xf32, #tpu.memory_space<hbm>>
        %dma_wait3A_1532 = tpu.memref_squeeze %dma_wait3A_1531 : memref<1x1x1x8x128xf32, #tpu.memory_space<hbm>> -> memref<8x128xf32, #tpu.memory_space<hbm>>
        %dma_wait3A_1533 = arith.constant 0 : i32
        %dma_wait3A_1534 = arith.constant 0 : i32
        %dma_wait3A_1535 = tpu.memref_slice %arg4[%select_n3A_1402, %dma_wait3A_1525, %add3A_1419, %dma_wait3A_1533, %dma_wait3A_1534] : memref<50x8x128x8x128xf32, #tpu.memory_space<hbm>> -> memref<1x1x1x8x128xf32, #tpu.memory_space<hbm>>
        %dma_wait3A_1536 = tpu.memref_squeeze %dma_wait3A_1535 : memref<1x1x1x8x128xf32, #tpu.memory_space<hbm>> -> memref<8x128xf32, #tpu.memory_space<hbm>>
        %dma_wait3A_1537 = arith.constant 56 : i32
        %dma_wait3A_1538 = arith.constant 0 : i32
        %dma_wait3A_1539 = tpu.memref_slice %arg15[%dma_wait3A_1537, %dma_wait3A_1538] : memref<64x128xf32, #tpu.memory_space<vmem>> -> memref<8x128xf32, #tpu.memory_space<vmem>>
        tpu.wait_dma2 semaphore(%arg21 : memref<!tpu.dma_semaphore, #tpu.memory_space<semaphore_mem>>) src(%dma_wait3A_1539 : memref<8x128xf32, #tpu.memory_space<vmem>>) dst(%dma_wait3A_1536 : memref<8x128xf32, #tpu.memory_space<hbm>>)
      } else {
      }
      %scan3A_843 = arith.constant 0 : i32
      %scan3A_844 = arith.constant 0 : i32
      %scan3A_845 = arith.constant 8 : i32
      %scan3A_846 = arith.addi %scan3A_844, %scan3A_845 : i32
      %scan3A_847 = arith.constant 1 : i32
      scf.for %scan3A_1379 = %scan3A_844 to %scan3A_846 step %scan3A_847  : i32 {
        %mul3A_1380 = arith.constant 16 : i32
        %mul3A_1381 = arith.muli %scan3A_1379, %mul3A_1380 : i32
        %broadcast_in_dim3A_1382 = vector.broadcast %mul3A_1381 : i32 to vector<16xi32>
        %add3A_1383 = arith.addi %iota3A, %broadcast_in_dim3A_1382 : vector<16xi32>
        %broadcast_in_dim3A_1384 = arith.constant 0.000000e+00 : f32
        %broadcast_in_dim3A_1385 = vector.broadcast %broadcast_in_dim3A_1384 : f32 to vector<16xf32>
        %parallel_loop3A = arith.constant 0 : i32
        %parallel_loop3A_1386 = arith.constant 16 : i32
        %parallel_loop3A_1387 = arith.constant 1 : i32
        %parallel_loop3A_1388:4 = scf.for %parallel_loop3A_1446 = %parallel_loop3A to %parallel_loop3A_1386 step %parallel_loop3A_1387 iter_args(%parallel_loop3A_1447 = %broadcast_in_dim3A_1385, %parallel_loop3A_1448 = %broadcast_in_dim3A_1385, %parallel_loop3A_1449 = %broadcast_in_dim3A_1385, %parallel_loop3A_1450 = %broadcast_in_dim3A_1385) -> (vector<16xf32>, vector<16xf32>, vector<16xf32>, vector<16xf32>)  : i32 {
          %parallel_loop3A_1451 = vector.broadcast %parallel_loop3A_1446 : i32 to vector<16xi32>
          %parallel_loop3A_1452 = arith.addi %iota3A, %parallel_loop3A_1451 : vector<16xi32>
          %parallel_loop3A_1453 = arith.constant 15 : i32
          %parallel_loop3A_1454 = vector.broadcast %parallel_loop3A_1453 : i32 to vector<16xi32>
          %parallel_loop3A_1455 = arith.andi %parallel_loop3A_1452, %parallel_loop3A_1454 : vector<16xi32>
          %parallel_loop3A_1456 = arith.constant 0 : i32
          %parallel_loop3A_1457 = vector.broadcast %parallel_loop3A_1456 : i32 to vector<16xi32>
          %parallel_loop3A_1458 = arith.addi %parallel_loop3A_1455, %parallel_loop3A_1457 : vector<16xi32>
          %parallel_loop3A_1459 = tpu.vector_load_idx %arg11[%add3A_1383, %parallel_loop3A_1458] : memref<128x64xf32, #tpu.memory_space<vmem>>[vector<16xi32>, vector<16xi32>], vector<16xf32>,
          %parallel_loop3A_1460 = arith.mulf %parallel_loop3A_1459, %parallel_loop3A_1459 : vector<16xf32>
          %parallel_loop3A_1461 = arith.addf %parallel_loop3A_1447, %parallel_loop3A_1460 : vector<16xf32>
          tpu.vector_store_idx %arg15[%parallel_loop3A_1458, %add3A_1383], %parallel_loop3A_1459 : memref<64x128xf32, #tpu.memory_space<vmem>>[vector<16xi32>, vector<16xi32>], vector<16xf32>,
          %parallel_loop3A_1462 = arith.constant 16 : i32
          %parallel_loop3A_1463 = vector.broadcast %parallel_loop3A_1462 : i32 to vector<16xi32>
          %parallel_loop3A_1464 = arith.addi %parallel_loop3A_1455, %parallel_loop3A_1463 : vector<16xi32>
          %parallel_loop3A_1465 = tpu.vector_load_idx %arg11[%add3A_1383, %parallel_loop3A_1464] : memref<128x64xf32, #tpu.memory_space<vmem>>[vector<16xi32>, vector<16xi32>], vector<16xf32>,
          %parallel_loop3A_1466 = arith.mulf %parallel_loop3A_1465, %parallel_loop3A_1465 : vector<16xf32>
          %parallel_loop3A_1467 = arith.addf %parallel_loop3A_1448, %parallel_loop3A_1466 : vector<16xf32>
          tpu.vector_store_idx %arg15[%parallel_loop3A_1464, %add3A_1383], %parallel_loop3A_1465 : memref<64x128xf32, #tpu.memory_space<vmem>>[vector<16xi32>, vector<16xi32>], vector<16xf32>,
          %parallel_loop3A_1468 = arith.constant 32 : i32
          %parallel_loop3A_1469 = vector.broadcast %parallel_loop3A_1468 : i32 to vector<16xi32>
          %parallel_loop3A_1470 = arith.addi %parallel_loop3A_1455, %parallel_loop3A_1469 : vector<16xi32>
          %parallel_loop3A_1471 = tpu.vector_load_idx %arg11[%add3A_1383, %parallel_loop3A_1470] : memref<128x64xf32, #tpu.memory_space<vmem>>[vector<16xi32>, vector<16xi32>], vector<16xf32>,
          %parallel_loop3A_1472 = arith.mulf %parallel_loop3A_1471, %parallel_loop3A_1471 : vector<16xf32>
          %parallel_loop3A_1473 = arith.addf %parallel_loop3A_1449, %parallel_loop3A_1472 : vector<16xf32>
          tpu.vector_store_idx %arg15[%parallel_loop3A_1470, %add3A_1383], %parallel_loop3A_1471 : memref<64x128xf32, #tpu.memory_space<vmem>>[vector<16xi32>, vector<16xi32>], vector<16xf32>,
          %parallel_loop3A_1474 = arith.constant 48 : i32
          %parallel_loop3A_1475 = vector.broadcast %parallel_loop3A_1474 : i32 to vector<16xi32>
          %parallel_loop3A_1476 = arith.addi %parallel_loop3A_1455, %parallel_loop3A_1475 : vector<16xi32>
          %parallel_loop3A_1477 = tpu.vector_load_idx %arg11[%add3A_1383, %parallel_loop3A_1476] : memref<128x64xf32, #tpu.memory_space<vmem>>[vector<16xi32>, vector<16xi32>], vector<16xf32>,
          %parallel_loop3A_1478 = arith.mulf %parallel_loop3A_1477, %parallel_loop3A_1477 : vector<16xf32>
          %parallel_loop3A_1479 = arith.addf %parallel_loop3A_1450, %parallel_loop3A_1478 : vector<16xf32>
          tpu.vector_store_idx %arg15[%parallel_loop3A_1476, %add3A_1383], %parallel_loop3A_1477 : memref<64x128xf32, #tpu.memory_space<vmem>>[vector<16xi32>, vector<16xi32>], vector<16xf32>,
          scf.yield %parallel_loop3A_1461, %parallel_loop3A_1467, %parallel_loop3A_1473, %parallel_loop3A_1479 : vector<16xf32>, vector<16xf32>, vector<16xf32>, vector<16xf32>
        } {sc.loop_unroll_factor = 4 : i64, sc.parallel_access}
        %add3A_1389 = arith.addf %parallel_loop3A_1388#0, %parallel_loop3A_1388#1 : vector<16xf32>
        %add3A_1390 = arith.addf %parallel_loop3A_1388#2, %parallel_loop3A_1388#3 : vector<16xf32>
        %add3A_1391 = arith.addf %add3A_1389, %add3A_1390 : vector<16xf32>
        %bitcast3A = vector.bitcast %add3A_1391 : vector<16xf32> to vector<16xi32>
        %shift_right_arithmetic3A = arith.constant 1 : i32
        %shift_right_arithmetic3A_1392 = vector.broadcast %shift_right_arithmetic3A : i32 to vector<16xi32>
        %shift_right_arithmetic3A_1393 = arith.shrsi %bitcast3A, %shift_right_arithmetic3A_1392 : vector<16xi32>
        %sub3A_1394 = arith.constant 1597463007 : i32
        %sub3A_1395 = vector.broadcast %sub3A_1394 : i32 to vector<16xi32>
        %sub3A_1396 = arith.subi %sub3A_1395, %shift_right_arithmetic3A_1393 : vector<16xi32>
        %bitcast3A_1397 = vector.bitcast %sub3A_1396 : vector<16xi32> to vector<16xf32>
        %mul3A_1398 = arith.constant 5.000000e-01 : f32
        %mul3A_1399 = vector.broadcast %mul3A_1398 : f32 to vector<16xf32>
        %mul3A_1400 = arith.mulf %mul3A_1399, %add3A_1391 : vector<16xf32>
        %mul3A_1401 = arith.mulf %mul3A_1400, %bitcast3A_1397 : vector<16xf32>
        %mul3A_1402 = arith.mulf %mul3A_1401, %bitcast3A_1397 : vector<16xf32>
        %sub3A_1403 = arith.constant 1.500000e+00 : f32
        %sub3A_1404 = vector.broadcast %sub3A_1403 : f32 to vector<16xf32>
        %sub3A_1405 = arith.subf %sub3A_1404, %mul3A_1402 : vector<16xf32>
        %mul3A_1406 = arith.mulf %bitcast3A_1397, %sub3A_1405 : vector<16xf32>
        %mul3A_1407 = arith.constant 5.000000e-01 : f32
        %mul3A_1408 = vector.broadcast %mul3A_1407 : f32 to vector<16xf32>
        %mul3A_1409 = arith.mulf %mul3A_1408, %add3A_1391 : vector<16xf32>
        %mul3A_1410 = arith.mulf %mul3A_1409, %mul3A_1406 : vector<16xf32>
        %mul3A_1411 = arith.mulf %mul3A_1410, %mul3A_1406 : vector<16xf32>
        %sub3A_1412 = arith.constant 1.500000e+00 : f32
        %sub3A_1413 = vector.broadcast %sub3A_1412 : f32 to vector<16xf32>
        %sub3A_1414 = arith.subf %sub3A_1413, %mul3A_1411 : vector<16xf32>
        %mul3A_1415 = arith.mulf %mul3A_1406, %sub3A_1414 : vector<16xf32>
        %mul3A_1416 = arith.constant 5.000000e-01 : f32
        %mul3A_1417 = vector.broadcast %mul3A_1416 : f32 to vector<16xf32>
        %mul3A_1418 = arith.mulf %mul3A_1417, %add3A_1391 : vector<16xf32>
        %mul3A_1419 = arith.mulf %mul3A_1418, %mul3A_1415 : vector<16xf32>
        %mul3A_1420 = arith.mulf %mul3A_1419, %mul3A_1415 : vector<16xf32>
        %sub3A_1421 = arith.constant 1.500000e+00 : f32
        %sub3A_1422 = vector.broadcast %sub3A_1421 : f32 to vector<16xf32>
        %sub3A_1423 = arith.subf %sub3A_1422, %mul3A_1420 : vector<16xf32>
        %mul3A_1424 = arith.mulf %mul3A_1415, %sub3A_1423 : vector<16xf32>
        %mul3A_1425 = arith.mulf %add3A_1391, %mul3A_1424 : vector<16xf32>
        %broadcast_in_dim3A_1426 = arith.constant 1.000000e+00 : f32
        %broadcast_in_dim3A_1427 = vector.broadcast %broadcast_in_dim3A_1426 : f32 to vector<16xf32>
        %le3A = arith.constant 0.780776381 : f32
        %le3A_1428 = vector.broadcast %le3A : f32 to vector<16xf32>
        %le3A_1429 = arith.cmpf ole, %mul3A_1425, %le3A_1428 : vector<16xf32>
        %mul3A_1430 = arith.constant 0.780776381 : f32
        %mul3A_1431 = vector.broadcast %mul3A_1430 : f32 to vector<16xf32>
        %mul3A_1432 = arith.mulf %mul3A_1431, %mul3A_1424 : vector<16xf32>
        %ge3A_1433 = arith.constant 1.000000e+00 : f32
        %ge3A_1434 = vector.broadcast %ge3A_1433 : f32 to vector<16xf32>
        %ge3A_1435 = arith.cmpf oge, %mul3A_1425, %ge3A_1434 : vector<16xf32>
        %sub3A_1436 = arith.constant 1.000000e+00 : f32
        %sub3A_1437 = arith.constant 9.99999974E-6 : f32
        %sub3A_1438 = arith.subf %sub3A_1436, %sub3A_1437 : f32
        %mul3A_1439 = vector.broadcast %sub3A_1438 : f32 to vector<16xf32>
        %mul3A_1440 = arith.mulf %mul3A_1439, %mul3A_1424 : vector<16xf32>
        %select_n3A_1441 = arith.select %ge3A_1435, %mul3A_1440, %broadcast_in_dim3A_1427 : vector<16xi1>, vector<16xf32>
        %select_n3A_1442 = arith.select %le3A_1429, %mul3A_1432, %select_n3A_1441 : vector<16xi1>, vector<16xf32>
        %parallel_loop3A_1443 = arith.constant 0 : i32
        %parallel_loop3A_1444 = arith.constant 64 : i32
        %parallel_loop3A_1445 = arith.constant 1 : i32
        scf.for %parallel_loop3A_1446 = %parallel_loop3A_1443 to %parallel_loop3A_1444 step %parallel_loop3A_1445  : i32 {
          %parallel_loop3A_1447 = arith.index_cast %parallel_loop3A_1446 : i32 to index
          %parallel_loop3A_1448 = arith.index_cast %mul3A_1381 : i32 to index
          %parallel_loop3A_1449 = tpu.vector_load %arg15[%parallel_loop3A_1447, %parallel_loop3A_1448] {strides = array<i32>} : memref<64x128xf32, #tpu.memory_space<vmem>>, vector<16xf32>,
          %parallel_loop3A_1450 = arith.constant 1.000000e-15 : f32
          %parallel_loop3A_1451 = vector.broadcast %parallel_loop3A_1450 : f32 to vector<16xf32>
          %parallel_loop3A_1452 = arith.addf %parallel_loop3A_1449, %parallel_loop3A_1451 : vector<16xf32>
          %parallel_loop3A_1453 = arith.mulf %parallel_loop3A_1452, %select_n3A_1442 : vector<16xf32>
          %parallel_loop3A_1454 = arith.index_cast %parallel_loop3A_1446 : i32 to index
          %parallel_loop3A_1455 = arith.index_cast %mul3A_1381 : i32 to index
          %parallel_loop3A_1456 = tpu.vector_load %arg15[%parallel_loop3A_1454, %parallel_loop3A_1455] {strides = array<i32>} : memref<64x128xf32, #tpu.memory_space<vmem>>, vector<16xf32>,
          tpu.vector_store %arg15[%parallel_loop3A_1454, %parallel_loop3A_1455], %parallel_loop3A_1453 {strides = array<i32>} : memref<64x128xf32, #tpu.memory_space<vmem>>, vector<16xf32>,
        } {sc.loop_unroll_factor = 8 : i64, sc.parallel_access}
      }
      %scan3A_848 = arith.constant 8 : i32
      %jit3A_849 = arith.constant 4 : i32
      %div3A_850 = arith.divsi %add3A_834, %jit3A_849 : i32
      %sign3A_851 = arith.constant 0 : i32
      %sign3A_852 = arith.cmpi sgt, %add3A_834, %sign3A_851 : i32
      %sign3A_853 = arith.extui %sign3A_852 : i1 to i32
      %sign3A_854 = arith.constant 0 : i32
      %sign3A_855 = arith.cmpi slt, %add3A_834, %sign3A_854 : i32
      %sign3A_856 = arith.extui %sign3A_855 : i1 to i32
      %sign3A_857 = arith.subi %sign3A_853, %sign3A_856 : i32
      %sign3A_858 = arith.constant 0 : i32
      %sign3A_859 = arith.cmpi sgt, %jit3A_849, %sign3A_858 : i32
      %sign3A_860 = arith.extui %sign3A_859 : i1 to i32
      %sign3A_861 = arith.constant 0 : i32
      %sign3A_862 = arith.cmpi slt, %jit3A_849, %sign3A_861 : i32
      %sign3A_863 = arith.extui %sign3A_862 : i1 to i32
      %sign3A_864 = arith.subi %sign3A_860, %sign3A_863 : i32
      %ne3A_865 = arith.cmpi ne, %sign3A_857, %sign3A_864 : i32
      %rem3A_866 = arith.remsi %add3A_834, %jit3A_849 : i32
      %ne3A_867 = arith.constant 0 : i32
      %ne3A_868 = arith.cmpi ne, %rem3A_866, %ne3A_867 : i32
      %and3A_869 = arith.andi %ne3A_865, %ne3A_868 : i1
      %sub3A_870 = arith.constant 1 : i32
      %sub3A_871 = arith.subi %div3A_850, %sub3A_870 : i32
      %select_n3A_872 = arith.select %and3A_869, %sub3A_871, %div3A_850 : i32
      %jit3A_873 = arith.constant 4 : i32
      %eq3A_874 = arith.constant 0 : i32
      %eq3A_875 = arith.cmpi eq, %jit3A_873, %eq3A_874 : i32
      %jit3A_876 = arith.constant 1 : i32
      %select_n3A_877 = arith.select %eq3A_875, %jit3A_876, %jit3A_873 : i32
      %rem3A_878 = arith.remsi %add3A_834, %select_n3A_877 : i32
      %ne3A_879 = arith.constant 0 : i32
      %ne3A_880 = arith.cmpi ne, %rem3A_878, %ne3A_879 : i32
      %lt3A_881 = arith.constant 0 : i32
      %lt3A_882 = arith.cmpi slt, %rem3A_878, %lt3A_881 : i32
      %lt3A_883 = arith.constant 0 : i32
      %lt3A_884 = arith.cmpi slt, %select_n3A_877, %lt3A_883 : i32
      %ne3A_885 = arith.xori %lt3A_882, %lt3A_884 : i1
      %and3A_886 = arith.andi %ne3A_885, %ne3A_880 : i1
      %add3A_887 = arith.addi %rem3A_878, %select_n3A_877 : i32
      %select_n3A_888 = arith.select %and3A_886, %add3A_887, %rem3A_878 : i32
      %add3A_889 = arith.addi %mul3A_4, %select_n3A_888 : i32
      %dma_start3A_890 = arith.constant 0 : i32
      %dma_start3A_891 = arith.constant 0 : i32
      %dma_start3A_892 = arith.constant 0 : i32
      %dma_start3A_893 = tpu.memref_slice %arg15[%dma_start3A_891, %dma_start3A_892] : memref<64x128xf32, #tpu.memory_space<vmem>> -> memref<8x128xf32, #tpu.memory_space<vmem>>
      %dma_start3A_894 = arith.constant 0 : i32
      %dma_start3A_895 = arith.constant 0 : i32
      %dma_start3A_896 = tpu.memref_slice %arg4[%select_n3A_872, %dma_start3A_890, %add3A_889, %dma_start3A_894, %dma_start3A_895] : memref<50x8x128x8x128xf32, #tpu.memory_space<hbm>> -> memref<1x1x1x8x128xf32, #tpu.memory_space<hbm>>
      %dma_start3A_897 = tpu.memref_squeeze %dma_start3A_896 : memref<1x1x1x8x128xf32, #tpu.memory_space<hbm>> -> memref<8x128xf32, #tpu.memory_space<hbm>>
      %dma_start3A_898 = arith.constant 0 : i32
      %dma_start3A_899 = arith.constant 0 : i32
      %dma_start3A_900 = tpu.memref_slice %arg4[%select_n3A_872, %dma_start3A_890, %add3A_889, %dma_start3A_898, %dma_start3A_899] : memref<50x8x128x8x128xf32, #tpu.memory_space<hbm>> -> memref<1x1x1x8x128xf32, #tpu.memory_space<hbm>>
      %dma_start3A_901 = tpu.memref_squeeze %dma_start3A_900 : memref<1x1x1x8x128xf32, #tpu.memory_space<hbm>> -> memref<8x128xf32, #tpu.memory_space<hbm>>
      %dma_start3A_902 = arith.constant 0 : i32
      %dma_start3A_903 = arith.constant 0 : i32
      %dma_start3A_904 = tpu.memref_slice %arg15[%dma_start3A_902, %dma_start3A_903] : memref<64x128xf32, #tpu.memory_space<vmem>> -> memref<8x128xf32, #tpu.memory_space<vmem>>
      tpu.enqueue_dma source(%dma_start3A_904 : memref<8x128xf32, #tpu.memory_space<vmem>>) target(%dma_start3A_901 : memref<8x128xf32, #tpu.memory_space<hbm>>) target_semaphore(%arg21 : memref<!tpu.dma_semaphore, #tpu.memory_space<semaphore_mem>>)
      %dma_start3A_905 = arith.constant 1 : i32
      %dma_start3A_906 = arith.constant 8 : i32
      %dma_start3A_907 = arith.constant 0 : i32
      %dma_start3A_908 = tpu.memref_slice %arg15[%dma_start3A_906, %dma_start3A_907] : memref<64x128xf32, #tpu.memory_space<vmem>> -> memref<8x128xf32, #tpu.memory_space<vmem>>
      %dma_start3A_909 = arith.constant 0 : i32
      %dma_start3A_910 = arith.constant 0 : i32
      %dma_start3A_911 = tpu.memref_slice %arg4[%select_n3A_872, %dma_start3A_905, %add3A_889, %dma_start3A_909, %dma_start3A_910] : memref<50x8x128x8x128xf32, #tpu.memory_space<hbm>> -> memref<1x1x1x8x128xf32, #tpu.memory_space<hbm>>
      %dma_start3A_912 = tpu.memref_squeeze %dma_start3A_911 : memref<1x1x1x8x128xf32, #tpu.memory_space<hbm>> -> memref<8x128xf32, #tpu.memory_space<hbm>>
      %dma_start3A_913 = arith.constant 0 : i32
      %dma_start3A_914 = arith.constant 0 : i32
      %dma_start3A_915 = tpu.memref_slice %arg4[%select_n3A_872, %dma_start3A_905, %add3A_889, %dma_start3A_913, %dma_start3A_914] : memref<50x8x128x8x128xf32, #tpu.memory_space<hbm>> -> memref<1x1x1x8x128xf32, #tpu.memory_space<hbm>>
      %dma_start3A_916 = tpu.memref_squeeze %dma_start3A_915 : memref<1x1x1x8x128xf32, #tpu.memory_space<hbm>> -> memref<8x128xf32, #tpu.memory_space<hbm>>
      %dma_start3A_917 = arith.constant 8 : i32
      %dma_start3A_918 = arith.constant 0 : i32
      %dma_start3A_919 = tpu.memref_slice %arg15[%dma_start3A_917, %dma_start3A_918] : memref<64x128xf32, #tpu.memory_space<vmem>> -> memref<8x128xf32, #tpu.memory_space<vmem>>
      tpu.enqueue_dma source(%dma_start3A_919 : memref<8x128xf32, #tpu.memory_space<vmem>>) target(%dma_start3A_916 : memref<8x128xf32, #tpu.memory_space<hbm>>) target_semaphore(%arg21 : memref<!tpu.dma_semaphore, #tpu.memory_space<semaphore_mem>>)
      %dma_start3A_920 = arith.constant 2 : i32
      %dma_start3A_921 = arith.constant 16 : i32
      %dma_start3A_922 = arith.constant 0 : i32
      %dma_start3A_923 = tpu.memref_slice %arg15[%dma_start3A_921, %dma_start3A_922] : memref<64x128xf32, #tpu.memory_space<vmem>> -> memref<8x128xf32, #tpu.memory_space<vmem>>
      %dma_start3A_924 = arith.constant 0 : i32
      %dma_start3A_925 = arith.constant 0 : i32
      %dma_start3A_926 = tpu.memref_slice %arg4[%select_n3A_872, %dma_start3A_920, %add3A_889, %dma_start3A_924, %dma_start3A_925] : memref<50x8x128x8x128xf32, #tpu.memory_space<hbm>> -> memref<1x1x1x8x128xf32, #tpu.memory_space<hbm>>
      %dma_start3A_927 = tpu.memref_squeeze %dma_start3A_926 : memref<1x1x1x8x128xf32, #tpu.memory_space<hbm>> -> memref<8x128xf32, #tpu.memory_space<hbm>>
      %dma_start3A_928 = arith.constant 0 : i32
      %dma_start3A_929 = arith.constant 0 : i32
      %dma_start3A_930 = tpu.memref_slice %arg4[%select_n3A_872, %dma_start3A_920, %add3A_889, %dma_start3A_928, %dma_start3A_929] : memref<50x8x128x8x128xf32, #tpu.memory_space<hbm>> -> memref<1x1x1x8x128xf32, #tpu.memory_space<hbm>>
      %dma_start3A_931 = tpu.memref_squeeze %dma_start3A_930 : memref<1x1x1x8x128xf32, #tpu.memory_space<hbm>> -> memref<8x128xf32, #tpu.memory_space<hbm>>
      %dma_start3A_932 = arith.constant 16 : i32
      %dma_start3A_933 = arith.constant 0 : i32
      %dma_start3A_934 = tpu.memref_slice %arg15[%dma_start3A_932, %dma_start3A_933] : memref<64x128xf32, #tpu.memory_space<vmem>> -> memref<8x128xf32, #tpu.memory_space<vmem>>
      tpu.enqueue_dma source(%dma_start3A_934 : memref<8x128xf32, #tpu.memory_space<vmem>>) target(%dma_start3A_931 : memref<8x128xf32, #tpu.memory_space<hbm>>) target_semaphore(%arg21 : memref<!tpu.dma_semaphore, #tpu.memory_space<semaphore_mem>>)
      %dma_start3A_935 = arith.constant 3 : i32
      %dma_start3A_936 = arith.constant 24 : i32
      %dma_start3A_937 = arith.constant 0 : i32
      %dma_start3A_938 = tpu.memref_slice %arg15[%dma_start3A_936, %dma_start3A_937] : memref<64x128xf32, #tpu.memory_space<vmem>> -> memref<8x128xf32, #tpu.memory_space<vmem>>
      %dma_start3A_939 = arith.constant 0 : i32
      %dma_start3A_940 = arith.constant 0 : i32
      %dma_start3A_941 = tpu.memref_slice %arg4[%select_n3A_872, %dma_start3A_935, %add3A_889, %dma_start3A_939, %dma_start3A_940] : memref<50x8x128x8x128xf32, #tpu.memory_space<hbm>> -> memref<1x1x1x8x128xf32, #tpu.memory_space<hbm>>
      %dma_start3A_942 = tpu.memref_squeeze %dma_start3A_941 : memref<1x1x1x8x128xf32, #tpu.memory_space<hbm>> -> memref<8x128xf32, #tpu.memory_space<hbm>>
      %dma_start3A_943 = arith.constant 0 : i32
      %dma_start3A_944 = arith.constant 0 : i32
      %dma_start3A_945 = tpu.memref_slice %arg4[%select_n3A_872, %dma_start3A_935, %add3A_889, %dma_start3A_943, %dma_start3A_944] : memref<50x8x128x8x128xf32, #tpu.memory_space<hbm>> -> memref<1x1x1x8x128xf32, #tpu.memory_space<hbm>>
      %dma_start3A_946 = tpu.memref_squeeze %dma_start3A_945 : memref<1x1x1x8x128xf32, #tpu.memory_space<hbm>> -> memref<8x128xf32, #tpu.memory_space<hbm>>
      %dma_start3A_947 = arith.constant 24 : i32
      %dma_start3A_948 = arith.constant 0 : i32
      %dma_start3A_949 = tpu.memref_slice %arg15[%dma_start3A_947, %dma_start3A_948] : memref<64x128xf32, #tpu.memory_space<vmem>> -> memref<8x128xf32, #tpu.memory_space<vmem>>
      tpu.enqueue_dma source(%dma_start3A_949 : memref<8x128xf32, #tpu.memory_space<vmem>>) target(%dma_start3A_946 : memref<8x128xf32, #tpu.memory_space<hbm>>) target_semaphore(%arg21 : memref<!tpu.dma_semaphore, #tpu.memory_space<semaphore_mem>>)
      %dma_start3A_950 = arith.constant 4 : i32
      %dma_start3A_951 = arith.constant 32 : i32
      %dma_start3A_952 = arith.constant 0 : i32
      %dma_start3A_953 = tpu.memref_slice %arg15[%dma_start3A_951, %dma_start3A_952] : memref<64x128xf32, #tpu.memory_space<vmem>> -> memref<8x128xf32, #tpu.memory_space<vmem>>
      %dma_start3A_954 = arith.constant 0 : i32
      %dma_start3A_955 = arith.constant 0 : i32
      %dma_start3A_956 = tpu.memref_slice %arg4[%select_n3A_872, %dma_start3A_950, %add3A_889, %dma_start3A_954, %dma_start3A_955] : memref<50x8x128x8x128xf32, #tpu.memory_space<hbm>> -> memref<1x1x1x8x128xf32, #tpu.memory_space<hbm>>
      %dma_start3A_957 = tpu.memref_squeeze %dma_start3A_956 : memref<1x1x1x8x128xf32, #tpu.memory_space<hbm>> -> memref<8x128xf32, #tpu.memory_space<hbm>>
      %dma_start3A_958 = arith.constant 0 : i32
      %dma_start3A_959 = arith.constant 0 : i32
      %dma_start3A_960 = tpu.memref_slice %arg4[%select_n3A_872, %dma_start3A_950, %add3A_889, %dma_start3A_958, %dma_start3A_959] : memref<50x8x128x8x128xf32, #tpu.memory_space<hbm>> -> memref<1x1x1x8x128xf32, #tpu.memory_space<hbm>>
      %dma_start3A_961 = tpu.memref_squeeze %dma_start3A_960 : memref<1x1x1x8x128xf32, #tpu.memory_space<hbm>> -> memref<8x128xf32, #tpu.memory_space<hbm>>
      %dma_start3A_962 = arith.constant 32 : i32
      %dma_start3A_963 = arith.constant 0 : i32
      %dma_start3A_964 = tpu.memref_slice %arg15[%dma_start3A_962, %dma_start3A_963] : memref<64x128xf32, #tpu.memory_space<vmem>> -> memref<8x128xf32, #tpu.memory_space<vmem>>
      tpu.enqueue_dma source(%dma_start3A_964 : memref<8x128xf32, #tpu.memory_space<vmem>>) target(%dma_start3A_961 : memref<8x128xf32, #tpu.memory_space<hbm>>) target_semaphore(%arg21 : memref<!tpu.dma_semaphore, #tpu.memory_space<semaphore_mem>>)
      %dma_start3A_965 = arith.constant 5 : i32
      %dma_start3A_966 = arith.constant 40 : i32
      %dma_start3A_967 = arith.constant 0 : i32
      %dma_start3A_968 = tpu.memref_slice %arg15[%dma_start3A_966, %dma_start3A_967] : memref<64x128xf32, #tpu.memory_space<vmem>> -> memref<8x128xf32, #tpu.memory_space<vmem>>
      %dma_start3A_969 = arith.constant 0 : i32
      %dma_start3A_970 = arith.constant 0 : i32
      %dma_start3A_971 = tpu.memref_slice %arg4[%select_n3A_872, %dma_start3A_965, %add3A_889, %dma_start3A_969, %dma_start3A_970] : memref<50x8x128x8x128xf32, #tpu.memory_space<hbm>> -> memref<1x1x1x8x128xf32, #tpu.memory_space<hbm>>
      %dma_start3A_972 = tpu.memref_squeeze %dma_start3A_971 : memref<1x1x1x8x128xf32, #tpu.memory_space<hbm>> -> memref<8x128xf32, #tpu.memory_space<hbm>>
      %dma_start3A_973 = arith.constant 0 : i32
      %dma_start3A_974 = arith.constant 0 : i32
      %dma_start3A_975 = tpu.memref_slice %arg4[%select_n3A_872, %dma_start3A_965, %add3A_889, %dma_start3A_973, %dma_start3A_974] : memref<50x8x128x8x128xf32, #tpu.memory_space<hbm>> -> memref<1x1x1x8x128xf32, #tpu.memory_space<hbm>>
      %dma_start3A_976 = tpu.memref_squeeze %dma_start3A_975 : memref<1x1x1x8x128xf32, #tpu.memory_space<hbm>> -> memref<8x128xf32, #tpu.memory_space<hbm>>
      %dma_start3A_977 = arith.constant 40 : i32
      %dma_start3A_978 = arith.constant 0 : i32
      %dma_start3A_979 = tpu.memref_slice %arg15[%dma_start3A_977, %dma_start3A_978] : memref<64x128xf32, #tpu.memory_space<vmem>> -> memref<8x128xf32, #tpu.memory_space<vmem>>
      tpu.enqueue_dma source(%dma_start3A_979 : memref<8x128xf32, #tpu.memory_space<vmem>>) target(%dma_start3A_976 : memref<8x128xf32, #tpu.memory_space<hbm>>) target_semaphore(%arg21 : memref<!tpu.dma_semaphore, #tpu.memory_space<semaphore_mem>>)
      %dma_start3A_980 = arith.constant 6 : i32
      %dma_start3A_981 = arith.constant 48 : i32
      %dma_start3A_982 = arith.constant 0 : i32
      %dma_start3A_983 = tpu.memref_slice %arg15[%dma_start3A_981, %dma_start3A_982] : memref<64x128xf32, #tpu.memory_space<vmem>> -> memref<8x128xf32, #tpu.memory_space<vmem>>
      %dma_start3A_984 = arith.constant 0 : i32
      %dma_start3A_985 = arith.constant 0 : i32
      %dma_start3A_986 = tpu.memref_slice %arg4[%select_n3A_872, %dma_start3A_980, %add3A_889, %dma_start3A_984, %dma_start3A_985] : memref<50x8x128x8x128xf32, #tpu.memory_space<hbm>> -> memref<1x1x1x8x128xf32, #tpu.memory_space<hbm>>
      %dma_start3A_987 = tpu.memref_squeeze %dma_start3A_986 : memref<1x1x1x8x128xf32, #tpu.memory_space<hbm>> -> memref<8x128xf32, #tpu.memory_space<hbm>>
      %dma_start3A_988 = arith.constant 0 : i32
      %dma_start3A_989 = arith.constant 0 : i32
      %dma_start3A_990 = tpu.memref_slice %arg4[%select_n3A_872, %dma_start3A_980, %add3A_889, %dma_start3A_988, %dma_start3A_989] : memref<50x8x128x8x128xf32, #tpu.memory_space<hbm>> -> memref<1x1x1x8x128xf32, #tpu.memory_space<hbm>>
      %dma_start3A_991 = tpu.memref_squeeze %dma_start3A_990 : memref<1x1x1x8x128xf32, #tpu.memory_space<hbm>> -> memref<8x128xf32, #tpu.memory_space<hbm>>
      %dma_start3A_992 = arith.constant 48 : i32
      %dma_start3A_993 = arith.constant 0 : i32
      %dma_start3A_994 = tpu.memref_slice %arg15[%dma_start3A_992, %dma_start3A_993] : memref<64x128xf32, #tpu.memory_space<vmem>> -> memref<8x128xf32, #tpu.memory_space<vmem>>
      tpu.enqueue_dma source(%dma_start3A_994 : memref<8x128xf32, #tpu.memory_space<vmem>>) target(%dma_start3A_991 : memref<8x128xf32, #tpu.memory_space<hbm>>) target_semaphore(%arg21 : memref<!tpu.dma_semaphore, #tpu.memory_space<semaphore_mem>>)
      %dma_start3A_995 = arith.constant 7 : i32
      %dma_start3A_996 = arith.constant 56 : i32
      %dma_start3A_997 = arith.constant 0 : i32
      %dma_start3A_998 = tpu.memref_slice %arg15[%dma_start3A_996, %dma_start3A_997] : memref<64x128xf32, #tpu.memory_space<vmem>> -> memref<8x128xf32, #tpu.memory_space<vmem>>
      %dma_start3A_999 = arith.constant 0 : i32
      %dma_start3A_1000 = arith.constant 0 : i32
      %dma_start3A_1001 = tpu.memref_slice %arg4[%select_n3A_872, %dma_start3A_995, %add3A_889, %dma_start3A_999, %dma_start3A_1000] : memref<50x8x128x8x128xf32, #tpu.memory_space<hbm>> -> memref<1x1x1x8x128xf32, #tpu.memory_space<hbm>>
      %dma_start3A_1002 = tpu.memref_squeeze %dma_start3A_1001 : memref<1x1x1x8x128xf32, #tpu.memory_space<hbm>> -> memref<8x128xf32, #tpu.memory_space<hbm>>
      %dma_start3A_1003 = arith.constant 0 : i32
      %dma_start3A_1004 = arith.constant 0 : i32
      %dma_start3A_1005 = tpu.memref_slice %arg4[%select_n3A_872, %dma_start3A_995, %add3A_889, %dma_start3A_1003, %dma_start3A_1004] : memref<50x8x128x8x128xf32, #tpu.memory_space<hbm>> -> memref<1x1x1x8x128xf32, #tpu.memory_space<hbm>>
      %dma_start3A_1006 = tpu.memref_squeeze %dma_start3A_1005 : memref<1x1x1x8x128xf32, #tpu.memory_space<hbm>> -> memref<8x128xf32, #tpu.memory_space<hbm>>
      %dma_start3A_1007 = arith.constant 56 : i32
      %dma_start3A_1008 = arith.constant 0 : i32
      %dma_start3A_1009 = tpu.memref_slice %arg15[%dma_start3A_1007, %dma_start3A_1008] : memref<64x128xf32, #tpu.memory_space<vmem>> -> memref<8x128xf32, #tpu.memory_space<vmem>>
      tpu.enqueue_dma source(%dma_start3A_1009 : memref<8x128xf32, #tpu.memory_space<vmem>>) target(%dma_start3A_1006 : memref<8x128xf32, #tpu.memory_space<hbm>>) target_semaphore(%arg21 : memref<!tpu.dma_semaphore, #tpu.memory_space<semaphore_mem>>)
      %lt3A_1010 = arith.constant 196 : i32
      %lt3A_1011 = arith.cmpi slt, %add3A_834, %lt3A_1010 : i32
      %convert_element_type3A_1012 = arith.extui %lt3A_1011 : i1 to i32
      %cond3A_1013 = arith.constant 0 : i32
      %cond3A_1014 = arith.cmpi ne, %convert_element_type3A_1012, %cond3A_1013 : i32
      scf.if %cond3A_1014 {
        %add3A_1379 = arith.constant 4 : i32
        %add3A_1380 = arith.addi %add3A_834, %add3A_1379 : i32
        %jit3A_1381 = arith.constant 4 : i32
        %div3A_1382 = arith.divsi %add3A_1380, %jit3A_1381 : i32
        %sign3A_1383 = arith.constant 0 : i32
        %sign3A_1384 = arith.cmpi sgt, %add3A_1380, %sign3A_1383 : i32
        %sign3A_1385 = arith.extui %sign3A_1384 : i1 to i32
        %sign3A_1386 = arith.constant 0 : i32
        %sign3A_1387 = arith.cmpi slt, %add3A_1380, %sign3A_1386 : i32
        %sign3A_1388 = arith.extui %sign3A_1387 : i1 to i32
        %sign3A_1389 = arith.subi %sign3A_1385, %sign3A_1388 : i32
        %sign3A_1390 = arith.constant 0 : i32
        %sign3A_1391 = arith.cmpi sgt, %jit3A_1381, %sign3A_1390 : i32
        %sign3A_1392 = arith.extui %sign3A_1391 : i1 to i32
        %sign3A_1393 = arith.constant 0 : i32
        %sign3A_1394 = arith.cmpi slt, %jit3A_1381, %sign3A_1393 : i32
        %sign3A_1395 = arith.extui %sign3A_1394 : i1 to i32
        %sign3A_1396 = arith.subi %sign3A_1392, %sign3A_1395 : i32
        %ne3A_1397 = arith.cmpi ne, %sign3A_1389, %sign3A_1396 : i32
        %rem3A_1398 = arith.remsi %add3A_1380, %jit3A_1381 : i32
        %ne3A_1399 = arith.constant 0 : i32
        %ne3A_1400 = arith.cmpi ne, %rem3A_1398, %ne3A_1399 : i32
        %and3A_1401 = arith.andi %ne3A_1397, %ne3A_1400 : i1
        %sub3A_1402 = arith.constant 1 : i32
        %sub3A_1403 = arith.subi %div3A_1382, %sub3A_1402 : i32
        %select_n3A_1404 = arith.select %and3A_1401, %sub3A_1403, %div3A_1382 : i32
        %jit3A_1405 = arith.constant 4 : i32
        %eq3A_1406 = arith.constant 0 : i32
        %eq3A_1407 = arith.cmpi eq, %jit3A_1405, %eq3A_1406 : i32
        %jit3A_1408 = arith.constant 1 : i32
        %select_n3A_1409 = arith.select %eq3A_1407, %jit3A_1408, %jit3A_1405 : i32
        %rem3A_1410 = arith.remsi %add3A_1380, %select_n3A_1409 : i32
        %ne3A_1411 = arith.constant 0 : i32
        %ne3A_1412 = arith.cmpi ne, %rem3A_1410, %ne3A_1411 : i32
        %lt3A_1413 = arith.constant 0 : i32
        %lt3A_1414 = arith.cmpi slt, %rem3A_1410, %lt3A_1413 : i32
        %lt3A_1415 = arith.constant 0 : i32
        %lt3A_1416 = arith.cmpi slt, %select_n3A_1409, %lt3A_1415 : i32
        %ne3A_1417 = arith.xori %lt3A_1414, %lt3A_1416 : i1
        %and3A_1418 = arith.andi %ne3A_1417, %ne3A_1412 : i1
        %add3A_1419 = arith.addi %rem3A_1410, %select_n3A_1409 : i32
        %select_n3A_1420 = arith.select %and3A_1418, %add3A_1419, %rem3A_1410 : i32
        %mul3A_1421 = arith.constant 128 : i32
        %mul3A_1422 = arith.muli %select_n3A_1420, %mul3A_1421 : i32
        %add3A_1423 = arith.constant 0 : i32
        %add3A_1424 = arith.addi %mul3A_1422, %add3A_1423 : i32
        %mul3A_1425 = arith.constant 50 : i32
        %mul3A_1426 = arith.muli %add3A_1424, %mul3A_1425 : i32
        %broadcast_in_dim3A_1427 = vector.broadcast %mul3A_1426 : i32 to vector<16xi32>
        %mul3A_1428 = arith.constant 50 : i32
        %mul3A_1429 = vector.broadcast %mul3A_1428 : i32 to vector<16xi32>
        %mul3A_1430 = arith.muli %iota3A, %mul3A_1429 : vector<16xi32>
        %add3A_1431 = arith.addi %broadcast_in_dim3A_1427, %mul3A_1430 : vector<16xi32>
        %add3A_1432 = vector.broadcast %select_n3A_1404 : i32 to vector<16xi32>
        %add3A_1433 = arith.addi %add3A_1431, %add3A_1432 : vector<16xi32>
        %gather3A_1434 = tpu.vector_load_idx %arg5[%add3A_1433] : memref<25600xi32, #tpu.memory_space<vmem>>[vector<16xi32>], vector<16xi32>,
        %swap3A_1435 = arith.constant 0 : index
        %swap3A_1436 = tpu.vector_load %arg7[%swap3A_1435] {strides = array<i32>} : memref<128xi32, #tpu.memory_space<vmem>>, vector<16xi32>,
        tpu.vector_store %arg7[%swap3A_1435], %gather3A_1434 {strides = array<i32>} : memref<128xi32, #tpu.memory_space<vmem>>, vector<16xi32>,
        %mul3A_1437 = arith.constant 128 : i32
        %mul3A_1438 = arith.muli %select_n3A_1420, %mul3A_1437 : i32
        %add3A_1439 = arith.constant 16 : i32
        %add3A_1440 = arith.addi %mul3A_1438, %add3A_1439 : i32
        %mul3A_1441 = arith.constant 50 : i32
        %mul3A_1442 = arith.muli %add3A_1440, %mul3A_1441 : i32
        %broadcast_in_dim3A_1443 = vector.broadcast %mul3A_1442 : i32 to vector<16xi32>
        %mul3A_1444 = arith.constant 50 : i32
        %mul3A_1445 = vector.broadcast %mul3A_1444 : i32 to vector<16xi32>
        %mul3A_1446 = arith.muli %iota3A, %mul3A_1445 : vector<16xi32>
        %add3A_1447 = arith.addi %broadcast_in_dim3A_1443, %mul3A_1446 : vector<16xi32>
        %add3A_1448 = vector.broadcast %select_n3A_1404 : i32 to vector<16xi32>
        %add3A_1449 = arith.addi %add3A_1447, %add3A_1448 : vector<16xi32>
        %gather3A_1450 = tpu.vector_load_idx %arg5[%add3A_1449] : memref<25600xi32, #tpu.memory_space<vmem>>[vector<16xi32>], vector<16xi32>,
        %swap3A_1451 = arith.constant 16 : index
        %swap3A_1452 = tpu.vector_load %arg7[%swap3A_1451] {strides = array<i32>} : memref<128xi32, #tpu.memory_space<vmem>>, vector<16xi32>,
        tpu.vector_store %arg7[%swap3A_1451], %gather3A_1450 {strides = array<i32>} : memref<128xi32, #tpu.memory_space<vmem>>, vector<16xi32>,
        %mul3A_1453 = arith.constant 128 : i32
        %mul3A_1454 = arith.muli %select_n3A_1420, %mul3A_1453 : i32
        %add3A_1455 = arith.constant 32 : i32
        %add3A_1456 = arith.addi %mul3A_1454, %add3A_1455 : i32
        %mul3A_1457 = arith.constant 50 : i32
        %mul3A_1458 = arith.muli %add3A_1456, %mul3A_1457 : i32
        %broadcast_in_dim3A_1459 = vector.broadcast %mul3A_1458 : i32 to vector<16xi32>
        %mul3A_1460 = arith.constant 50 : i32
        %mul3A_1461 = vector.broadcast %mul3A_1460 : i32 to vector<16xi32>
        %mul3A_1462 = arith.muli %iota3A, %mul3A_1461 : vector<16xi32>
        %add3A_1463 = arith.addi %broadcast_in_dim3A_1459, %mul3A_1462 : vector<16xi32>
        %add3A_1464 = vector.broadcast %select_n3A_1404 : i32 to vector<16xi32>
        %add3A_1465 = arith.addi %add3A_1463, %add3A_1464 : vector<16xi32>
        %gather3A_1466 = tpu.vector_load_idx %arg5[%add3A_1465] : memref<25600xi32, #tpu.memory_space<vmem>>[vector<16xi32>], vector<16xi32>,
        %swap3A_1467 = arith.constant 32 : index
        %swap3A_1468 = tpu.vector_load %arg7[%swap3A_1467] {strides = array<i32>} : memref<128xi32, #tpu.memory_space<vmem>>, vector<16xi32>,
        tpu.vector_store %arg7[%swap3A_1467], %gather3A_1466 {strides = array<i32>} : memref<128xi32, #tpu.memory_space<vmem>>, vector<16xi32>,
        %mul3A_1469 = arith.constant 128 : i32
        %mul3A_1470 = arith.muli %select_n3A_1420, %mul3A_1469 : i32
        %add3A_1471 = arith.constant 48 : i32
        %add3A_1472 = arith.addi %mul3A_1470, %add3A_1471 : i32
        %mul3A_1473 = arith.constant 50 : i32
        %mul3A_1474 = arith.muli %add3A_1472, %mul3A_1473 : i32
        %broadcast_in_dim3A_1475 = vector.broadcast %mul3A_1474 : i32 to vector<16xi32>
        %mul3A_1476 = arith.constant 50 : i32
        %mul3A_1477 = vector.broadcast %mul3A_1476 : i32 to vector<16xi32>
        %mul3A_1478 = arith.muli %iota3A, %mul3A_1477 : vector<16xi32>
        %add3A_1479 = arith.addi %broadcast_in_dim3A_1475, %mul3A_1478 : vector<16xi32>
        %add3A_1480 = vector.broadcast %select_n3A_1404 : i32 to vector<16xi32>
        %add3A_1481 = arith.addi %add3A_1479, %add3A_1480 : vector<16xi32>
        %gather3A_1482 = tpu.vector_load_idx %arg5[%add3A_1481] : memref<25600xi32, #tpu.memory_space<vmem>>[vector<16xi32>], vector<16xi32>,
        %swap3A_1483 = arith.constant 48 : index
        %swap3A_1484 = tpu.vector_load %arg7[%swap3A_1483] {strides = array<i32>} : memref<128xi32, #tpu.memory_space<vmem>>, vector<16xi32>,
        tpu.vector_store %arg7[%swap3A_1483], %gather3A_1482 {strides = array<i32>} : memref<128xi32, #tpu.memory_space<vmem>>, vector<16xi32>,
        %mul3A_1485 = arith.constant 128 : i32
        %mul3A_1486 = arith.muli %select_n3A_1420, %mul3A_1485 : i32
        %add3A_1487 = arith.constant 64 : i32
        %add3A_1488 = arith.addi %mul3A_1486, %add3A_1487 : i32
        %mul3A_1489 = arith.constant 50 : i32
        %mul3A_1490 = arith.muli %add3A_1488, %mul3A_1489 : i32
        %broadcast_in_dim3A_1491 = vector.broadcast %mul3A_1490 : i32 to vector<16xi32>
        %mul3A_1492 = arith.constant 50 : i32
        %mul3A_1493 = vector.broadcast %mul3A_1492 : i32 to vector<16xi32>
        %mul3A_1494 = arith.muli %iota3A, %mul3A_1493 : vector<16xi32>
        %add3A_1495 = arith.addi %broadcast_in_dim3A_1491, %mul3A_1494 : vector<16xi32>
        %add3A_1496 = vector.broadcast %select_n3A_1404 : i32 to vector<16xi32>
        %add3A_1497 = arith.addi %add3A_1495, %add3A_1496 : vector<16xi32>
        %gather3A_1498 = tpu.vector_load_idx %arg5[%add3A_1497] : memref<25600xi32, #tpu.memory_space<vmem>>[vector<16xi32>], vector<16xi32>,
        %swap3A_1499 = arith.constant 64 : index
        %swap3A_1500 = tpu.vector_load %arg7[%swap3A_1499] {strides = array<i32>} : memref<128xi32, #tpu.memory_space<vmem>>, vector<16xi32>,
        tpu.vector_store %arg7[%swap3A_1499], %gather3A_1498 {strides = array<i32>} : memref<128xi32, #tpu.memory_space<vmem>>, vector<16xi32>,
        %mul3A_1501 = arith.constant 128 : i32
        %mul3A_1502 = arith.muli %select_n3A_1420, %mul3A_1501 : i32
        %add3A_1503 = arith.constant 80 : i32
        %add3A_1504 = arith.addi %mul3A_1502, %add3A_1503 : i32
        %mul3A_1505 = arith.constant 50 : i32
        %mul3A_1506 = arith.muli %add3A_1504, %mul3A_1505 : i32
        %broadcast_in_dim3A_1507 = vector.broadcast %mul3A_1506 : i32 to vector<16xi32>
        %mul3A_1508 = arith.constant 50 : i32
        %mul3A_1509 = vector.broadcast %mul3A_1508 : i32 to vector<16xi32>
        %mul3A_1510 = arith.muli %iota3A, %mul3A_1509 : vector<16xi32>
        %add3A_1511 = arith.addi %broadcast_in_dim3A_1507, %mul3A_1510 : vector<16xi32>
        %add3A_1512 = vector.broadcast %select_n3A_1404 : i32 to vector<16xi32>
        %add3A_1513 = arith.addi %add3A_1511, %add3A_1512 : vector<16xi32>
        %gather3A_1514 = tpu.vector_load_idx %arg5[%add3A_1513] : memref<25600xi32, #tpu.memory_space<vmem>>[vector<16xi32>], vector<16xi32>,
        %swap3A_1515 = arith.constant 80 : index
        %swap3A_1516 = tpu.vector_load %arg7[%swap3A_1515] {strides = array<i32>} : memref<128xi32, #tpu.memory_space<vmem>>, vector<16xi32>,
        tpu.vector_store %arg7[%swap3A_1515], %gather3A_1514 {strides = array<i32>} : memref<128xi32, #tpu.memory_space<vmem>>, vector<16xi32>,
        %mul3A_1517 = arith.constant 128 : i32
        %mul3A_1518 = arith.muli %select_n3A_1420, %mul3A_1517 : i32
        %add3A_1519 = arith.constant 96 : i32
        %add3A_1520 = arith.addi %mul3A_1518, %add3A_1519 : i32
        %mul3A_1521 = arith.constant 50 : i32
        %mul3A_1522 = arith.muli %add3A_1520, %mul3A_1521 : i32
        %broadcast_in_dim3A_1523 = vector.broadcast %mul3A_1522 : i32 to vector<16xi32>
        %mul3A_1524 = arith.constant 50 : i32
        %mul3A_1525 = vector.broadcast %mul3A_1524 : i32 to vector<16xi32>
        %mul3A_1526 = arith.muli %iota3A, %mul3A_1525 : vector<16xi32>
        %add3A_1527 = arith.addi %broadcast_in_dim3A_1523, %mul3A_1526 : vector<16xi32>
        %add3A_1528 = vector.broadcast %select_n3A_1404 : i32 to vector<16xi32>
        %add3A_1529 = arith.addi %add3A_1527, %add3A_1528 : vector<16xi32>
        %gather3A_1530 = tpu.vector_load_idx %arg5[%add3A_1529] : memref<25600xi32, #tpu.memory_space<vmem>>[vector<16xi32>], vector<16xi32>,
        %swap3A_1531 = arith.constant 96 : index
        %swap3A_1532 = tpu.vector_load %arg7[%swap3A_1531] {strides = array<i32>} : memref<128xi32, #tpu.memory_space<vmem>>, vector<16xi32>,
        tpu.vector_store %arg7[%swap3A_1531], %gather3A_1530 {strides = array<i32>} : memref<128xi32, #tpu.memory_space<vmem>>, vector<16xi32>,
        %mul3A_1533 = arith.constant 128 : i32
        %mul3A_1534 = arith.muli %select_n3A_1420, %mul3A_1533 : i32
        %add3A_1535 = arith.constant 112 : i32
        %add3A_1536 = arith.addi %mul3A_1534, %add3A_1535 : i32
        %mul3A_1537 = arith.constant 50 : i32
        %mul3A_1538 = arith.muli %add3A_1536, %mul3A_1537 : i32
        %broadcast_in_dim3A_1539 = vector.broadcast %mul3A_1538 : i32 to vector<16xi32>
        %mul3A_1540 = arith.constant 50 : i32
        %mul3A_1541 = vector.broadcast %mul3A_1540 : i32 to vector<16xi32>
        %mul3A_1542 = arith.muli %iota3A, %mul3A_1541 : vector<16xi32>
        %add3A_1543 = arith.addi %broadcast_in_dim3A_1539, %mul3A_1542 : vector<16xi32>
        %add3A_1544 = vector.broadcast %select_n3A_1404 : i32 to vector<16xi32>
        %add3A_1545 = arith.addi %add3A_1543, %add3A_1544 : vector<16xi32>
        %gather3A_1546 = tpu.vector_load_idx %arg5[%add3A_1545] : memref<25600xi32, #tpu.memory_space<vmem>>[vector<16xi32>], vector<16xi32>,
        %swap3A_1547 = arith.constant 112 : index
        %swap3A_1548 = tpu.vector_load %arg7[%swap3A_1547] {strides = array<i32>} : memref<128xi32, #tpu.memory_space<vmem>>, vector<16xi32>,
        tpu.vector_store %arg7[%swap3A_1547], %gather3A_1546 {strides = array<i32>} : memref<128xi32, #tpu.memory_space<vmem>>, vector<16xi32>,
        %dma_start3A_1549 = arith.constant 0 : i32
        %dma_start3A_1550 = arith.constant 0 : i32
        %dma_start3A_1551 = tpu.memref_slice %arg3[%dma_start3A_1549, %dma_start3A_1550] : memref<1000000x64xf32, #tpu.memory_space<hbm>> -> memref<1000000x64xf32, #tpu.memory_space<hbm>>
        tpu.enqueue_indirect_dma source(%dma_start3A_1551 : memref<1000000x64xf32, #tpu.memory_space<hbm>>) target(%arg11 : memref<128x64xf32, #tpu.memory_space<vmem>>) offsets(%arg7 : memref<128xi32, #tpu.memory_space<vmem>>) semaphore(%arg17 : memref<!tpu.dma_semaphore, #tpu.memory_space<semaphore_mem>>)
      } else {
      }
      %add3A_1015 = arith.constant 2 : i32
      %add3A_1016 = arith.addi %mul3A_663, %add3A_1015 : i32
      %dma_wait3A_1017 = arith.constant 0 : i32
      %dma_wait3A_1018 = arith.constant 0 : i32
      %dma_wait3A_1019 = tpu.memref_slice %arg3[%dma_wait3A_1017, %dma_wait3A_1018] : memref<1000000x64xf32, #tpu.memory_space<hbm>> -> memref<1000000x64xf32, #tpu.memory_space<hbm>>
      tpu.wait_indirect_dma semaphore(%arg18 : memref<!tpu.dma_semaphore, #tpu.memory_space<semaphore_mem>>) src(%dma_wait3A_1019 : memref<1000000x64xf32, #tpu.memory_space<hbm>>) dst(%arg12 : memref<128x64xf32, #tpu.memory_space<vmem>>)
      %ge3A_1020 = arith.constant 2 : i32
      %ge3A_1021 = arith.cmpi sge, %add3A_1016, %ge3A_1020 : i32
      %convert_element_type3A_1022 = arith.extui %ge3A_1021 : i1 to i32
      %cond3A_1023 = arith.constant 0 : i32
      %cond3A_1024 = arith.cmpi ne, %convert_element_type3A_1022, %cond3A_1023 : i32
      scf.if %cond3A_1024 {
        %jit3A_1379 = arith.constant 4 : i32
        %div3A_1380 = arith.divsi %add3A_1016, %jit3A_1379 : i32
        %sign3A_1381 = arith.constant 0 : i32
        %sign3A_1382 = arith.cmpi sgt, %add3A_1016, %sign3A_1381 : i32
        %sign3A_1383 = arith.extui %sign3A_1382 : i1 to i32
        %sign3A_1384 = arith.constant 0 : i32
        %sign3A_1385 = arith.cmpi slt, %add3A_1016, %sign3A_1384 : i32
        %sign3A_1386 = arith.extui %sign3A_1385 : i1 to i32
        %sign3A_1387 = arith.subi %sign3A_1383, %sign3A_1386 : i32
        %sign3A_1388 = arith.constant 0 : i32
        %sign3A_1389 = arith.cmpi sgt, %jit3A_1379, %sign3A_1388 : i32
        %sign3A_1390 = arith.extui %sign3A_1389 : i1 to i32
        %sign3A_1391 = arith.constant 0 : i32
        %sign3A_1392 = arith.cmpi slt, %jit3A_1379, %sign3A_1391 : i32
        %sign3A_1393 = arith.extui %sign3A_1392 : i1 to i32
        %sign3A_1394 = arith.subi %sign3A_1390, %sign3A_1393 : i32
        %ne3A_1395 = arith.cmpi ne, %sign3A_1387, %sign3A_1394 : i32
        %rem3A_1396 = arith.remsi %add3A_1016, %jit3A_1379 : i32
        %ne3A_1397 = arith.constant 0 : i32
        %ne3A_1398 = arith.cmpi ne, %rem3A_1396, %ne3A_1397 : i32
        %and3A_1399 = arith.andi %ne3A_1395, %ne3A_1398 : i1
        %sub3A_1400 = arith.constant 1 : i32
        %sub3A_1401 = arith.subi %div3A_1380, %sub3A_1400 : i32
        %select_n3A_1402 = arith.select %and3A_1399, %sub3A_1401, %div3A_1380 : i32
        %jit3A_1403 = arith.constant 4 : i32
        %eq3A_1404 = arith.constant 0 : i32
        %eq3A_1405 = arith.cmpi eq, %jit3A_1403, %eq3A_1404 : i32
        %jit3A_1406 = arith.constant 1 : i32
        %select_n3A_1407 = arith.select %eq3A_1405, %jit3A_1406, %jit3A_1403 : i32
        %rem3A_1408 = arith.remsi %add3A_1016, %select_n3A_1407 : i32
        %ne3A_1409 = arith.constant 0 : i32
        %ne3A_1410 = arith.cmpi ne, %rem3A_1408, %ne3A_1409 : i32
        %lt3A_1411 = arith.constant 0 : i32
        %lt3A_1412 = arith.cmpi slt, %rem3A_1408, %lt3A_1411 : i32
        %lt3A_1413 = arith.constant 0 : i32
        %lt3A_1414 = arith.cmpi slt, %select_n3A_1407, %lt3A_1413 : i32
        %ne3A_1415 = arith.xori %lt3A_1412, %lt3A_1414 : i1
        %and3A_1416 = arith.andi %ne3A_1415, %ne3A_1410 : i1
        %add3A_1417 = arith.addi %rem3A_1408, %select_n3A_1407 : i32
        %select_n3A_1418 = arith.select %and3A_1416, %add3A_1417, %rem3A_1408 : i32
        %add3A_1419 = arith.addi %mul3A_4, %select_n3A_1418 : i32
        %dma_wait3A_1420 = arith.constant 0 : i32
        %dma_wait3A_1421 = arith.constant 0 : i32
        %dma_wait3A_1422 = arith.constant 0 : i32
        %dma_wait3A_1423 = tpu.memref_slice %arg14[%dma_wait3A_1421, %dma_wait3A_1422] : memref<64x128xf32, #tpu.memory_space<vmem>> -> memref<8x128xf32, #tpu.memory_space<vmem>>
        %dma_wait3A_1424 = arith.constant 0 : i32
        %dma_wait3A_1425 = arith.constant 0 : i32
        %dma_wait3A_1426 = tpu.memref_slice %arg4[%select_n3A_1402, %dma_wait3A_1420, %add3A_1419, %dma_wait3A_1424, %dma_wait3A_1425] : memref<50x8x128x8x128xf32, #tpu.memory_space<hbm>> -> memref<1x1x1x8x128xf32, #tpu.memory_space<hbm>>
        %dma_wait3A_1427 = tpu.memref_squeeze %dma_wait3A_1426 : memref<1x1x1x8x128xf32, #tpu.memory_space<hbm>> -> memref<8x128xf32, #tpu.memory_space<hbm>>
        %dma_wait3A_1428 = arith.constant 0 : i32
        %dma_wait3A_1429 = arith.constant 0 : i32
        %dma_wait3A_1430 = tpu.memref_slice %arg4[%select_n3A_1402, %dma_wait3A_1420, %add3A_1419, %dma_wait3A_1428, %dma_wait3A_1429] : memref<50x8x128x8x128xf32, #tpu.memory_space<hbm>> -> memref<1x1x1x8x128xf32, #tpu.memory_space<hbm>>
        %dma_wait3A_1431 = tpu.memref_squeeze %dma_wait3A_1430 : memref<1x1x1x8x128xf32, #tpu.memory_space<hbm>> -> memref<8x128xf32, #tpu.memory_space<hbm>>
        %dma_wait3A_1432 = arith.constant 0 : i32
        %dma_wait3A_1433 = arith.constant 0 : i32
        %dma_wait3A_1434 = tpu.memref_slice %arg14[%dma_wait3A_1432, %dma_wait3A_1433] : memref<64x128xf32, #tpu.memory_space<vmem>> -> memref<8x128xf32, #tpu.memory_space<vmem>>
        tpu.wait_dma2 semaphore(%arg20 : memref<!tpu.dma_semaphore, #tpu.memory_space<semaphore_mem>>) src(%dma_wait3A_1434 : memref<8x128xf32, #tpu.memory_space<vmem>>) dst(%dma_wait3A_1431 : memref<8x128xf32, #tpu.memory_space<hbm>>)
        %dma_wait3A_1435 = arith.constant 1 : i32
        %dma_wait3A_1436 = arith.constant 8 : i32
        %dma_wait3A_1437 = arith.constant 0 : i32
        %dma_wait3A_1438 = tpu.memref_slice %arg14[%dma_wait3A_1436, %dma_wait3A_1437] : memref<64x128xf32, #tpu.memory_space<vmem>> -> memref<8x128xf32, #tpu.memory_space<vmem>>
        %dma_wait3A_1439 = arith.constant 0 : i32
        %dma_wait3A_1440 = arith.constant 0 : i32
        %dma_wait3A_1441 = tpu.memref_slice %arg4[%select_n3A_1402, %dma_wait3A_1435, %add3A_1419, %dma_wait3A_1439, %dma_wait3A_1440] : memref<50x8x128x8x128xf32, #tpu.memory_space<hbm>> -> memref<1x1x1x8x128xf32, #tpu.memory_space<hbm>>
        %dma_wait3A_1442 = tpu.memref_squeeze %dma_wait3A_1441 : memref<1x1x1x8x128xf32, #tpu.memory_space<hbm>> -> memref<8x128xf32, #tpu.memory_space<hbm>>
        %dma_wait3A_1443 = arith.constant 0 : i32
        %dma_wait3A_1444 = arith.constant 0 : i32
        %dma_wait3A_1445 = tpu.memref_slice %arg4[%select_n3A_1402, %dma_wait3A_1435, %add3A_1419, %dma_wait3A_1443, %dma_wait3A_1444] : memref<50x8x128x8x128xf32, #tpu.memory_space<hbm>> -> memref<1x1x1x8x128xf32, #tpu.memory_space<hbm>>
        %dma_wait3A_1446 = tpu.memref_squeeze %dma_wait3A_1445 : memref<1x1x1x8x128xf32, #tpu.memory_space<hbm>> -> memref<8x128xf32, #tpu.memory_space<hbm>>
        %dma_wait3A_1447 = arith.constant 8 : i32
        %dma_wait3A_1448 = arith.constant 0 : i32
        %dma_wait3A_1449 = tpu.memref_slice %arg14[%dma_wait3A_1447, %dma_wait3A_1448] : memref<64x128xf32, #tpu.memory_space<vmem>> -> memref<8x128xf32, #tpu.memory_space<vmem>>
        tpu.wait_dma2 semaphore(%arg20 : memref<!tpu.dma_semaphore, #tpu.memory_space<semaphore_mem>>) src(%dma_wait3A_1449 : memref<8x128xf32, #tpu.memory_space<vmem>>) dst(%dma_wait3A_1446 : memref<8x128xf32, #tpu.memory_space<hbm>>)
        %dma_wait3A_1450 = arith.constant 2 : i32
        %dma_wait3A_1451 = arith.constant 16 : i32
        %dma_wait3A_1452 = arith.constant 0 : i32
        %dma_wait3A_1453 = tpu.memref_slice %arg14[%dma_wait3A_1451, %dma_wait3A_1452] : memref<64x128xf32, #tpu.memory_space<vmem>> -> memref<8x128xf32, #tpu.memory_space<vmem>>
        %dma_wait3A_1454 = arith.constant 0 : i32
        %dma_wait3A_1455 = arith.constant 0 : i32
        %dma_wait3A_1456 = tpu.memref_slice %arg4[%select_n3A_1402, %dma_wait3A_1450, %add3A_1419, %dma_wait3A_1454, %dma_wait3A_1455] : memref<50x8x128x8x128xf32, #tpu.memory_space<hbm>> -> memref<1x1x1x8x128xf32, #tpu.memory_space<hbm>>
        %dma_wait3A_1457 = tpu.memref_squeeze %dma_wait3A_1456 : memref<1x1x1x8x128xf32, #tpu.memory_space<hbm>> -> memref<8x128xf32, #tpu.memory_space<hbm>>
        %dma_wait3A_1458 = arith.constant 0 : i32
        %dma_wait3A_1459 = arith.constant 0 : i32
        %dma_wait3A_1460 = tpu.memref_slice %arg4[%select_n3A_1402, %dma_wait3A_1450, %add3A_1419, %dma_wait3A_1458, %dma_wait3A_1459] : memref<50x8x128x8x128xf32, #tpu.memory_space<hbm>> -> memref<1x1x1x8x128xf32, #tpu.memory_space<hbm>>
        %dma_wait3A_1461 = tpu.memref_squeeze %dma_wait3A_1460 : memref<1x1x1x8x128xf32, #tpu.memory_space<hbm>> -> memref<8x128xf32, #tpu.memory_space<hbm>>
        %dma_wait3A_1462 = arith.constant 16 : i32
        %dma_wait3A_1463 = arith.constant 0 : i32
        %dma_wait3A_1464 = tpu.memref_slice %arg14[%dma_wait3A_1462, %dma_wait3A_1463] : memref<64x128xf32, #tpu.memory_space<vmem>> -> memref<8x128xf32, #tpu.memory_space<vmem>>
        tpu.wait_dma2 semaphore(%arg20 : memref<!tpu.dma_semaphore, #tpu.memory_space<semaphore_mem>>) src(%dma_wait3A_1464 : memref<8x128xf32, #tpu.memory_space<vmem>>) dst(%dma_wait3A_1461 : memref<8x128xf32, #tpu.memory_space<hbm>>)
        %dma_wait3A_1465 = arith.constant 3 : i32
        %dma_wait3A_1466 = arith.constant 24 : i32
        %dma_wait3A_1467 = arith.constant 0 : i32
        %dma_wait3A_1468 = tpu.memref_slice %arg14[%dma_wait3A_1466, %dma_wait3A_1467] : memref<64x128xf32, #tpu.memory_space<vmem>> -> memref<8x128xf32, #tpu.memory_space<vmem>>
        %dma_wait3A_1469 = arith.constant 0 : i32
        %dma_wait3A_1470 = arith.constant 0 : i32
        %dma_wait3A_1471 = tpu.memref_slice %arg4[%select_n3A_1402, %dma_wait3A_1465, %add3A_1419, %dma_wait3A_1469, %dma_wait3A_1470] : memref<50x8x128x8x128xf32, #tpu.memory_space<hbm>> -> memref<1x1x1x8x128xf32, #tpu.memory_space<hbm>>
        %dma_wait3A_1472 = tpu.memref_squeeze %dma_wait3A_1471 : memref<1x1x1x8x128xf32, #tpu.memory_space<hbm>> -> memref<8x128xf32, #tpu.memory_space<hbm>>
        %dma_wait3A_1473 = arith.constant 0 : i32
        %dma_wait3A_1474 = arith.constant 0 : i32
        %dma_wait3A_1475 = tpu.memref_slice %arg4[%select_n3A_1402, %dma_wait3A_1465, %add3A_1419, %dma_wait3A_1473, %dma_wait3A_1474] : memref<50x8x128x8x128xf32, #tpu.memory_space<hbm>> -> memref<1x1x1x8x128xf32, #tpu.memory_space<hbm>>
        %dma_wait3A_1476 = tpu.memref_squeeze %dma_wait3A_1475 : memref<1x1x1x8x128xf32, #tpu.memory_space<hbm>> -> memref<8x128xf32, #tpu.memory_space<hbm>>
        %dma_wait3A_1477 = arith.constant 24 : i32
        %dma_wait3A_1478 = arith.constant 0 : i32
        %dma_wait3A_1479 = tpu.memref_slice %arg14[%dma_wait3A_1477, %dma_wait3A_1478] : memref<64x128xf32, #tpu.memory_space<vmem>> -> memref<8x128xf32, #tpu.memory_space<vmem>>
        tpu.wait_dma2 semaphore(%arg20 : memref<!tpu.dma_semaphore, #tpu.memory_space<semaphore_mem>>) src(%dma_wait3A_1479 : memref<8x128xf32, #tpu.memory_space<vmem>>) dst(%dma_wait3A_1476 : memref<8x128xf32, #tpu.memory_space<hbm>>)
        %dma_wait3A_1480 = arith.constant 4 : i32
        %dma_wait3A_1481 = arith.constant 32 : i32
        %dma_wait3A_1482 = arith.constant 0 : i32
        %dma_wait3A_1483 = tpu.memref_slice %arg14[%dma_wait3A_1481, %dma_wait3A_1482] : memref<64x128xf32, #tpu.memory_space<vmem>> -> memref<8x128xf32, #tpu.memory_space<vmem>>
        %dma_wait3A_1484 = arith.constant 0 : i32
        %dma_wait3A_1485 = arith.constant 0 : i32
        %dma_wait3A_1486 = tpu.memref_slice %arg4[%select_n3A_1402, %dma_wait3A_1480, %add3A_1419, %dma_wait3A_1484, %dma_wait3A_1485] : memref<50x8x128x8x128xf32, #tpu.memory_space<hbm>> -> memref<1x1x1x8x128xf32, #tpu.memory_space<hbm>>
        %dma_wait3A_1487 = tpu.memref_squeeze %dma_wait3A_1486 : memref<1x1x1x8x128xf32, #tpu.memory_space<hbm>> -> memref<8x128xf32, #tpu.memory_space<hbm>>
        %dma_wait3A_1488 = arith.constant 0 : i32
        %dma_wait3A_1489 = arith.constant 0 : i32
        %dma_wait3A_1490 = tpu.memref_slice %arg4[%select_n3A_1402, %dma_wait3A_1480, %add3A_1419, %dma_wait3A_1488, %dma_wait3A_1489] : memref<50x8x128x8x128xf32, #tpu.memory_space<hbm>> -> memref<1x1x1x8x128xf32, #tpu.memory_space<hbm>>
        %dma_wait3A_1491 = tpu.memref_squeeze %dma_wait3A_1490 : memref<1x1x1x8x128xf32, #tpu.memory_space<hbm>> -> memref<8x128xf32, #tpu.memory_space<hbm>>
        %dma_wait3A_1492 = arith.constant 32 : i32
        %dma_wait3A_1493 = arith.constant 0 : i32
        %dma_wait3A_1494 = tpu.memref_slice %arg14[%dma_wait3A_1492, %dma_wait3A_1493] : memref<64x128xf32, #tpu.memory_space<vmem>> -> memref<8x128xf32, #tpu.memory_space<vmem>>
        tpu.wait_dma2 semaphore(%arg20 : memref<!tpu.dma_semaphore, #tpu.memory_space<semaphore_mem>>) src(%dma_wait3A_1494 : memref<8x128xf32, #tpu.memory_space<vmem>>) dst(%dma_wait3A_1491 : memref<8x128xf32, #tpu.memory_space<hbm>>)
        %dma_wait3A_1495 = arith.constant 5 : i32
        %dma_wait3A_1496 = arith.constant 40 : i32
        %dma_wait3A_1497 = arith.constant 0 : i32
        %dma_wait3A_1498 = tpu.memref_slice %arg14[%dma_wait3A_1496, %dma_wait3A_1497] : memref<64x128xf32, #tpu.memory_space<vmem>> -> memref<8x128xf32, #tpu.memory_space<vmem>>
        %dma_wait3A_1499 = arith.constant 0 : i32
        %dma_wait3A_1500 = arith.constant 0 : i32
        %dma_wait3A_1501 = tpu.memref_slice %arg4[%select_n3A_1402, %dma_wait3A_1495, %add3A_1419, %dma_wait3A_1499, %dma_wait3A_1500] : memref<50x8x128x8x128xf32, #tpu.memory_space<hbm>> -> memref<1x1x1x8x128xf32, #tpu.memory_space<hbm>>
        %dma_wait3A_1502 = tpu.memref_squeeze %dma_wait3A_1501 : memref<1x1x1x8x128xf32, #tpu.memory_space<hbm>> -> memref<8x128xf32, #tpu.memory_space<hbm>>
        %dma_wait3A_1503 = arith.constant 0 : i32
        %dma_wait3A_1504 = arith.constant 0 : i32
        %dma_wait3A_1505 = tpu.memref_slice %arg4[%select_n3A_1402, %dma_wait3A_1495, %add3A_1419, %dma_wait3A_1503, %dma_wait3A_1504] : memref<50x8x128x8x128xf32, #tpu.memory_space<hbm>> -> memref<1x1x1x8x128xf32, #tpu.memory_space<hbm>>
        %dma_wait3A_1506 = tpu.memref_squeeze %dma_wait3A_1505 : memref<1x1x1x8x128xf32, #tpu.memory_space<hbm>> -> memref<8x128xf32, #tpu.memory_space<hbm>>
        %dma_wait3A_1507 = arith.constant 40 : i32
        %dma_wait3A_1508 = arith.constant 0 : i32
        %dma_wait3A_1509 = tpu.memref_slice %arg14[%dma_wait3A_1507, %dma_wait3A_1508] : memref<64x128xf32, #tpu.memory_space<vmem>> -> memref<8x128xf32, #tpu.memory_space<vmem>>
        tpu.wait_dma2 semaphore(%arg20 : memref<!tpu.dma_semaphore, #tpu.memory_space<semaphore_mem>>) src(%dma_wait3A_1509 : memref<8x128xf32, #tpu.memory_space<vmem>>) dst(%dma_wait3A_1506 : memref<8x128xf32, #tpu.memory_space<hbm>>)
        %dma_wait3A_1510 = arith.constant 6 : i32
        %dma_wait3A_1511 = arith.constant 48 : i32
        %dma_wait3A_1512 = arith.constant 0 : i32
        %dma_wait3A_1513 = tpu.memref_slice %arg14[%dma_wait3A_1511, %dma_wait3A_1512] : memref<64x128xf32, #tpu.memory_space<vmem>> -> memref<8x128xf32, #tpu.memory_space<vmem>>
        %dma_wait3A_1514 = arith.constant 0 : i32
        %dma_wait3A_1515 = arith.constant 0 : i32
        %dma_wait3A_1516 = tpu.memref_slice %arg4[%select_n3A_1402, %dma_wait3A_1510, %add3A_1419, %dma_wait3A_1514, %dma_wait3A_1515] : memref<50x8x128x8x128xf32, #tpu.memory_space<hbm>> -> memref<1x1x1x8x128xf32, #tpu.memory_space<hbm>>
        %dma_wait3A_1517 = tpu.memref_squeeze %dma_wait3A_1516 : memref<1x1x1x8x128xf32, #tpu.memory_space<hbm>> -> memref<8x128xf32, #tpu.memory_space<hbm>>
        %dma_wait3A_1518 = arith.constant 0 : i32
        %dma_wait3A_1519 = arith.constant 0 : i32
        %dma_wait3A_1520 = tpu.memref_slice %arg4[%select_n3A_1402, %dma_wait3A_1510, %add3A_1419, %dma_wait3A_1518, %dma_wait3A_1519] : memref<50x8x128x8x128xf32, #tpu.memory_space<hbm>> -> memref<1x1x1x8x128xf32, #tpu.memory_space<hbm>>
        %dma_wait3A_1521 = tpu.memref_squeeze %dma_wait3A_1520 : memref<1x1x1x8x128xf32, #tpu.memory_space<hbm>> -> memref<8x128xf32, #tpu.memory_space<hbm>>
        %dma_wait3A_1522 = arith.constant 48 : i32
        %dma_wait3A_1523 = arith.constant 0 : i32
        %dma_wait3A_1524 = tpu.memref_slice %arg14[%dma_wait3A_1522, %dma_wait3A_1523] : memref<64x128xf32, #tpu.memory_space<vmem>> -> memref<8x128xf32, #tpu.memory_space<vmem>>
        tpu.wait_dma2 semaphore(%arg20 : memref<!tpu.dma_semaphore, #tpu.memory_space<semaphore_mem>>) src(%dma_wait3A_1524 : memref<8x128xf32, #tpu.memory_space<vmem>>) dst(%dma_wait3A_1521 : memref<8x128xf32, #tpu.memory_space<hbm>>)
        %dma_wait3A_1525 = arith.constant 7 : i32
        %dma_wait3A_1526 = arith.constant 56 : i32
        %dma_wait3A_1527 = arith.constant 0 : i32
        %dma_wait3A_1528 = tpu.memref_slice %arg14[%dma_wait3A_1526, %dma_wait3A_1527] : memref<64x128xf32, #tpu.memory_space<vmem>> -> memref<8x128xf32, #tpu.memory_space<vmem>>
        %dma_wait3A_1529 = arith.constant 0 : i32
        %dma_wait3A_1530 = arith.constant 0 : i32
        %dma_wait3A_1531 = tpu.memref_slice %arg4[%select_n3A_1402, %dma_wait3A_1525, %add3A_1419, %dma_wait3A_1529, %dma_wait3A_1530] : memref<50x8x128x8x128xf32, #tpu.memory_space<hbm>> -> memref<1x1x1x8x128xf32, #tpu.memory_space<hbm>>
        %dma_wait3A_1532 = tpu.memref_squeeze %dma_wait3A_1531 : memref<1x1x1x8x128xf32, #tpu.memory_space<hbm>> -> memref<8x128xf32, #tpu.memory_space<hbm>>
        %dma_wait3A_1533 = arith.constant 0 : i32
        %dma_wait3A_1534 = arith.constant 0 : i32
        %dma_wait3A_1535 = tpu.memref_slice %arg4[%select_n3A_1402, %dma_wait3A_1525, %add3A_1419, %dma_wait3A_1533, %dma_wait3A_1534] : memref<50x8x128x8x128xf32, #tpu.memory_space<hbm>> -> memref<1x1x1x8x128xf32, #tpu.memory_space<hbm>>
        %dma_wait3A_1536 = tpu.memref_squeeze %dma_wait3A_1535 : memref<1x1x1x8x128xf32, #tpu.memory_space<hbm>> -> memref<8x128xf32, #tpu.memory_space<hbm>>
        %dma_wait3A_1537 = arith.constant 56 : i32
        %dma_wait3A_1538 = arith.constant 0 : i32
        %dma_wait3A_1539 = tpu.memref_slice %arg14[%dma_wait3A_1537, %dma_wait3A_1538] : memref<64x128xf32, #tpu.memory_space<vmem>> -> memref<8x128xf32, #tpu.memory_space<vmem>>
        tpu.wait_dma2 semaphore(%arg20 : memref<!tpu.dma_semaphore, #tpu.memory_space<semaphore_mem>>) src(%dma_wait3A_1539 : memref<8x128xf32, #tpu.memory_space<vmem>>) dst(%dma_wait3A_1536 : memref<8x128xf32, #tpu.memory_space<hbm>>)
      } else {
      }
      %scan3A_1025 = arith.constant 0 : i32
      %scan3A_1026 = arith.constant 0 : i32
      %scan3A_1027 = arith.constant 8 : i32
      %scan3A_1028 = arith.addi %scan3A_1026, %scan3A_1027 : i32
      %scan3A_1029 = arith.constant 1 : i32
      scf.for %scan3A_1379 = %scan3A_1026 to %scan3A_1028 step %scan3A_1029  : i32 {
        %mul3A_1380 = arith.constant 16 : i32
        %mul3A_1381 = arith.muli %scan3A_1379, %mul3A_1380 : i32
        %broadcast_in_dim3A_1382 = vector.broadcast %mul3A_1381 : i32 to vector<16xi32>
        %add3A_1383 = arith.addi %iota3A, %broadcast_in_dim3A_1382 : vector<16xi32>
        %broadcast_in_dim3A_1384 = arith.constant 0.000000e+00 : f32
        %broadcast_in_dim3A_1385 = vector.broadcast %broadcast_in_dim3A_1384 : f32 to vector<16xf32>
        %parallel_loop3A = arith.constant 0 : i32
        %parallel_loop3A_1386 = arith.constant 16 : i32
        %parallel_loop3A_1387 = arith.constant 1 : i32
        %parallel_loop3A_1388:4 = scf.for %parallel_loop3A_1446 = %parallel_loop3A to %parallel_loop3A_1386 step %parallel_loop3A_1387 iter_args(%parallel_loop3A_1447 = %broadcast_in_dim3A_1385, %parallel_loop3A_1448 = %broadcast_in_dim3A_1385, %parallel_loop3A_1449 = %broadcast_in_dim3A_1385, %parallel_loop3A_1450 = %broadcast_in_dim3A_1385) -> (vector<16xf32>, vector<16xf32>, vector<16xf32>, vector<16xf32>)  : i32 {
          %parallel_loop3A_1451 = vector.broadcast %parallel_loop3A_1446 : i32 to vector<16xi32>
          %parallel_loop3A_1452 = arith.addi %iota3A, %parallel_loop3A_1451 : vector<16xi32>
          %parallel_loop3A_1453 = arith.constant 15 : i32
          %parallel_loop3A_1454 = vector.broadcast %parallel_loop3A_1453 : i32 to vector<16xi32>
          %parallel_loop3A_1455 = arith.andi %parallel_loop3A_1452, %parallel_loop3A_1454 : vector<16xi32>
          %parallel_loop3A_1456 = arith.constant 0 : i32
          %parallel_loop3A_1457 = vector.broadcast %parallel_loop3A_1456 : i32 to vector<16xi32>
          %parallel_loop3A_1458 = arith.addi %parallel_loop3A_1455, %parallel_loop3A_1457 : vector<16xi32>
          %parallel_loop3A_1459 = tpu.vector_load_idx %arg12[%add3A_1383, %parallel_loop3A_1458] : memref<128x64xf32, #tpu.memory_space<vmem>>[vector<16xi32>, vector<16xi32>], vector<16xf32>,
          %parallel_loop3A_1460 = arith.mulf %parallel_loop3A_1459, %parallel_loop3A_1459 : vector<16xf32>
          %parallel_loop3A_1461 = arith.addf %parallel_loop3A_1447, %parallel_loop3A_1460 : vector<16xf32>
          tpu.vector_store_idx %arg14[%parallel_loop3A_1458, %add3A_1383], %parallel_loop3A_1459 : memref<64x128xf32, #tpu.memory_space<vmem>>[vector<16xi32>, vector<16xi32>], vector<16xf32>,
          %parallel_loop3A_1462 = arith.constant 16 : i32
          %parallel_loop3A_1463 = vector.broadcast %parallel_loop3A_1462 : i32 to vector<16xi32>
          %parallel_loop3A_1464 = arith.addi %parallel_loop3A_1455, %parallel_loop3A_1463 : vector<16xi32>
          %parallel_loop3A_1465 = tpu.vector_load_idx %arg12[%add3A_1383, %parallel_loop3A_1464] : memref<128x64xf32, #tpu.memory_space<vmem>>[vector<16xi32>, vector<16xi32>], vector<16xf32>,
          %parallel_loop3A_1466 = arith.mulf %parallel_loop3A_1465, %parallel_loop3A_1465 : vector<16xf32>
          %parallel_loop3A_1467 = arith.addf %parallel_loop3A_1448, %parallel_loop3A_1466 : vector<16xf32>
          tpu.vector_store_idx %arg14[%parallel_loop3A_1464, %add3A_1383], %parallel_loop3A_1465 : memref<64x128xf32, #tpu.memory_space<vmem>>[vector<16xi32>, vector<16xi32>], vector<16xf32>,
          %parallel_loop3A_1468 = arith.constant 32 : i32
          %parallel_loop3A_1469 = vector.broadcast %parallel_loop3A_1468 : i32 to vector<16xi32>
          %parallel_loop3A_1470 = arith.addi %parallel_loop3A_1455, %parallel_loop3A_1469 : vector<16xi32>
          %parallel_loop3A_1471 = tpu.vector_load_idx %arg12[%add3A_1383, %parallel_loop3A_1470] : memref<128x64xf32, #tpu.memory_space<vmem>>[vector<16xi32>, vector<16xi32>], vector<16xf32>,
          %parallel_loop3A_1472 = arith.mulf %parallel_loop3A_1471, %parallel_loop3A_1471 : vector<16xf32>
          %parallel_loop3A_1473 = arith.addf %parallel_loop3A_1449, %parallel_loop3A_1472 : vector<16xf32>
          tpu.vector_store_idx %arg14[%parallel_loop3A_1470, %add3A_1383], %parallel_loop3A_1471 : memref<64x128xf32, #tpu.memory_space<vmem>>[vector<16xi32>, vector<16xi32>], vector<16xf32>,
          %parallel_loop3A_1474 = arith.constant 48 : i32
          %parallel_loop3A_1475 = vector.broadcast %parallel_loop3A_1474 : i32 to vector<16xi32>
          %parallel_loop3A_1476 = arith.addi %parallel_loop3A_1455, %parallel_loop3A_1475 : vector<16xi32>
          %parallel_loop3A_1477 = tpu.vector_load_idx %arg12[%add3A_1383, %parallel_loop3A_1476] : memref<128x64xf32, #tpu.memory_space<vmem>>[vector<16xi32>, vector<16xi32>], vector<16xf32>,
          %parallel_loop3A_1478 = arith.mulf %parallel_loop3A_1477, %parallel_loop3A_1477 : vector<16xf32>
          %parallel_loop3A_1479 = arith.addf %parallel_loop3A_1450, %parallel_loop3A_1478 : vector<16xf32>
          tpu.vector_store_idx %arg14[%parallel_loop3A_1476, %add3A_1383], %parallel_loop3A_1477 : memref<64x128xf32, #tpu.memory_space<vmem>>[vector<16xi32>, vector<16xi32>], vector<16xf32>,
          scf.yield %parallel_loop3A_1461, %parallel_loop3A_1467, %parallel_loop3A_1473, %parallel_loop3A_1479 : vector<16xf32>, vector<16xf32>, vector<16xf32>, vector<16xf32>
        } {sc.loop_unroll_factor = 4 : i64, sc.parallel_access}
        %add3A_1389 = arith.addf %parallel_loop3A_1388#0, %parallel_loop3A_1388#1 : vector<16xf32>
        %add3A_1390 = arith.addf %parallel_loop3A_1388#2, %parallel_loop3A_1388#3 : vector<16xf32>
        %add3A_1391 = arith.addf %add3A_1389, %add3A_1390 : vector<16xf32>
        %bitcast3A = vector.bitcast %add3A_1391 : vector<16xf32> to vector<16xi32>
        %shift_right_arithmetic3A = arith.constant 1 : i32
        %shift_right_arithmetic3A_1392 = vector.broadcast %shift_right_arithmetic3A : i32 to vector<16xi32>
        %shift_right_arithmetic3A_1393 = arith.shrsi %bitcast3A, %shift_right_arithmetic3A_1392 : vector<16xi32>
        %sub3A_1394 = arith.constant 1597463007 : i32
        %sub3A_1395 = vector.broadcast %sub3A_1394 : i32 to vector<16xi32>
        %sub3A_1396 = arith.subi %sub3A_1395, %shift_right_arithmetic3A_1393 : vector<16xi32>
        %bitcast3A_1397 = vector.bitcast %sub3A_1396 : vector<16xi32> to vector<16xf32>
        %mul3A_1398 = arith.constant 5.000000e-01 : f32
        %mul3A_1399 = vector.broadcast %mul3A_1398 : f32 to vector<16xf32>
        %mul3A_1400 = arith.mulf %mul3A_1399, %add3A_1391 : vector<16xf32>
        %mul3A_1401 = arith.mulf %mul3A_1400, %bitcast3A_1397 : vector<16xf32>
        %mul3A_1402 = arith.mulf %mul3A_1401, %bitcast3A_1397 : vector<16xf32>
        %sub3A_1403 = arith.constant 1.500000e+00 : f32
        %sub3A_1404 = vector.broadcast %sub3A_1403 : f32 to vector<16xf32>
        %sub3A_1405 = arith.subf %sub3A_1404, %mul3A_1402 : vector<16xf32>
        %mul3A_1406 = arith.mulf %bitcast3A_1397, %sub3A_1405 : vector<16xf32>
        %mul3A_1407 = arith.constant 5.000000e-01 : f32
        %mul3A_1408 = vector.broadcast %mul3A_1407 : f32 to vector<16xf32>
        %mul3A_1409 = arith.mulf %mul3A_1408, %add3A_1391 : vector<16xf32>
        %mul3A_1410 = arith.mulf %mul3A_1409, %mul3A_1406 : vector<16xf32>
        %mul3A_1411 = arith.mulf %mul3A_1410, %mul3A_1406 : vector<16xf32>
        %sub3A_1412 = arith.constant 1.500000e+00 : f32
        %sub3A_1413 = vector.broadcast %sub3A_1412 : f32 to vector<16xf32>
        %sub3A_1414 = arith.subf %sub3A_1413, %mul3A_1411 : vector<16xf32>
        %mul3A_1415 = arith.mulf %mul3A_1406, %sub3A_1414 : vector<16xf32>
        %mul3A_1416 = arith.constant 5.000000e-01 : f32
        %mul3A_1417 = vector.broadcast %mul3A_1416 : f32 to vector<16xf32>
        %mul3A_1418 = arith.mulf %mul3A_1417, %add3A_1391 : vector<16xf32>
        %mul3A_1419 = arith.mulf %mul3A_1418, %mul3A_1415 : vector<16xf32>
        %mul3A_1420 = arith.mulf %mul3A_1419, %mul3A_1415 : vector<16xf32>
        %sub3A_1421 = arith.constant 1.500000e+00 : f32
        %sub3A_1422 = vector.broadcast %sub3A_1421 : f32 to vector<16xf32>
        %sub3A_1423 = arith.subf %sub3A_1422, %mul3A_1420 : vector<16xf32>
        %mul3A_1424 = arith.mulf %mul3A_1415, %sub3A_1423 : vector<16xf32>
        %mul3A_1425 = arith.mulf %add3A_1391, %mul3A_1424 : vector<16xf32>
        %broadcast_in_dim3A_1426 = arith.constant 1.000000e+00 : f32
        %broadcast_in_dim3A_1427 = vector.broadcast %broadcast_in_dim3A_1426 : f32 to vector<16xf32>
        %le3A = arith.constant 0.780776381 : f32
        %le3A_1428 = vector.broadcast %le3A : f32 to vector<16xf32>
        %le3A_1429 = arith.cmpf ole, %mul3A_1425, %le3A_1428 : vector<16xf32>
        %mul3A_1430 = arith.constant 0.780776381 : f32
        %mul3A_1431 = vector.broadcast %mul3A_1430 : f32 to vector<16xf32>
        %mul3A_1432 = arith.mulf %mul3A_1431, %mul3A_1424 : vector<16xf32>
        %ge3A_1433 = arith.constant 1.000000e+00 : f32
        %ge3A_1434 = vector.broadcast %ge3A_1433 : f32 to vector<16xf32>
        %ge3A_1435 = arith.cmpf oge, %mul3A_1425, %ge3A_1434 : vector<16xf32>
        %sub3A_1436 = arith.constant 1.000000e+00 : f32
        %sub3A_1437 = arith.constant 9.99999974E-6 : f32
        %sub3A_1438 = arith.subf %sub3A_1436, %sub3A_1437 : f32
        %mul3A_1439 = vector.broadcast %sub3A_1438 : f32 to vector<16xf32>
        %mul3A_1440 = arith.mulf %mul3A_1439, %mul3A_1424 : vector<16xf32>
        %select_n3A_1441 = arith.select %ge3A_1435, %mul3A_1440, %broadcast_in_dim3A_1427 : vector<16xi1>, vector<16xf32>
        %select_n3A_1442 = arith.select %le3A_1429, %mul3A_1432, %select_n3A_1441 : vector<16xi1>, vector<16xf32>
        %parallel_loop3A_1443 = arith.constant 0 : i32
        %parallel_loop3A_1444 = arith.constant 64 : i32
        %parallel_loop3A_1445 = arith.constant 1 : i32
        scf.for %parallel_loop3A_1446 = %parallel_loop3A_1443 to %parallel_loop3A_1444 step %parallel_loop3A_1445  : i32 {
          %parallel_loop3A_1447 = arith.index_cast %parallel_loop3A_1446 : i32 to index
          %parallel_loop3A_1448 = arith.index_cast %mul3A_1381 : i32 to index
          %parallel_loop3A_1449 = tpu.vector_load %arg14[%parallel_loop3A_1447, %parallel_loop3A_1448] {strides = array<i32>} : memref<64x128xf32, #tpu.memory_space<vmem>>, vector<16xf32>,
          %parallel_loop3A_1450 = arith.constant 1.000000e-15 : f32
          %parallel_loop3A_1451 = vector.broadcast %parallel_loop3A_1450 : f32 to vector<16xf32>
          %parallel_loop3A_1452 = arith.addf %parallel_loop3A_1449, %parallel_loop3A_1451 : vector<16xf32>
          %parallel_loop3A_1453 = arith.mulf %parallel_loop3A_1452, %select_n3A_1442 : vector<16xf32>
          %parallel_loop3A_1454 = arith.index_cast %parallel_loop3A_1446 : i32 to index
          %parallel_loop3A_1455 = arith.index_cast %mul3A_1381 : i32 to index
          %parallel_loop3A_1456 = tpu.vector_load %arg14[%parallel_loop3A_1454, %parallel_loop3A_1455] {strides = array<i32>} : memref<64x128xf32, #tpu.memory_space<vmem>>, vector<16xf32>,
          tpu.vector_store %arg14[%parallel_loop3A_1454, %parallel_loop3A_1455], %parallel_loop3A_1453 {strides = array<i32>} : memref<64x128xf32, #tpu.memory_space<vmem>>, vector<16xf32>,
        } {sc.loop_unroll_factor = 8 : i64, sc.parallel_access}
      }
      %scan3A_1030 = arith.constant 8 : i32
      %jit3A_1031 = arith.constant 4 : i32
      %div3A_1032 = arith.divsi %add3A_1016, %jit3A_1031 : i32
      %sign3A_1033 = arith.constant 0 : i32
      %sign3A_1034 = arith.cmpi sgt, %add3A_1016, %sign3A_1033 : i32
      %sign3A_1035 = arith.extui %sign3A_1034 : i1 to i32
      %sign3A_1036 = arith.constant 0 : i32
      %sign3A_1037 = arith.cmpi slt, %add3A_1016, %sign3A_1036 : i32
      %sign3A_1038 = arith.extui %sign3A_1037 : i1 to i32
      %sign3A_1039 = arith.subi %sign3A_1035, %sign3A_1038 : i32
      %sign3A_1040 = arith.constant 0 : i32
      %sign3A_1041 = arith.cmpi sgt, %jit3A_1031, %sign3A_1040 : i32
      %sign3A_1042 = arith.extui %sign3A_1041 : i1 to i32
      %sign3A_1043 = arith.constant 0 : i32
      %sign3A_1044 = arith.cmpi slt, %jit3A_1031, %sign3A_1043 : i32
      %sign3A_1045 = arith.extui %sign3A_1044 : i1 to i32
      %sign3A_1046 = arith.subi %sign3A_1042, %sign3A_1045 : i32
      %ne3A_1047 = arith.cmpi ne, %sign3A_1039, %sign3A_1046 : i32
      %rem3A_1048 = arith.remsi %add3A_1016, %jit3A_1031 : i32
      %ne3A_1049 = arith.constant 0 : i32
      %ne3A_1050 = arith.cmpi ne, %rem3A_1048, %ne3A_1049 : i32
      %and3A_1051 = arith.andi %ne3A_1047, %ne3A_1050 : i1
      %sub3A_1052 = arith.constant 1 : i32
      %sub3A_1053 = arith.subi %div3A_1032, %sub3A_1052 : i32
      %select_n3A_1054 = arith.select %and3A_1051, %sub3A_1053, %div3A_1032 : i32
      %jit3A_1055 = arith.constant 4 : i32
      %eq3A_1056 = arith.constant 0 : i32
      %eq3A_1057 = arith.cmpi eq, %jit3A_1055, %eq3A_1056 : i32
      %jit3A_1058 = arith.constant 1 : i32
      %select_n3A_1059 = arith.select %eq3A_1057, %jit3A_1058, %jit3A_1055 : i32
      %rem3A_1060 = arith.remsi %add3A_1016, %select_n3A_1059 : i32
      %ne3A_1061 = arith.constant 0 : i32
      %ne3A_1062 = arith.cmpi ne, %rem3A_1060, %ne3A_1061 : i32
      %lt3A_1063 = arith.constant 0 : i32
      %lt3A_1064 = arith.cmpi slt, %rem3A_1060, %lt3A_1063 : i32
      %lt3A_1065 = arith.constant 0 : i32
      %lt3A_1066 = arith.cmpi slt, %select_n3A_1059, %lt3A_1065 : i32
      %ne3A_1067 = arith.xori %lt3A_1064, %lt3A_1066 : i1
      %and3A_1068 = arith.andi %ne3A_1067, %ne3A_1062 : i1
      %add3A_1069 = arith.addi %rem3A_1060, %select_n3A_1059 : i32
      %select_n3A_1070 = arith.select %and3A_1068, %add3A_1069, %rem3A_1060 : i32
      %add3A_1071 = arith.addi %mul3A_4, %select_n3A_1070 : i32
      %dma_start3A_1072 = arith.constant 0 : i32
      %dma_start3A_1073 = arith.constant 0 : i32
      %dma_start3A_1074 = arith.constant 0 : i32
      %dma_start3A_1075 = tpu.memref_slice %arg14[%dma_start3A_1073, %dma_start3A_1074] : memref<64x128xf32, #tpu.memory_space<vmem>> -> memref<8x128xf32, #tpu.memory_space<vmem>>
      %dma_start3A_1076 = arith.constant 0 : i32
      %dma_start3A_1077 = arith.constant 0 : i32
      %dma_start3A_1078 = tpu.memref_slice %arg4[%select_n3A_1054, %dma_start3A_1072, %add3A_1071, %dma_start3A_1076, %dma_start3A_1077] : memref<50x8x128x8x128xf32, #tpu.memory_space<hbm>> -> memref<1x1x1x8x128xf32, #tpu.memory_space<hbm>>
      %dma_start3A_1079 = tpu.memref_squeeze %dma_start3A_1078 : memref<1x1x1x8x128xf32, #tpu.memory_space<hbm>> -> memref<8x128xf32, #tpu.memory_space<hbm>>
      %dma_start3A_1080 = arith.constant 0 : i32
      %dma_start3A_1081 = arith.constant 0 : i32
      %dma_start3A_1082 = tpu.memref_slice %arg4[%select_n3A_1054, %dma_start3A_1072, %add3A_1071, %dma_start3A_1080, %dma_start3A_1081] : memref<50x8x128x8x128xf32, #tpu.memory_space<hbm>> -> memref<1x1x1x8x128xf32, #tpu.memory_space<hbm>>
      %dma_start3A_1083 = tpu.memref_squeeze %dma_start3A_1082 : memref<1x1x1x8x128xf32, #tpu.memory_space<hbm>> -> memref<8x128xf32, #tpu.memory_space<hbm>>
      %dma_start3A_1084 = arith.constant 0 : i32
      %dma_start3A_1085 = arith.constant 0 : i32
      %dma_start3A_1086 = tpu.memref_slice %arg14[%dma_start3A_1084, %dma_start3A_1085] : memref<64x128xf32, #tpu.memory_space<vmem>> -> memref<8x128xf32, #tpu.memory_space<vmem>>
      tpu.enqueue_dma source(%dma_start3A_1086 : memref<8x128xf32, #tpu.memory_space<vmem>>) target(%dma_start3A_1083 : memref<8x128xf32, #tpu.memory_space<hbm>>) target_semaphore(%arg20 : memref<!tpu.dma_semaphore, #tpu.memory_space<semaphore_mem>>)
      %dma_start3A_1087 = arith.constant 1 : i32
      %dma_start3A_1088 = arith.constant 8 : i32
      %dma_start3A_1089 = arith.constant 0 : i32
      %dma_start3A_1090 = tpu.memref_slice %arg14[%dma_start3A_1088, %dma_start3A_1089] : memref<64x128xf32, #tpu.memory_space<vmem>> -> memref<8x128xf32, #tpu.memory_space<vmem>>
      %dma_start3A_1091 = arith.constant 0 : i32
      %dma_start3A_1092 = arith.constant 0 : i32
      %dma_start3A_1093 = tpu.memref_slice %arg4[%select_n3A_1054, %dma_start3A_1087, %add3A_1071, %dma_start3A_1091, %dma_start3A_1092] : memref<50x8x128x8x128xf32, #tpu.memory_space<hbm>> -> memref<1x1x1x8x128xf32, #tpu.memory_space<hbm>>
      %dma_start3A_1094 = tpu.memref_squeeze %dma_start3A_1093 : memref<1x1x1x8x128xf32, #tpu.memory_space<hbm>> -> memref<8x128xf32, #tpu.memory_space<hbm>>
      %dma_start3A_1095 = arith.constant 0 : i32
      %dma_start3A_1096 = arith.constant 0 : i32
      %dma_start3A_1097 = tpu.memref_slice %arg4[%select_n3A_1054, %dma_start3A_1087, %add3A_1071, %dma_start3A_1095, %dma_start3A_1096] : memref<50x8x128x8x128xf32, #tpu.memory_space<hbm>> -> memref<1x1x1x8x128xf32, #tpu.memory_space<hbm>>
      %dma_start3A_1098 = tpu.memref_squeeze %dma_start3A_1097 : memref<1x1x1x8x128xf32, #tpu.memory_space<hbm>> -> memref<8x128xf32, #tpu.memory_space<hbm>>
      %dma_start3A_1099 = arith.constant 8 : i32
      %dma_start3A_1100 = arith.constant 0 : i32
      %dma_start3A_1101 = tpu.memref_slice %arg14[%dma_start3A_1099, %dma_start3A_1100] : memref<64x128xf32, #tpu.memory_space<vmem>> -> memref<8x128xf32, #tpu.memory_space<vmem>>
      tpu.enqueue_dma source(%dma_start3A_1101 : memref<8x128xf32, #tpu.memory_space<vmem>>) target(%dma_start3A_1098 : memref<8x128xf32, #tpu.memory_space<hbm>>) target_semaphore(%arg20 : memref<!tpu.dma_semaphore, #tpu.memory_space<semaphore_mem>>)
      %dma_start3A_1102 = arith.constant 2 : i32
      %dma_start3A_1103 = arith.constant 16 : i32
      %dma_start3A_1104 = arith.constant 0 : i32
      %dma_start3A_1105 = tpu.memref_slice %arg14[%dma_start3A_1103, %dma_start3A_1104] : memref<64x128xf32, #tpu.memory_space<vmem>> -> memref<8x128xf32, #tpu.memory_space<vmem>>
      %dma_start3A_1106 = arith.constant 0 : i32
      %dma_start3A_1107 = arith.constant 0 : i32
      %dma_start3A_1108 = tpu.memref_slice %arg4[%select_n3A_1054, %dma_start3A_1102, %add3A_1071, %dma_start3A_1106, %dma_start3A_1107] : memref<50x8x128x8x128xf32, #tpu.memory_space<hbm>> -> memref<1x1x1x8x128xf32, #tpu.memory_space<hbm>>
      %dma_start3A_1109 = tpu.memref_squeeze %dma_start3A_1108 : memref<1x1x1x8x128xf32, #tpu.memory_space<hbm>> -> memref<8x128xf32, #tpu.memory_space<hbm>>
      %dma_start3A_1110 = arith.constant 0 : i32
      %dma_start3A_1111 = arith.constant 0 : i32
      %dma_start3A_1112 = tpu.memref_slice %arg4[%select_n3A_1054, %dma_start3A_1102, %add3A_1071, %dma_start3A_1110, %dma_start3A_1111] : memref<50x8x128x8x128xf32, #tpu.memory_space<hbm>> -> memref<1x1x1x8x128xf32, #tpu.memory_space<hbm>>
      %dma_start3A_1113 = tpu.memref_squeeze %dma_start3A_1112 : memref<1x1x1x8x128xf32, #tpu.memory_space<hbm>> -> memref<8x128xf32, #tpu.memory_space<hbm>>
      %dma_start3A_1114 = arith.constant 16 : i32
      %dma_start3A_1115 = arith.constant 0 : i32
      %dma_start3A_1116 = tpu.memref_slice %arg14[%dma_start3A_1114, %dma_start3A_1115] : memref<64x128xf32, #tpu.memory_space<vmem>> -> memref<8x128xf32, #tpu.memory_space<vmem>>
      tpu.enqueue_dma source(%dma_start3A_1116 : memref<8x128xf32, #tpu.memory_space<vmem>>) target(%dma_start3A_1113 : memref<8x128xf32, #tpu.memory_space<hbm>>) target_semaphore(%arg20 : memref<!tpu.dma_semaphore, #tpu.memory_space<semaphore_mem>>)
      %dma_start3A_1117 = arith.constant 3 : i32
      %dma_start3A_1118 = arith.constant 24 : i32
      %dma_start3A_1119 = arith.constant 0 : i32
      %dma_start3A_1120 = tpu.memref_slice %arg14[%dma_start3A_1118, %dma_start3A_1119] : memref<64x128xf32, #tpu.memory_space<vmem>> -> memref<8x128xf32, #tpu.memory_space<vmem>>
      %dma_start3A_1121 = arith.constant 0 : i32
      %dma_start3A_1122 = arith.constant 0 : i32
      %dma_start3A_1123 = tpu.memref_slice %arg4[%select_n3A_1054, %dma_start3A_1117, %add3A_1071, %dma_start3A_1121, %dma_start3A_1122] : memref<50x8x128x8x128xf32, #tpu.memory_space<hbm>> -> memref<1x1x1x8x128xf32, #tpu.memory_space<hbm>>
      %dma_start3A_1124 = tpu.memref_squeeze %dma_start3A_1123 : memref<1x1x1x8x128xf32, #tpu.memory_space<hbm>> -> memref<8x128xf32, #tpu.memory_space<hbm>>
      %dma_start3A_1125 = arith.constant 0 : i32
      %dma_start3A_1126 = arith.constant 0 : i32
      %dma_start3A_1127 = tpu.memref_slice %arg4[%select_n3A_1054, %dma_start3A_1117, %add3A_1071, %dma_start3A_1125, %dma_start3A_1126] : memref<50x8x128x8x128xf32, #tpu.memory_space<hbm>> -> memref<1x1x1x8x128xf32, #tpu.memory_space<hbm>>
      %dma_start3A_1128 = tpu.memref_squeeze %dma_start3A_1127 : memref<1x1x1x8x128xf32, #tpu.memory_space<hbm>> -> memref<8x128xf32, #tpu.memory_space<hbm>>
      %dma_start3A_1129 = arith.constant 24 : i32
      %dma_start3A_1130 = arith.constant 0 : i32
      %dma_start3A_1131 = tpu.memref_slice %arg14[%dma_start3A_1129, %dma_start3A_1130] : memref<64x128xf32, #tpu.memory_space<vmem>> -> memref<8x128xf32, #tpu.memory_space<vmem>>
      tpu.enqueue_dma source(%dma_start3A_1131 : memref<8x128xf32, #tpu.memory_space<vmem>>) target(%dma_start3A_1128 : memref<8x128xf32, #tpu.memory_space<hbm>>) target_semaphore(%arg20 : memref<!tpu.dma_semaphore, #tpu.memory_space<semaphore_mem>>)
      %dma_start3A_1132 = arith.constant 4 : i32
      %dma_start3A_1133 = arith.constant 32 : i32
      %dma_start3A_1134 = arith.constant 0 : i32
      %dma_start3A_1135 = tpu.memref_slice %arg14[%dma_start3A_1133, %dma_start3A_1134] : memref<64x128xf32, #tpu.memory_space<vmem>> -> memref<8x128xf32, #tpu.memory_space<vmem>>
      %dma_start3A_1136 = arith.constant 0 : i32
      %dma_start3A_1137 = arith.constant 0 : i32
      %dma_start3A_1138 = tpu.memref_slice %arg4[%select_n3A_1054, %dma_start3A_1132, %add3A_1071, %dma_start3A_1136, %dma_start3A_1137] : memref<50x8x128x8x128xf32, #tpu.memory_space<hbm>> -> memref<1x1x1x8x128xf32, #tpu.memory_space<hbm>>
      %dma_start3A_1139 = tpu.memref_squeeze %dma_start3A_1138 : memref<1x1x1x8x128xf32, #tpu.memory_space<hbm>> -> memref<8x128xf32, #tpu.memory_space<hbm>>
      %dma_start3A_1140 = arith.constant 0 : i32
      %dma_start3A_1141 = arith.constant 0 : i32
      %dma_start3A_1142 = tpu.memref_slice %arg4[%select_n3A_1054, %dma_start3A_1132, %add3A_1071, %dma_start3A_1140, %dma_start3A_1141] : memref<50x8x128x8x128xf32, #tpu.memory_space<hbm>> -> memref<1x1x1x8x128xf32, #tpu.memory_space<hbm>>
      %dma_start3A_1143 = tpu.memref_squeeze %dma_start3A_1142 : memref<1x1x1x8x128xf32, #tpu.memory_space<hbm>> -> memref<8x128xf32, #tpu.memory_space<hbm>>
      %dma_start3A_1144 = arith.constant 32 : i32
      %dma_start3A_1145 = arith.constant 0 : i32
      %dma_start3A_1146 = tpu.memref_slice %arg14[%dma_start3A_1144, %dma_start3A_1145] : memref<64x128xf32, #tpu.memory_space<vmem>> -> memref<8x128xf32, #tpu.memory_space<vmem>>
      tpu.enqueue_dma source(%dma_start3A_1146 : memref<8x128xf32, #tpu.memory_space<vmem>>) target(%dma_start3A_1143 : memref<8x128xf32, #tpu.memory_space<hbm>>) target_semaphore(%arg20 : memref<!tpu.dma_semaphore, #tpu.memory_space<semaphore_mem>>)
      %dma_start3A_1147 = arith.constant 5 : i32
      %dma_start3A_1148 = arith.constant 40 : i32
      %dma_start3A_1149 = arith.constant 0 : i32
      %dma_start3A_1150 = tpu.memref_slice %arg14[%dma_start3A_1148, %dma_start3A_1149] : memref<64x128xf32, #tpu.memory_space<vmem>> -> memref<8x128xf32, #tpu.memory_space<vmem>>
      %dma_start3A_1151 = arith.constant 0 : i32
      %dma_start3A_1152 = arith.constant 0 : i32
      %dma_start3A_1153 = tpu.memref_slice %arg4[%select_n3A_1054, %dma_start3A_1147, %add3A_1071, %dma_start3A_1151, %dma_start3A_1152] : memref<50x8x128x8x128xf32, #tpu.memory_space<hbm>> -> memref<1x1x1x8x128xf32, #tpu.memory_space<hbm>>
      %dma_start3A_1154 = tpu.memref_squeeze %dma_start3A_1153 : memref<1x1x1x8x128xf32, #tpu.memory_space<hbm>> -> memref<8x128xf32, #tpu.memory_space<hbm>>
      %dma_start3A_1155 = arith.constant 0 : i32
      %dma_start3A_1156 = arith.constant 0 : i32
      %dma_start3A_1157 = tpu.memref_slice %arg4[%select_n3A_1054, %dma_start3A_1147, %add3A_1071, %dma_start3A_1155, %dma_start3A_1156] : memref<50x8x128x8x128xf32, #tpu.memory_space<hbm>> -> memref<1x1x1x8x128xf32, #tpu.memory_space<hbm>>
      %dma_start3A_1158 = tpu.memref_squeeze %dma_start3A_1157 : memref<1x1x1x8x128xf32, #tpu.memory_space<hbm>> -> memref<8x128xf32, #tpu.memory_space<hbm>>
      %dma_start3A_1159 = arith.constant 40 : i32
      %dma_start3A_1160 = arith.constant 0 : i32
      %dma_start3A_1161 = tpu.memref_slice %arg14[%dma_start3A_1159, %dma_start3A_1160] : memref<64x128xf32, #tpu.memory_space<vmem>> -> memref<8x128xf32, #tpu.memory_space<vmem>>
      tpu.enqueue_dma source(%dma_start3A_1161 : memref<8x128xf32, #tpu.memory_space<vmem>>) target(%dma_start3A_1158 : memref<8x128xf32, #tpu.memory_space<hbm>>) target_semaphore(%arg20 : memref<!tpu.dma_semaphore, #tpu.memory_space<semaphore_mem>>)
      %dma_start3A_1162 = arith.constant 6 : i32
      %dma_start3A_1163 = arith.constant 48 : i32
      %dma_start3A_1164 = arith.constant 0 : i32
      %dma_start3A_1165 = tpu.memref_slice %arg14[%dma_start3A_1163, %dma_start3A_1164] : memref<64x128xf32, #tpu.memory_space<vmem>> -> memref<8x128xf32, #tpu.memory_space<vmem>>
      %dma_start3A_1166 = arith.constant 0 : i32
      %dma_start3A_1167 = arith.constant 0 : i32
      %dma_start3A_1168 = tpu.memref_slice %arg4[%select_n3A_1054, %dma_start3A_1162, %add3A_1071, %dma_start3A_1166, %dma_start3A_1167] : memref<50x8x128x8x128xf32, #tpu.memory_space<hbm>> -> memref<1x1x1x8x128xf32, #tpu.memory_space<hbm>>
      %dma_start3A_1169 = tpu.memref_squeeze %dma_start3A_1168 : memref<1x1x1x8x128xf32, #tpu.memory_space<hbm>> -> memref<8x128xf32, #tpu.memory_space<hbm>>
      %dma_start3A_1170 = arith.constant 0 : i32
      %dma_start3A_1171 = arith.constant 0 : i32
      %dma_start3A_1172 = tpu.memref_slice %arg4[%select_n3A_1054, %dma_start3A_1162, %add3A_1071, %dma_start3A_1170, %dma_start3A_1171] : memref<50x8x128x8x128xf32, #tpu.memory_space<hbm>> -> memref<1x1x1x8x128xf32, #tpu.memory_space<hbm>>
      %dma_start3A_1173 = tpu.memref_squeeze %dma_start3A_1172 : memref<1x1x1x8x128xf32, #tpu.memory_space<hbm>> -> memref<8x128xf32, #tpu.memory_space<hbm>>
      %dma_start3A_1174 = arith.constant 48 : i32
      %dma_start3A_1175 = arith.constant 0 : i32
      %dma_start3A_1176 = tpu.memref_slice %arg14[%dma_start3A_1174, %dma_start3A_1175] : memref<64x128xf32, #tpu.memory_space<vmem>> -> memref<8x128xf32, #tpu.memory_space<vmem>>
      tpu.enqueue_dma source(%dma_start3A_1176 : memref<8x128xf32, #tpu.memory_space<vmem>>) target(%dma_start3A_1173 : memref<8x128xf32, #tpu.memory_space<hbm>>) target_semaphore(%arg20 : memref<!tpu.dma_semaphore, #tpu.memory_space<semaphore_mem>>)
      %dma_start3A_1177 = arith.constant 7 : i32
      %dma_start3A_1178 = arith.constant 56 : i32
      %dma_start3A_1179 = arith.constant 0 : i32
      %dma_start3A_1180 = tpu.memref_slice %arg14[%dma_start3A_1178, %dma_start3A_1179] : memref<64x128xf32, #tpu.memory_space<vmem>> -> memref<8x128xf32, #tpu.memory_space<vmem>>
      %dma_start3A_1181 = arith.constant 0 : i32
      %dma_start3A_1182 = arith.constant 0 : i32
      %dma_start3A_1183 = tpu.memref_slice %arg4[%select_n3A_1054, %dma_start3A_1177, %add3A_1071, %dma_start3A_1181, %dma_start3A_1182] : memref<50x8x128x8x128xf32, #tpu.memory_space<hbm>> -> memref<1x1x1x8x128xf32, #tpu.memory_space<hbm>>
      %dma_start3A_1184 = tpu.memref_squeeze %dma_start3A_1183 : memref<1x1x1x8x128xf32, #tpu.memory_space<hbm>> -> memref<8x128xf32, #tpu.memory_space<hbm>>
      %dma_start3A_1185 = arith.constant 0 : i32
      %dma_start3A_1186 = arith.constant 0 : i32
      %dma_start3A_1187 = tpu.memref_slice %arg4[%select_n3A_1054, %dma_start3A_1177, %add3A_1071, %dma_start3A_1185, %dma_start3A_1186] : memref<50x8x128x8x128xf32, #tpu.memory_space<hbm>> -> memref<1x1x1x8x128xf32, #tpu.memory_space<hbm>>
      %dma_start3A_1188 = tpu.memref_squeeze %dma_start3A_1187 : memref<1x1x1x8x128xf32, #tpu.memory_space<hbm>> -> memref<8x128xf32, #tpu.memory_space<hbm>>
      %dma_start3A_1189 = arith.constant 56 : i32
      %dma_start3A_1190 = arith.constant 0 : i32
      %dma_start3A_1191 = tpu.memref_slice %arg14[%dma_start3A_1189, %dma_start3A_1190] : memref<64x128xf32, #tpu.memory_space<vmem>> -> memref<8x128xf32, #tpu.memory_space<vmem>>
      tpu.enqueue_dma source(%dma_start3A_1191 : memref<8x128xf32, #tpu.memory_space<vmem>>) target(%dma_start3A_1188 : memref<8x128xf32, #tpu.memory_space<hbm>>) target_semaphore(%arg20 : memref<!tpu.dma_semaphore, #tpu.memory_space<semaphore_mem>>)
      %lt3A_1192 = arith.constant 196 : i32
      %lt3A_1193 = arith.cmpi slt, %add3A_1016, %lt3A_1192 : i32
      %convert_element_type3A_1194 = arith.extui %lt3A_1193 : i1 to i32
      %cond3A_1195 = arith.constant 0 : i32
      %cond3A_1196 = arith.cmpi ne, %convert_element_type3A_1194, %cond3A_1195 : i32
      scf.if %cond3A_1196 {
        %add3A_1379 = arith.constant 4 : i32
        %add3A_1380 = arith.addi %add3A_1016, %add3A_1379 : i32
        %jit3A_1381 = arith.constant 4 : i32
        %div3A_1382 = arith.divsi %add3A_1380, %jit3A_1381 : i32
        %sign3A_1383 = arith.constant 0 : i32
        %sign3A_1384 = arith.cmpi sgt, %add3A_1380, %sign3A_1383 : i32
        %sign3A_1385 = arith.extui %sign3A_1384 : i1 to i32
        %sign3A_1386 = arith.constant 0 : i32
        %sign3A_1387 = arith.cmpi slt, %add3A_1380, %sign3A_1386 : i32
        %sign3A_1388 = arith.extui %sign3A_1387 : i1 to i32
        %sign3A_1389 = arith.subi %sign3A_1385, %sign3A_1388 : i32
        %sign3A_1390 = arith.constant 0 : i32
        %sign3A_1391 = arith.cmpi sgt, %jit3A_1381, %sign3A_1390 : i32
        %sign3A_1392 = arith.extui %sign3A_1391 : i1 to i32
        %sign3A_1393 = arith.constant 0 : i32
        %sign3A_1394 = arith.cmpi slt, %jit3A_1381, %sign3A_1393 : i32
        %sign3A_1395 = arith.extui %sign3A_1394 : i1 to i32
        %sign3A_1396 = arith.subi %sign3A_1392, %sign3A_1395 : i32
        %ne3A_1397 = arith.cmpi ne, %sign3A_1389, %sign3A_1396 : i32
        %rem3A_1398 = arith.remsi %add3A_1380, %jit3A_1381 : i32
        %ne3A_1399 = arith.constant 0 : i32
        %ne3A_1400 = arith.cmpi ne, %rem3A_1398, %ne3A_1399 : i32
        %and3A_1401 = arith.andi %ne3A_1397, %ne3A_1400 : i1
        %sub3A_1402 = arith.constant 1 : i32
        %sub3A_1403 = arith.subi %div3A_1382, %sub3A_1402 : i32
        %select_n3A_1404 = arith.select %and3A_1401, %sub3A_1403, %div3A_1382 : i32
        %jit3A_1405 = arith.constant 4 : i32
        %eq3A_1406 = arith.constant 0 : i32
        %eq3A_1407 = arith.cmpi eq, %jit3A_1405, %eq3A_1406 : i32
        %jit3A_1408 = arith.constant 1 : i32
        %select_n3A_1409 = arith.select %eq3A_1407, %jit3A_1408, %jit3A_1405 : i32
        %rem3A_1410 = arith.remsi %add3A_1380, %select_n3A_1409 : i32
        %ne3A_1411 = arith.constant 0 : i32
        %ne3A_1412 = arith.cmpi ne, %rem3A_1410, %ne3A_1411 : i32
        %lt3A_1413 = arith.constant 0 : i32
        %lt3A_1414 = arith.cmpi slt, %rem3A_1410, %lt3A_1413 : i32
        %lt3A_1415 = arith.constant 0 : i32
        %lt3A_1416 = arith.cmpi slt, %select_n3A_1409, %lt3A_1415 : i32
        %ne3A_1417 = arith.xori %lt3A_1414, %lt3A_1416 : i1
        %and3A_1418 = arith.andi %ne3A_1417, %ne3A_1412 : i1
        %add3A_1419 = arith.addi %rem3A_1410, %select_n3A_1409 : i32
        %select_n3A_1420 = arith.select %and3A_1418, %add3A_1419, %rem3A_1410 : i32
        %mul3A_1421 = arith.constant 128 : i32
        %mul3A_1422 = arith.muli %select_n3A_1420, %mul3A_1421 : i32
        %add3A_1423 = arith.constant 0 : i32
        %add3A_1424 = arith.addi %mul3A_1422, %add3A_1423 : i32
        %mul3A_1425 = arith.constant 50 : i32
        %mul3A_1426 = arith.muli %add3A_1424, %mul3A_1425 : i32
        %broadcast_in_dim3A_1427 = vector.broadcast %mul3A_1426 : i32 to vector<16xi32>
        %mul3A_1428 = arith.constant 50 : i32
        %mul3A_1429 = vector.broadcast %mul3A_1428 : i32 to vector<16xi32>
        %mul3A_1430 = arith.muli %iota3A, %mul3A_1429 : vector<16xi32>
        %add3A_1431 = arith.addi %broadcast_in_dim3A_1427, %mul3A_1430 : vector<16xi32>
        %add3A_1432 = vector.broadcast %select_n3A_1404 : i32 to vector<16xi32>
        %add3A_1433 = arith.addi %add3A_1431, %add3A_1432 : vector<16xi32>
        %gather3A_1434 = tpu.vector_load_idx %arg5[%add3A_1433] : memref<25600xi32, #tpu.memory_space<vmem>>[vector<16xi32>], vector<16xi32>,
        %swap3A_1435 = arith.constant 0 : index
        %swap3A_1436 = tpu.vector_load %arg8[%swap3A_1435] {strides = array<i32>} : memref<128xi32, #tpu.memory_space<vmem>>, vector<16xi32>,
        tpu.vector_store %arg8[%swap3A_1435], %gather3A_1434 {strides = array<i32>} : memref<128xi32, #tpu.memory_space<vmem>>, vector<16xi32>,
        %mul3A_1437 = arith.constant 128 : i32
        %mul3A_1438 = arith.muli %select_n3A_1420, %mul3A_1437 : i32
        %add3A_1439 = arith.constant 16 : i32
        %add3A_1440 = arith.addi %mul3A_1438, %add3A_1439 : i32
        %mul3A_1441 = arith.constant 50 : i32
        %mul3A_1442 = arith.muli %add3A_1440, %mul3A_1441 : i32
        %broadcast_in_dim3A_1443 = vector.broadcast %mul3A_1442 : i32 to vector<16xi32>
        %mul3A_1444 = arith.constant 50 : i32
        %mul3A_1445 = vector.broadcast %mul3A_1444 : i32 to vector<16xi32>
        %mul3A_1446 = arith.muli %iota3A, %mul3A_1445 : vector<16xi32>
        %add3A_1447 = arith.addi %broadcast_in_dim3A_1443, %mul3A_1446 : vector<16xi32>
        %add3A_1448 = vector.broadcast %select_n3A_1404 : i32 to vector<16xi32>
        %add3A_1449 = arith.addi %add3A_1447, %add3A_1448 : vector<16xi32>
        %gather3A_1450 = tpu.vector_load_idx %arg5[%add3A_1449] : memref<25600xi32, #tpu.memory_space<vmem>>[vector<16xi32>], vector<16xi32>,
        %swap3A_1451 = arith.constant 16 : index
        %swap3A_1452 = tpu.vector_load %arg8[%swap3A_1451] {strides = array<i32>} : memref<128xi32, #tpu.memory_space<vmem>>, vector<16xi32>,
        tpu.vector_store %arg8[%swap3A_1451], %gather3A_1450 {strides = array<i32>} : memref<128xi32, #tpu.memory_space<vmem>>, vector<16xi32>,
        %mul3A_1453 = arith.constant 128 : i32
        %mul3A_1454 = arith.muli %select_n3A_1420, %mul3A_1453 : i32
        %add3A_1455 = arith.constant 32 : i32
        %add3A_1456 = arith.addi %mul3A_1454, %add3A_1455 : i32
        %mul3A_1457 = arith.constant 50 : i32
        %mul3A_1458 = arith.muli %add3A_1456, %mul3A_1457 : i32
        %broadcast_in_dim3A_1459 = vector.broadcast %mul3A_1458 : i32 to vector<16xi32>
        %mul3A_1460 = arith.constant 50 : i32
        %mul3A_1461 = vector.broadcast %mul3A_1460 : i32 to vector<16xi32>
        %mul3A_1462 = arith.muli %iota3A, %mul3A_1461 : vector<16xi32>
        %add3A_1463 = arith.addi %broadcast_in_dim3A_1459, %mul3A_1462 : vector<16xi32>
        %add3A_1464 = vector.broadcast %select_n3A_1404 : i32 to vector<16xi32>
        %add3A_1465 = arith.addi %add3A_1463, %add3A_1464 : vector<16xi32>
        %gather3A_1466 = tpu.vector_load_idx %arg5[%add3A_1465] : memref<25600xi32, #tpu.memory_space<vmem>>[vector<16xi32>], vector<16xi32>,
        %swap3A_1467 = arith.constant 32 : index
        %swap3A_1468 = tpu.vector_load %arg8[%swap3A_1467] {strides = array<i32>} : memref<128xi32, #tpu.memory_space<vmem>>, vector<16xi32>,
        tpu.vector_store %arg8[%swap3A_1467], %gather3A_1466 {strides = array<i32>} : memref<128xi32, #tpu.memory_space<vmem>>, vector<16xi32>,
        %mul3A_1469 = arith.constant 128 : i32
        %mul3A_1470 = arith.muli %select_n3A_1420, %mul3A_1469 : i32
        %add3A_1471 = arith.constant 48 : i32
        %add3A_1472 = arith.addi %mul3A_1470, %add3A_1471 : i32
        %mul3A_1473 = arith.constant 50 : i32
        %mul3A_1474 = arith.muli %add3A_1472, %mul3A_1473 : i32
        %broadcast_in_dim3A_1475 = vector.broadcast %mul3A_1474 : i32 to vector<16xi32>
        %mul3A_1476 = arith.constant 50 : i32
        %mul3A_1477 = vector.broadcast %mul3A_1476 : i32 to vector<16xi32>
        %mul3A_1478 = arith.muli %iota3A, %mul3A_1477 : vector<16xi32>
        %add3A_1479 = arith.addi %broadcast_in_dim3A_1475, %mul3A_1478 : vector<16xi32>
        %add3A_1480 = vector.broadcast %select_n3A_1404 : i32 to vector<16xi32>
        %add3A_1481 = arith.addi %add3A_1479, %add3A_1480 : vector<16xi32>
        %gather3A_1482 = tpu.vector_load_idx %arg5[%add3A_1481] : memref<25600xi32, #tpu.memory_space<vmem>>[vector<16xi32>], vector<16xi32>,
        %swap3A_1483 = arith.constant 48 : index
        %swap3A_1484 = tpu.vector_load %arg8[%swap3A_1483] {strides = array<i32>} : memref<128xi32, #tpu.memory_space<vmem>>, vector<16xi32>,
        tpu.vector_store %arg8[%swap3A_1483], %gather3A_1482 {strides = array<i32>} : memref<128xi32, #tpu.memory_space<vmem>>, vector<16xi32>,
        %mul3A_1485 = arith.constant 128 : i32
        %mul3A_1486 = arith.muli %select_n3A_1420, %mul3A_1485 : i32
        %add3A_1487 = arith.constant 64 : i32
        %add3A_1488 = arith.addi %mul3A_1486, %add3A_1487 : i32
        %mul3A_1489 = arith.constant 50 : i32
        %mul3A_1490 = arith.muli %add3A_1488, %mul3A_1489 : i32
        %broadcast_in_dim3A_1491 = vector.broadcast %mul3A_1490 : i32 to vector<16xi32>
        %mul3A_1492 = arith.constant 50 : i32
        %mul3A_1493 = vector.broadcast %mul3A_1492 : i32 to vector<16xi32>
        %mul3A_1494 = arith.muli %iota3A, %mul3A_1493 : vector<16xi32>
        %add3A_1495 = arith.addi %broadcast_in_dim3A_1491, %mul3A_1494 : vector<16xi32>
        %add3A_1496 = vector.broadcast %select_n3A_1404 : i32 to vector<16xi32>
        %add3A_1497 = arith.addi %add3A_1495, %add3A_1496 : vector<16xi32>
        %gather3A_1498 = tpu.vector_load_idx %arg5[%add3A_1497] : memref<25600xi32, #tpu.memory_space<vmem>>[vector<16xi32>], vector<16xi32>,
        %swap3A_1499 = arith.constant 64 : index
        %swap3A_1500 = tpu.vector_load %arg8[%swap3A_1499] {strides = array<i32>} : memref<128xi32, #tpu.memory_space<vmem>>, vector<16xi32>,
        tpu.vector_store %arg8[%swap3A_1499], %gather3A_1498 {strides = array<i32>} : memref<128xi32, #tpu.memory_space<vmem>>, vector<16xi32>,
        %mul3A_1501 = arith.constant 128 : i32
        %mul3A_1502 = arith.muli %select_n3A_1420, %mul3A_1501 : i32
        %add3A_1503 = arith.constant 80 : i32
        %add3A_1504 = arith.addi %mul3A_1502, %add3A_1503 : i32
        %mul3A_1505 = arith.constant 50 : i32
        %mul3A_1506 = arith.muli %add3A_1504, %mul3A_1505 : i32
        %broadcast_in_dim3A_1507 = vector.broadcast %mul3A_1506 : i32 to vector<16xi32>
        %mul3A_1508 = arith.constant 50 : i32
        %mul3A_1509 = vector.broadcast %mul3A_1508 : i32 to vector<16xi32>
        %mul3A_1510 = arith.muli %iota3A, %mul3A_1509 : vector<16xi32>
        %add3A_1511 = arith.addi %broadcast_in_dim3A_1507, %mul3A_1510 : vector<16xi32>
        %add3A_1512 = vector.broadcast %select_n3A_1404 : i32 to vector<16xi32>
        %add3A_1513 = arith.addi %add3A_1511, %add3A_1512 : vector<16xi32>
        %gather3A_1514 = tpu.vector_load_idx %arg5[%add3A_1513] : memref<25600xi32, #tpu.memory_space<vmem>>[vector<16xi32>], vector<16xi32>,
        %swap3A_1515 = arith.constant 80 : index
        %swap3A_1516 = tpu.vector_load %arg8[%swap3A_1515] {strides = array<i32>} : memref<128xi32, #tpu.memory_space<vmem>>, vector<16xi32>,
        tpu.vector_store %arg8[%swap3A_1515], %gather3A_1514 {strides = array<i32>} : memref<128xi32, #tpu.memory_space<vmem>>, vector<16xi32>,
        %mul3A_1517 = arith.constant 128 : i32
        %mul3A_1518 = arith.muli %select_n3A_1420, %mul3A_1517 : i32
        %add3A_1519 = arith.constant 96 : i32
        %add3A_1520 = arith.addi %mul3A_1518, %add3A_1519 : i32
        %mul3A_1521 = arith.constant 50 : i32
        %mul3A_1522 = arith.muli %add3A_1520, %mul3A_1521 : i32
        %broadcast_in_dim3A_1523 = vector.broadcast %mul3A_1522 : i32 to vector<16xi32>
        %mul3A_1524 = arith.constant 50 : i32
        %mul3A_1525 = vector.broadcast %mul3A_1524 : i32 to vector<16xi32>
        %mul3A_1526 = arith.muli %iota3A, %mul3A_1525 : vector<16xi32>
        %add3A_1527 = arith.addi %broadcast_in_dim3A_1523, %mul3A_1526 : vector<16xi32>
        %add3A_1528 = vector.broadcast %select_n3A_1404 : i32 to vector<16xi32>
        %add3A_1529 = arith.addi %add3A_1527, %add3A_1528 : vector<16xi32>
        %gather3A_1530 = tpu.vector_load_idx %arg5[%add3A_1529] : memref<25600xi32, #tpu.memory_space<vmem>>[vector<16xi32>], vector<16xi32>,
        %swap3A_1531 = arith.constant 96 : index
        %swap3A_1532 = tpu.vector_load %arg8[%swap3A_1531] {strides = array<i32>} : memref<128xi32, #tpu.memory_space<vmem>>, vector<16xi32>,
        tpu.vector_store %arg8[%swap3A_1531], %gather3A_1530 {strides = array<i32>} : memref<128xi32, #tpu.memory_space<vmem>>, vector<16xi32>,
        %mul3A_1533 = arith.constant 128 : i32
        %mul3A_1534 = arith.muli %select_n3A_1420, %mul3A_1533 : i32
        %add3A_1535 = arith.constant 112 : i32
        %add3A_1536 = arith.addi %mul3A_1534, %add3A_1535 : i32
        %mul3A_1537 = arith.constant 50 : i32
        %mul3A_1538 = arith.muli %add3A_1536, %mul3A_1537 : i32
        %broadcast_in_dim3A_1539 = vector.broadcast %mul3A_1538 : i32 to vector<16xi32>
        %mul3A_1540 = arith.constant 50 : i32
        %mul3A_1541 = vector.broadcast %mul3A_1540 : i32 to vector<16xi32>
        %mul3A_1542 = arith.muli %iota3A, %mul3A_1541 : vector<16xi32>
        %add3A_1543 = arith.addi %broadcast_in_dim3A_1539, %mul3A_1542 : vector<16xi32>
        %add3A_1544 = vector.broadcast %select_n3A_1404 : i32 to vector<16xi32>
        %add3A_1545 = arith.addi %add3A_1543, %add3A_1544 : vector<16xi32>
        %gather3A_1546 = tpu.vector_load_idx %arg5[%add3A_1545] : memref<25600xi32, #tpu.memory_space<vmem>>[vector<16xi32>], vector<16xi32>,
        %swap3A_1547 = arith.constant 112 : index
        %swap3A_1548 = tpu.vector_load %arg8[%swap3A_1547] {strides = array<i32>} : memref<128xi32, #tpu.memory_space<vmem>>, vector<16xi32>,
        tpu.vector_store %arg8[%swap3A_1547], %gather3A_1546 {strides = array<i32>} : memref<128xi32, #tpu.memory_space<vmem>>, vector<16xi32>,
        %dma_start3A_1549 = arith.constant 0 : i32
        %dma_start3A_1550 = arith.constant 0 : i32
        %dma_start3A_1551 = tpu.memref_slice %arg3[%dma_start3A_1549, %dma_start3A_1550] : memref<1000000x64xf32, #tpu.memory_space<hbm>> -> memref<1000000x64xf32, #tpu.memory_space<hbm>>
        tpu.enqueue_indirect_dma source(%dma_start3A_1551 : memref<1000000x64xf32, #tpu.memory_space<hbm>>) target(%arg12 : memref<128x64xf32, #tpu.memory_space<vmem>>) offsets(%arg8 : memref<128xi32, #tpu.memory_space<vmem>>) semaphore(%arg18 : memref<!tpu.dma_semaphore, #tpu.memory_space<semaphore_mem>>)
      } else {
      }
      %add3A_1197 = arith.constant 3 : i32
      %add3A_1198 = arith.addi %mul3A_663, %add3A_1197 : i32
      %dma_wait3A_1199 = arith.constant 0 : i32
      %dma_wait3A_1200 = arith.constant 0 : i32
      %dma_wait3A_1201 = tpu.memref_slice %arg3[%dma_wait3A_1199, %dma_wait3A_1200] : memref<1000000x64xf32, #tpu.memory_space<hbm>> -> memref<1000000x64xf32, #tpu.memory_space<hbm>>
      tpu.wait_indirect_dma semaphore(%arg19 : memref<!tpu.dma_semaphore, #tpu.memory_space<semaphore_mem>>) src(%dma_wait3A_1201 : memref<1000000x64xf32, #tpu.memory_space<hbm>>) dst(%arg13 : memref<128x64xf32, #tpu.memory_space<vmem>>)
      %ge3A_1202 = arith.constant 2 : i32
      %ge3A_1203 = arith.cmpi sge, %add3A_1198, %ge3A_1202 : i32
      %convert_element_type3A_1204 = arith.extui %ge3A_1203 : i1 to i32
      %cond3A_1205 = arith.constant 0 : i32
      %cond3A_1206 = arith.cmpi ne, %convert_element_type3A_1204, %cond3A_1205 : i32
      scf.if %cond3A_1206 {
        %jit3A_1379 = arith.constant 4 : i32
        %div3A_1380 = arith.divsi %add3A_1198, %jit3A_1379 : i32
        %sign3A_1381 = arith.constant 0 : i32
        %sign3A_1382 = arith.cmpi sgt, %add3A_1198, %sign3A_1381 : i32
        %sign3A_1383 = arith.extui %sign3A_1382 : i1 to i32
        %sign3A_1384 = arith.constant 0 : i32
        %sign3A_1385 = arith.cmpi slt, %add3A_1198, %sign3A_1384 : i32
        %sign3A_1386 = arith.extui %sign3A_1385 : i1 to i32
        %sign3A_1387 = arith.subi %sign3A_1383, %sign3A_1386 : i32
        %sign3A_1388 = arith.constant 0 : i32
        %sign3A_1389 = arith.cmpi sgt, %jit3A_1379, %sign3A_1388 : i32
        %sign3A_1390 = arith.extui %sign3A_1389 : i1 to i32
        %sign3A_1391 = arith.constant 0 : i32
        %sign3A_1392 = arith.cmpi slt, %jit3A_1379, %sign3A_1391 : i32
        %sign3A_1393 = arith.extui %sign3A_1392 : i1 to i32
        %sign3A_1394 = arith.subi %sign3A_1390, %sign3A_1393 : i32
        %ne3A_1395 = arith.cmpi ne, %sign3A_1387, %sign3A_1394 : i32
        %rem3A_1396 = arith.remsi %add3A_1198, %jit3A_1379 : i32
        %ne3A_1397 = arith.constant 0 : i32
        %ne3A_1398 = arith.cmpi ne, %rem3A_1396, %ne3A_1397 : i32
        %and3A_1399 = arith.andi %ne3A_1395, %ne3A_1398 : i1
        %sub3A_1400 = arith.constant 1 : i32
        %sub3A_1401 = arith.subi %div3A_1380, %sub3A_1400 : i32
        %select_n3A_1402 = arith.select %and3A_1399, %sub3A_1401, %div3A_1380 : i32
        %jit3A_1403 = arith.constant 4 : i32
        %eq3A_1404 = arith.constant 0 : i32
        %eq3A_1405 = arith.cmpi eq, %jit3A_1403, %eq3A_1404 : i32
        %jit3A_1406 = arith.constant 1 : i32
        %select_n3A_1407 = arith.select %eq3A_1405, %jit3A_1406, %jit3A_1403 : i32
        %rem3A_1408 = arith.remsi %add3A_1198, %select_n3A_1407 : i32
        %ne3A_1409 = arith.constant 0 : i32
        %ne3A_1410 = arith.cmpi ne, %rem3A_1408, %ne3A_1409 : i32
        %lt3A_1411 = arith.constant 0 : i32
        %lt3A_1412 = arith.cmpi slt, %rem3A_1408, %lt3A_1411 : i32
        %lt3A_1413 = arith.constant 0 : i32
        %lt3A_1414 = arith.cmpi slt, %select_n3A_1407, %lt3A_1413 : i32
        %ne3A_1415 = arith.xori %lt3A_1412, %lt3A_1414 : i1
        %and3A_1416 = arith.andi %ne3A_1415, %ne3A_1410 : i1
        %add3A_1417 = arith.addi %rem3A_1408, %select_n3A_1407 : i32
        %select_n3A_1418 = arith.select %and3A_1416, %add3A_1417, %rem3A_1408 : i32
        %add3A_1419 = arith.addi %mul3A_4, %select_n3A_1418 : i32
        %dma_wait3A_1420 = arith.constant 0 : i32
        %dma_wait3A_1421 = arith.constant 0 : i32
        %dma_wait3A_1422 = arith.constant 0 : i32
        %dma_wait3A_1423 = tpu.memref_slice %arg15[%dma_wait3A_1421, %dma_wait3A_1422] : memref<64x128xf32, #tpu.memory_space<vmem>> -> memref<8x128xf32, #tpu.memory_space<vmem>>
        %dma_wait3A_1424 = arith.constant 0 : i32
        %dma_wait3A_1425 = arith.constant 0 : i32
        %dma_wait3A_1426 = tpu.memref_slice %arg4[%select_n3A_1402, %dma_wait3A_1420, %add3A_1419, %dma_wait3A_1424, %dma_wait3A_1425] : memref<50x8x128x8x128xf32, #tpu.memory_space<hbm>> -> memref<1x1x1x8x128xf32, #tpu.memory_space<hbm>>
        %dma_wait3A_1427 = tpu.memref_squeeze %dma_wait3A_1426 : memref<1x1x1x8x128xf32, #tpu.memory_space<hbm>> -> memref<8x128xf32, #tpu.memory_space<hbm>>
        %dma_wait3A_1428 = arith.constant 0 : i32
        %dma_wait3A_1429 = arith.constant 0 : i32
        %dma_wait3A_1430 = tpu.memref_slice %arg4[%select_n3A_1402, %dma_wait3A_1420, %add3A_1419, %dma_wait3A_1428, %dma_wait3A_1429] : memref<50x8x128x8x128xf32, #tpu.memory_space<hbm>> -> memref<1x1x1x8x128xf32, #tpu.memory_space<hbm>>
        %dma_wait3A_1431 = tpu.memref_squeeze %dma_wait3A_1430 : memref<1x1x1x8x128xf32, #tpu.memory_space<hbm>> -> memref<8x128xf32, #tpu.memory_space<hbm>>
        %dma_wait3A_1432 = arith.constant 0 : i32
        %dma_wait3A_1433 = arith.constant 0 : i32
        %dma_wait3A_1434 = tpu.memref_slice %arg15[%dma_wait3A_1432, %dma_wait3A_1433] : memref<64x128xf32, #tpu.memory_space<vmem>> -> memref<8x128xf32, #tpu.memory_space<vmem>>
        tpu.wait_dma2 semaphore(%arg21 : memref<!tpu.dma_semaphore, #tpu.memory_space<semaphore_mem>>) src(%dma_wait3A_1434 : memref<8x128xf32, #tpu.memory_space<vmem>>) dst(%dma_wait3A_1431 : memref<8x128xf32, #tpu.memory_space<hbm>>)
        %dma_wait3A_1435 = arith.constant 1 : i32
        %dma_wait3A_1436 = arith.constant 8 : i32
        %dma_wait3A_1437 = arith.constant 0 : i32
        %dma_wait3A_1438 = tpu.memref_slice %arg15[%dma_wait3A_1436, %dma_wait3A_1437] : memref<64x128xf32, #tpu.memory_space<vmem>> -> memref<8x128xf32, #tpu.memory_space<vmem>>
        %dma_wait3A_1439 = arith.constant 0 : i32
        %dma_wait3A_1440 = arith.constant 0 : i32
        %dma_wait3A_1441 = tpu.memref_slice %arg4[%select_n3A_1402, %dma_wait3A_1435, %add3A_1419, %dma_wait3A_1439, %dma_wait3A_1440] : memref<50x8x128x8x128xf32, #tpu.memory_space<hbm>> -> memref<1x1x1x8x128xf32, #tpu.memory_space<hbm>>
        %dma_wait3A_1442 = tpu.memref_squeeze %dma_wait3A_1441 : memref<1x1x1x8x128xf32, #tpu.memory_space<hbm>> -> memref<8x128xf32, #tpu.memory_space<hbm>>
        %dma_wait3A_1443 = arith.constant 0 : i32
        %dma_wait3A_1444 = arith.constant 0 : i32
        %dma_wait3A_1445 = tpu.memref_slice %arg4[%select_n3A_1402, %dma_wait3A_1435, %add3A_1419, %dma_wait3A_1443, %dma_wait3A_1444] : memref<50x8x128x8x128xf32, #tpu.memory_space<hbm>> -> memref<1x1x1x8x128xf32, #tpu.memory_space<hbm>>
        %dma_wait3A_1446 = tpu.memref_squeeze %dma_wait3A_1445 : memref<1x1x1x8x128xf32, #tpu.memory_space<hbm>> -> memref<8x128xf32, #tpu.memory_space<hbm>>
        %dma_wait3A_1447 = arith.constant 8 : i32
        %dma_wait3A_1448 = arith.constant 0 : i32
        %dma_wait3A_1449 = tpu.memref_slice %arg15[%dma_wait3A_1447, %dma_wait3A_1448] : memref<64x128xf32, #tpu.memory_space<vmem>> -> memref<8x128xf32, #tpu.memory_space<vmem>>
        tpu.wait_dma2 semaphore(%arg21 : memref<!tpu.dma_semaphore, #tpu.memory_space<semaphore_mem>>) src(%dma_wait3A_1449 : memref<8x128xf32, #tpu.memory_space<vmem>>) dst(%dma_wait3A_1446 : memref<8x128xf32, #tpu.memory_space<hbm>>)
        %dma_wait3A_1450 = arith.constant 2 : i32
        %dma_wait3A_1451 = arith.constant 16 : i32
        %dma_wait3A_1452 = arith.constant 0 : i32
        %dma_wait3A_1453 = tpu.memref_slice %arg15[%dma_wait3A_1451, %dma_wait3A_1452] : memref<64x128xf32, #tpu.memory_space<vmem>> -> memref<8x128xf32, #tpu.memory_space<vmem>>
        %dma_wait3A_1454 = arith.constant 0 : i32
        %dma_wait3A_1455 = arith.constant 0 : i32
        %dma_wait3A_1456 = tpu.memref_slice %arg4[%select_n3A_1402, %dma_wait3A_1450, %add3A_1419, %dma_wait3A_1454, %dma_wait3A_1455] : memref<50x8x128x8x128xf32, #tpu.memory_space<hbm>> -> memref<1x1x1x8x128xf32, #tpu.memory_space<hbm>>
        %dma_wait3A_1457 = tpu.memref_squeeze %dma_wait3A_1456 : memref<1x1x1x8x128xf32, #tpu.memory_space<hbm>> -> memref<8x128xf32, #tpu.memory_space<hbm>>
        %dma_wait3A_1458 = arith.constant 0 : i32
        %dma_wait3A_1459 = arith.constant 0 : i32
        %dma_wait3A_1460 = tpu.memref_slice %arg4[%select_n3A_1402, %dma_wait3A_1450, %add3A_1419, %dma_wait3A_1458, %dma_wait3A_1459] : memref<50x8x128x8x128xf32, #tpu.memory_space<hbm>> -> memref<1x1x1x8x128xf32, #tpu.memory_space<hbm>>
        %dma_wait3A_1461 = tpu.memref_squeeze %dma_wait3A_1460 : memref<1x1x1x8x128xf32, #tpu.memory_space<hbm>> -> memref<8x128xf32, #tpu.memory_space<hbm>>
        %dma_wait3A_1462 = arith.constant 16 : i32
        %dma_wait3A_1463 = arith.constant 0 : i32
        %dma_wait3A_1464 = tpu.memref_slice %arg15[%dma_wait3A_1462, %dma_wait3A_1463] : memref<64x128xf32, #tpu.memory_space<vmem>> -> memref<8x128xf32, #tpu.memory_space<vmem>>
        tpu.wait_dma2 semaphore(%arg21 : memref<!tpu.dma_semaphore, #tpu.memory_space<semaphore_mem>>) src(%dma_wait3A_1464 : memref<8x128xf32, #tpu.memory_space<vmem>>) dst(%dma_wait3A_1461 : memref<8x128xf32, #tpu.memory_space<hbm>>)
        %dma_wait3A_1465 = arith.constant 3 : i32
        %dma_wait3A_1466 = arith.constant 24 : i32
        %dma_wait3A_1467 = arith.constant 0 : i32
        %dma_wait3A_1468 = tpu.memref_slice %arg15[%dma_wait3A_1466, %dma_wait3A_1467] : memref<64x128xf32, #tpu.memory_space<vmem>> -> memref<8x128xf32, #tpu.memory_space<vmem>>
        %dma_wait3A_1469 = arith.constant 0 : i32
        %dma_wait3A_1470 = arith.constant 0 : i32
        %dma_wait3A_1471 = tpu.memref_slice %arg4[%select_n3A_1402, %dma_wait3A_1465, %add3A_1419, %dma_wait3A_1469, %dma_wait3A_1470] : memref<50x8x128x8x128xf32, #tpu.memory_space<hbm>> -> memref<1x1x1x8x128xf32, #tpu.memory_space<hbm>>
        %dma_wait3A_1472 = tpu.memref_squeeze %dma_wait3A_1471 : memref<1x1x1x8x128xf32, #tpu.memory_space<hbm>> -> memref<8x128xf32, #tpu.memory_space<hbm>>
        %dma_wait3A_1473 = arith.constant 0 : i32
        %dma_wait3A_1474 = arith.constant 0 : i32
        %dma_wait3A_1475 = tpu.memref_slice %arg4[%select_n3A_1402, %dma_wait3A_1465, %add3A_1419, %dma_wait3A_1473, %dma_wait3A_1474] : memref<50x8x128x8x128xf32, #tpu.memory_space<hbm>> -> memref<1x1x1x8x128xf32, #tpu.memory_space<hbm>>
        %dma_wait3A_1476 = tpu.memref_squeeze %dma_wait3A_1475 : memref<1x1x1x8x128xf32, #tpu.memory_space<hbm>> -> memref<8x128xf32, #tpu.memory_space<hbm>>
        %dma_wait3A_1477 = arith.constant 24 : i32
        %dma_wait3A_1478 = arith.constant 0 : i32
        %dma_wait3A_1479 = tpu.memref_slice %arg15[%dma_wait3A_1477, %dma_wait3A_1478] : memref<64x128xf32, #tpu.memory_space<vmem>> -> memref<8x128xf32, #tpu.memory_space<vmem>>
        tpu.wait_dma2 semaphore(%arg21 : memref<!tpu.dma_semaphore, #tpu.memory_space<semaphore_mem>>) src(%dma_wait3A_1479 : memref<8x128xf32, #tpu.memory_space<vmem>>) dst(%dma_wait3A_1476 : memref<8x128xf32, #tpu.memory_space<hbm>>)
        %dma_wait3A_1480 = arith.constant 4 : i32
        %dma_wait3A_1481 = arith.constant 32 : i32
        %dma_wait3A_1482 = arith.constant 0 : i32
        %dma_wait3A_1483 = tpu.memref_slice %arg15[%dma_wait3A_1481, %dma_wait3A_1482] : memref<64x128xf32, #tpu.memory_space<vmem>> -> memref<8x128xf32, #tpu.memory_space<vmem>>
        %dma_wait3A_1484 = arith.constant 0 : i32
        %dma_wait3A_1485 = arith.constant 0 : i32
        %dma_wait3A_1486 = tpu.memref_slice %arg4[%select_n3A_1402, %dma_wait3A_1480, %add3A_1419, %dma_wait3A_1484, %dma_wait3A_1485] : memref<50x8x128x8x128xf32, #tpu.memory_space<hbm>> -> memref<1x1x1x8x128xf32, #tpu.memory_space<hbm>>
        %dma_wait3A_1487 = tpu.memref_squeeze %dma_wait3A_1486 : memref<1x1x1x8x128xf32, #tpu.memory_space<hbm>> -> memref<8x128xf32, #tpu.memory_space<hbm>>
        %dma_wait3A_1488 = arith.constant 0 : i32
        %dma_wait3A_1489 = arith.constant 0 : i32
        %dma_wait3A_1490 = tpu.memref_slice %arg4[%select_n3A_1402, %dma_wait3A_1480, %add3A_1419, %dma_wait3A_1488, %dma_wait3A_1489] : memref<50x8x128x8x128xf32, #tpu.memory_space<hbm>> -> memref<1x1x1x8x128xf32, #tpu.memory_space<hbm>>
        %dma_wait3A_1491 = tpu.memref_squeeze %dma_wait3A_1490 : memref<1x1x1x8x128xf32, #tpu.memory_space<hbm>> -> memref<8x128xf32, #tpu.memory_space<hbm>>
        %dma_wait3A_1492 = arith.constant 32 : i32
        %dma_wait3A_1493 = arith.constant 0 : i32
        %dma_wait3A_1494 = tpu.memref_slice %arg15[%dma_wait3A_1492, %dma_wait3A_1493] : memref<64x128xf32, #tpu.memory_space<vmem>> -> memref<8x128xf32, #tpu.memory_space<vmem>>
        tpu.wait_dma2 semaphore(%arg21 : memref<!tpu.dma_semaphore, #tpu.memory_space<semaphore_mem>>) src(%dma_wait3A_1494 : memref<8x128xf32, #tpu.memory_space<vmem>>) dst(%dma_wait3A_1491 : memref<8x128xf32, #tpu.memory_space<hbm>>)
        %dma_wait3A_1495 = arith.constant 5 : i32
        %dma_wait3A_1496 = arith.constant 40 : i32
        %dma_wait3A_1497 = arith.constant 0 : i32
        %dma_wait3A_1498 = tpu.memref_slice %arg15[%dma_wait3A_1496, %dma_wait3A_1497] : memref<64x128xf32, #tpu.memory_space<vmem>> -> memref<8x128xf32, #tpu.memory_space<vmem>>
        %dma_wait3A_1499 = arith.constant 0 : i32
        %dma_wait3A_1500 = arith.constant 0 : i32
        %dma_wait3A_1501 = tpu.memref_slice %arg4[%select_n3A_1402, %dma_wait3A_1495, %add3A_1419, %dma_wait3A_1499, %dma_wait3A_1500] : memref<50x8x128x8x128xf32, #tpu.memory_space<hbm>> -> memref<1x1x1x8x128xf32, #tpu.memory_space<hbm>>
        %dma_wait3A_1502 = tpu.memref_squeeze %dma_wait3A_1501 : memref<1x1x1x8x128xf32, #tpu.memory_space<hbm>> -> memref<8x128xf32, #tpu.memory_space<hbm>>
        %dma_wait3A_1503 = arith.constant 0 : i32
        %dma_wait3A_1504 = arith.constant 0 : i32
        %dma_wait3A_1505 = tpu.memref_slice %arg4[%select_n3A_1402, %dma_wait3A_1495, %add3A_1419, %dma_wait3A_1503, %dma_wait3A_1504] : memref<50x8x128x8x128xf32, #tpu.memory_space<hbm>> -> memref<1x1x1x8x128xf32, #tpu.memory_space<hbm>>
        %dma_wait3A_1506 = tpu.memref_squeeze %dma_wait3A_1505 : memref<1x1x1x8x128xf32, #tpu.memory_space<hbm>> -> memref<8x128xf32, #tpu.memory_space<hbm>>
        %dma_wait3A_1507 = arith.constant 40 : i32
        %dma_wait3A_1508 = arith.constant 0 : i32
        %dma_wait3A_1509 = tpu.memref_slice %arg15[%dma_wait3A_1507, %dma_wait3A_1508] : memref<64x128xf32, #tpu.memory_space<vmem>> -> memref<8x128xf32, #tpu.memory_space<vmem>>
        tpu.wait_dma2 semaphore(%arg21 : memref<!tpu.dma_semaphore, #tpu.memory_space<semaphore_mem>>) src(%dma_wait3A_1509 : memref<8x128xf32, #tpu.memory_space<vmem>>) dst(%dma_wait3A_1506 : memref<8x128xf32, #tpu.memory_space<hbm>>)
        %dma_wait3A_1510 = arith.constant 6 : i32
        %dma_wait3A_1511 = arith.constant 48 : i32
        %dma_wait3A_1512 = arith.constant 0 : i32
        %dma_wait3A_1513 = tpu.memref_slice %arg15[%dma_wait3A_1511, %dma_wait3A_1512] : memref<64x128xf32, #tpu.memory_space<vmem>> -> memref<8x128xf32, #tpu.memory_space<vmem>>
        %dma_wait3A_1514 = arith.constant 0 : i32
        %dma_wait3A_1515 = arith.constant 0 : i32
        %dma_wait3A_1516 = tpu.memref_slice %arg4[%select_n3A_1402, %dma_wait3A_1510, %add3A_1419, %dma_wait3A_1514, %dma_wait3A_1515] : memref<50x8x128x8x128xf32, #tpu.memory_space<hbm>> -> memref<1x1x1x8x128xf32, #tpu.memory_space<hbm>>
        %dma_wait3A_1517 = tpu.memref_squeeze %dma_wait3A_1516 : memref<1x1x1x8x128xf32, #tpu.memory_space<hbm>> -> memref<8x128xf32, #tpu.memory_space<hbm>>
        %dma_wait3A_1518 = arith.constant 0 : i32
        %dma_wait3A_1519 = arith.constant 0 : i32
        %dma_wait3A_1520 = tpu.memref_slice %arg4[%select_n3A_1402, %dma_wait3A_1510, %add3A_1419, %dma_wait3A_1518, %dma_wait3A_1519] : memref<50x8x128x8x128xf32, #tpu.memory_space<hbm>> -> memref<1x1x1x8x128xf32, #tpu.memory_space<hbm>>
        %dma_wait3A_1521 = tpu.memref_squeeze %dma_wait3A_1520 : memref<1x1x1x8x128xf32, #tpu.memory_space<hbm>> -> memref<8x128xf32, #tpu.memory_space<hbm>>
        %dma_wait3A_1522 = arith.constant 48 : i32
        %dma_wait3A_1523 = arith.constant 0 : i32
        %dma_wait3A_1524 = tpu.memref_slice %arg15[%dma_wait3A_1522, %dma_wait3A_1523] : memref<64x128xf32, #tpu.memory_space<vmem>> -> memref<8x128xf32, #tpu.memory_space<vmem>>
        tpu.wait_dma2 semaphore(%arg21 : memref<!tpu.dma_semaphore, #tpu.memory_space<semaphore_mem>>) src(%dma_wait3A_1524 : memref<8x128xf32, #tpu.memory_space<vmem>>) dst(%dma_wait3A_1521 : memref<8x128xf32, #tpu.memory_space<hbm>>)
        %dma_wait3A_1525 = arith.constant 7 : i32
        %dma_wait3A_1526 = arith.constant 56 : i32
        %dma_wait3A_1527 = arith.constant 0 : i32
        %dma_wait3A_1528 = tpu.memref_slice %arg15[%dma_wait3A_1526, %dma_wait3A_1527] : memref<64x128xf32, #tpu.memory_space<vmem>> -> memref<8x128xf32, #tpu.memory_space<vmem>>
        %dma_wait3A_1529 = arith.constant 0 : i32
        %dma_wait3A_1530 = arith.constant 0 : i32
        %dma_wait3A_1531 = tpu.memref_slice %arg4[%select_n3A_1402, %dma_wait3A_1525, %add3A_1419, %dma_wait3A_1529, %dma_wait3A_1530] : memref<50x8x128x8x128xf32, #tpu.memory_space<hbm>> -> memref<1x1x1x8x128xf32, #tpu.memory_space<hbm>>
        %dma_wait3A_1532 = tpu.memref_squeeze %dma_wait3A_1531 : memref<1x1x1x8x128xf32, #tpu.memory_space<hbm>> -> memref<8x128xf32, #tpu.memory_space<hbm>>
        %dma_wait3A_1533 = arith.constant 0 : i32
        %dma_wait3A_1534 = arith.constant 0 : i32
        %dma_wait3A_1535 = tpu.memref_slice %arg4[%select_n3A_1402, %dma_wait3A_1525, %add3A_1419, %dma_wait3A_1533, %dma_wait3A_1534] : memref<50x8x128x8x128xf32, #tpu.memory_space<hbm>> -> memref<1x1x1x8x128xf32, #tpu.memory_space<hbm>>
        %dma_wait3A_1536 = tpu.memref_squeeze %dma_wait3A_1535 : memref<1x1x1x8x128xf32, #tpu.memory_space<hbm>> -> memref<8x128xf32, #tpu.memory_space<hbm>>
        %dma_wait3A_1537 = arith.constant 56 : i32
        %dma_wait3A_1538 = arith.constant 0 : i32
        %dma_wait3A_1539 = tpu.memref_slice %arg15[%dma_wait3A_1537, %dma_wait3A_1538] : memref<64x128xf32, #tpu.memory_space<vmem>> -> memref<8x128xf32, #tpu.memory_space<vmem>>
        tpu.wait_dma2 semaphore(%arg21 : memref<!tpu.dma_semaphore, #tpu.memory_space<semaphore_mem>>) src(%dma_wait3A_1539 : memref<8x128xf32, #tpu.memory_space<vmem>>) dst(%dma_wait3A_1536 : memref<8x128xf32, #tpu.memory_space<hbm>>)
      } else {
      }
      %scan3A_1207 = arith.constant 0 : i32
      %scan3A_1208 = arith.constant 0 : i32
      %scan3A_1209 = arith.constant 8 : i32
      %scan3A_1210 = arith.addi %scan3A_1208, %scan3A_1209 : i32
      %scan3A_1211 = arith.constant 1 : i32
      scf.for %scan3A_1379 = %scan3A_1208 to %scan3A_1210 step %scan3A_1211  : i32 {
        %mul3A_1380 = arith.constant 16 : i32
        %mul3A_1381 = arith.muli %scan3A_1379, %mul3A_1380 : i32
        %broadcast_in_dim3A_1382 = vector.broadcast %mul3A_1381 : i32 to vector<16xi32>
        %add3A_1383 = arith.addi %iota3A, %broadcast_in_dim3A_1382 : vector<16xi32>
        %broadcast_in_dim3A_1384 = arith.constant 0.000000e+00 : f32
        %broadcast_in_dim3A_1385 = vector.broadcast %broadcast_in_dim3A_1384 : f32 to vector<16xf32>
        %parallel_loop3A = arith.constant 0 : i32
        %parallel_loop3A_1386 = arith.constant 16 : i32
        %parallel_loop3A_1387 = arith.constant 1 : i32
        %parallel_loop3A_1388:4 = scf.for %parallel_loop3A_1446 = %parallel_loop3A to %parallel_loop3A_1386 step %parallel_loop3A_1387 iter_args(%parallel_loop3A_1447 = %broadcast_in_dim3A_1385, %parallel_loop3A_1448 = %broadcast_in_dim3A_1385, %parallel_loop3A_1449 = %broadcast_in_dim3A_1385, %parallel_loop3A_1450 = %broadcast_in_dim3A_1385) -> (vector<16xf32>, vector<16xf32>, vector<16xf32>, vector<16xf32>)  : i32 {
          %parallel_loop3A_1451 = vector.broadcast %parallel_loop3A_1446 : i32 to vector<16xi32>
          %parallel_loop3A_1452 = arith.addi %iota3A, %parallel_loop3A_1451 : vector<16xi32>
          %parallel_loop3A_1453 = arith.constant 15 : i32
          %parallel_loop3A_1454 = vector.broadcast %parallel_loop3A_1453 : i32 to vector<16xi32>
          %parallel_loop3A_1455 = arith.andi %parallel_loop3A_1452, %parallel_loop3A_1454 : vector<16xi32>
          %parallel_loop3A_1456 = arith.constant 0 : i32
          %parallel_loop3A_1457 = vector.broadcast %parallel_loop3A_1456 : i32 to vector<16xi32>
          %parallel_loop3A_1458 = arith.addi %parallel_loop3A_1455, %parallel_loop3A_1457 : vector<16xi32>
          %parallel_loop3A_1459 = tpu.vector_load_idx %arg13[%add3A_1383, %parallel_loop3A_1458] : memref<128x64xf32, #tpu.memory_space<vmem>>[vector<16xi32>, vector<16xi32>], vector<16xf32>,
          %parallel_loop3A_1460 = arith.mulf %parallel_loop3A_1459, %parallel_loop3A_1459 : vector<16xf32>
          %parallel_loop3A_1461 = arith.addf %parallel_loop3A_1447, %parallel_loop3A_1460 : vector<16xf32>
          tpu.vector_store_idx %arg15[%parallel_loop3A_1458, %add3A_1383], %parallel_loop3A_1459 : memref<64x128xf32, #tpu.memory_space<vmem>>[vector<16xi32>, vector<16xi32>], vector<16xf32>,
          %parallel_loop3A_1462 = arith.constant 16 : i32
          %parallel_loop3A_1463 = vector.broadcast %parallel_loop3A_1462 : i32 to vector<16xi32>
          %parallel_loop3A_1464 = arith.addi %parallel_loop3A_1455, %parallel_loop3A_1463 : vector<16xi32>
          %parallel_loop3A_1465 = tpu.vector_load_idx %arg13[%add3A_1383, %parallel_loop3A_1464] : memref<128x64xf32, #tpu.memory_space<vmem>>[vector<16xi32>, vector<16xi32>], vector<16xf32>,
          %parallel_loop3A_1466 = arith.mulf %parallel_loop3A_1465, %parallel_loop3A_1465 : vector<16xf32>
          %parallel_loop3A_1467 = arith.addf %parallel_loop3A_1448, %parallel_loop3A_1466 : vector<16xf32>
          tpu.vector_store_idx %arg15[%parallel_loop3A_1464, %add3A_1383], %parallel_loop3A_1465 : memref<64x128xf32, #tpu.memory_space<vmem>>[vector<16xi32>, vector<16xi32>], vector<16xf32>,
          %parallel_loop3A_1468 = arith.constant 32 : i32
          %parallel_loop3A_1469 = vector.broadcast %parallel_loop3A_1468 : i32 to vector<16xi32>
          %parallel_loop3A_1470 = arith.addi %parallel_loop3A_1455, %parallel_loop3A_1469 : vector<16xi32>
          %parallel_loop3A_1471 = tpu.vector_load_idx %arg13[%add3A_1383, %parallel_loop3A_1470] : memref<128x64xf32, #tpu.memory_space<vmem>>[vector<16xi32>, vector<16xi32>], vector<16xf32>,
          %parallel_loop3A_1472 = arith.mulf %parallel_loop3A_1471, %parallel_loop3A_1471 : vector<16xf32>
          %parallel_loop3A_1473 = arith.addf %parallel_loop3A_1449, %parallel_loop3A_1472 : vector<16xf32>
          tpu.vector_store_idx %arg15[%parallel_loop3A_1470, %add3A_1383], %parallel_loop3A_1471 : memref<64x128xf32, #tpu.memory_space<vmem>>[vector<16xi32>, vector<16xi32>], vector<16xf32>,
          %parallel_loop3A_1474 = arith.constant 48 : i32
          %parallel_loop3A_1475 = vector.broadcast %parallel_loop3A_1474 : i32 to vector<16xi32>
          %parallel_loop3A_1476 = arith.addi %parallel_loop3A_1455, %parallel_loop3A_1475 : vector<16xi32>
          %parallel_loop3A_1477 = tpu.vector_load_idx %arg13[%add3A_1383, %parallel_loop3A_1476] : memref<128x64xf32, #tpu.memory_space<vmem>>[vector<16xi32>, vector<16xi32>], vector<16xf32>,
          %parallel_loop3A_1478 = arith.mulf %parallel_loop3A_1477, %parallel_loop3A_1477 : vector<16xf32>
          %parallel_loop3A_1479 = arith.addf %parallel_loop3A_1450, %parallel_loop3A_1478 : vector<16xf32>
          tpu.vector_store_idx %arg15[%parallel_loop3A_1476, %add3A_1383], %parallel_loop3A_1477 : memref<64x128xf32, #tpu.memory_space<vmem>>[vector<16xi32>, vector<16xi32>], vector<16xf32>,
          scf.yield %parallel_loop3A_1461, %parallel_loop3A_1467, %parallel_loop3A_1473, %parallel_loop3A_1479 : vector<16xf32>, vector<16xf32>, vector<16xf32>, vector<16xf32>
        } {sc.loop_unroll_factor = 4 : i64, sc.parallel_access}
        %add3A_1389 = arith.addf %parallel_loop3A_1388#0, %parallel_loop3A_1388#1 : vector<16xf32>
        %add3A_1390 = arith.addf %parallel_loop3A_1388#2, %parallel_loop3A_1388#3 : vector<16xf32>
        %add3A_1391 = arith.addf %add3A_1389, %add3A_1390 : vector<16xf32>
        %bitcast3A = vector.bitcast %add3A_1391 : vector<16xf32> to vector<16xi32>
        %shift_right_arithmetic3A = arith.constant 1 : i32
        %shift_right_arithmetic3A_1392 = vector.broadcast %shift_right_arithmetic3A : i32 to vector<16xi32>
        %shift_right_arithmetic3A_1393 = arith.shrsi %bitcast3A, %shift_right_arithmetic3A_1392 : vector<16xi32>
        %sub3A_1394 = arith.constant 1597463007 : i32
        %sub3A_1395 = vector.broadcast %sub3A_1394 : i32 to vector<16xi32>
        %sub3A_1396 = arith.subi %sub3A_1395, %shift_right_arithmetic3A_1393 : vector<16xi32>
        %bitcast3A_1397 = vector.bitcast %sub3A_1396 : vector<16xi32> to vector<16xf32>
        %mul3A_1398 = arith.constant 5.000000e-01 : f32
        %mul3A_1399 = vector.broadcast %mul3A_1398 : f32 to vector<16xf32>
        %mul3A_1400 = arith.mulf %mul3A_1399, %add3A_1391 : vector<16xf32>
        %mul3A_1401 = arith.mulf %mul3A_1400, %bitcast3A_1397 : vector<16xf32>
        %mul3A_1402 = arith.mulf %mul3A_1401, %bitcast3A_1397 : vector<16xf32>
        %sub3A_1403 = arith.constant 1.500000e+00 : f32
        %sub3A_1404 = vector.broadcast %sub3A_1403 : f32 to vector<16xf32>
        %sub3A_1405 = arith.subf %sub3A_1404, %mul3A_1402 : vector<16xf32>
        %mul3A_1406 = arith.mulf %bitcast3A_1397, %sub3A_1405 : vector<16xf32>
        %mul3A_1407 = arith.constant 5.000000e-01 : f32
        %mul3A_1408 = vector.broadcast %mul3A_1407 : f32 to vector<16xf32>
        %mul3A_1409 = arith.mulf %mul3A_1408, %add3A_1391 : vector<16xf32>
        %mul3A_1410 = arith.mulf %mul3A_1409, %mul3A_1406 : vector<16xf32>
        %mul3A_1411 = arith.mulf %mul3A_1410, %mul3A_1406 : vector<16xf32>
        %sub3A_1412 = arith.constant 1.500000e+00 : f32
        %sub3A_1413 = vector.broadcast %sub3A_1412 : f32 to vector<16xf32>
        %sub3A_1414 = arith.subf %sub3A_1413, %mul3A_1411 : vector<16xf32>
        %mul3A_1415 = arith.mulf %mul3A_1406, %sub3A_1414 : vector<16xf32>
        %mul3A_1416 = arith.constant 5.000000e-01 : f32
        %mul3A_1417 = vector.broadcast %mul3A_1416 : f32 to vector<16xf32>
        %mul3A_1418 = arith.mulf %mul3A_1417, %add3A_1391 : vector<16xf32>
        %mul3A_1419 = arith.mulf %mul3A_1418, %mul3A_1415 : vector<16xf32>
        %mul3A_1420 = arith.mulf %mul3A_1419, %mul3A_1415 : vector<16xf32>
        %sub3A_1421 = arith.constant 1.500000e+00 : f32
        %sub3A_1422 = vector.broadcast %sub3A_1421 : f32 to vector<16xf32>
        %sub3A_1423 = arith.subf %sub3A_1422, %mul3A_1420 : vector<16xf32>
        %mul3A_1424 = arith.mulf %mul3A_1415, %sub3A_1423 : vector<16xf32>
        %mul3A_1425 = arith.mulf %add3A_1391, %mul3A_1424 : vector<16xf32>
        %broadcast_in_dim3A_1426 = arith.constant 1.000000e+00 : f32
        %broadcast_in_dim3A_1427 = vector.broadcast %broadcast_in_dim3A_1426 : f32 to vector<16xf32>
        %le3A = arith.constant 0.780776381 : f32
        %le3A_1428 = vector.broadcast %le3A : f32 to vector<16xf32>
        %le3A_1429 = arith.cmpf ole, %mul3A_1425, %le3A_1428 : vector<16xf32>
        %mul3A_1430 = arith.constant 0.780776381 : f32
        %mul3A_1431 = vector.broadcast %mul3A_1430 : f32 to vector<16xf32>
        %mul3A_1432 = arith.mulf %mul3A_1431, %mul3A_1424 : vector<16xf32>
        %ge3A_1433 = arith.constant 1.000000e+00 : f32
        %ge3A_1434 = vector.broadcast %ge3A_1433 : f32 to vector<16xf32>
        %ge3A_1435 = arith.cmpf oge, %mul3A_1425, %ge3A_1434 : vector<16xf32>
        %sub3A_1436 = arith.constant 1.000000e+00 : f32
        %sub3A_1437 = arith.constant 9.99999974E-6 : f32
        %sub3A_1438 = arith.subf %sub3A_1436, %sub3A_1437 : f32
        %mul3A_1439 = vector.broadcast %sub3A_1438 : f32 to vector<16xf32>
        %mul3A_1440 = arith.mulf %mul3A_1439, %mul3A_1424 : vector<16xf32>
        %select_n3A_1441 = arith.select %ge3A_1435, %mul3A_1440, %broadcast_in_dim3A_1427 : vector<16xi1>, vector<16xf32>
        %select_n3A_1442 = arith.select %le3A_1429, %mul3A_1432, %select_n3A_1441 : vector<16xi1>, vector<16xf32>
        %parallel_loop3A_1443 = arith.constant 0 : i32
        %parallel_loop3A_1444 = arith.constant 64 : i32
        %parallel_loop3A_1445 = arith.constant 1 : i32
        scf.for %parallel_loop3A_1446 = %parallel_loop3A_1443 to %parallel_loop3A_1444 step %parallel_loop3A_1445  : i32 {
          %parallel_loop3A_1447 = arith.index_cast %parallel_loop3A_1446 : i32 to index
          %parallel_loop3A_1448 = arith.index_cast %mul3A_1381 : i32 to index
          %parallel_loop3A_1449 = tpu.vector_load %arg15[%parallel_loop3A_1447, %parallel_loop3A_1448] {strides = array<i32>} : memref<64x128xf32, #tpu.memory_space<vmem>>, vector<16xf32>,
          %parallel_loop3A_1450 = arith.constant 1.000000e-15 : f32
          %parallel_loop3A_1451 = vector.broadcast %parallel_loop3A_1450 : f32 to vector<16xf32>
          %parallel_loop3A_1452 = arith.addf %parallel_loop3A_1449, %parallel_loop3A_1451 : vector<16xf32>
          %parallel_loop3A_1453 = arith.mulf %parallel_loop3A_1452, %select_n3A_1442 : vector<16xf32>
          %parallel_loop3A_1454 = arith.index_cast %parallel_loop3A_1446 : i32 to index
          %parallel_loop3A_1455 = arith.index_cast %mul3A_1381 : i32 to index
          %parallel_loop3A_1456 = tpu.vector_load %arg15[%parallel_loop3A_1454, %parallel_loop3A_1455] {strides = array<i32>} : memref<64x128xf32, #tpu.memory_space<vmem>>, vector<16xf32>,
          tpu.vector_store %arg15[%parallel_loop3A_1454, %parallel_loop3A_1455], %parallel_loop3A_1453 {strides = array<i32>} : memref<64x128xf32, #tpu.memory_space<vmem>>, vector<16xf32>,
        } {sc.loop_unroll_factor = 8 : i64, sc.parallel_access}
      }
      %scan3A_1212 = arith.constant 8 : i32
      %jit3A_1213 = arith.constant 4 : i32
      %div3A_1214 = arith.divsi %add3A_1198, %jit3A_1213 : i32
      %sign3A_1215 = arith.constant 0 : i32
      %sign3A_1216 = arith.cmpi sgt, %add3A_1198, %sign3A_1215 : i32
      %sign3A_1217 = arith.extui %sign3A_1216 : i1 to i32
      %sign3A_1218 = arith.constant 0 : i32
      %sign3A_1219 = arith.cmpi slt, %add3A_1198, %sign3A_1218 : i32
      %sign3A_1220 = arith.extui %sign3A_1219 : i1 to i32
      %sign3A_1221 = arith.subi %sign3A_1217, %sign3A_1220 : i32
      %sign3A_1222 = arith.constant 0 : i32
      %sign3A_1223 = arith.cmpi sgt, %jit3A_1213, %sign3A_1222 : i32
      %sign3A_1224 = arith.extui %sign3A_1223 : i1 to i32
      %sign3A_1225 = arith.constant 0 : i32
      %sign3A_1226 = arith.cmpi slt, %jit3A_1213, %sign3A_1225 : i32
      %sign3A_1227 = arith.extui %sign3A_1226 : i1 to i32
      %sign3A_1228 = arith.subi %sign3A_1224, %sign3A_1227 : i32
      %ne3A_1229 = arith.cmpi ne, %sign3A_1221, %sign3A_1228 : i32
      %rem3A_1230 = arith.remsi %add3A_1198, %jit3A_1213 : i32
      %ne3A_1231 = arith.constant 0 : i32
      %ne3A_1232 = arith.cmpi ne, %rem3A_1230, %ne3A_1231 : i32
      %and3A_1233 = arith.andi %ne3A_1229, %ne3A_1232 : i1
      %sub3A_1234 = arith.constant 1 : i32
      %sub3A_1235 = arith.subi %div3A_1214, %sub3A_1234 : i32
      %select_n3A_1236 = arith.select %and3A_1233, %sub3A_1235, %div3A_1214 : i32
      %jit3A_1237 = arith.constant 4 : i32
      %eq3A_1238 = arith.constant 0 : i32
      %eq3A_1239 = arith.cmpi eq, %jit3A_1237, %eq3A_1238 : i32
      %jit3A_1240 = arith.constant 1 : i32
      %select_n3A_1241 = arith.select %eq3A_1239, %jit3A_1240, %jit3A_1237 : i32
      %rem3A_1242 = arith.remsi %add3A_1198, %select_n3A_1241 : i32
      %ne3A_1243 = arith.constant 0 : i32
      %ne3A_1244 = arith.cmpi ne, %rem3A_1242, %ne3A_1243 : i32
      %lt3A_1245 = arith.constant 0 : i32
      %lt3A_1246 = arith.cmpi slt, %rem3A_1242, %lt3A_1245 : i32
      %lt3A_1247 = arith.constant 0 : i32
      %lt3A_1248 = arith.cmpi slt, %select_n3A_1241, %lt3A_1247 : i32
      %ne3A_1249 = arith.xori %lt3A_1246, %lt3A_1248 : i1
      %and3A_1250 = arith.andi %ne3A_1249, %ne3A_1244 : i1
      %add3A_1251 = arith.addi %rem3A_1242, %select_n3A_1241 : i32
      %select_n3A_1252 = arith.select %and3A_1250, %add3A_1251, %rem3A_1242 : i32
      %add3A_1253 = arith.addi %mul3A_4, %select_n3A_1252 : i32
      %dma_start3A_1254 = arith.constant 0 : i32
      %dma_start3A_1255 = arith.constant 0 : i32
      %dma_start3A_1256 = arith.constant 0 : i32
      %dma_start3A_1257 = tpu.memref_slice %arg15[%dma_start3A_1255, %dma_start3A_1256] : memref<64x128xf32, #tpu.memory_space<vmem>> -> memref<8x128xf32, #tpu.memory_space<vmem>>
      %dma_start3A_1258 = arith.constant 0 : i32
      %dma_start3A_1259 = arith.constant 0 : i32
      %dma_start3A_1260 = tpu.memref_slice %arg4[%select_n3A_1236, %dma_start3A_1254, %add3A_1253, %dma_start3A_1258, %dma_start3A_1259] : memref<50x8x128x8x128xf32, #tpu.memory_space<hbm>> -> memref<1x1x1x8x128xf32, #tpu.memory_space<hbm>>
      %dma_start3A_1261 = tpu.memref_squeeze %dma_start3A_1260 : memref<1x1x1x8x128xf32, #tpu.memory_space<hbm>> -> memref<8x128xf32, #tpu.memory_space<hbm>>
      %dma_start3A_1262 = arith.constant 0 : i32
      %dma_start3A_1263 = arith.constant 0 : i32
      %dma_start3A_1264 = tpu.memref_slice %arg4[%select_n3A_1236, %dma_start3A_1254, %add3A_1253, %dma_start3A_1262, %dma_start3A_1263] : memref<50x8x128x8x128xf32, #tpu.memory_space<hbm>> -> memref<1x1x1x8x128xf32, #tpu.memory_space<hbm>>
      %dma_start3A_1265 = tpu.memref_squeeze %dma_start3A_1264 : memref<1x1x1x8x128xf32, #tpu.memory_space<hbm>> -> memref<8x128xf32, #tpu.memory_space<hbm>>
      %dma_start3A_1266 = arith.constant 0 : i32
      %dma_start3A_1267 = arith.constant 0 : i32
      %dma_start3A_1268 = tpu.memref_slice %arg15[%dma_start3A_1266, %dma_start3A_1267] : memref<64x128xf32, #tpu.memory_space<vmem>> -> memref<8x128xf32, #tpu.memory_space<vmem>>
      tpu.enqueue_dma source(%dma_start3A_1268 : memref<8x128xf32, #tpu.memory_space<vmem>>) target(%dma_start3A_1265 : memref<8x128xf32, #tpu.memory_space<hbm>>) target_semaphore(%arg21 : memref<!tpu.dma_semaphore, #tpu.memory_space<semaphore_mem>>)
      %dma_start3A_1269 = arith.constant 1 : i32
      %dma_start3A_1270 = arith.constant 8 : i32
      %dma_start3A_1271 = arith.constant 0 : i32
      %dma_start3A_1272 = tpu.memref_slice %arg15[%dma_start3A_1270, %dma_start3A_1271] : memref<64x128xf32, #tpu.memory_space<vmem>> -> memref<8x128xf32, #tpu.memory_space<vmem>>
      %dma_start3A_1273 = arith.constant 0 : i32
      %dma_start3A_1274 = arith.constant 0 : i32
      %dma_start3A_1275 = tpu.memref_slice %arg4[%select_n3A_1236, %dma_start3A_1269, %add3A_1253, %dma_start3A_1273, %dma_start3A_1274] : memref<50x8x128x8x128xf32, #tpu.memory_space<hbm>> -> memref<1x1x1x8x128xf32, #tpu.memory_space<hbm>>
      %dma_start3A_1276 = tpu.memref_squeeze %dma_start3A_1275 : memref<1x1x1x8x128xf32, #tpu.memory_space<hbm>> -> memref<8x128xf32, #tpu.memory_space<hbm>>
      %dma_start3A_1277 = arith.constant 0 : i32
      %dma_start3A_1278 = arith.constant 0 : i32
      %dma_start3A_1279 = tpu.memref_slice %arg4[%select_n3A_1236, %dma_start3A_1269, %add3A_1253, %dma_start3A_1277, %dma_start3A_1278] : memref<50x8x128x8x128xf32, #tpu.memory_space<hbm>> -> memref<1x1x1x8x128xf32, #tpu.memory_space<hbm>>
      %dma_start3A_1280 = tpu.memref_squeeze %dma_start3A_1279 : memref<1x1x1x8x128xf32, #tpu.memory_space<hbm>> -> memref<8x128xf32, #tpu.memory_space<hbm>>
      %dma_start3A_1281 = arith.constant 8 : i32
      %dma_start3A_1282 = arith.constant 0 : i32
      %dma_start3A_1283 = tpu.memref_slice %arg15[%dma_start3A_1281, %dma_start3A_1282] : memref<64x128xf32, #tpu.memory_space<vmem>> -> memref<8x128xf32, #tpu.memory_space<vmem>>
      tpu.enqueue_dma source(%dma_start3A_1283 : memref<8x128xf32, #tpu.memory_space<vmem>>) target(%dma_start3A_1280 : memref<8x128xf32, #tpu.memory_space<hbm>>) target_semaphore(%arg21 : memref<!tpu.dma_semaphore, #tpu.memory_space<semaphore_mem>>)
      %dma_start3A_1284 = arith.constant 2 : i32
      %dma_start3A_1285 = arith.constant 16 : i32
      %dma_start3A_1286 = arith.constant 0 : i32
      %dma_start3A_1287 = tpu.memref_slice %arg15[%dma_start3A_1285, %dma_start3A_1286] : memref<64x128xf32, #tpu.memory_space<vmem>> -> memref<8x128xf32, #tpu.memory_space<vmem>>
      %dma_start3A_1288 = arith.constant 0 : i32
      %dma_start3A_1289 = arith.constant 0 : i32
      %dma_start3A_1290 = tpu.memref_slice %arg4[%select_n3A_1236, %dma_start3A_1284, %add3A_1253, %dma_start3A_1288, %dma_start3A_1289] : memref<50x8x128x8x128xf32, #tpu.memory_space<hbm>> -> memref<1x1x1x8x128xf32, #tpu.memory_space<hbm>>
      %dma_start3A_1291 = tpu.memref_squeeze %dma_start3A_1290 : memref<1x1x1x8x128xf32, #tpu.memory_space<hbm>> -> memref<8x128xf32, #tpu.memory_space<hbm>>
      %dma_start3A_1292 = arith.constant 0 : i32
      %dma_start3A_1293 = arith.constant 0 : i32
      %dma_start3A_1294 = tpu.memref_slice %arg4[%select_n3A_1236, %dma_start3A_1284, %add3A_1253, %dma_start3A_1292, %dma_start3A_1293] : memref<50x8x128x8x128xf32, #tpu.memory_space<hbm>> -> memref<1x1x1x8x128xf32, #tpu.memory_space<hbm>>
      %dma_start3A_1295 = tpu.memref_squeeze %dma_start3A_1294 : memref<1x1x1x8x128xf32, #tpu.memory_space<hbm>> -> memref<8x128xf32, #tpu.memory_space<hbm>>
      %dma_start3A_1296 = arith.constant 16 : i32
      %dma_start3A_1297 = arith.constant 0 : i32
      %dma_start3A_1298 = tpu.memref_slice %arg15[%dma_start3A_1296, %dma_start3A_1297] : memref<64x128xf32, #tpu.memory_space<vmem>> -> memref<8x128xf32, #tpu.memory_space<vmem>>
      tpu.enqueue_dma source(%dma_start3A_1298 : memref<8x128xf32, #tpu.memory_space<vmem>>) target(%dma_start3A_1295 : memref<8x128xf32, #tpu.memory_space<hbm>>) target_semaphore(%arg21 : memref<!tpu.dma_semaphore, #tpu.memory_space<semaphore_mem>>)
      %dma_start3A_1299 = arith.constant 3 : i32
      %dma_start3A_1300 = arith.constant 24 : i32
      %dma_start3A_1301 = arith.constant 0 : i32
      %dma_start3A_1302 = tpu.memref_slice %arg15[%dma_start3A_1300, %dma_start3A_1301] : memref<64x128xf32, #tpu.memory_space<vmem>> -> memref<8x128xf32, #tpu.memory_space<vmem>>
      %dma_start3A_1303 = arith.constant 0 : i32
      %dma_start3A_1304 = arith.constant 0 : i32
      %dma_start3A_1305 = tpu.memref_slice %arg4[%select_n3A_1236, %dma_start3A_1299, %add3A_1253, %dma_start3A_1303, %dma_start3A_1304] : memref<50x8x128x8x128xf32, #tpu.memory_space<hbm>> -> memref<1x1x1x8x128xf32, #tpu.memory_space<hbm>>
      %dma_start3A_1306 = tpu.memref_squeeze %dma_start3A_1305 : memref<1x1x1x8x128xf32, #tpu.memory_space<hbm>> -> memref<8x128xf32, #tpu.memory_space<hbm>>
      %dma_start3A_1307 = arith.constant 0 : i32
      %dma_start3A_1308 = arith.constant 0 : i32
      %dma_start3A_1309 = tpu.memref_slice %arg4[%select_n3A_1236, %dma_start3A_1299, %add3A_1253, %dma_start3A_1307, %dma_start3A_1308] : memref<50x8x128x8x128xf32, #tpu.memory_space<hbm>> -> memref<1x1x1x8x128xf32, #tpu.memory_space<hbm>>
      %dma_start3A_1310 = tpu.memref_squeeze %dma_start3A_1309 : memref<1x1x1x8x128xf32, #tpu.memory_space<hbm>> -> memref<8x128xf32, #tpu.memory_space<hbm>>
      %dma_start3A_1311 = arith.constant 24 : i32
      %dma_start3A_1312 = arith.constant 0 : i32
      %dma_start3A_1313 = tpu.memref_slice %arg15[%dma_start3A_1311, %dma_start3A_1312] : memref<64x128xf32, #tpu.memory_space<vmem>> -> memref<8x128xf32, #tpu.memory_space<vmem>>
      tpu.enqueue_dma source(%dma_start3A_1313 : memref<8x128xf32, #tpu.memory_space<vmem>>) target(%dma_start3A_1310 : memref<8x128xf32, #tpu.memory_space<hbm>>) target_semaphore(%arg21 : memref<!tpu.dma_semaphore, #tpu.memory_space<semaphore_mem>>)
      %dma_start3A_1314 = arith.constant 4 : i32
      %dma_start3A_1315 = arith.constant 32 : i32
      %dma_start3A_1316 = arith.constant 0 : i32
      %dma_start3A_1317 = tpu.memref_slice %arg15[%dma_start3A_1315, %dma_start3A_1316] : memref<64x128xf32, #tpu.memory_space<vmem>> -> memref<8x128xf32, #tpu.memory_space<vmem>>
      %dma_start3A_1318 = arith.constant 0 : i32
      %dma_start3A_1319 = arith.constant 0 : i32
      %dma_start3A_1320 = tpu.memref_slice %arg4[%select_n3A_1236, %dma_start3A_1314, %add3A_1253, %dma_start3A_1318, %dma_start3A_1319] : memref<50x8x128x8x128xf32, #tpu.memory_space<hbm>> -> memref<1x1x1x8x128xf32, #tpu.memory_space<hbm>>
      %dma_start3A_1321 = tpu.memref_squeeze %dma_start3A_1320 : memref<1x1x1x8x128xf32, #tpu.memory_space<hbm>> -> memref<8x128xf32, #tpu.memory_space<hbm>>
      %dma_start3A_1322 = arith.constant 0 : i32
      %dma_start3A_1323 = arith.constant 0 : i32
      %dma_start3A_1324 = tpu.memref_slice %arg4[%select_n3A_1236, %dma_start3A_1314, %add3A_1253, %dma_start3A_1322, %dma_start3A_1323] : memref<50x8x128x8x128xf32, #tpu.memory_space<hbm>> -> memref<1x1x1x8x128xf32, #tpu.memory_space<hbm>>
      %dma_start3A_1325 = tpu.memref_squeeze %dma_start3A_1324 : memref<1x1x1x8x128xf32, #tpu.memory_space<hbm>> -> memref<8x128xf32, #tpu.memory_space<hbm>>
      %dma_start3A_1326 = arith.constant 32 : i32
      %dma_start3A_1327 = arith.constant 0 : i32
      %dma_start3A_1328 = tpu.memref_slice %arg15[%dma_start3A_1326, %dma_start3A_1327] : memref<64x128xf32, #tpu.memory_space<vmem>> -> memref<8x128xf32, #tpu.memory_space<vmem>>
      tpu.enqueue_dma source(%dma_start3A_1328 : memref<8x128xf32, #tpu.memory_space<vmem>>) target(%dma_start3A_1325 : memref<8x128xf32, #tpu.memory_space<hbm>>) target_semaphore(%arg21 : memref<!tpu.dma_semaphore, #tpu.memory_space<semaphore_mem>>)
      %dma_start3A_1329 = arith.constant 5 : i32
      %dma_start3A_1330 = arith.constant 40 : i32
      %dma_start3A_1331 = arith.constant 0 : i32
      %dma_start3A_1332 = tpu.memref_slice %arg15[%dma_start3A_1330, %dma_start3A_1331] : memref<64x128xf32, #tpu.memory_space<vmem>> -> memref<8x128xf32, #tpu.memory_space<vmem>>
      %dma_start3A_1333 = arith.constant 0 : i32
      %dma_start3A_1334 = arith.constant 0 : i32
      %dma_start3A_1335 = tpu.memref_slice %arg4[%select_n3A_1236, %dma_start3A_1329, %add3A_1253, %dma_start3A_1333, %dma_start3A_1334] : memref<50x8x128x8x128xf32, #tpu.memory_space<hbm>> -> memref<1x1x1x8x128xf32, #tpu.memory_space<hbm>>
      %dma_start3A_1336 = tpu.memref_squeeze %dma_start3A_1335 : memref<1x1x1x8x128xf32, #tpu.memory_space<hbm>> -> memref<8x128xf32, #tpu.memory_space<hbm>>
      %dma_start3A_1337 = arith.constant 0 : i32
      %dma_start3A_1338 = arith.constant 0 : i32
      %dma_start3A_1339 = tpu.memref_slice %arg4[%select_n3A_1236, %dma_start3A_1329, %add3A_1253, %dma_start3A_1337, %dma_start3A_1338] : memref<50x8x128x8x128xf32, #tpu.memory_space<hbm>> -> memref<1x1x1x8x128xf32, #tpu.memory_space<hbm>>
      %dma_start3A_1340 = tpu.memref_squeeze %dma_start3A_1339 : memref<1x1x1x8x128xf32, #tpu.memory_space<hbm>> -> memref<8x128xf32, #tpu.memory_space<hbm>>
      %dma_start3A_1341 = arith.constant 40 : i32
      %dma_start3A_1342 = arith.constant 0 : i32
      %dma_start3A_1343 = tpu.memref_slice %arg15[%dma_start3A_1341, %dma_start3A_1342] : memref<64x128xf32, #tpu.memory_space<vmem>> -> memref<8x128xf32, #tpu.memory_space<vmem>>
      tpu.enqueue_dma source(%dma_start3A_1343 : memref<8x128xf32, #tpu.memory_space<vmem>>) target(%dma_start3A_1340 : memref<8x128xf32, #tpu.memory_space<hbm>>) target_semaphore(%arg21 : memref<!tpu.dma_semaphore, #tpu.memory_space<semaphore_mem>>)
      %dma_start3A_1344 = arith.constant 6 : i32
      %dma_start3A_1345 = arith.constant 48 : i32
      %dma_start3A_1346 = arith.constant 0 : i32
      %dma_start3A_1347 = tpu.memref_slice %arg15[%dma_start3A_1345, %dma_start3A_1346] : memref<64x128xf32, #tpu.memory_space<vmem>> -> memref<8x128xf32, #tpu.memory_space<vmem>>
      %dma_start3A_1348 = arith.constant 0 : i32
      %dma_start3A_1349 = arith.constant 0 : i32
      %dma_start3A_1350 = tpu.memref_slice %arg4[%select_n3A_1236, %dma_start3A_1344, %add3A_1253, %dma_start3A_1348, %dma_start3A_1349] : memref<50x8x128x8x128xf32, #tpu.memory_space<hbm>> -> memref<1x1x1x8x128xf32, #tpu.memory_space<hbm>>
      %dma_start3A_1351 = tpu.memref_squeeze %dma_start3A_1350 : memref<1x1x1x8x128xf32, #tpu.memory_space<hbm>> -> memref<8x128xf32, #tpu.memory_space<hbm>>
      %dma_start3A_1352 = arith.constant 0 : i32
      %dma_start3A_1353 = arith.constant 0 : i32
      %dma_start3A_1354 = tpu.memref_slice %arg4[%select_n3A_1236, %dma_start3A_1344, %add3A_1253, %dma_start3A_1352, %dma_start3A_1353] : memref<50x8x128x8x128xf32, #tpu.memory_space<hbm>> -> memref<1x1x1x8x128xf32, #tpu.memory_space<hbm>>
      %dma_start3A_1355 = tpu.memref_squeeze %dma_start3A_1354 : memref<1x1x1x8x128xf32, #tpu.memory_space<hbm>> -> memref<8x128xf32, #tpu.memory_space<hbm>>
      %dma_start3A_1356 = arith.constant 48 : i32
      %dma_start3A_1357 = arith.constant 0 : i32
      %dma_start3A_1358 = tpu.memref_slice %arg15[%dma_start3A_1356, %dma_start3A_1357] : memref<64x128xf32, #tpu.memory_space<vmem>> -> memref<8x128xf32, #tpu.memory_space<vmem>>
      tpu.enqueue_dma source(%dma_start3A_1358 : memref<8x128xf32, #tpu.memory_space<vmem>>) target(%dma_start3A_1355 : memref<8x128xf32, #tpu.memory_space<hbm>>) target_semaphore(%arg21 : memref<!tpu.dma_semaphore, #tpu.memory_space<semaphore_mem>>)
      %dma_start3A_1359 = arith.constant 7 : i32
      %dma_start3A_1360 = arith.constant 56 : i32
      %dma_start3A_1361 = arith.constant 0 : i32
      %dma_start3A_1362 = tpu.memref_slice %arg15[%dma_start3A_1360, %dma_start3A_1361] : memref<64x128xf32, #tpu.memory_space<vmem>> -> memref<8x128xf32, #tpu.memory_space<vmem>>
      %dma_start3A_1363 = arith.constant 0 : i32
      %dma_start3A_1364 = arith.constant 0 : i32
      %dma_start3A_1365 = tpu.memref_slice %arg4[%select_n3A_1236, %dma_start3A_1359, %add3A_1253, %dma_start3A_1363, %dma_start3A_1364] : memref<50x8x128x8x128xf32, #tpu.memory_space<hbm>> -> memref<1x1x1x8x128xf32, #tpu.memory_space<hbm>>
      %dma_start3A_1366 = tpu.memref_squeeze %dma_start3A_1365 : memref<1x1x1x8x128xf32, #tpu.memory_space<hbm>> -> memref<8x128xf32, #tpu.memory_space<hbm>>
      %dma_start3A_1367 = arith.constant 0 : i32
      %dma_start3A_1368 = arith.constant 0 : i32
      %dma_start3A_1369 = tpu.memref_slice %arg4[%select_n3A_1236, %dma_start3A_1359, %add3A_1253, %dma_start3A_1367, %dma_start3A_1368] : memref<50x8x128x8x128xf32, #tpu.memory_space<hbm>> -> memref<1x1x1x8x128xf32, #tpu.memory_space<hbm>>
      %dma_start3A_1370 = tpu.memref_squeeze %dma_start3A_1369 : memref<1x1x1x8x128xf32, #tpu.memory_space<hbm>> -> memref<8x128xf32, #tpu.memory_space<hbm>>
      %dma_start3A_1371 = arith.constant 56 : i32
      %dma_start3A_1372 = arith.constant 0 : i32
      %dma_start3A_1373 = tpu.memref_slice %arg15[%dma_start3A_1371, %dma_start3A_1372] : memref<64x128xf32, #tpu.memory_space<vmem>> -> memref<8x128xf32, #tpu.memory_space<vmem>>
      tpu.enqueue_dma source(%dma_start3A_1373 : memref<8x128xf32, #tpu.memory_space<vmem>>) target(%dma_start3A_1370 : memref<8x128xf32, #tpu.memory_space<hbm>>) target_semaphore(%arg21 : memref<!tpu.dma_semaphore, #tpu.memory_space<semaphore_mem>>)
      %lt3A_1374 = arith.constant 196 : i32
      %lt3A_1375 = arith.cmpi slt, %add3A_1198, %lt3A_1374 : i32
      %convert_element_type3A_1376 = arith.extui %lt3A_1375 : i1 to i32
      %cond3A_1377 = arith.constant 0 : i32
      %cond3A_1378 = arith.cmpi ne, %convert_element_type3A_1376, %cond3A_1377 : i32
      scf.if %cond3A_1378 {
        %add3A_1379 = arith.constant 4 : i32
        %add3A_1380 = arith.addi %add3A_1198, %add3A_1379 : i32
        %jit3A_1381 = arith.constant 4 : i32
        %div3A_1382 = arith.divsi %add3A_1380, %jit3A_1381 : i32
        %sign3A_1383 = arith.constant 0 : i32
        %sign3A_1384 = arith.cmpi sgt, %add3A_1380, %sign3A_1383 : i32
        %sign3A_1385 = arith.extui %sign3A_1384 : i1 to i32
        %sign3A_1386 = arith.constant 0 : i32
        %sign3A_1387 = arith.cmpi slt, %add3A_1380, %sign3A_1386 : i32
        %sign3A_1388 = arith.extui %sign3A_1387 : i1 to i32
        %sign3A_1389 = arith.subi %sign3A_1385, %sign3A_1388 : i32
        %sign3A_1390 = arith.constant 0 : i32
        %sign3A_1391 = arith.cmpi sgt, %jit3A_1381, %sign3A_1390 : i32
        %sign3A_1392 = arith.extui %sign3A_1391 : i1 to i32
        %sign3A_1393 = arith.constant 0 : i32
        %sign3A_1394 = arith.cmpi slt, %jit3A_1381, %sign3A_1393 : i32
        %sign3A_1395 = arith.extui %sign3A_1394 : i1 to i32
        %sign3A_1396 = arith.subi %sign3A_1392, %sign3A_1395 : i32
        %ne3A_1397 = arith.cmpi ne, %sign3A_1389, %sign3A_1396 : i32
        %rem3A_1398 = arith.remsi %add3A_1380, %jit3A_1381 : i32
        %ne3A_1399 = arith.constant 0 : i32
        %ne3A_1400 = arith.cmpi ne, %rem3A_1398, %ne3A_1399 : i32
        %and3A_1401 = arith.andi %ne3A_1397, %ne3A_1400 : i1
        %sub3A_1402 = arith.constant 1 : i32
        %sub3A_1403 = arith.subi %div3A_1382, %sub3A_1402 : i32
        %select_n3A_1404 = arith.select %and3A_1401, %sub3A_1403, %div3A_1382 : i32
        %jit3A_1405 = arith.constant 4 : i32
        %eq3A_1406 = arith.constant 0 : i32
        %eq3A_1407 = arith.cmpi eq, %jit3A_1405, %eq3A_1406 : i32
        %jit3A_1408 = arith.constant 1 : i32
        %select_n3A_1409 = arith.select %eq3A_1407, %jit3A_1408, %jit3A_1405 : i32
        %rem3A_1410 = arith.remsi %add3A_1380, %select_n3A_1409 : i32
        %ne3A_1411 = arith.constant 0 : i32
        %ne3A_1412 = arith.cmpi ne, %rem3A_1410, %ne3A_1411 : i32
        %lt3A_1413 = arith.constant 0 : i32
        %lt3A_1414 = arith.cmpi slt, %rem3A_1410, %lt3A_1413 : i32
        %lt3A_1415 = arith.constant 0 : i32
        %lt3A_1416 = arith.cmpi slt, %select_n3A_1409, %lt3A_1415 : i32
        %ne3A_1417 = arith.xori %lt3A_1414, %lt3A_1416 : i1
        %and3A_1418 = arith.andi %ne3A_1417, %ne3A_1412 : i1
        %add3A_1419 = arith.addi %rem3A_1410, %select_n3A_1409 : i32
        %select_n3A_1420 = arith.select %and3A_1418, %add3A_1419, %rem3A_1410 : i32
        %mul3A_1421 = arith.constant 128 : i32
        %mul3A_1422 = arith.muli %select_n3A_1420, %mul3A_1421 : i32
        %add3A_1423 = arith.constant 0 : i32
        %add3A_1424 = arith.addi %mul3A_1422, %add3A_1423 : i32
        %mul3A_1425 = arith.constant 50 : i32
        %mul3A_1426 = arith.muli %add3A_1424, %mul3A_1425 : i32
        %broadcast_in_dim3A_1427 = vector.broadcast %mul3A_1426 : i32 to vector<16xi32>
        %mul3A_1428 = arith.constant 50 : i32
        %mul3A_1429 = vector.broadcast %mul3A_1428 : i32 to vector<16xi32>
        %mul3A_1430 = arith.muli %iota3A, %mul3A_1429 : vector<16xi32>
        %add3A_1431 = arith.addi %broadcast_in_dim3A_1427, %mul3A_1430 : vector<16xi32>
        %add3A_1432 = vector.broadcast %select_n3A_1404 : i32 to vector<16xi32>
        %add3A_1433 = arith.addi %add3A_1431, %add3A_1432 : vector<16xi32>
        %gather3A_1434 = tpu.vector_load_idx %arg5[%add3A_1433] : memref<25600xi32, #tpu.memory_space<vmem>>[vector<16xi32>], vector<16xi32>,
        %swap3A_1435 = arith.constant 0 : index
        %swap3A_1436 = tpu.vector_load %arg9[%swap3A_1435] {strides = array<i32>} : memref<128xi32, #tpu.memory_space<vmem>>, vector<16xi32>,
        tpu.vector_store %arg9[%swap3A_1435], %gather3A_1434 {strides = array<i32>} : memref<128xi32, #tpu.memory_space<vmem>>, vector<16xi32>,
        %mul3A_1437 = arith.constant 128 : i32
        %mul3A_1438 = arith.muli %select_n3A_1420, %mul3A_1437 : i32
        %add3A_1439 = arith.constant 16 : i32
        %add3A_1440 = arith.addi %mul3A_1438, %add3A_1439 : i32
        %mul3A_1441 = arith.constant 50 : i32
        %mul3A_1442 = arith.muli %add3A_1440, %mul3A_1441 : i32
        %broadcast_in_dim3A_1443 = vector.broadcast %mul3A_1442 : i32 to vector<16xi32>
        %mul3A_1444 = arith.constant 50 : i32
        %mul3A_1445 = vector.broadcast %mul3A_1444 : i32 to vector<16xi32>
        %mul3A_1446 = arith.muli %iota3A, %mul3A_1445 : vector<16xi32>
        %add3A_1447 = arith.addi %broadcast_in_dim3A_1443, %mul3A_1446 : vector<16xi32>
        %add3A_1448 = vector.broadcast %select_n3A_1404 : i32 to vector<16xi32>
        %add3A_1449 = arith.addi %add3A_1447, %add3A_1448 : vector<16xi32>
        %gather3A_1450 = tpu.vector_load_idx %arg5[%add3A_1449] : memref<25600xi32, #tpu.memory_space<vmem>>[vector<16xi32>], vector<16xi32>,
        %swap3A_1451 = arith.constant 16 : index
        %swap3A_1452 = tpu.vector_load %arg9[%swap3A_1451] {strides = array<i32>} : memref<128xi32, #tpu.memory_space<vmem>>, vector<16xi32>,
        tpu.vector_store %arg9[%swap3A_1451], %gather3A_1450 {strides = array<i32>} : memref<128xi32, #tpu.memory_space<vmem>>, vector<16xi32>,
        %mul3A_1453 = arith.constant 128 : i32
        %mul3A_1454 = arith.muli %select_n3A_1420, %mul3A_1453 : i32
        %add3A_1455 = arith.constant 32 : i32
        %add3A_1456 = arith.addi %mul3A_1454, %add3A_1455 : i32
        %mul3A_1457 = arith.constant 50 : i32
        %mul3A_1458 = arith.muli %add3A_1456, %mul3A_1457 : i32
        %broadcast_in_dim3A_1459 = vector.broadcast %mul3A_1458 : i32 to vector<16xi32>
        %mul3A_1460 = arith.constant 50 : i32
        %mul3A_1461 = vector.broadcast %mul3A_1460 : i32 to vector<16xi32>
        %mul3A_1462 = arith.muli %iota3A, %mul3A_1461 : vector<16xi32>
        %add3A_1463 = arith.addi %broadcast_in_dim3A_1459, %mul3A_1462 : vector<16xi32>
        %add3A_1464 = vector.broadcast %select_n3A_1404 : i32 to vector<16xi32>
        %add3A_1465 = arith.addi %add3A_1463, %add3A_1464 : vector<16xi32>
        %gather3A_1466 = tpu.vector_load_idx %arg5[%add3A_1465] : memref<25600xi32, #tpu.memory_space<vmem>>[vector<16xi32>], vector<16xi32>,
        %swap3A_1467 = arith.constant 32 : index
        %swap3A_1468 = tpu.vector_load %arg9[%swap3A_1467] {strides = array<i32>} : memref<128xi32, #tpu.memory_space<vmem>>, vector<16xi32>,
        tpu.vector_store %arg9[%swap3A_1467], %gather3A_1466 {strides = array<i32>} : memref<128xi32, #tpu.memory_space<vmem>>, vector<16xi32>,
        %mul3A_1469 = arith.constant 128 : i32
        %mul3A_1470 = arith.muli %select_n3A_1420, %mul3A_1469 : i32
        %add3A_1471 = arith.constant 48 : i32
        %add3A_1472 = arith.addi %mul3A_1470, %add3A_1471 : i32
        %mul3A_1473 = arith.constant 50 : i32
        %mul3A_1474 = arith.muli %add3A_1472, %mul3A_1473 : i32
        %broadcast_in_dim3A_1475 = vector.broadcast %mul3A_1474 : i32 to vector<16xi32>
        %mul3A_1476 = arith.constant 50 : i32
        %mul3A_1477 = vector.broadcast %mul3A_1476 : i32 to vector<16xi32>
        %mul3A_1478 = arith.muli %iota3A, %mul3A_1477 : vector<16xi32>
        %add3A_1479 = arith.addi %broadcast_in_dim3A_1475, %mul3A_1478 : vector<16xi32>
        %add3A_1480 = vector.broadcast %select_n3A_1404 : i32 to vector<16xi32>
        %add3A_1481 = arith.addi %add3A_1479, %add3A_1480 : vector<16xi32>
        %gather3A_1482 = tpu.vector_load_idx %arg5[%add3A_1481] : memref<25600xi32, #tpu.memory_space<vmem>>[vector<16xi32>], vector<16xi32>,
        %swap3A_1483 = arith.constant 48 : index
        %swap3A_1484 = tpu.vector_load %arg9[%swap3A_1483] {strides = array<i32>} : memref<128xi32, #tpu.memory_space<vmem>>, vector<16xi32>,
        tpu.vector_store %arg9[%swap3A_1483], %gather3A_1482 {strides = array<i32>} : memref<128xi32, #tpu.memory_space<vmem>>, vector<16xi32>,
        %mul3A_1485 = arith.constant 128 : i32
        %mul3A_1486 = arith.muli %select_n3A_1420, %mul3A_1485 : i32
        %add3A_1487 = arith.constant 64 : i32
        %add3A_1488 = arith.addi %mul3A_1486, %add3A_1487 : i32
        %mul3A_1489 = arith.constant 50 : i32
        %mul3A_1490 = arith.muli %add3A_1488, %mul3A_1489 : i32
        %broadcast_in_dim3A_1491 = vector.broadcast %mul3A_1490 : i32 to vector<16xi32>
        %mul3A_1492 = arith.constant 50 : i32
        %mul3A_1493 = vector.broadcast %mul3A_1492 : i32 to vector<16xi32>
        %mul3A_1494 = arith.muli %iota3A, %mul3A_1493 : vector<16xi32>
        %add3A_1495 = arith.addi %broadcast_in_dim3A_1491, %mul3A_1494 : vector<16xi32>
        %add3A_1496 = vector.broadcast %select_n3A_1404 : i32 to vector<16xi32>
        %add3A_1497 = arith.addi %add3A_1495, %add3A_1496 : vector<16xi32>
        %gather3A_1498 = tpu.vector_load_idx %arg5[%add3A_1497] : memref<25600xi32, #tpu.memory_space<vmem>>[vector<16xi32>], vector<16xi32>,
        %swap3A_1499 = arith.constant 64 : index
        %swap3A_1500 = tpu.vector_load %arg9[%swap3A_1499] {strides = array<i32>} : memref<128xi32, #tpu.memory_space<vmem>>, vector<16xi32>,
        tpu.vector_store %arg9[%swap3A_1499], %gather3A_1498 {strides = array<i32>} : memref<128xi32, #tpu.memory_space<vmem>>, vector<16xi32>,
        %mul3A_1501 = arith.constant 128 : i32
        %mul3A_1502 = arith.muli %select_n3A_1420, %mul3A_1501 : i32
        %add3A_1503 = arith.constant 80 : i32
        %add3A_1504 = arith.addi %mul3A_1502, %add3A_1503 : i32
        %mul3A_1505 = arith.constant 50 : i32
        %mul3A_1506 = arith.muli %add3A_1504, %mul3A_1505 : i32
        %broadcast_in_dim3A_1507 = vector.broadcast %mul3A_1506 : i32 to vector<16xi32>
        %mul3A_1508 = arith.constant 50 : i32
        %mul3A_1509 = vector.broadcast %mul3A_1508 : i32 to vector<16xi32>
        %mul3A_1510 = arith.muli %iota3A, %mul3A_1509 : vector<16xi32>
        %add3A_1511 = arith.addi %broadcast_in_dim3A_1507, %mul3A_1510 : vector<16xi32>
        %add3A_1512 = vector.broadcast %select_n3A_1404 : i32 to vector<16xi32>
        %add3A_1513 = arith.addi %add3A_1511, %add3A_1512 : vector<16xi32>
        %gather3A_1514 = tpu.vector_load_idx %arg5[%add3A_1513] : memref<25600xi32, #tpu.memory_space<vmem>>[vector<16xi32>], vector<16xi32>,
        %swap3A_1515 = arith.constant 80 : index
        %swap3A_1516 = tpu.vector_load %arg9[%swap3A_1515] {strides = array<i32>} : memref<128xi32, #tpu.memory_space<vmem>>, vector<16xi32>,
        tpu.vector_store %arg9[%swap3A_1515], %gather3A_1514 {strides = array<i32>} : memref<128xi32, #tpu.memory_space<vmem>>, vector<16xi32>,
        %mul3A_1517 = arith.constant 128 : i32
        %mul3A_1518 = arith.muli %select_n3A_1420, %mul3A_1517 : i32
        %add3A_1519 = arith.constant 96 : i32
        %add3A_1520 = arith.addi %mul3A_1518, %add3A_1519 : i32
        %mul3A_1521 = arith.constant 50 : i32
        %mul3A_1522 = arith.muli %add3A_1520, %mul3A_1521 : i32
        %broadcast_in_dim3A_1523 = vector.broadcast %mul3A_1522 : i32 to vector<16xi32>
        %mul3A_1524 = arith.constant 50 : i32
        %mul3A_1525 = vector.broadcast %mul3A_1524 : i32 to vector<16xi32>
        %mul3A_1526 = arith.muli %iota3A, %mul3A_1525 : vector<16xi32>
        %add3A_1527 = arith.addi %broadcast_in_dim3A_1523, %mul3A_1526 : vector<16xi32>
        %add3A_1528 = vector.broadcast %select_n3A_1404 : i32 to vector<16xi32>
        %add3A_1529 = arith.addi %add3A_1527, %add3A_1528 : vector<16xi32>
        %gather3A_1530 = tpu.vector_load_idx %arg5[%add3A_1529] : memref<25600xi32, #tpu.memory_space<vmem>>[vector<16xi32>], vector<16xi32>,
        %swap3A_1531 = arith.constant 96 : index
        %swap3A_1532 = tpu.vector_load %arg9[%swap3A_1531] {strides = array<i32>} : memref<128xi32, #tpu.memory_space<vmem>>, vector<16xi32>,
        tpu.vector_store %arg9[%swap3A_1531], %gather3A_1530 {strides = array<i32>} : memref<128xi32, #tpu.memory_space<vmem>>, vector<16xi32>,
        %mul3A_1533 = arith.constant 128 : i32
        %mul3A_1534 = arith.muli %select_n3A_1420, %mul3A_1533 : i32
        %add3A_1535 = arith.constant 112 : i32
        %add3A_1536 = arith.addi %mul3A_1534, %add3A_1535 : i32
        %mul3A_1537 = arith.constant 50 : i32
        %mul3A_1538 = arith.muli %add3A_1536, %mul3A_1537 : i32
        %broadcast_in_dim3A_1539 = vector.broadcast %mul3A_1538 : i32 to vector<16xi32>
        %mul3A_1540 = arith.constant 50 : i32
        %mul3A_1541 = vector.broadcast %mul3A_1540 : i32 to vector<16xi32>
        %mul3A_1542 = arith.muli %iota3A, %mul3A_1541 : vector<16xi32>
        %add3A_1543 = arith.addi %broadcast_in_dim3A_1539, %mul3A_1542 : vector<16xi32>
        %add3A_1544 = vector.broadcast %select_n3A_1404 : i32 to vector<16xi32>
        %add3A_1545 = arith.addi %add3A_1543, %add3A_1544 : vector<16xi32>
        %gather3A_1546 = tpu.vector_load_idx %arg5[%add3A_1545] : memref<25600xi32, #tpu.memory_space<vmem>>[vector<16xi32>], vector<16xi32>,
        %swap3A_1547 = arith.constant 112 : index
        %swap3A_1548 = tpu.vector_load %arg9[%swap3A_1547] {strides = array<i32>} : memref<128xi32, #tpu.memory_space<vmem>>, vector<16xi32>,
        tpu.vector_store %arg9[%swap3A_1547], %gather3A_1546 {strides = array<i32>} : memref<128xi32, #tpu.memory_space<vmem>>, vector<16xi32>,
        %dma_start3A_1549 = arith.constant 0 : i32
        %dma_start3A_1550 = arith.constant 0 : i32
        %dma_start3A_1551 = tpu.memref_slice %arg3[%dma_start3A_1549, %dma_start3A_1550] : memref<1000000x64xf32, #tpu.memory_space<hbm>> -> memref<1000000x64xf32, #tpu.memory_space<hbm>>
        tpu.enqueue_indirect_dma source(%dma_start3A_1551 : memref<1000000x64xf32, #tpu.memory_space<hbm>>) target(%arg13 : memref<128x64xf32, #tpu.memory_space<vmem>>) offsets(%arg9 : memref<128xi32, #tpu.memory_space<vmem>>) semaphore(%arg19 : memref<!tpu.dma_semaphore, #tpu.memory_space<semaphore_mem>>)
      } else {
      }
    }
    %scan3A_401 = arith.constant 50 : i32
    %add3A_402 = arith.constant 2 : i32
    %add3A_403 = arith.addi %mul3A_4, %add3A_402 : i32
    %dma_wait3A = arith.constant 49 : i32
    %dma_wait3A_404 = arith.constant 0 : i32
    %dma_wait3A_405 = arith.constant 0 : i32
    %dma_wait3A_406 = arith.constant 0 : i32
    %dma_wait3A_407 = tpu.memref_slice %arg14[%dma_wait3A_405, %dma_wait3A_406] : memref<64x128xf32, #tpu.memory_space<vmem>> -> memref<8x128xf32, #tpu.memory_space<vmem>>
    %dma_wait3A_408 = arith.constant 0 : i32
    %dma_wait3A_409 = arith.constant 0 : i32
    %dma_wait3A_410 = tpu.memref_slice %arg4[%dma_wait3A, %dma_wait3A_404, %add3A_403, %dma_wait3A_408, %dma_wait3A_409] : memref<50x8x128x8x128xf32, #tpu.memory_space<hbm>> -> memref<1x1x1x8x128xf32, #tpu.memory_space<hbm>>
    %dma_wait3A_411 = tpu.memref_squeeze %dma_wait3A_410 : memref<1x1x1x8x128xf32, #tpu.memory_space<hbm>> -> memref<8x128xf32, #tpu.memory_space<hbm>>
    %dma_wait3A_412 = arith.constant 0 : i32
    %dma_wait3A_413 = arith.constant 0 : i32
    %dma_wait3A_414 = tpu.memref_slice %arg4[%dma_wait3A, %dma_wait3A_404, %add3A_403, %dma_wait3A_412, %dma_wait3A_413] : memref<50x8x128x8x128xf32, #tpu.memory_space<hbm>> -> memref<1x1x1x8x128xf32, #tpu.memory_space<hbm>>
    %dma_wait3A_415 = tpu.memref_squeeze %dma_wait3A_414 : memref<1x1x1x8x128xf32, #tpu.memory_space<hbm>> -> memref<8x128xf32, #tpu.memory_space<hbm>>
    %dma_wait3A_416 = arith.constant 0 : i32
    %dma_wait3A_417 = arith.constant 0 : i32
    %dma_wait3A_418 = tpu.memref_slice %arg14[%dma_wait3A_416, %dma_wait3A_417] : memref<64x128xf32, #tpu.memory_space<vmem>> -> memref<8x128xf32, #tpu.memory_space<vmem>>
    tpu.wait_dma2 semaphore(%arg20 : memref<!tpu.dma_semaphore, #tpu.memory_space<semaphore_mem>>) src(%dma_wait3A_418 : memref<8x128xf32, #tpu.memory_space<vmem>>) dst(%dma_wait3A_415 : memref<8x128xf32, #tpu.memory_space<hbm>>)
    %dma_wait3A_419 = arith.constant 49 : i32
    %dma_wait3A_420 = arith.constant 1 : i32
    %dma_wait3A_421 = arith.constant 8 : i32
    %dma_wait3A_422 = arith.constant 0 : i32
    %dma_wait3A_423 = tpu.memref_slice %arg14[%dma_wait3A_421, %dma_wait3A_422] : memref<64x128xf32, #tpu.memory_space<vmem>> -> memref<8x128xf32, #tpu.memory_space<vmem>>
    %dma_wait3A_424 = arith.constant 0 : i32
    %dma_wait3A_425 = arith.constant 0 : i32
    %dma_wait3A_426 = tpu.memref_slice %arg4[%dma_wait3A_419, %dma_wait3A_420, %add3A_403, %dma_wait3A_424, %dma_wait3A_425] : memref<50x8x128x8x128xf32, #tpu.memory_space<hbm>> -> memref<1x1x1x8x128xf32, #tpu.memory_space<hbm>>
    %dma_wait3A_427 = tpu.memref_squeeze %dma_wait3A_426 : memref<1x1x1x8x128xf32, #tpu.memory_space<hbm>> -> memref<8x128xf32, #tpu.memory_space<hbm>>
    %dma_wait3A_428 = arith.constant 0 : i32
    %dma_wait3A_429 = arith.constant 0 : i32
    %dma_wait3A_430 = tpu.memref_slice %arg4[%dma_wait3A_419, %dma_wait3A_420, %add3A_403, %dma_wait3A_428, %dma_wait3A_429] : memref<50x8x128x8x128xf32, #tpu.memory_space<hbm>> -> memref<1x1x1x8x128xf32, #tpu.memory_space<hbm>>
    %dma_wait3A_431 = tpu.memref_squeeze %dma_wait3A_430 : memref<1x1x1x8x128xf32, #tpu.memory_space<hbm>> -> memref<8x128xf32, #tpu.memory_space<hbm>>
    %dma_wait3A_432 = arith.constant 8 : i32
    %dma_wait3A_433 = arith.constant 0 : i32
    %dma_wait3A_434 = tpu.memref_slice %arg14[%dma_wait3A_432, %dma_wait3A_433] : memref<64x128xf32, #tpu.memory_space<vmem>> -> memref<8x128xf32, #tpu.memory_space<vmem>>
    tpu.wait_dma2 semaphore(%arg20 : memref<!tpu.dma_semaphore, #tpu.memory_space<semaphore_mem>>) src(%dma_wait3A_434 : memref<8x128xf32, #tpu.memory_space<vmem>>) dst(%dma_wait3A_431 : memref<8x128xf32, #tpu.memory_space<hbm>>)
    %dma_wait3A_435 = arith.constant 49 : i32
    %dma_wait3A_436 = arith.constant 2 : i32
    %dma_wait3A_437 = arith.constant 16 : i32
    %dma_wait3A_438 = arith.constant 0 : i32
    %dma_wait3A_439 = tpu.memref_slice %arg14[%dma_wait3A_437, %dma_wait3A_438] : memref<64x128xf32, #tpu.memory_space<vmem>> -> memref<8x128xf32, #tpu.memory_space<vmem>>
    %dma_wait3A_440 = arith.constant 0 : i32
    %dma_wait3A_441 = arith.constant 0 : i32
    %dma_wait3A_442 = tpu.memref_slice %arg4[%dma_wait3A_435, %dma_wait3A_436, %add3A_403, %dma_wait3A_440, %dma_wait3A_441] : memref<50x8x128x8x128xf32, #tpu.memory_space<hbm>> -> memref<1x1x1x8x128xf32, #tpu.memory_space<hbm>>
    %dma_wait3A_443 = tpu.memref_squeeze %dma_wait3A_442 : memref<1x1x1x8x128xf32, #tpu.memory_space<hbm>> -> memref<8x128xf32, #tpu.memory_space<hbm>>
    %dma_wait3A_444 = arith.constant 0 : i32
    %dma_wait3A_445 = arith.constant 0 : i32
    %dma_wait3A_446 = tpu.memref_slice %arg4[%dma_wait3A_435, %dma_wait3A_436, %add3A_403, %dma_wait3A_444, %dma_wait3A_445] : memref<50x8x128x8x128xf32, #tpu.memory_space<hbm>> -> memref<1x1x1x8x128xf32, #tpu.memory_space<hbm>>
    %dma_wait3A_447 = tpu.memref_squeeze %dma_wait3A_446 : memref<1x1x1x8x128xf32, #tpu.memory_space<hbm>> -> memref<8x128xf32, #tpu.memory_space<hbm>>
    %dma_wait3A_448 = arith.constant 16 : i32
    %dma_wait3A_449 = arith.constant 0 : i32
    %dma_wait3A_450 = tpu.memref_slice %arg14[%dma_wait3A_448, %dma_wait3A_449] : memref<64x128xf32, #tpu.memory_space<vmem>> -> memref<8x128xf32, #tpu.memory_space<vmem>>
    tpu.wait_dma2 semaphore(%arg20 : memref<!tpu.dma_semaphore, #tpu.memory_space<semaphore_mem>>) src(%dma_wait3A_450 : memref<8x128xf32, #tpu.memory_space<vmem>>) dst(%dma_wait3A_447 : memref<8x128xf32, #tpu.memory_space<hbm>>)
    %dma_wait3A_451 = arith.constant 49 : i32
    %dma_wait3A_452 = arith.constant 3 : i32
    %dma_wait3A_453 = arith.constant 24 : i32
    %dma_wait3A_454 = arith.constant 0 : i32
    %dma_wait3A_455 = tpu.memref_slice %arg14[%dma_wait3A_453, %dma_wait3A_454] : memref<64x128xf32, #tpu.memory_space<vmem>> -> memref<8x128xf32, #tpu.memory_space<vmem>>
    %dma_wait3A_456 = arith.constant 0 : i32
    %dma_wait3A_457 = arith.constant 0 : i32
    %dma_wait3A_458 = tpu.memref_slice %arg4[%dma_wait3A_451, %dma_wait3A_452, %add3A_403, %dma_wait3A_456, %dma_wait3A_457] : memref<50x8x128x8x128xf32, #tpu.memory_space<hbm>> -> memref<1x1x1x8x128xf32, #tpu.memory_space<hbm>>
    %dma_wait3A_459 = tpu.memref_squeeze %dma_wait3A_458 : memref<1x1x1x8x128xf32, #tpu.memory_space<hbm>> -> memref<8x128xf32, #tpu.memory_space<hbm>>
    %dma_wait3A_460 = arith.constant 0 : i32
    %dma_wait3A_461 = arith.constant 0 : i32
    %dma_wait3A_462 = tpu.memref_slice %arg4[%dma_wait3A_451, %dma_wait3A_452, %add3A_403, %dma_wait3A_460, %dma_wait3A_461] : memref<50x8x128x8x128xf32, #tpu.memory_space<hbm>> -> memref<1x1x1x8x128xf32, #tpu.memory_space<hbm>>
    %dma_wait3A_463 = tpu.memref_squeeze %dma_wait3A_462 : memref<1x1x1x8x128xf32, #tpu.memory_space<hbm>> -> memref<8x128xf32, #tpu.memory_space<hbm>>
    %dma_wait3A_464 = arith.constant 24 : i32
    %dma_wait3A_465 = arith.constant 0 : i32
    %dma_wait3A_466 = tpu.memref_slice %arg14[%dma_wait3A_464, %dma_wait3A_465] : memref<64x128xf32, #tpu.memory_space<vmem>> -> memref<8x128xf32, #tpu.memory_space<vmem>>
    tpu.wait_dma2 semaphore(%arg20 : memref<!tpu.dma_semaphore, #tpu.memory_space<semaphore_mem>>) src(%dma_wait3A_466 : memref<8x128xf32, #tpu.memory_space<vmem>>) dst(%dma_wait3A_463 : memref<8x128xf32, #tpu.memory_space<hbm>>)
    %dma_wait3A_467 = arith.constant 49 : i32
    %dma_wait3A_468 = arith.constant 4 : i32
    %dma_wait3A_469 = arith.constant 32 : i32
    %dma_wait3A_470 = arith.constant 0 : i32
    %dma_wait3A_471 = tpu.memref_slice %arg14[%dma_wait3A_469, %dma_wait3A_470] : memref<64x128xf32, #tpu.memory_space<vmem>> -> memref<8x128xf32, #tpu.memory_space<vmem>>
    %dma_wait3A_472 = arith.constant 0 : i32
    %dma_wait3A_473 = arith.constant 0 : i32
    %dma_wait3A_474 = tpu.memref_slice %arg4[%dma_wait3A_467, %dma_wait3A_468, %add3A_403, %dma_wait3A_472, %dma_wait3A_473] : memref<50x8x128x8x128xf32, #tpu.memory_space<hbm>> -> memref<1x1x1x8x128xf32, #tpu.memory_space<hbm>>
    %dma_wait3A_475 = tpu.memref_squeeze %dma_wait3A_474 : memref<1x1x1x8x128xf32, #tpu.memory_space<hbm>> -> memref<8x128xf32, #tpu.memory_space<hbm>>
    %dma_wait3A_476 = arith.constant 0 : i32
    %dma_wait3A_477 = arith.constant 0 : i32
    %dma_wait3A_478 = tpu.memref_slice %arg4[%dma_wait3A_467, %dma_wait3A_468, %add3A_403, %dma_wait3A_476, %dma_wait3A_477] : memref<50x8x128x8x128xf32, #tpu.memory_space<hbm>> -> memref<1x1x1x8x128xf32, #tpu.memory_space<hbm>>
    %dma_wait3A_479 = tpu.memref_squeeze %dma_wait3A_478 : memref<1x1x1x8x128xf32, #tpu.memory_space<hbm>> -> memref<8x128xf32, #tpu.memory_space<hbm>>
    %dma_wait3A_480 = arith.constant 32 : i32
    %dma_wait3A_481 = arith.constant 0 : i32
    %dma_wait3A_482 = tpu.memref_slice %arg14[%dma_wait3A_480, %dma_wait3A_481] : memref<64x128xf32, #tpu.memory_space<vmem>> -> memref<8x128xf32, #tpu.memory_space<vmem>>
    tpu.wait_dma2 semaphore(%arg20 : memref<!tpu.dma_semaphore, #tpu.memory_space<semaphore_mem>>) src(%dma_wait3A_482 : memref<8x128xf32, #tpu.memory_space<vmem>>) dst(%dma_wait3A_479 : memref<8x128xf32, #tpu.memory_space<hbm>>)
    %dma_wait3A_483 = arith.constant 49 : i32
    %dma_wait3A_484 = arith.constant 5 : i32
    %dma_wait3A_485 = arith.constant 40 : i32
    %dma_wait3A_486 = arith.constant 0 : i32
    %dma_wait3A_487 = tpu.memref_slice %arg14[%dma_wait3A_485, %dma_wait3A_486] : memref<64x128xf32, #tpu.memory_space<vmem>> -> memref<8x128xf32, #tpu.memory_space<vmem>>
    %dma_wait3A_488 = arith.constant 0 : i32
    %dma_wait3A_489 = arith.constant 0 : i32
    %dma_wait3A_490 = tpu.memref_slice %arg4[%dma_wait3A_483, %dma_wait3A_484, %add3A_403, %dma_wait3A_488, %dma_wait3A_489] : memref<50x8x128x8x128xf32, #tpu.memory_space<hbm>> -> memref<1x1x1x8x128xf32, #tpu.memory_space<hbm>>
    %dma_wait3A_491 = tpu.memref_squeeze %dma_wait3A_490 : memref<1x1x1x8x128xf32, #tpu.memory_space<hbm>> -> memref<8x128xf32, #tpu.memory_space<hbm>>
    %dma_wait3A_492 = arith.constant 0 : i32
    %dma_wait3A_493 = arith.constant 0 : i32
    %dma_wait3A_494 = tpu.memref_slice %arg4[%dma_wait3A_483, %dma_wait3A_484, %add3A_403, %dma_wait3A_492, %dma_wait3A_493] : memref<50x8x128x8x128xf32, #tpu.memory_space<hbm>> -> memref<1x1x1x8x128xf32, #tpu.memory_space<hbm>>
    %dma_wait3A_495 = tpu.memref_squeeze %dma_wait3A_494 : memref<1x1x1x8x128xf32, #tpu.memory_space<hbm>> -> memref<8x128xf32, #tpu.memory_space<hbm>>
    %dma_wait3A_496 = arith.constant 40 : i32
    %dma_wait3A_497 = arith.constant 0 : i32
    %dma_wait3A_498 = tpu.memref_slice %arg14[%dma_wait3A_496, %dma_wait3A_497] : memref<64x128xf32, #tpu.memory_space<vmem>> -> memref<8x128xf32, #tpu.memory_space<vmem>>
    tpu.wait_dma2 semaphore(%arg20 : memref<!tpu.dma_semaphore, #tpu.memory_space<semaphore_mem>>) src(%dma_wait3A_498 : memref<8x128xf32, #tpu.memory_space<vmem>>) dst(%dma_wait3A_495 : memref<8x128xf32, #tpu.memory_space<hbm>>)
    %dma_wait3A_499 = arith.constant 49 : i32
    %dma_wait3A_500 = arith.constant 6 : i32
    %dma_wait3A_501 = arith.constant 48 : i32
    %dma_wait3A_502 = arith.constant 0 : i32
    %dma_wait3A_503 = tpu.memref_slice %arg14[%dma_wait3A_501, %dma_wait3A_502] : memref<64x128xf32, #tpu.memory_space<vmem>> -> memref<8x128xf32, #tpu.memory_space<vmem>>
    %dma_wait3A_504 = arith.constant 0 : i32
    %dma_wait3A_505 = arith.constant 0 : i32
    %dma_wait3A_506 = tpu.memref_slice %arg4[%dma_wait3A_499, %dma_wait3A_500, %add3A_403, %dma_wait3A_504, %dma_wait3A_505] : memref<50x8x128x8x128xf32, #tpu.memory_space<hbm>> -> memref<1x1x1x8x128xf32, #tpu.memory_space<hbm>>
    %dma_wait3A_507 = tpu.memref_squeeze %dma_wait3A_506 : memref<1x1x1x8x128xf32, #tpu.memory_space<hbm>> -> memref<8x128xf32, #tpu.memory_space<hbm>>
    %dma_wait3A_508 = arith.constant 0 : i32
    %dma_wait3A_509 = arith.constant 0 : i32
    %dma_wait3A_510 = tpu.memref_slice %arg4[%dma_wait3A_499, %dma_wait3A_500, %add3A_403, %dma_wait3A_508, %dma_wait3A_509] : memref<50x8x128x8x128xf32, #tpu.memory_space<hbm>> -> memref<1x1x1x8x128xf32, #tpu.memory_space<hbm>>
    %dma_wait3A_511 = tpu.memref_squeeze %dma_wait3A_510 : memref<1x1x1x8x128xf32, #tpu.memory_space<hbm>> -> memref<8x128xf32, #tpu.memory_space<hbm>>
    %dma_wait3A_512 = arith.constant 48 : i32
    %dma_wait3A_513 = arith.constant 0 : i32
    %dma_wait3A_514 = tpu.memref_slice %arg14[%dma_wait3A_512, %dma_wait3A_513] : memref<64x128xf32, #tpu.memory_space<vmem>> -> memref<8x128xf32, #tpu.memory_space<vmem>>
    tpu.wait_dma2 semaphore(%arg20 : memref<!tpu.dma_semaphore, #tpu.memory_space<semaphore_mem>>) src(%dma_wait3A_514 : memref<8x128xf32, #tpu.memory_space<vmem>>) dst(%dma_wait3A_511 : memref<8x128xf32, #tpu.memory_space<hbm>>)
    %dma_wait3A_515 = arith.constant 49 : i32
    %dma_wait3A_516 = arith.constant 7 : i32
    %dma_wait3A_517 = arith.constant 56 : i32
    %dma_wait3A_518 = arith.constant 0 : i32
    %dma_wait3A_519 = tpu.memref_slice %arg14[%dma_wait3A_517, %dma_wait3A_518] : memref<64x128xf32, #tpu.memory_space<vmem>> -> memref<8x128xf32, #tpu.memory_space<vmem>>
    %dma_wait3A_520 = arith.constant 0 : i32
    %dma_wait3A_521 = arith.constant 0 : i32
    %dma_wait3A_522 = tpu.memref_slice %arg4[%dma_wait3A_515, %dma_wait3A_516, %add3A_403, %dma_wait3A_520, %dma_wait3A_521] : memref<50x8x128x8x128xf32, #tpu.memory_space<hbm>> -> memref<1x1x1x8x128xf32, #tpu.memory_space<hbm>>
    %dma_wait3A_523 = tpu.memref_squeeze %dma_wait3A_522 : memref<1x1x1x8x128xf32, #tpu.memory_space<hbm>> -> memref<8x128xf32, #tpu.memory_space<hbm>>
    %dma_wait3A_524 = arith.constant 0 : i32
    %dma_wait3A_525 = arith.constant 0 : i32
    %dma_wait3A_526 = tpu.memref_slice %arg4[%dma_wait3A_515, %dma_wait3A_516, %add3A_403, %dma_wait3A_524, %dma_wait3A_525] : memref<50x8x128x8x128xf32, #tpu.memory_space<hbm>> -> memref<1x1x1x8x128xf32, #tpu.memory_space<hbm>>
    %dma_wait3A_527 = tpu.memref_squeeze %dma_wait3A_526 : memref<1x1x1x8x128xf32, #tpu.memory_space<hbm>> -> memref<8x128xf32, #tpu.memory_space<hbm>>
    %dma_wait3A_528 = arith.constant 56 : i32
    %dma_wait3A_529 = arith.constant 0 : i32
    %dma_wait3A_530 = tpu.memref_slice %arg14[%dma_wait3A_528, %dma_wait3A_529] : memref<64x128xf32, #tpu.memory_space<vmem>> -> memref<8x128xf32, #tpu.memory_space<vmem>>
    tpu.wait_dma2 semaphore(%arg20 : memref<!tpu.dma_semaphore, #tpu.memory_space<semaphore_mem>>) src(%dma_wait3A_530 : memref<8x128xf32, #tpu.memory_space<vmem>>) dst(%dma_wait3A_527 : memref<8x128xf32, #tpu.memory_space<hbm>>)
    %add3A_531 = arith.constant 3 : i32
    %add3A_532 = arith.addi %mul3A_4, %add3A_531 : i32
    %dma_wait3A_533 = arith.constant 49 : i32
    %dma_wait3A_534 = arith.constant 0 : i32
    %dma_wait3A_535 = arith.constant 0 : i32
    %dma_wait3A_536 = arith.constant 0 : i32
    %dma_wait3A_537 = tpu.memref_slice %arg15[%dma_wait3A_535, %dma_wait3A_536] : memref<64x128xf32, #tpu.memory_space<vmem>> -> memref<8x128xf32, #tpu.memory_space<vmem>>
    %dma_wait3A_538 = arith.constant 0 : i32
    %dma_wait3A_539 = arith.constant 0 : i32
    %dma_wait3A_540 = tpu.memref_slice %arg4[%dma_wait3A_533, %dma_wait3A_534, %add3A_532, %dma_wait3A_538, %dma_wait3A_539] : memref<50x8x128x8x128xf32, #tpu.memory_space<hbm>> -> memref<1x1x1x8x128xf32, #tpu.memory_space<hbm>>
    %dma_wait3A_541 = tpu.memref_squeeze %dma_wait3A_540 : memref<1x1x1x8x128xf32, #tpu.memory_space<hbm>> -> memref<8x128xf32, #tpu.memory_space<hbm>>
    %dma_wait3A_542 = arith.constant 0 : i32
    %dma_wait3A_543 = arith.constant 0 : i32
    %dma_wait3A_544 = tpu.memref_slice %arg4[%dma_wait3A_533, %dma_wait3A_534, %add3A_532, %dma_wait3A_542, %dma_wait3A_543] : memref<50x8x128x8x128xf32, #tpu.memory_space<hbm>> -> memref<1x1x1x8x128xf32, #tpu.memory_space<hbm>>
    %dma_wait3A_545 = tpu.memref_squeeze %dma_wait3A_544 : memref<1x1x1x8x128xf32, #tpu.memory_space<hbm>> -> memref<8x128xf32, #tpu.memory_space<hbm>>
    %dma_wait3A_546 = arith.constant 0 : i32
    %dma_wait3A_547 = arith.constant 0 : i32
    %dma_wait3A_548 = tpu.memref_slice %arg15[%dma_wait3A_546, %dma_wait3A_547] : memref<64x128xf32, #tpu.memory_space<vmem>> -> memref<8x128xf32, #tpu.memory_space<vmem>>
    tpu.wait_dma2 semaphore(%arg21 : memref<!tpu.dma_semaphore, #tpu.memory_space<semaphore_mem>>) src(%dma_wait3A_548 : memref<8x128xf32, #tpu.memory_space<vmem>>) dst(%dma_wait3A_545 : memref<8x128xf32, #tpu.memory_space<hbm>>)
    %dma_wait3A_549 = arith.constant 49 : i32
    %dma_wait3A_550 = arith.constant 1 : i32
    %dma_wait3A_551 = arith.constant 8 : i32
    %dma_wait3A_552 = arith.constant 0 : i32
    %dma_wait3A_553 = tpu.memref_slice %arg15[%dma_wait3A_551, %dma_wait3A_552] : memref<64x128xf32, #tpu.memory_space<vmem>> -> memref<8x128xf32, #tpu.memory_space<vmem>>
    %dma_wait3A_554 = arith.constant 0 : i32
    %dma_wait3A_555 = arith.constant 0 : i32
    %dma_wait3A_556 = tpu.memref_slice %arg4[%dma_wait3A_549, %dma_wait3A_550, %add3A_532, %dma_wait3A_554, %dma_wait3A_555] : memref<50x8x128x8x128xf32, #tpu.memory_space<hbm>> -> memref<1x1x1x8x128xf32, #tpu.memory_space<hbm>>
    %dma_wait3A_557 = tpu.memref_squeeze %dma_wait3A_556 : memref<1x1x1x8x128xf32, #tpu.memory_space<hbm>> -> memref<8x128xf32, #tpu.memory_space<hbm>>
    %dma_wait3A_558 = arith.constant 0 : i32
    %dma_wait3A_559 = arith.constant 0 : i32
    %dma_wait3A_560 = tpu.memref_slice %arg4[%dma_wait3A_549, %dma_wait3A_550, %add3A_532, %dma_wait3A_558, %dma_wait3A_559] : memref<50x8x128x8x128xf32, #tpu.memory_space<hbm>> -> memref<1x1x1x8x128xf32, #tpu.memory_space<hbm>>
    %dma_wait3A_561 = tpu.memref_squeeze %dma_wait3A_560 : memref<1x1x1x8x128xf32, #tpu.memory_space<hbm>> -> memref<8x128xf32, #tpu.memory_space<hbm>>
    %dma_wait3A_562 = arith.constant 8 : i32
    %dma_wait3A_563 = arith.constant 0 : i32
    %dma_wait3A_564 = tpu.memref_slice %arg15[%dma_wait3A_562, %dma_wait3A_563] : memref<64x128xf32, #tpu.memory_space<vmem>> -> memref<8x128xf32, #tpu.memory_space<vmem>>
    tpu.wait_dma2 semaphore(%arg21 : memref<!tpu.dma_semaphore, #tpu.memory_space<semaphore_mem>>) src(%dma_wait3A_564 : memref<8x128xf32, #tpu.memory_space<vmem>>) dst(%dma_wait3A_561 : memref<8x128xf32, #tpu.memory_space<hbm>>)
    %dma_wait3A_565 = arith.constant 49 : i32
    %dma_wait3A_566 = arith.constant 2 : i32
    %dma_wait3A_567 = arith.constant 16 : i32
    %dma_wait3A_568 = arith.constant 0 : i32
    %dma_wait3A_569 = tpu.memref_slice %arg15[%dma_wait3A_567, %dma_wait3A_568] : memref<64x128xf32, #tpu.memory_space<vmem>> -> memref<8x128xf32, #tpu.memory_space<vmem>>
    %dma_wait3A_570 = arith.constant 0 : i32
    %dma_wait3A_571 = arith.constant 0 : i32
    %dma_wait3A_572 = tpu.memref_slice %arg4[%dma_wait3A_565, %dma_wait3A_566, %add3A_532, %dma_wait3A_570, %dma_wait3A_571] : memref<50x8x128x8x128xf32, #tpu.memory_space<hbm>> -> memref<1x1x1x8x128xf32, #tpu.memory_space<hbm>>
    %dma_wait3A_573 = tpu.memref_squeeze %dma_wait3A_572 : memref<1x1x1x8x128xf32, #tpu.memory_space<hbm>> -> memref<8x128xf32, #tpu.memory_space<hbm>>
    %dma_wait3A_574 = arith.constant 0 : i32
    %dma_wait3A_575 = arith.constant 0 : i32
    %dma_wait3A_576 = tpu.memref_slice %arg4[%dma_wait3A_565, %dma_wait3A_566, %add3A_532, %dma_wait3A_574, %dma_wait3A_575] : memref<50x8x128x8x128xf32, #tpu.memory_space<hbm>> -> memref<1x1x1x8x128xf32, #tpu.memory_space<hbm>>
    %dma_wait3A_577 = tpu.memref_squeeze %dma_wait3A_576 : memref<1x1x1x8x128xf32, #tpu.memory_space<hbm>> -> memref<8x128xf32, #tpu.memory_space<hbm>>
    %dma_wait3A_578 = arith.constant 16 : i32
    %dma_wait3A_579 = arith.constant 0 : i32
    %dma_wait3A_580 = tpu.memref_slice %arg15[%dma_wait3A_578, %dma_wait3A_579] : memref<64x128xf32, #tpu.memory_space<vmem>> -> memref<8x128xf32, #tpu.memory_space<vmem>>
    tpu.wait_dma2 semaphore(%arg21 : memref<!tpu.dma_semaphore, #tpu.memory_space<semaphore_mem>>) src(%dma_wait3A_580 : memref<8x128xf32, #tpu.memory_space<vmem>>) dst(%dma_wait3A_577 : memref<8x128xf32, #tpu.memory_space<hbm>>)
    %dma_wait3A_581 = arith.constant 49 : i32
    %dma_wait3A_582 = arith.constant 3 : i32
    %dma_wait3A_583 = arith.constant 24 : i32
    %dma_wait3A_584 = arith.constant 0 : i32
    %dma_wait3A_585 = tpu.memref_slice %arg15[%dma_wait3A_583, %dma_wait3A_584] : memref<64x128xf32, #tpu.memory_space<vmem>> -> memref<8x128xf32, #tpu.memory_space<vmem>>
    %dma_wait3A_586 = arith.constant 0 : i32
    %dma_wait3A_587 = arith.constant 0 : i32
    %dma_wait3A_588 = tpu.memref_slice %arg4[%dma_wait3A_581, %dma_wait3A_582, %add3A_532, %dma_wait3A_586, %dma_wait3A_587] : memref<50x8x128x8x128xf32, #tpu.memory_space<hbm>> -> memref<1x1x1x8x128xf32, #tpu.memory_space<hbm>>
    %dma_wait3A_589 = tpu.memref_squeeze %dma_wait3A_588 : memref<1x1x1x8x128xf32, #tpu.memory_space<hbm>> -> memref<8x128xf32, #tpu.memory_space<hbm>>
    %dma_wait3A_590 = arith.constant 0 : i32
    %dma_wait3A_591 = arith.constant 0 : i32
    %dma_wait3A_592 = tpu.memref_slice %arg4[%dma_wait3A_581, %dma_wait3A_582, %add3A_532, %dma_wait3A_590, %dma_wait3A_591] : memref<50x8x128x8x128xf32, #tpu.memory_space<hbm>> -> memref<1x1x1x8x128xf32, #tpu.memory_space<hbm>>
    %dma_wait3A_593 = tpu.memref_squeeze %dma_wait3A_592 : memref<1x1x1x8x128xf32, #tpu.memory_space<hbm>> -> memref<8x128xf32, #tpu.memory_space<hbm>>
    %dma_wait3A_594 = arith.constant 24 : i32
    %dma_wait3A_595 = arith.constant 0 : i32
    %dma_wait3A_596 = tpu.memref_slice %arg15[%dma_wait3A_594, %dma_wait3A_595] : memref<64x128xf32, #tpu.memory_space<vmem>> -> memref<8x128xf32, #tpu.memory_space<vmem>>
    tpu.wait_dma2 semaphore(%arg21 : memref<!tpu.dma_semaphore, #tpu.memory_space<semaphore_mem>>) src(%dma_wait3A_596 : memref<8x128xf32, #tpu.memory_space<vmem>>) dst(%dma_wait3A_593 : memref<8x128xf32, #tpu.memory_space<hbm>>)
    %dma_wait3A_597 = arith.constant 49 : i32
    %dma_wait3A_598 = arith.constant 4 : i32
    %dma_wait3A_599 = arith.constant 32 : i32
    %dma_wait3A_600 = arith.constant 0 : i32
    %dma_wait3A_601 = tpu.memref_slice %arg15[%dma_wait3A_599, %dma_wait3A_600] : memref<64x128xf32, #tpu.memory_space<vmem>> -> memref<8x128xf32, #tpu.memory_space<vmem>>
    %dma_wait3A_602 = arith.constant 0 : i32
    %dma_wait3A_603 = arith.constant 0 : i32
    %dma_wait3A_604 = tpu.memref_slice %arg4[%dma_wait3A_597, %dma_wait3A_598, %add3A_532, %dma_wait3A_602, %dma_wait3A_603] : memref<50x8x128x8x128xf32, #tpu.memory_space<hbm>> -> memref<1x1x1x8x128xf32, #tpu.memory_space<hbm>>
    %dma_wait3A_605 = tpu.memref_squeeze %dma_wait3A_604 : memref<1x1x1x8x128xf32, #tpu.memory_space<hbm>> -> memref<8x128xf32, #tpu.memory_space<hbm>>
    %dma_wait3A_606 = arith.constant 0 : i32
    %dma_wait3A_607 = arith.constant 0 : i32
    %dma_wait3A_608 = tpu.memref_slice %arg4[%dma_wait3A_597, %dma_wait3A_598, %add3A_532, %dma_wait3A_606, %dma_wait3A_607] : memref<50x8x128x8x128xf32, #tpu.memory_space<hbm>> -> memref<1x1x1x8x128xf32, #tpu.memory_space<hbm>>
    %dma_wait3A_609 = tpu.memref_squeeze %dma_wait3A_608 : memref<1x1x1x8x128xf32, #tpu.memory_space<hbm>> -> memref<8x128xf32, #tpu.memory_space<hbm>>
    %dma_wait3A_610 = arith.constant 32 : i32
    %dma_wait3A_611 = arith.constant 0 : i32
    %dma_wait3A_612 = tpu.memref_slice %arg15[%dma_wait3A_610, %dma_wait3A_611] : memref<64x128xf32, #tpu.memory_space<vmem>> -> memref<8x128xf32, #tpu.memory_space<vmem>>
    tpu.wait_dma2 semaphore(%arg21 : memref<!tpu.dma_semaphore, #tpu.memory_space<semaphore_mem>>) src(%dma_wait3A_612 : memref<8x128xf32, #tpu.memory_space<vmem>>) dst(%dma_wait3A_609 : memref<8x128xf32, #tpu.memory_space<hbm>>)
    %dma_wait3A_613 = arith.constant 49 : i32
    %dma_wait3A_614 = arith.constant 5 : i32
    %dma_wait3A_615 = arith.constant 40 : i32
    %dma_wait3A_616 = arith.constant 0 : i32
    %dma_wait3A_617 = tpu.memref_slice %arg15[%dma_wait3A_615, %dma_wait3A_616] : memref<64x128xf32, #tpu.memory_space<vmem>> -> memref<8x128xf32, #tpu.memory_space<vmem>>
    %dma_wait3A_618 = arith.constant 0 : i32
    %dma_wait3A_619 = arith.constant 0 : i32
    %dma_wait3A_620 = tpu.memref_slice %arg4[%dma_wait3A_613, %dma_wait3A_614, %add3A_532, %dma_wait3A_618, %dma_wait3A_619] : memref<50x8x128x8x128xf32, #tpu.memory_space<hbm>> -> memref<1x1x1x8x128xf32, #tpu.memory_space<hbm>>
    %dma_wait3A_621 = tpu.memref_squeeze %dma_wait3A_620 : memref<1x1x1x8x128xf32, #tpu.memory_space<hbm>> -> memref<8x128xf32, #tpu.memory_space<hbm>>
    %dma_wait3A_622 = arith.constant 0 : i32
    %dma_wait3A_623 = arith.constant 0 : i32
    %dma_wait3A_624 = tpu.memref_slice %arg4[%dma_wait3A_613, %dma_wait3A_614, %add3A_532, %dma_wait3A_622, %dma_wait3A_623] : memref<50x8x128x8x128xf32, #tpu.memory_space<hbm>> -> memref<1x1x1x8x128xf32, #tpu.memory_space<hbm>>
    %dma_wait3A_625 = tpu.memref_squeeze %dma_wait3A_624 : memref<1x1x1x8x128xf32, #tpu.memory_space<hbm>> -> memref<8x128xf32, #tpu.memory_space<hbm>>
    %dma_wait3A_626 = arith.constant 40 : i32
    %dma_wait3A_627 = arith.constant 0 : i32
    %dma_wait3A_628 = tpu.memref_slice %arg15[%dma_wait3A_626, %dma_wait3A_627] : memref<64x128xf32, #tpu.memory_space<vmem>> -> memref<8x128xf32, #tpu.memory_space<vmem>>
    tpu.wait_dma2 semaphore(%arg21 : memref<!tpu.dma_semaphore, #tpu.memory_space<semaphore_mem>>) src(%dma_wait3A_628 : memref<8x128xf32, #tpu.memory_space<vmem>>) dst(%dma_wait3A_625 : memref<8x128xf32, #tpu.memory_space<hbm>>)
    %dma_wait3A_629 = arith.constant 49 : i32
    %dma_wait3A_630 = arith.constant 6 : i32
    %dma_wait3A_631 = arith.constant 48 : i32
    %dma_wait3A_632 = arith.constant 0 : i32
    %dma_wait3A_633 = tpu.memref_slice %arg15[%dma_wait3A_631, %dma_wait3A_632] : memref<64x128xf32, #tpu.memory_space<vmem>> -> memref<8x128xf32, #tpu.memory_space<vmem>>
    %dma_wait3A_634 = arith.constant 0 : i32
    %dma_wait3A_635 = arith.constant 0 : i32
    %dma_wait3A_636 = tpu.memref_slice %arg4[%dma_wait3A_629, %dma_wait3A_630, %add3A_532, %dma_wait3A_634, %dma_wait3A_635] : memref<50x8x128x8x128xf32, #tpu.memory_space<hbm>> -> memref<1x1x1x8x128xf32, #tpu.memory_space<hbm>>
    %dma_wait3A_637 = tpu.memref_squeeze %dma_wait3A_636 : memref<1x1x1x8x128xf32, #tpu.memory_space<hbm>> -> memref<8x128xf32, #tpu.memory_space<hbm>>
    %dma_wait3A_638 = arith.constant 0 : i32
    %dma_wait3A_639 = arith.constant 0 : i32
    %dma_wait3A_640 = tpu.memref_slice %arg4[%dma_wait3A_629, %dma_wait3A_630, %add3A_532, %dma_wait3A_638, %dma_wait3A_639] : memref<50x8x128x8x128xf32, #tpu.memory_space<hbm>> -> memref<1x1x1x8x128xf32, #tpu.memory_space<hbm>>
    %dma_wait3A_641 = tpu.memref_squeeze %dma_wait3A_640 : memref<1x1x1x8x128xf32, #tpu.memory_space<hbm>> -> memref<8x128xf32, #tpu.memory_space<hbm>>
    %dma_wait3A_642 = arith.constant 48 : i32
    %dma_wait3A_643 = arith.constant 0 : i32
    %dma_wait3A_644 = tpu.memref_slice %arg15[%dma_wait3A_642, %dma_wait3A_643] : memref<64x128xf32, #tpu.memory_space<vmem>> -> memref<8x128xf32, #tpu.memory_space<vmem>>
    tpu.wait_dma2 semaphore(%arg21 : memref<!tpu.dma_semaphore, #tpu.memory_space<semaphore_mem>>) src(%dma_wait3A_644 : memref<8x128xf32, #tpu.memory_space<vmem>>) dst(%dma_wait3A_641 : memref<8x128xf32, #tpu.memory_space<hbm>>)
    %dma_wait3A_645 = arith.constant 49 : i32
    %dma_wait3A_646 = arith.constant 7 : i32
    %dma_wait3A_647 = arith.constant 56 : i32
    %dma_wait3A_648 = arith.constant 0 : i32
    %dma_wait3A_649 = tpu.memref_slice %arg15[%dma_wait3A_647, %dma_wait3A_648] : memref<64x128xf32, #tpu.memory_space<vmem>> -> memref<8x128xf32, #tpu.memory_space<vmem>>
    %dma_wait3A_650 = arith.constant 0 : i32
    %dma_wait3A_651 = arith.constant 0 : i32
    %dma_wait3A_652 = tpu.memref_slice %arg4[%dma_wait3A_645, %dma_wait3A_646, %add3A_532, %dma_wait3A_650, %dma_wait3A_651] : memref<50x8x128x8x128xf32, #tpu.memory_space<hbm>> -> memref<1x1x1x8x128xf32, #tpu.memory_space<hbm>>
    %dma_wait3A_653 = tpu.memref_squeeze %dma_wait3A_652 : memref<1x1x1x8x128xf32, #tpu.memory_space<hbm>> -> memref<8x128xf32, #tpu.memory_space<hbm>>
    %dma_wait3A_654 = arith.constant 0 : i32
    %dma_wait3A_655 = arith.constant 0 : i32
    %dma_wait3A_656 = tpu.memref_slice %arg4[%dma_wait3A_645, %dma_wait3A_646, %add3A_532, %dma_wait3A_654, %dma_wait3A_655] : memref<50x8x128x8x128xf32, #tpu.memory_space<hbm>> -> memref<1x1x1x8x128xf32, #tpu.memory_space<hbm>>
    %dma_wait3A_657 = tpu.memref_squeeze %dma_wait3A_656 : memref<1x1x1x8x128xf32, #tpu.memory_space<hbm>> -> memref<8x128xf32, #tpu.memory_space<hbm>>
    %dma_wait3A_658 = arith.constant 56 : i32
    %dma_wait3A_659 = arith.constant 0 : i32
    %dma_wait3A_660 = tpu.memref_slice %arg15[%dma_wait3A_658, %dma_wait3A_659] : memref<64x128xf32, #tpu.memory_space<vmem>> -> memref<8x128xf32, #tpu.memory_space<vmem>>
    tpu.wait_dma2 semaphore(%arg21 : memref<!tpu.dma_semaphore, #tpu.memory_space<semaphore_mem>>) src(%dma_wait3A_660 : memref<8x128xf32, #tpu.memory_space<vmem>>) dst(%dma_wait3A_657 : memref<8x128xf32, #tpu.memory_space<hbm>>)
    return
  }
}

</mosaic_0001>

<sc_bundles>
// kernel: kernel.3.cloned.1.call-start
scs
__scs_entry_jumppad:
0x0: {  	(pc) =	sbr.rel $0x88, $3  }
0x1: {  	(tag) =	ssettag $0x0;
	lr =	simm.s32 $0x1  }
0x2: {  	[smem:$0x3F9F] =	sst lr;
	_ =	strace $0xD0000000  }
0x3: {  	_ = 	snop  }
0x4: {  	_ = 	snop  }
0x5: {  	_ = 	snop  }
0x6: {  	_ = 	snop  }
0x7: {  	_ = 	snop  }
__scs_overlays_trampoline_lowered:
0x8: {  	[smem:$0x3FAE] =	sst s0  }
0x9: {  	[smem:$0x3FAF] =	sst s1  }
0xa: {  	[smem:$0x3FB0] =	sst s2  }
0xb: {  	[smem:$0x3FB1] =	sst s3  }
0xc: {  	[smem:$0x3FB2] =	sst s4  }
0xd: {  	[smem:$0x3FB3] =	sst s5  }
0xe: {  	[smem:$0x3FB4] =	sst s6  }
0xf: {  	[smem:$0x3FB5] =	sst s7  }
0x10: {  	[smem:$0x3FB6] =	sst s8  }
0x11: {  	[smem:$0x3FB7] =	sst s9;
	s0 =	simm.s32 @!p0 $0x0  }
0x12: {  	s1 =	sld [smem:$0x3F9D];
	s0 =	simm.s32 @p0 $0x1  }
0x13: {  	[smem:$0x3FB8] =	sst s0;
	s0 =	simm.s32 @!p1 $0x0  }
0x14: {  	s2 =	sld [smem:$0x3F9C];
	s0 =	simm.s32 @p1 $0x1  }
0x15: {  	[smem:$0x3FB9] =	sst s0;
	s0 =	simm.s32 @!p2 $0x0  }
0x16: {  	s3 =	sld [smem:$0x3FDB];
	s0 =	simm.s32 @p2 $0x1  }
0x17: {  	s4 =	simm.s32 $0x1BF5;
	[smem:$0x3FBB] =	sst s0  }
0x18: {  	s0 =	sld [smem:$0x3F9E];
	_ =	swait.ge [sflag:s4], $0x0  }
0x19: {  	s7 =	sld [smem:$0x3F9F]  }
0x1a: {  	s8 =	sadd.s32 $0xFFFFE003, lr  }
0x1b: {  	s9 =	sadd.s32 $0xFFFFFEF7, lr;
	s5 =	simm.s32 $0xFFFFFFFF;
	p2 =	slt.u32 s8, $0xFFFFF086  }
0x1c: {  	p1 =	slt.u32 s9, $0xF7A;
	s5 =	simm.s32 @!p2 $0x0  }
0x1d: {  	s5 =	simm.s32 @p1 $0x1;
	p0 =	seq.s32 s7, s2  }
0x1e: {  	s7 =	smul.u32 @!p0 $0xF7A, s2;
	p2 =	seq.s32 @!p0 s5, $0x0  }
0x1f: {  	s9 =	smul.u32 $0xF7A, s1;
	s8 =	simm.s32 @!p0 $0x1BF5;
	p2 =	por !p2, p0  }
0x20: {  	[sflag:s8] =	ssyncset.s32 @!p0 $0xFFFFF086;
	s6 =	sadd.s32 @!p0 s3, s7;
	s7 =	simm.s32 @!p0 $0x108  }
0x21: {  	s3 =	sadd.s32 s3, s9;
	s6 =	sadd.s32 @!p0 $0x88, s6;
	s7 =	simm.s32 @p2 $0x1082  }
0x22: {  	[simem:s7], [sflag:s8] =	dma.local @!p0 [hbm:s6], $0xF7A  }
0x23: {  	s9 =	sor.u32 $0xD0000000, s2;
	s6 =	simm.s32 $0x108;
	_ =	swait.ge @!p0 [sflag:s8], $0x0  }
0x24: {  	s3 =	sadd.s32 $0x88, s3;
	s6 =	simm.s32 @!p1 $0x1082;
	[sflag:s4] =	ssyncset.s32 $0xFFFFF086  }
0x25: {  	[simem:s6], [sflag:s4] =	dma.local [hbm:s3], $0xF7A  }
0x26: {  	[smem:$0x3F9F] =	sst s1;
	(tag) =	ssettag s2;
	_ =	strace s9  }
0x27: {  	s1 =	sld [smem:$0x3FAF]  }
0x28: {  	s2 =	sld [smem:$0x3FB0]  }
0x29: {  	s4 =	sld [smem:$0x3FB2]  }
0x2a: {  	p0 =	seq.s32 s5, $0x0;
	s5 =	sld [smem:$0x3FB3]  }
0x2b: {  	s6 =	sld [smem:$0x3FB4]  }
0x2c: {  	s7 =	sld [smem:$0x3FB5]  }
0x2d: {  	s3 =	simm.s32 $0x108;
	s8 =	sld [smem:$0x3FB6]  }
0x2e: {  	s3 =	simm.s32 @!p0 $0x1082;
	s9 =	sld [smem:$0x3FB7]  }
0x2f: {  	lr =	sadd.s32 s0, s3;
	s0 =	sld [smem:$0x3FAE]  }
0x30: {  	s3 =	sld [smem:$0x3FB1]  }
0x31: {  	[smem:$0x3FBA] =	sst s10  }
0x32: {  	s10 =	sld [smem:$0x3FB8];
	_ =	sdelay $0x3  }
0x33: {  	p0 =	seq.s32 s10, $0x1;
	s10 =	sld [smem:$0x3FBA];
	_ =	sdelay $0x3  }
0x34: {  	[smem:$0x3FBA] =	sst s10  }
0x35: {  	s10 =	sld [smem:$0x3FB9];
	_ =	sdelay $0x3  }
0x36: {  	p1 =	seq.s32 s10, $0x1;
	s10 =	sld [smem:$0x3FBA];
	_ =	sdelay $0x3  }
0x37: {  	[smem:$0x3FBA] =	sst s10  }
0x38: {  	s10 =	sld [smem:$0x3FBB]  }
0x39: {  	_ = 	snop;
	(pc) =	sbr.ind lr, $3  }
0x3a: {  	_ = 	snop  }
0x3b: {  	_ = 	snop  }
0x3c: {  	p2 =	seq.s32 s10, $0x1;
	s10 =	sld [smem:$0x3FBA]  }
0x3d: {  	_ =	shalt  }
0x3e: {  	_ =	shalt  }
0x3f: {  	_ =	shalt  }
0x40: {  	_ =	shalt  }
0x41: {  	_ =	shalt  }
0x42: {  	_ =	shalt  }
0x43: {  	_ =	shalt  }
0x44: {  	_ =	shalt  }
0x45: {  	_ =	shalt  }
0x46: {  	_ =	shalt  }
0x47: {  	_ =	shalt  }
0x48: {  	_ =	shalt  }
0x49: {  	_ =	shalt  }
0x4a: {  	_ =	shalt  }
0x4b: {  	_ =	shalt  }
0x4c: {  	_ =	shalt  }
0x4d: {  	_ =	shalt  }
0x4e: {  	_ =	shalt  }
0x4f: {  	_ =	shalt  }
0x50: {  	_ =	shalt  }
0x51: {  	_ =	shalt  }
0x52: {  	_ =	shalt  }
0x53: {  	_ =	shalt  }
0x54: {  	_ =	shalt  }
0x55: {  	_ =	shalt  }
0x56: {  	_ =	shalt  }
0x57: {  	_ =	shalt  }
0x58: {  	_ =	shalt  }
0x59: {  	_ =	shalt  }
0x5a: {  	_ =	shalt  }
0x5b: {  	_ =	shalt  }
0x5c: {  	_ =	shalt  }
0x5d: {  	_ =	shalt  }
0x5e: {  	_ =	shalt  }
0x5f: {  	_ =	shalt  }
0x60: {  	_ =	shalt  }
0x61: {  	_ =	shalt  }
0x62: {  	_ =	shalt  }
0x63: {  	_ =	shalt  }
0x64: {  	_ =	shalt  }
0x65: {  	_ =	shalt  }
0x66: {  	_ =	shalt  }
0x67: {  	_ =	shalt  }
0x68: {  	_ =	shalt  }
0x69: {  	_ =	shalt  }
0x6a: {  	_ =	shalt  }
0x6b: {  	_ =	shalt  }
0x6c: {  	_ =	shalt  }
0x6d: {  	_ =	shalt  }
0x6e: {  	_ =	shalt  }
0x6f: {  	_ =	shalt  }
0x70: {  	_ =	shalt  }
0x71: {  	_ =	shalt  }
0x72: {  	_ =	shalt  }
0x73: {  	_ =	shalt  }
0x74: {  	_ =	shalt  }
0x75: {  	_ =	shalt  }
0x76: {  	_ =	shalt  }
0x77: {  	_ =	shalt  }
0x78: {  	_ =	shalt  }
0x79: {  	_ =	shalt  }
0x7a: {  	_ =	shalt  }
0x7b: {  	_ =	shalt  }
0x7c: {  	_ =	shalt  }
0x7d: {  	_ =	shalt  }
0x7e: {  	_ =	shalt  }
0x7f: {  	_ =	shalt  }
0x80: {  	_ =	shalt  }
0x81: {  	_ =	shalt  }
0x82: {  	_ =	shalt  }
0x83: {  	_ =	shalt  }
0x84: {  	_ =	shalt  }
0x85: {  	_ =	shalt  }
0x86: {  	_ =	shalt  }
0x87: {  	_ =	shalt  }
.Lfunc_end0:
.L_simem_size_0:
called_computation_lowered:
.L_overlay_start_0:
0x88: {  	s2 =	sld [smem:$0x3FD9]  }
0x89: {  	s3 =	sld [smem:$0x3FFE];
	_ =	sdelay $0x1  }
0x8a: {  	s1 =	srdreg.scid  }
0x8b: {  	s0 =	sand.u32 $0x1, s1  }
0x8c: {  	s17 =	sshll.u32 s0, $0xA;
	s2 =	sadd.s32 s3, s2  }
0x8d: {  	s2 =	sadd.s32 s2, s17  }
0x8e: {  	[smem:$0x3FC6] =	sst s2  }
0x8f: {  	_ = 	snop  }
0x90: {  	s2 =	sld [smem:$0x3FD0];
	(tm) =	ssettm $0x1  }
0x91: {  	s18 =	sld [smem:$0x3FFB];
	_ =	sdelay $0x3  }
0x92: {  	_ =	strace s18  }
0x93: {  	s3 =	sld [smem:$0x3FFC];
	_ =	sdelay $0x3  }
0x94: {  	_ =	strace s3  }
0x95: {  	s3 =	sld [smem:$0x3FFD];
	_ =	sdelay $0x3  }
0x96: {  	_ =	strace s3  }
0x97: {  	_ =	strace $0x8FFFFFFF  }
0x98: {  	s19 =	sld [smem:$0x3FDB];
	_ =	sdelay $0x1  }
0x99: {  	s4 =	simm.s32 $_scs_section_size  }
0x9a: {  	s5 =	simm.s32 $_size__tile_overlayer_lowered;
	s6 =	simm.s32 $_tile_overlayer_lowered  }
0x9b: {  	s22 =	simm.s32 $0x1BFF;
	s21 =	sshll.u32 s6, $0x1;
	s3 =	sadd.s32 s4, s19  }
0x9c: {  	s7 =	simm.s32 $0x0;
	s20 =	sshll.u32 s5, $0x1;
	s5 =	sadd.s32 s21, s3  }
0x9d: {  	[timem:s7], [sflag:s22] =	dma.local [hbm:s5], s20  }
0x9e: {  	_ =	swait.ge [sflag:s22], s20  }
0x9f: {  	s4 =	ssub.s32 $0x0, s20;
	[sflag:s22] =	ssyncset.done $0x0  }
0xa0: {  	[sflag:s22] =	ssyncadd.s32 s4;
	_ =	sdelay $0x1  }
0xa1: {  	s23 =	simm.s32 $0x1B8B  }
0xa2: {  	_ =	swait.ge [sflag:s23], $0x1  }
0xa3: {  	[sflag:s23] =	ssyncset.done $0x0  }
0xa4: {  	s25 =	simm.s32 $0x1B8E;
	s24 =	sld [smem:$0x3FFE];
	[sflag:s23] =	ssyncadd.s32 $0xFFFFFFFF  }
0xa5: {  	s26 =	simm.s32 $execute0_lowered;
	[smem:$0x3FD2] =	sst s25  }
0xa6: {  	s5 =	sshll.u32 s26, $0x1;
	_ =	strace $0x80000046;
	[dreg:$0x1] =	wrdreg $0xFFFFFFFF  }
0xa7: {  	s28 =	simm.s32 $_size_execute0_lowered;
	s3 =	sadd.s32 s3, s5;
	[dreg:$0x0] =	wrdreg $0x0  }
0xa8: {  	s5 =	sshll.u32 s28, $0x1;
	[dreg:$0x2] =	wrdreg s3  }
0xa9: {  	[dreg:$0x3] =	wrdreg s5  }
0xaa: {  	[dreg:$0x4] =	wrdreg $0xC0  }
0xab: {  	_ =	task [dreg:s7], $0x5FFFF  }
0xac: {  	[dreg:$0x1] =	wrdreg $0xFFFFFFFF  }
0xad: {  	[dreg:$0x0] =	wrdreg $0x60  }
0xae: {  	[dreg:$0x2] =	wrdreg s24  }
0xaf: {  	[dreg:$0x3] =	wrdreg s2  }
0xb0: {  	[dreg:$0x4] =	wrdreg $0x9  }
0xb1: {  	_ =	task.clear_ibuf [dreg:s7], $0x5FFFF;
	_ =	strace $0x90000046  }
0xb2: {  	s29 =	simm.s32 $0x9;
	_ =	strace $0x80000048  }
0xb3: {  	_ =	swait.ge [sflag:s29], $0x1  }
0xb4: {  	[sflag:s29] =	ssyncadd.s32 $0xFFFFFFFF  }
0xb5: {  	_ =	strace $0x90000048  }
0xb6: {  	_ =	sfence  }
0xb7: {  	s30 =	sld [smem:$0x0];
	_ =	sdelay $0x2  }
0xb8: {  	s31 =	sshll.u32 s1, $0xD;
	s1 =	sshrl.u32 s1, $0x2  }
0xb9: {  	s3 =	sand.u32 $0x4000, s31;
	s1 =	sadd.s32 s1, s30  }
0xba: {  	s0 =	sor.u32 s3, s0;
	s1 =	sshll.u32 s1, $0x11  }
0xbb: {  	s0 =	sor.u32 s1, s0  }
0xbc: {  	s0 =	sadd.s32 $0x8F2B, s0  }
0xbd: {  	[sflag:s0] =	ssyncadd.remote.s32 $0x1  }
0xbe: {  	_ =	sfence.sel $0xFFFF  }
0xbf: {  	[dreg:$0x0] =	wrdreg $0xFFFFFFFF;
	(pc) =	sbr.abs _section_cstart, $3  }
0xc0: {  	[dreg:$0x1] =	wrdreg $0xFFFFFFFF  }
0xc1: {  	_ =	task.clear_ibuf [dreg:s7], $0x2FFFF;
	_ =	strace $0x9FFFFFFF  }
0xc2: {  	(tm) =	ssettm $0x7FFFFFFF  }
0xc3: {  	_ =	shalt  }
tec
execute0_lowered:
.L_overlay_start_1:
0x0: {  	(tag) =	ssettag $0x1  }
0x1: {  	s0 =	srdreg.scid;
	s2 =	stileid.u32;
	v0 =	vlaneseq.u32  }
0x2: {  	s0 =	sand.u32 $0x1, s0;
	s3 =	sshll.u32 s2, $0x1;
	v1 =	vmul.u32 $0x32, v0  }
0x3: {  	s1 =	rddreg [dreg:$0x0];
	s5 =	sor.u32 s0, s3;
	s3 =	simm.s32 $0x0  }
0x4: {  	[smem:$0x7FF] =	sst s3;
	v2 =	vadd.s32 $0x320, v1  }
0x5: {  	s2 =	rddreg [dreg:$0x1];
	_ =	strace $0x80000047;
	[tilespmem:$0x1FED0] =	vst v2;
	v2 =	vadd.s32 $0x640, v1  }
0x6: {  	[tilespmem:$0x1FEE0] =	vst v2;
	v2 =	vadd.s32 $0x1900, v1  }
0x7: {  	[tilespmem:$0x1FEF0] =	vst v2;
	v2 =	vadd.s32 $0x1C20, v1  }
0x8: {  	s18 =	simm.s32 $0x6600;
	s20 =	simm.s32 $0x8600;
	[tilespmem:$0x1FF00] =	vst v2;
	v2 =	vadd.s32 $0x1F40, v1  }
0x9: {  	s31 =	simm.s32 $0xEA00;
	s14 =	simm.s32 $0x10600;
	s17 =	simm.s32 $0x10A00;
	[tilespmem:$0x1FF10] =	vst v2;
	v2 =	vadd.s32 $0x2260, v1  }
0xa: {  	s16 =	simm.s32 $0x11600;
	s8 =	simm.s32 $0x12200;
	s21 =	sshll.u32 s5, $0xC;
	[tilespmem:$0x1FF20] =	vst v2;
	v2 =	vadd.s32 $0x2580, v1  }
0xb: {  	s9 =	simm.s32 $0x3;
	s23 =	sadd.s32 $0x4000, s2;
	[dreg:$0x3] =	wrdreg s21;
	[tilespmem:$0x1FF30] =	vst v2;
	v2 =	vadd.s32 $0x28A0, v1  }
0xc: {  	s10 =	simm.s32 $0x5;
	s24 =	sadd.s32 $0x8000, s2;
	[dreg:$0x5] =	wrdreg s23;
	[tilespmem:$0x1FF40] =	vst v2;
	v2 =	vadd.s32 $0x2BC0, v1  }
0xd: {  	s11 =	simm.s32 $0x4;
	s25 =	sadd.s32 $0xC000, s2;
	[dreg:$0x6] =	wrdreg s24;
	[tilespmem:$0x1FF50] =	vst v2;
	v2 =	vadd.s32 $0x2EE0, v1  }
0xe: {  	s0 =	ssub.s32 $0x2, s0;
	s26 =	sadd.s32 $0x10000, s2;
	[dreg:$0x7] =	wrdreg s25;
	[tilespmem:$0x1FF60] =	vst v2;
	v2 =	vadd.s32 $0x3200, v1  }
0xf: {  	s28 =	sadd.s32 $0x14000, s2;
	s29 =	sadd.s32 $0x18000, s2;
	[dreg:$0x8] =	wrdreg s26;
	[tilespmem:$0x1FF70] =	vst v2;
	v2 =	vadd.s32 $0x3520, v1  }
0x10: {  	s30 =	sadd.s32 $0x1C000, s2;
	s4 =	smul.u32 $0xC80, s5;
	[dreg:$0x9] =	wrdreg s28;
	[tilespmem:$0x1FF80] =	vst v2;
	v2 =	vadd.s32 $0x3840, v1  }
0x11: {  	s7 =	sshrl.u32 s0, $0x1;
	s5 =	simm.s32 $0x11A00;
	[dreg:$0xa] =	wrdreg s29;
	[tilespmem:$0x1FF90] =	vst v2;
	v2 =	vadd.s32 $0x3B60, v1  }
0x12: {  	v33 =	vor.u32 $0x78, v0;
	v4 =	vadd.s32 $0x960, v1;
	s0 =	ssub.s32 s0, s7;
	[dreg:$0xb] =	wrdreg s30;
	s24 =	simm.s32 $0xC600;
	[tilespmem:$0x1FFA0] =	vst v2;
	v2 =	vadd.s32 $0x3E80, v1  }
.Ltmp0:
0x13: {  	v5 =	vadd.s32 $0xC80, v1;
	v6 =	vadd.s32 $0xFA0, v1;
	s25 =	simm.s32 $0x1;
	s26 =	simm.s32 $0xE600;
	[tilespmem:$0x1FFB0] =	vst v2;
	v2 =	vadd.s32 $0x41A0, v1;
	(pc) =	sbr.rel .LBB2_1-.Ltmp0, $4  }
0x14: {  	v7 =	vadd.s32 $0x12C0, v1;
	v8 =	vadd.s32 $0x15E0, v1;
	s21 =	simm.s32 $0x2;
	s23 =	simm.s32 $0x11200;
	s7 =	simm.s32 $0x11E00;
	[tilespmem:$0x1FFC0] =	vst v2;
	v2 =	vadd.s32 $0x44C0, v1  }
0x15: {  	v25 =	vadd.s32 $0x4B00, v1;
	v26 =	vadd.s32 $0x4E20, v1;
	s6 =	sadd.s32 s4, s1;
	s4 =	sadd.s32 $0xF42A00, s1;
	s0 =	smax.u32 s0, $0x1;
	[tilespmem:$0x1FFD0] =	vst v2;
	v2 =	vadd.s32 $0x47E0, v1  }
0x16: {  	v27 =	vadd.s32 $0x5140, v1;
	v28 =	vadd.s32 $0x5460, v1;
	s1 =	simm.s32 $0x0;
	s22 =	sadd.s32 $0x600, s6;
	[dreg:$0xc] =	wrdreg s0;
	[tilespmem:$0x1FFE0] =	vst v2;
	v2 =	vadd.s32 $0x60E0, v1  }
0x17: {  	v29 =	vadd.s32 $0x5780, v1;
	v30 =	vadd.s32 $0x5AA0, v1;
	v31 =	vadd.s32 $0x5DC0, v1;
	s6 =	simm.s32 $0x6;
	[dreg:$0x4] =	wrdreg s22;
	s22 =	simm.s32 $0xA600;
	[tilespmem:$0x1FFF0] =	vst v2  }
.LBB2_32:
0x18: {  	_ =	swait.ge [sflag:s10], $0x400  }
0x19: {  	[sflag:s10] =	ssyncset.done $0x0  }
0x1a: {  	[sflag:s10] =	ssyncadd.s32 $0xFFFFFC00  }
0x1b: {  	_ =	swait.ge [sflag:s10], $0x400  }
0x1c: {  	[sflag:s10] =	ssyncset.done $0x0  }
0x1d: {  	[sflag:s10] =	ssyncadd.s32 $0xFFFFFC00  }
0x1e: {  	_ =	swait.ge [sflag:s10], $0x400  }
0x1f: {  	[sflag:s10] =	ssyncset.done $0x0  }
0x20: {  	[sflag:s10] =	ssyncadd.s32 $0xFFFFFC00  }
0x21: {  	_ =	swait.ge [sflag:s10], $0x400  }
0x22: {  	[sflag:s10] =	ssyncset.done $0x0  }
0x23: {  	[sflag:s10] =	ssyncadd.s32 $0xFFFFFC00  }
0x24: {  	_ =	swait.ge [sflag:s10], $0x400  }
0x25: {  	[sflag:s10] =	ssyncset.done $0x0  }
0x26: {  	[sflag:s10] =	ssyncadd.s32 $0xFFFFFC00  }
0x27: {  	_ =	swait.ge [sflag:s10], $0x400  }
0x28: {  	[sflag:s10] =	ssyncset.done $0x0  }
0x29: {  	[sflag:s10] =	ssyncadd.s32 $0xFFFFFC00  }
0x2a: {  	_ =	swait.ge [sflag:s10], $0x400  }
0x2b: {  	[sflag:s10] =	ssyncset.done $0x0  }
0x2c: {  	[sflag:s10] =	ssyncadd.s32 $0xFFFFFC00  }
0x2d: {  	_ =	swait.ge [sflag:s10], $0x400  }
0x2e: {  	[sflag:s10] =	ssyncset.done $0x0  }
0x2f: {  	[sflag:s10] =	ssyncadd.s32 $0xFFFFFC00  }
0x30: {  	_ =	swait.ge [sflag:s6], $0x400  }
0x31: {  	[sflag:s6] =	ssyncset.done $0x0  }
0x32: {  	[sflag:s6] =	ssyncadd.s32 $0xFFFFFC00  }
0x33: {  	_ =	swait.ge [sflag:s6], $0x400  }
0x34: {  	[sflag:s6] =	ssyncset.done $0x0  }
0x35: {  	[sflag:s6] =	ssyncadd.s32 $0xFFFFFC00  }
0x36: {  	_ =	swait.ge [sflag:s6], $0x400  }
0x37: {  	[sflag:s6] =	ssyncset.done $0x0  }
0x38: {  	[sflag:s6] =	ssyncadd.s32 $0xFFFFFC00  }
0x39: {  	_ =	swait.ge [sflag:s6], $0x400  }
0x3a: {  	[sflag:s6] =	ssyncset.done $0x0  }
0x3b: {  	[sflag:s6] =	ssyncadd.s32 $0xFFFFFC00  }
0x3c: {  	_ =	swait.ge [sflag:s6], $0x400  }
0x3d: {  	[sflag:s6] =	ssyncset.done $0x0  }
0x3e: {  	[sflag:s6] =	ssyncadd.s32 $0xFFFFFC00  }
0x3f: {  	_ =	swait.ge [sflag:s6], $0x400  }
0x40: {  	[sflag:s6] =	ssyncset.done $0x0  }
0x41: {  	[sflag:s6] =	ssyncadd.s32 $0xFFFFFC00  }
0x42: {  	_ =	swait.ge [sflag:s6], $0x400  }
0x43: {  	[sflag:s6] =	ssyncset.done $0x0  }
0x44: {  	[sflag:s6] =	ssyncadd.s32 $0xFFFFFC00  }
0x45: {  	_ =	swait.ge [sflag:s6], $0x400  }
0x46: {  	s1 =	rddreg [dreg:$0xd]  }
0x47: {  	s0 =	rddreg [dreg:$0xc];
	s1 =	sadd.s32 $0x1, s1  }
0x48: {  	p0 =	sne.s32 s1, s0  }
.Ltmp1:
0x49: {  	_ = 	snop;
	(pc) =	sbr.rel @!p0 .LBB2_33-.Ltmp1, $3  }
0x4a: {  	_ =	sdelay $0x1  }
0x4b: {  	[sflag:s6] =	ssyncset.done $0x0  }
0x4c: {  	[sflag:s6] =	ssyncadd.s32 $0xFFFFFC00  }
.LBB2_1:
0x4d: {  	[dreg:$0xd] =	wrdreg s1  }
0x4e: {  	s0 =	rddreg [dreg:$0x4];
	s15 =	simm.s32 $0x7  }
0x4f: {  	[tilespmem:s3], [sflag:$0x7] =	stream.linear.gather [hbm4b:s0+s3], $0x6400, $0x38;
	[tilespmem:$0x12600] =	vst v63  }
0x50: {  	_ =	swait.ge [sflag:s15], $0x6400  }
0x51: {  	[sflag:s15] =	ssyncset.done $0x0;
	v2 =	vld [tilespmem:$0x1FED0]  }
0x52: {  	[sflag:s15] =	ssyncadd.s32 $0xFFFF9C00  }
0x53: {  	v9 =	vld.idx.msk [tilespmem:v1+s3+$0x0], $0xffff;
	_ =	sdelay $0x4  }
0x54: {  	[tilespmem:$0x6400] =	vst v9  }
0x55: {  	v9 =	vld.idx.msk [tilespmem:v2+s3+$0x0], $0xffff  }
0x56: {  	v2 =	vld [tilespmem:$0x1FEE0];
	_ =	sdelay $0x6  }
0x57: {  	[tilespmem:$0x6410] =	vst v9  }
0x58: {  	v9 =	vld.idx.msk [tilespmem:v2+s3+$0x0], $0xffff;
	_ =	sdelay $0x4  }
0x59: {  	[tilespmem:$0x6420] =	vst v9  }
0x5a: {  	v9 =	vld.idx.msk [tilespmem:v4+s3+$0x0], $0xffff;
	_ =	sdelay $0x4  }
0x5b: {  	[tilespmem:$0x6430] =	vst v9  }
0x5c: {  	v9 =	vld.idx.msk [tilespmem:v5+s3+$0x0], $0xffff;
	_ =	sdelay $0x4  }
0x5d: {  	[tilespmem:$0x6440] =	vst v9  }
0x5e: {  	v9 =	vld.idx.msk [tilespmem:v6+s3+$0x0], $0xffff;
	_ =	sdelay $0x4  }
0x5f: {  	[tilespmem:$0x6450] =	vst v9  }
0x60: {  	v9 =	vld.idx.msk [tilespmem:v7+s3+$0x0], $0xffff;
	_ =	sdelay $0x4  }
0x61: {  	v2 =	vld [tilespmem:$0x1FEF0];
	[tilespmem:$0x6460] =	vst v9  }
0x62: {  	v9 =	vld.idx.msk [tilespmem:v8+s3+$0x0], $0xffff;
	_ =	sdelay $0x4  }
0x63: {  	s19 =	simm.s32 $0x80;
	s28 =	simm.s32 $0x6400;
	[tilespmem:$0x6470] =	vst v9  }
0x64: {  	[tilespmem:s18], [sflag:$0x1] =	stream.indirect.gather [hbm4b:s4+s19], $0x40, s28, s19, $0xb8;
	[tilespmem:$0x12600] =	vst v63  }
0x65: {  	v9 =	vld.idx.msk [tilespmem:v2+s3+$0x0], $0xffff  }
0x66: {  	v2 =	vld [tilespmem:$0x1FF00];
	_ =	sdelay $0x6  }
0x67: {  	[tilespmem:$0x6480] =	vst v9  }
0x68: {  	v9 =	vld.idx.msk [tilespmem:v2+s3+$0x0], $0xffff  }
0x69: {  	v2 =	vld [tilespmem:$0x1FF10];
	_ =	sdelay $0x6  }
0x6a: {  	[tilespmem:$0x6490] =	vst v9  }
0x6b: {  	v9 =	vld.idx.msk [tilespmem:v2+s3+$0x0], $0xffff  }
0x6c: {  	v2 =	vld [tilespmem:$0x1FF20];
	_ =	sdelay $0x6  }
0x6d: {  	[tilespmem:$0x64A0] =	vst v9  }
0x6e: {  	v9 =	vld.idx.msk [tilespmem:v2+s3+$0x0], $0xffff  }
0x6f: {  	v2 =	vld [tilespmem:$0x1FF30];
	_ =	sdelay $0x6  }
0x70: {  	[tilespmem:$0x64B0] =	vst v9  }
0x71: {  	v9 =	vld.idx.msk [tilespmem:v2+s3+$0x0], $0xffff  }
0x72: {  	v2 =	vld [tilespmem:$0x1FF40];
	_ =	sdelay $0x6  }
0x73: {  	[tilespmem:$0x64C0] =	vst v9  }
0x74: {  	v9 =	vld.idx.msk [tilespmem:v2+s3+$0x0], $0xffff  }
0x75: {  	v2 =	vld [tilespmem:$0x1FF50];
	_ =	sdelay $0x6  }
0x76: {  	[tilespmem:$0x64D0] =	vst v9  }
0x77: {  	v9 =	vld.idx.msk [tilespmem:v2+s3+$0x0], $0xffff  }
0x78: {  	v2 =	vld [tilespmem:$0x1FF60];
	_ =	sdelay $0x6  }
0x79: {  	[tilespmem:$0x64E0] =	vst v9  }
0x7a: {  	v9 =	vld.idx.msk [tilespmem:v2+s3+$0x0], $0xffff  }
0x7b: {  	v2 =	vld [tilespmem:$0x1FF70];
	_ =	sdelay $0x5  }
0x7c: {  	s29 =	simm.s32 $0x6480;
	[tilespmem:$0x64F0] =	vst v9  }
0x7d: {  	[tilespmem:s20], [sflag:$0x2] =	stream.indirect.gather [hbm4b:s4+s19], $0x40, s29, s19, $0xb8;
	[tilespmem:$0x12600] =	vst v63  }
0x7e: {  	v9 =	vld.idx.msk [tilespmem:v2+s3+$0x0], $0xffff  }
0x7f: {  	v2 =	vld [tilespmem:$0x1FF80];
	_ =	sdelay $0x6  }
0x80: {  	[tilespmem:$0x6500] =	vst v9  }
0x81: {  	v9 =	vld.idx.msk [tilespmem:v2+s3+$0x0], $0xffff  }
0x82: {  	v2 =	vld [tilespmem:$0x1FF90];
	_ =	sdelay $0x6  }
0x83: {  	[tilespmem:$0x6510] =	vst v9  }
0x84: {  	v9 =	vld.idx.msk [tilespmem:v2+s3+$0x0], $0xffff  }
0x85: {  	v2 =	vld [tilespmem:$0x1FFA0];
	_ =	sdelay $0x6  }
0x86: {  	[tilespmem:$0x6520] =	vst v9  }
0x87: {  	v9 =	vld.idx.msk [tilespmem:v2+s3+$0x0], $0xffff  }
0x88: {  	v2 =	vld [tilespmem:$0x1FFB0];
	_ =	sdelay $0x6  }
0x89: {  	[tilespmem:$0x6530] =	vst v9  }
0x8a: {  	v9 =	vld.idx.msk [tilespmem:v2+s3+$0x0], $0xffff  }
0x8b: {  	v2 =	vld [tilespmem:$0x1FFC0];
	_ =	sdelay $0x6  }
0x8c: {  	[tilespmem:$0x6540] =	vst v9  }
0x8d: {  	v9 =	vld.idx.msk [tilespmem:v2+s3+$0x0], $0xffff  }
0x8e: {  	v2 =	vld [tilespmem:$0x1FFD0];
	_ =	sdelay $0x6  }
0x8f: {  	[tilespmem:$0x6550] =	vst v9  }
0x90: {  	v9 =	vld.idx.msk [tilespmem:v2+s3+$0x0], $0xffff  }
0x91: {  	v2 =	vld [tilespmem:$0x1FFE0];
	_ =	sdelay $0x6  }
0x92: {  	[tilespmem:$0x6560] =	vst v9  }
0x93: {  	v9 =	vld.idx.msk [tilespmem:v2+s3+$0x0], $0xffff;
	_ =	sdelay $0x4  }
0x94: {  	s30 =	simm.s32 $0x6500;
	[tilespmem:$0x6570] =	vst v9  }
0x95: {  	[tilespmem:s22], [sflag:$0x3] =	stream.indirect.gather [hbm4b:s4+s19], $0x40, s30, s19, $0xb8;
	[tilespmem:$0x12600] =	vst v63  }
0x96: {  	v9 =	vld.idx.msk [tilespmem:v25+s3+$0x0], $0xffff;
	_ =	sdelay $0x4  }
0x97: {  	[tilespmem:$0x6580] =	vst v9  }
0x98: {  	v9 =	vld.idx.msk [tilespmem:v26+s3+$0x0], $0xffff;
	_ =	sdelay $0x4  }
0x99: {  	[tilespmem:$0x6590] =	vst v9  }
0x9a: {  	v9 =	vld.idx.msk [tilespmem:v27+s3+$0x0], $0xffff;
	_ =	sdelay $0x4  }
0x9b: {  	[tilespmem:$0x65A0] =	vst v9  }
0x9c: {  	v9 =	vld.idx.msk [tilespmem:v28+s3+$0x0], $0xffff;
	_ =	sdelay $0x4  }
0x9d: {  	[tilespmem:$0x65B0] =	vst v9  }
0x9e: {  	v9 =	vld.idx.msk [tilespmem:v29+s3+$0x0], $0xffff;
	_ =	sdelay $0x4  }
0x9f: {  	[tilespmem:$0x65C0] =	vst v9  }
0xa0: {  	v9 =	vld.idx.msk [tilespmem:v30+s3+$0x0], $0xffff;
	_ =	sdelay $0x4  }
0xa1: {  	[tilespmem:$0x65D0] =	vst v9  }
0xa2: {  	v9 =	vld.idx.msk [tilespmem:v31+s3+$0x0], $0xffff;
	_ =	sdelay $0x4  }
0xa3: {  	s12 =	simm.s32 $0x0;
	[tilespmem:$0x65E0] =	vst v9;
	v9 =	vld [tilespmem:$0x1FFF0]  }
.LBB2_2:
0xa4: {  	_ =	sdelay $0x7  }
0xa5: {  	v9 =	vld.idx.msk [tilespmem:v9+s3+$0x0], $0xffff;
	_ =	sdelay $0x4  }
0xa6: {  	s0 =	simm.s32 $0x80;
	s1 =	simm.s32 $0x6580;
	[tilespmem:$0x65F0] =	vst v9  }
0xa7: {  	[tilespmem:s24], [sflag:$0x4] =	stream.indirect.gather [hbm4b:s4+s0], $0x40, s1, s0, $0xb8;
	[tilespmem:$0x12600] =	vst v63  }
0xa8: {  	_ =	swait.ge [sflag:s25], $0x2000  }
0xa9: {  	p0 =	seq.s32 s12, $0x0;
	[sflag:s25] =	ssyncset.done $0x0  }
0xaa: {  	s0 =	simm.s32 @!p0 $0x5;
	[sflag:s25] =	ssyncadd.s32 $0xFFFFE000  }
0xab: {  	_ =	swait.ge @!p0 [sflag:s0], $0x400  }
0xac: {  	[sflag:s0] =	ssyncset.done @!p0 $0x0  }
0xad: {  	[sflag:s0] =	ssyncadd.s32 @!p0 $0xFFFFFC00  }
0xae: {  	_ =	swait.ge @!p0 [sflag:s0], $0x400  }
0xaf: {  	[sflag:s0] =	ssyncset.done @!p0 $0x0  }
0xb0: {  	[sflag:s0] =	ssyncadd.s32 @!p0 $0xFFFFFC00  }
0xb1: {  	_ =	swait.ge @!p0 [sflag:s0], $0x400  }
0xb2: {  	[sflag:s0] =	ssyncset.done @!p0 $0x0  }
0xb3: {  	[sflag:s0] =	ssyncadd.s32 @!p0 $0xFFFFFC00  }
0xb4: {  	_ =	swait.ge @!p0 [sflag:s0], $0x400  }
0xb5: {  	[sflag:s0] =	ssyncset.done @!p0 $0x0  }
0xb6: {  	[sflag:s0] =	ssyncadd.s32 @!p0 $0xFFFFFC00  }
0xb7: {  	_ =	swait.ge @!p0 [sflag:s0], $0x400  }
0xb8: {  	[sflag:s0] =	ssyncset.done @!p0 $0x0  }
0xb9: {  	[sflag:s0] =	ssyncadd.s32 @!p0 $0xFFFFFC00  }
0xba: {  	_ =	swait.ge @!p0 [sflag:s0], $0x400  }
0xbb: {  	[sflag:s0] =	ssyncset.done @!p0 $0x0  }
0xbc: {  	[sflag:s0] =	ssyncadd.s32 @!p0 $0xFFFFFC00  }
0xbd: {  	_ =	swait.ge @!p0 [sflag:s0], $0x400  }
0xbe: {  	[sflag:s0] =	ssyncset.done @!p0 $0x0  }
0xbf: {  	[sflag:s0] =	ssyncadd.s32 @!p0 $0xFFFFFC00  }
0xc0: {  	_ =	swait.ge @!p0 [sflag:s0], $0x400  }
0xc1: {  	s13 =	simm.s32 $0x0;
	[sflag:s0] =	ssyncset.done @!p0 $0x0  }
0xc2: {  	s28 =	simm.s32 $0xE800;
	s29 =	simm.s32 $0x0;
	[sflag:s0] =	ssyncadd.s32 @!p0 $0xFFFFFC00  }
.LBB2_3:
0xc3: {  	s0 =	sshll.u32 s29, $0x4  }
0xc4: {  	v10 =	vadd.s32 s13, v0;
	s19 =	simm.s32 $0x1;
	s1 =	simm.s32 $0x2;
	v9 =	vor.u32 s0, v0  }
0xc5: {  	s30 =	simm.s32 $0x3;
	v11 =	vand.u32 $0xF, v10;
	v12 =	vadd.s32 s19, v0;
	v13 =	vadd.s32 s1, v0  }
0xc6: {  	v15 =	vadd.s32 s30, v0;
	v35 =	vshll.u32 v10, $0x7;
	v43 =	vand.u32 $0x7, v10  }
0xc7: {  	v38 =	vshll.u32 v9, $0x6;
	v36 =	vand.u32 v33, v9;
	v14 =	vand.u32 $0xF, v12  }
0xc8: {  	v16 =	vand.u32 $0xF, v13;
	v18 =	vshll.u32 v11, $0x7;
	v9 =	vor.u32 v38, v11  }
0xc9: {  	v19 =	vand.u32 $0xF, v15;
	v45 =	vshll.u32 v15, $0x7;
	v46 =	vshll.u32 v12, $0x7  }
0xca: {  	v62 =	vand.u32 $0x7, v12;
	v63 =	vand.u32 $0x7, v13;
	v32 =	vshll.u32 v13, $0x7  }
0xcb: {  	v55 =	vand.u32 $0x7, v15;
	v40 =	vor.u32 $0x10, v38;
	v17 =	vor.u32 v38, v14  }
0xcc: {  	v37 =	vor.u32 $0x30, v38;
	v39 =	vor.u32 $0x800, v36;
	v20 =	vor.u32 v38, v16  }
0xcd: {  	v34 =	vor.u32 $0x1800, v36;
	v42 =	vshll.u32 v14, $0x7;
	v21 =	vld.idx.msk [tilespmem:v9+s18+$0x0], $0xffff;
	v9 =	vor.u32 v36, v18  }
0xce: {  	v11 =	vor.u32 $0x20, v11;
	v14 =	vor.u32 $0x20, v14;
	v18 =	vor.u32 v38, v19  }
0xcf: {  	v41 =	vor.u32 v40, v10;
	v42 =	vor.u32 v36, v42;
	v44 =	vor.u32 v40, v12  }
0xd0: {  	v47 =	vor.u32 v40, v13;
	v48 =	vor.u32 v39, v35;
	v50 =	vld.idx.msk [tilespmem:v17+s18+$0x0], $0xffff;
	v17 =	vshll.u32 v16, $0x7  }
0xd1: {  	v51 =	vand.u32 $0x28, v11;
	v61 =	vor.u32 v40, v15;
	v20 =	vld.idx.msk [tilespmem:v20+s18+$0x0], $0xffff;
	v17 =	vor.u32 v36, v17  }
0xd2: {  	v52 =	vand.u32 $0x28, v14;
	v53 =	vor.u32 v39, v46;
	[tilespmem:v9+s26+$0x0] =	vst.idx.msk $0xffff, v21;
	v9 =	vshll.u32 v19, $0x7  }
0xd3: {  	v54 =	vor.u32 v39, v32;
	v58 =	vor.u32 v39, v45;
	v18 =	vld.idx.msk [tilespmem:v18+s18+$0x0], $0xffff;
	v9 =	vor.u32 v36, v9  }
0xd4: {  	v10 =	vor.u32 v37, v10;
	v13 =	vor.u32 v37, v13;
	v43 =	vor.u32 v51, v43;
	v51 =	vld.idx.msk [tilespmem:v41+s18+$0x0], $0xffff  }
0xd5: {  	v24 =	vor.u32 v37, v15;
	v43 =	vor.u32 v38, v43;
	v16 =	vor.u32 $0x20, v16;
	[tilespmem:v42+s26+$0x0] =	vst.idx.msk $0xffff, v50  }
0xd6: {  	v11 =	vshll.u32 v11, $0x7;
	v42 =	vor.u32 v52, v62;
	v56 =	vld.idx.msk [tilespmem:v44+s18+$0x0], $0xffff;
	[tilespmem:v17+s26+$0x0] =	vst.idx.msk $0xffff, v20;
	v17 =	vand.u32 $0x28, v16  }
0xd7: {  	v19 =	vor.u32 $0x20, v19;
	v42 =	vor.u32 v38, v42;
	v17 =	vor.u32 v17, v63  }
0xd8: {  	v14 =	vshll.u32 v14, $0x7;
	v57 =	vld.idx.msk [tilespmem:v47+s18+$0x0], $0xffff;
	[tilespmem:v9+s26+$0x0] =	vst.idx.msk $0xffff, v18;
	v9 =	vor.u32 v38, v17;
	v17 =	vand.u32 $0x28, v19  }
0xd9: {  	v11 =	vor.u32 v36, v11;
	[tilespmem:v48+s26+$0x0] =	vst.idx.msk $0xffff, v51;
	v59 =	vld.idx.msk [tilespmem:v61+s18+$0x0], $0xffff;
	v17 =	vor.u32 v17, v55  }
0xda: {  	v14 =	vor.u32 v36, v14;
	v15 =	vmul.f32 v50, v50;
	v22 =	vld.idx.msk [tilespmem:v43+s18+$0x0], $0xffff;
	v17 =	vor.u32 v38, v17  }
0xdb: {  	v41 =	vor.u32 v34, v32;
	v32 =	vor.u32 v37, v12;
	v12 =	vshll.u32 v16, $0x7;
	[tilespmem:v53+s26+$0x0] =	vst.idx.msk $0xffff, v56  }
0xdc: {  	v44 =	vor.u32 v34, v45;
	v16 =	vor.u32 v36, v12;
	v12 =	vshll.u32 v19, $0x7;
	v63 =	vld.idx.msk [tilespmem:v42+s18+$0x0], $0xffff  }
0xdd: {  	v49 =	vimm.f32 $0.0e+00;
	s1 =	simm.s32 $0x4;
	s30 =	simm.s32 $0x5;
	v23 =	vor.u32 v36, v12;
	v60 =	vmul.f32 v18, v18;
	[tilespmem:v54+s26+$0x0] =	vst.idx.msk $0xffff, v57  }
0xde: {  	v47 =	vadd.s32 s1, v0;
	v48 =	vadd.s32 s30, v0;
	v19 =	vmul.f32 v51, v51;
	v9 =	vld.idx.msk [tilespmem:v9+s18+$0x0], $0xffff;
	[tilespmem:v58+s26+$0x0] =	vst.idx.msk $0xffff, v59  }
0xdf: {  	s15 =	simm.s32 $0x7;
	s19 =	simm.s32 $0x6;
	v18 =	vmul.f32 v56, v56;
	v56 =	vimm.f32 $0.0e+00;
	v43 =	vor.u32 v34, v46;
	[tilespmem:v11+s26+$0x0] =	vst.idx.msk $0xffff, v22;
	v54 =	vld.idx.msk [tilespmem:v17+s18+$0x0], $0xffff  }
0xe0: {  	v42 =	vadd.s32 s15, v0;
	v46 =	vadd.s32 s19, v0;
	v62 =	vand.u32 $0xF, v48;
	v45 =	vld.idx.msk [tilespmem:v10+s18+$0x0], $0xffff  }
0xe1: {  	v53 =	vand.u32 $0xF, v42;
	v55 =	vand.u32 $0xF, v46;
	[tilespmem:v14+s26+$0x0] =	vst.idx.msk $0xffff, v63;
	v14 =	vmul.f32 v20, v20  }
0xe2: {  	v58 =	vand.u32 $0xF, v47;
	v61 =	vmul.f32 v59, v59;
	v20 =	vmul.f32 v22, v22;
	v50 =	vld.idx.msk [tilespmem:v32+s18+$0x0], $0xffff  }
0xe3: {  	v11 =	vshll.u32 v58, $0x7;
	v12 =	vor.u32 v38, v58;
	v17 =	vmul.f32 v21, v21;
	[tilespmem:v16+s26+$0x0] =	vst.idx.msk $0xffff, v9  }
0xe4: {  	v59 =	vimm.f32 $0.0e+00;
	v10 =	vor.u32 v38, v55;
	v16 =	vmul.f32 v57, v57;
	v51 =	vld.idx.msk [tilespmem:v13+s18+$0x0], $0xffff;
	[tilespmem:v23+s26+$0x0] =	vst.idx.msk $0xffff, v54  }
0xe5: {  	s1 =	simm.s32 $0x8;
	v57 =	vimm.f32 $0.0e+00;
	v13 =	vor.u32 v38, v62;
	v21 =	vmul.f32 v45, v45;
	v52 =	vld.idx.msk [tilespmem:v24+s18+$0x0], $0xffff  }
.LBB2_4:
0xe6: {  	p1 =	slt.u32 s1, $0xC;
	v17 =	vadd.f32 v17, v49;
	v19 =	vadd.f32 v19, v59;
	v22 =	vmul.f32 v63, v63  }
0xe7: {  	v23 =	vmul.f32 v50, v50;
	v20 =	vadd.f32 v20, v56;
	v21 =	vadd.f32 v21, v57  }
0xe8: {  	v9 =	vmul.f32 v9, v9;
	v15 =	vadd.f32 v15, v17;
	v17 =	vadd.f32 v18, v19  }
0xe9: {  	v18 =	vadd.f32 v22, v20;
	v19 =	vadd.f32 v23, v21;
	v20 =	vmul.f32 v51, v51  }
0xea: {  	v14 =	vadd.f32 v14, v15;
	v15 =	vadd.f32 v16, v17;
	v16 =	vmul.f32 v54, v54  }
0xeb: {  	v9 =	vadd.f32 v9, v18;
	v17 =	vadd.f32 v20, v19;
	v18 =	vmul.f32 v52, v52  }
0xec: {  	v11 =	vor.u32 v36, v11;
	v19 =	vld.idx.msk [tilespmem:v12+s18+$0x0], $0xffff;
	v49 =	vadd.f32 v60, v14;
	v59 =	vadd.f32 v61, v15  }
0xed: {  	v12 =	vor.u32 v38, v53;
	v56 =	vadd.f32 v16, v9;
	v57 =	vadd.f32 v18, v17  }
0xee: {  	v14 =	vshll.u32 v62, $0x7;
	v15 =	vor.u32 v34, v35;
	v9 =	vor.u32 v40, v47;
	v13 =	vld.idx.msk [tilespmem:v13+s18+$0x0], $0xffff  }
0xef: {  	v35 =	vshll.u32 v47, $0x7;
	v16 =	vand.u32 $0x7, v47;
	v14 =	vor.u32 v36, v14;
	[tilespmem:v43+s26+$0x0] =	vst.idx.msk $0xffff, v50  }
0xf0: {  	v20 =	vshll.u32 v42, $0x7;
	v17 =	vor.u32 v40, v48;
	v18 =	vshll.u32 v55, $0x7;
	v10 =	vld.idx.msk [tilespmem:v10+s18+$0x0], $0xffff;
	[tilespmem:v41+s26+$0x0] =	vst.idx.msk $0xffff, v51  }
0xf1: {  	v21 =	vshll.u32 v48, $0x7;
	v22 =	vshll.u32 v46, $0x7;
	v18 =	vor.u32 v36, v18;
	[tilespmem:v44+s26+$0x0] =	vst.idx.msk $0xffff, v52  }
0xf2: {  	v23 =	vor.u32 v40, v46;
	[tilespmem:v11+s26+$0x0] =	vst.idx.msk $0xffff, v19;
	v11 =	vor.u32 $0x20, v58;
	v24 =	vld.idx.msk [tilespmem:v12+s18+$0x0], $0xffff;
	v12 =	vshll.u32 v53, $0x7  }
0xf3: {  	v51 =	vld.idx.msk [tilespmem:v9+s18+$0x0], $0xffff;
	v9 =	vor.u32 v39, v35;
	v41 =	vand.u32 $0x28, v11;
	v12 =	vor.u32 v36, v12  }
0xf4: {  	v16 =	vor.u32 v41, v16;
	[tilespmem:v14+s26+$0x0] =	vst.idx.msk $0xffff, v13;
	v14 =	vor.u32 $0x20, v62;
	v41 =	vor.u32 v40, v42  }
0xf5: {  	v43 =	vand.u32 $0x7, v48;
	v16 =	vor.u32 v38, v16;
	v52 =	vld.idx.msk [tilespmem:v17+s18+$0x0], $0xffff;
	v17 =	vand.u32 $0x28, v14;
	[tilespmem:v15+s26+$0x0] =	vst.idx.msk $0xffff, v45  }
0xf6: {  	v15 =	vor.u32 v39, v21;
	v17 =	vor.u32 v17, v43;
	[tilespmem:v18+s26+$0x0] =	vst.idx.msk $0xffff, v10;
	v18 =	vor.u32 $0x20, v55  }
0xf7: {  	v44 =	vand.u32 $0x7, v46;
	v17 =	vor.u32 v38, v17;
	v23 =	vld.idx.msk [tilespmem:v23+s18+$0x0], $0xffff;
	v43 =	vand.u32 $0x28, v18  }
0xf8: {  	v45 =	vor.u32 v39, v22;
	v43 =	vor.u32 v43, v44;
	[tilespmem:v12+s26+$0x0] =	vst.idx.msk $0xffff, v24;
	v12 =	vor.u32 $0x20, v53  }
0xf9: {  	[tilespmem:v9+s26+$0x0] =	vst.idx.msk $0xffff, v51;
	v9 =	vor.u32 v38, v43;
	v61 =	vld.idx.msk [tilespmem:v41+s18+$0x0], $0xffff;
	v41 =	vand.u32 $0x28, v12;
	v43 =	vand.u32 $0x7, v42  }
0xfa: {  	v11 =	vshll.u32 v11, $0x7;
	v32 =	vld.idx.msk [tilespmem:v16+s18+$0x0], $0xffff;
	v16 =	vor.u32 v39, v20;
	v41 =	vor.u32 v41, v43  }
0xfb: {  	v11 =	vor.u32 v36, v11;
	[tilespmem:v15+s26+$0x0] =	vst.idx.msk $0xffff, v52;
	v15 =	vor.u32 v38, v41  }
0xfc: {  	v50 =	vor.u32 v37, v47;
	v14 =	vshll.u32 v14, $0x7;
	v43 =	vor.u32 v34, v21;
	v63 =	vld.idx.msk [tilespmem:v17+s18+$0x0], $0xffff  }
0xfd: {  	v14 =	vor.u32 v36, v14;
	v41 =	vor.u32 v34, v22;
	[tilespmem:v45+s26+$0x0] =	vst.idx.msk $0xffff, v23  }
0xfe: {  	s0 =	sadd.s32 $0x3, s1;
	v44 =	vor.u32 v34, v20;
	v21 =	vor.u32 v37, v48;
	v17 =	vshll.u32 v18, $0x7;
	v9 =	vld.idx.msk [tilespmem:v9+s18+$0x0], $0xffff  }
0xff: {  	s15 =	sadd.s32 $0x2, s1;
	v47 =	vadd.s32 s1, v0;
	v18 =	vadd.s32 s0, v0;
	v20 =	vor.u32 v36, v17;
	[tilespmem:v16+s26+$0x0] =	vst.idx.msk $0xffff, v61  }
0x100: {  	s0 =	sadd.s32 $0x1, s1;
	v16 =	vor.u32 v37, v46;
	v46 =	vadd.s32 s15, v0;
	[tilespmem:v11+s26+$0x0] =	vst.idx.msk $0xffff, v32;
	v54 =	vld.idx.msk [tilespmem:v15+s18+$0x0], $0xffff;
	v11 =	vshll.u32 v12, $0x7  }
0x101: {  	v58 =	vand.u32 $0xF, v47;
	v48 =	vadd.s32 s0, v0;
	v45 =	vld.idx.msk [tilespmem:v50+s18+$0x0], $0xffff;
	v22 =	vor.u32 v36, v11  }
0x102: {  	v2 =	vor.u32 v37, v42;
	v53 =	vand.u32 $0xF, v18;
	v42 =	vmovc v18;
	v11 =	vshll.u32 v58, $0x7;
	[tilespmem:v14+s26+$0x0] =	vst.idx.msk $0xffff, v63  }
.Ltmp2:
0x103: {  	v60 =	vmul.f32 v24, v24;
	v17 =	vmul.f32 v19, v19;
	v12 =	vor.u32 v38, v58;
	v50 =	vld.idx.msk [tilespmem:v21+s18+$0x0], $0xffff;
	(pc) =	sbr.rel @p1 .LBB2_4-.Ltmp2, $4  }
0x104: {  	v55 =	vand.u32 $0xF, v46;
	v15 =	vmul.f32 v13, v13;
	v14 =	vmul.f32 v10, v10;
	[tilespmem:v20+s26+$0x0] =	vst.idx.msk $0xffff, v9  }
0x105: {  	v19 =	vmul.f32 v51, v51;
	v61 =	vmul.f32 v61, v61;
	v10 =	vor.u32 v38, v55;
	v51 =	vld.idx.msk [tilespmem:v16+s18+$0x0], $0xffff  }
0x106: {  	v18 =	vmul.f32 v52, v52;
	v62 =	vand.u32 $0xF, v48;
	v16 =	vmul.f32 v23, v23;
	[tilespmem:v22+s26+$0x0] =	vst.idx.msk $0xffff, v54  }
0x107: {  	s1 =	sadd.s32 $0x4, s1;
	v13 =	vor.u32 v38, v62;
	v20 =	vmul.f32 v32, v32;
	v21 =	vmul.f32 v45, v45;
	v52 =	vld.idx.msk [tilespmem:v2+s18+$0x0], $0xffff  }
0x108: {  	v2 =	vadd.f32 v17, v49;
	v17 =	vadd.f32 v19, v59;
	v19 =	vmul.f32 v63, v63  }
0x109: {  	v22 =	vmul.f32 v50, v50;
	v9 =	vmul.f32 v9, v9;
	v11 =	vor.u32 v36, v11  }
0x10a: {  	v49 =	vshll.u32 v47, $0x7;
	v59 =	vshll.u32 v55, $0x7;
	v2 =	vadd.f32 v15, v2  }
0x10b: {  	v23 =	vshll.u32 v48, $0x7;
	v24 =	vor.u32 $0x20, v58;
	v15 =	vadd.f32 v18, v17  }
0x10c: {  	v32 =	vor.u32 v40, v46;
	v20 =	vadd.f32 v20, v56;
	v2 =	vadd.f32 v14, v2  }
0x10d: {  	v12 =	vld.idx.msk [tilespmem:v12+s18+$0x0], $0xffff;
	v14 =	vadd.f32 v16, v15;
	v15 =	vor.u32 v38, v53;
	v16 =	vshll.u32 v62, $0x7  }
0x10e: {  	v13 =	vld.idx.msk [tilespmem:v13+s18+$0x0], $0xffff;
	v17 =	vadd.f32 v19, v20;
	v19 =	vor.u32 v40, v47;
	v16 =	vor.u32 v36, v16  }
0x10f: {  	v63 =	vshll.u32 v53, $0x7;
	v58 =	vor.u32 $0x20, v62;
	v21 =	vadd.f32 v21, v57  }
0x110: {  	v57 =	vor.u32 v39, v49;
	v56 =	vor.u32 v36, v63;
	v63 =	vand.u32 $0x7, v46  }
0x111: {  	v10 =	vld.idx.msk [tilespmem:v10+s18+$0x0], $0xffff;
	v18 =	vadd.f32 v22, v21;
	v21 =	vor.u32 v40, v48;
	v22 =	vor.u32 v36, v59  }
0x112: {  	v20 =	vand.u32 $0x7, v47;
	v40 =	vor.u32 v40, v42;
	[tilespmem:v11+s26+$0x0] =	vst.idx.msk $0xffff, v12;
	v11 =	vld.idx.msk [tilespmem:v15+s18+$0x0], $0xffff;
	v15 =	vand.u32 $0x28, v24  }
0x113: {  	v19 =	vld.idx.msk [tilespmem:v19+s18+$0x0], $0xffff;
	v15 =	vor.u32 v15, v20;
	[tilespmem:v16+s26+$0x0] =	vst.idx.msk $0xffff, v13;
	v16 =	vand.u32 $0x28, v58;
	v20 =	vand.u32 $0x7, v48  }
0x114: {  	v59 =	vor.u32 v39, v23;
	v16 =	vor.u32 v16, v20;
	v20 =	vor.u32 $0x20, v55  }
0x115: {  	v53 =	vor.u32 $0x20, v53;
	v15 =	vor.u32 v38, v15;
	v62 =	vand.u32 $0x28, v20  }
0x116: {  	[tilespmem:v22+s26+$0x0] =	vst.idx.msk $0xffff, v10;
	v21 =	vld.idx.msk [tilespmem:v21+s18+$0x0], $0xffff;
	v16 =	vor.u32 v38, v16;
	v22 =	vor.u32 v62, v63  }
0x117: {  	v32 =	vld.idx.msk [tilespmem:v32+s18+$0x0], $0xffff;
	v62 =	vand.u32 $0x28, v53;
	v63 =	vand.u32 $0x7, v42;
	[tilespmem:v56+s26+$0x0] =	vst.idx.msk $0xffff, v11;
	v56 =	vshll.u32 v46, $0x7  }
0x118: {  	[tilespmem:v57+s26+$0x0] =	vst.idx.msk $0xffff, v19;
	v57 =	vshll.u32 v42, $0x7;
	v55 =	vor.u32 v62, v63;
	v62 =	vor.u32 v39, v56  }
0x119: {  	v24 =	vshll.u32 v24, $0x7;
	v22 =	vor.u32 v38, v22;
	v40 =	vld.idx.msk [tilespmem:v40+s18+$0x0], $0xffff;
	v39 =	vor.u32 v39, v57  }
0x11a: {  	v54 =	vmul.f32 v54, v54;
	v24 =	vor.u32 v36, v24;
	v38 =	vor.u32 v38, v55;
	v15 =	vld.idx.msk [tilespmem:v15+s18+$0x0], $0xffff  }
0x11b: {  	v9 =	vadd.f32 v9, v17;
	v17 =	vor.u32 v37, v47;
	v58 =	vshll.u32 v58, $0x7;
	[tilespmem:v59+s26+$0x0] =	vst.idx.msk $0xffff, v21  }
0x11c: {  	v12 =	vmul.f32 v12, v12;
	v2 =	vadd.f32 v60, v2;
	v47 =	vor.u32 v36, v58;
	v16 =	vld.idx.msk [tilespmem:v16+s18+$0x0], $0xffff  }
0x11d: {  	v14 =	vadd.f32 v61, v14;
	v20 =	vshll.u32 v20, $0x7;
	[tilespmem:v62+s26+$0x0] =	vst.idx.msk $0xffff, v32;
	v62 =	vor.u32 v37, v48  }
0x11e: {  	v60 =	vor.u32 v37, v42;
	v20 =	vor.u32 v36, v20;
	[tilespmem:v39+s26+$0x0] =	vst.idx.msk $0xffff, v40;
	v22 =	vld.idx.msk [tilespmem:v22+s18+$0x0], $0xffff  }
0x11f: {  	v58 =	vshll.u32 v53, $0x7;
	[tilespmem:v24+s26+$0x0] =	vst.idx.msk $0xffff, v15;
	v24 =	vor.u32 v37, v46;
	v38 =	vld.idx.msk [tilespmem:v38+s18+$0x0], $0xffff  }
0x120: {  	v2 =	vadd.f32 v12, v2;
	v13 =	vmul.f32 v13, v13;
	v59 =	vor.u32 v36, v58;
	v17 =	vld.idx.msk [tilespmem:v17+s18+$0x0], $0xffff  }
0x121: {  	v9 =	vadd.f32 v54, v9;
	v63 =	vmul.f32 v51, v51;
	[tilespmem:v47+s26+$0x0] =	vst.idx.msk $0xffff, v16  }
0x122: {  	v10 =	vmul.f32 v10, v10;
	v2 =	vadd.f32 v13, v2;
	v19 =	vmul.f32 v19, v19;
	v61 =	vld.idx.msk [tilespmem:v62+s18+$0x0], $0xffff  }
0x123: {  	v18 =	vadd.f32 v63, v18;
	v63 =	vmul.f32 v52, v52;
	[tilespmem:v20+s26+$0x0] =	vst.idx.msk $0xffff, v22  }
0x124: {  	v11 =	vmul.f32 v11, v11;
	v12 =	vadd.f32 v19, v14;
	v15 =	vmul.f32 v15, v15;
	v24 =	vld.idx.msk [tilespmem:v24+s18+$0x0], $0xffff  }
0x125: {  	v18 =	vadd.f32 v63, v18;
	[tilespmem:v59+s26+$0x0] =	vst.idx.msk $0xffff, v38;
	v62 =	vmul.f32 v17, v17  }
0x126: {  	v21 =	vmul.f32 v21, v21;
	v14 =	vmul.f32 v16, v16;
	v9 =	vadd.f32 v15, v9;
	v37 =	vld.idx.msk [tilespmem:v60+s18+$0x0], $0xffff  }
0x127: {  	v2 =	vadd.f32 v10, v2;
	v15 =	vadd.f32 v62, v18;
	v16 =	vmul.f32 v61, v61  }
0x128: {  	v12 =	vadd.f32 v21, v12;
	v32 =	vmul.f32 v32, v32;
	v9 =	vadd.f32 v14, v9  }
0x129: {  	v13 =	vmul.f32 v22, v22;
	v14 =	vadd.f32 v16, v15;
	v15 =	vmul.f32 v24, v24  }
0x12a: {  	v10 =	vadd.f32 v32, v12;
	v20 =	vmul.f32 v40, v40;
	v12 =	vmul.f32 v38, v38  }
0x12b: {  	v9 =	vadd.f32 v13, v9;
	v13 =	vadd.f32 v15, v14;
	v14 =	vmul.f32 v37, v37  }
0x12c: {  	v2 =	vadd.f32 v11, v2;
	v10 =	vadd.f32 v20, v10  }
0x12d: {  	v9 =	vadd.f32 v12, v9;
	v11 =	vadd.f32 v14, v13;
	_ =	sdelay $0x1  }
0x12e: {  	v2 =	vadd.f32 v10, v2;
	v9 =	vadd.f32 v11, v9;
	_ =	sdelay $0x1  }
0x12f: {  	v2 =	vadd.f32 v9, v2;
	_ =	sdelay $0x1  }
0x130: {  	v9 =	vshra.s32 v2, $0x1;
	v10 =	vmul.f32 $5.000000000e-01, v2  }
0x131: {  	v9 =	vsub.s32 $0x5F3759DF, v9  }
0x132: {  	v11 =	vmul.f32 v9, v10;
	_ =	sdelay $0x1  }
0x133: {  	v11 =	vmul.f32 v9, v11;
	_ =	sdelay $0x1  }
0x134: {  	v11 =	vsub.f32 $1.500000000e+00, v11;
	_ =	sdelay $0x1  }
0x135: {  	v9 =	vmul.f32 v9, v11;
	_ =	sdelay $0x1  }
0x136: {  	v11 =	vmul.f32 v9, v10;
	_ =	sdelay $0x1  }
0x137: {  	v11 =	vmul.f32 v11, v9;
	_ =	sdelay $0x1  }
0x138: {  	v12 =	vor.u32 v34, v35;
	v11 =	vsub.f32 $1.500000000e+00, v11  }
0x139: {  	v15 =	vor.u32 v34, v49  }
0x13a: {  	[tilespmem:v43+s26+$0x0] =	vst.idx.msk $0xffff, v50;
	v13 =	vor.u32 v34, v23;
	v9 =	vmul.f32 v11, v9  }
0x13b: {  	[tilespmem:v41+s26+$0x0] =	vst.idx.msk $0xffff, v51;
	v14 =	vor.u32 v34, v56  }
0x13c: {  	[tilespmem:v44+s26+$0x0] =	vst.idx.msk $0xffff, v52;
	v11 =	vor.u32 v34, v57;
	v10 =	vmul.f32 v9, v10  }
0x13d: {  	[tilespmem:v12+s26+$0x0] =	vst.idx.msk $0xffff, v45  }
0x13e: {  	[tilespmem:v15+s26+$0x0] =	vst.idx.msk $0xffff, v17;
	v10 =	vmul.f32 v10, v9  }
0x13f: {  	[tilespmem:v13+s26+$0x0] =	vst.idx.msk $0xffff, v61  }
0x140: {  	[tilespmem:v14+s26+$0x0] =	vst.idx.msk $0xffff, v24;
	v10 =	vsub.f32 $1.500000000e+00, v10  }
0x141: {  	[tilespmem:v11+s26+$0x0] =	vst.idx.msk $0xffff, v37  }
0x142: {  	v9 =	vmul.f32 v10, v9;
	v10 =	vld [tilespmem:s28+$0x180]  }
0x143: {  	v11 =	vld [tilespmem:s28+$0xFFFFFE80]  }
0x144: {  	v12 =	vld [tilespmem:s28+$0xFFFFFF00];
	v2 =	vmul.f32 v9, v2  }
0x145: {  	v14 =	vld [tilespmem:s28+$0xFFFFFF80];
	v13 =	vmul.f32 $9.999899860e-01, v9  }
0x146: {  	v15 =	vld [tilespmem:s28+$0x0];
	v9 =	vmul.f32 $7.807763810e-01, v9;
	vm0 =	vge.f32 v2, $1.000000000e+00  }
0x147: {  	vm1 =	vle.f32 v2, $7.807763810e-01;
	v2 =	vnsel vm0, $0x3F800000, v13;
	v13 =	vld [tilespmem:s28+$0x80];
	v10 =	vadd.f32 $1.000000000e-15, v10  }
0x148: {  	v9 =	vsel vm1, v9, v2;
	v2 =	vadd.f32 $1.000000000e-15, v11;
	v11 =	vld [tilespmem:s28+$0x100]  }
0x149: {  	s0 =	sadd.s32 $0x400, s28;
	v16 =	vld [tilespmem:s28+$0xFFFFFE00];
	v12 =	vadd.f32 $1.000000000e-15, v12;
	v10 =	vmul.f32 v10, v9  }
0x14a: {  	v17 =	vld [tilespmem:s0+$0x180];
	v14 =	vadd.f32 $1.000000000e-15, v14;
	v2 =	vmul.f32 v2, v9  }
0x14b: {  	v18 =	vld [tilespmem:s0+$0xFFFFFE80];
	v15 =	vadd.f32 $1.000000000e-15, v15;
	v19 =	vmul.f32 v12, v9;
	[tilespmem:s28+$0x180] =	vst v10  }
0x14c: {  	v20 =	vld [tilespmem:s0+$0xFFFFFF00];
	[tilespmem:s28+$0xFFFFFE80] =	vst v2;
	v2 =	vmul.f32 v14, v9;
	v10 =	vadd.f32 $1.000000000e-15, v13  }
0x14d: {  	v12 =	vld [tilespmem:s0+$0xFFFFFF80];
	[tilespmem:s28+$0xFFFFFF00] =	vst v19;
	v13 =	vmul.f32 v15, v9;
	v14 =	vadd.f32 $1.000000000e-15, v11  }
0x14e: {  	v15 =	vadd.f32 $1.000000000e-15, v16;
	v11 =	vld [tilespmem:s0+$0x0];
	[tilespmem:s28+$0xFFFFFF80] =	vst v2;
	v2 =	vmul.f32 v10, v9  }
0x14f: {  	v19 =	vadd.f32 $1.000000000e-15, v17;
	v10 =	vld [tilespmem:s0+$0x80];
	[tilespmem:s28+$0x0] =	vst v13;
	v63 =	vmul.f32 v14, v9  }
0x150: {  	v16 =	vadd.f32 $1.000000000e-15, v18;
	v13 =	vld [tilespmem:s0+$0x100];
	v18 =	vmul.f32 v15, v9;
	[tilespmem:s28+$0x80] =	vst v2  }
0x151: {  	s1 =	simm.s32 $0x8;
	s19 =	smov.u32 s28;
	s15 =	sadd.s32 $0x400, s0;
	v17 =	vadd.f32 $1.000000000e-15, v20;
	v15 =	vmul.f32 v19, v9;
	v14 =	vld [tilespmem:s0+$0xFFFFFE00];
	[tilespmem:s28+$0x100] =	vst v63  }
.LBB2_6:
0x152: {  	v2 =	vld [tilespmem:s15+$0x180];
	s1 =	sadd.s32 $0x8, s1;
	v16 =	vmul.f32 v16, v9;
	v12 =	vadd.f32 $1.000000000e-15, v12;
	[tilespmem:s19+$0xFFFFFE00] =	vst v18;
	s19 =	smov.u32 s0;
	s0 =	smov.u32 s15  }
0x153: {  	v18 =	vld [tilespmem:s15+$0xFFFFFE80];
	p1 =	slt.u32 s1, $0x38;
	v17 =	vmul.f32 v17, v9;
	v11 =	vadd.f32 $1.000000000e-15, v11;
	[tilespmem:s19+$0x180] =	vst v15  }
0x154: {  	v15 =	vld [tilespmem:s15+$0xFFFFFF00];
	[tilespmem:s19+$0xFFFFFE80] =	vst v16;
	v16 =	vmul.f32 v12, v9;
	v10 =	vadd.f32 $1.000000000e-15, v10  }
.Ltmp3:
0x155: {  	v12 =	vld [tilespmem:s15+$0xFFFFFF80];
	[tilespmem:s19+$0xFFFFFF00] =	vst v17;
	v17 =	vmul.f32 v11, v9;
	v13 =	vadd.f32 $1.000000000e-15, v13;
	(pc) =	sbr.rel @p1 .LBB2_6-.Ltmp3, $4  }
0x156: {  	v11 =	vld [tilespmem:s15+$0x0];
	v14 =	vadd.f32 $1.000000000e-15, v14;
	[tilespmem:s19+$0xFFFFFF80] =	vst v16;
	v19 =	vmul.f32 v10, v9  }
0x157: {  	v10 =	vld [tilespmem:s15+$0x80];
	v2 =	vadd.f32 $1.000000000e-15, v2;
	[tilespmem:s19+$0x0] =	vst v17;
	v20 =	vmul.f32 v13, v9  }
0x158: {  	v16 =	vadd.f32 $1.000000000e-15, v18;
	v13 =	vld [tilespmem:s15+$0x100];
	v18 =	vmul.f32 v14, v9;
	[tilespmem:s19+$0x80] =	vst v19  }
0x159: {  	s15 =	sadd.s32 $0x400, s15;
	v14 =	vld [tilespmem:s0+$0xFFFFFE00];
	v17 =	vadd.f32 $1.000000000e-15, v15;
	v15 =	vmul.f32 v2, v9;
	[tilespmem:s19+$0x100] =	vst v20  }
0x15a: {  	v2 =	vmul.f32 v16, v9;
	v12 =	vadd.f32 $1.000000000e-15, v12;
	[tilespmem:s19+$0xFFFFFE00] =	vst v18  }
0x15b: {  	v61 =	vmul.f32 v17, v9;
	v11 =	vadd.f32 $1.000000000e-15, v11;
	[tilespmem:s0+$0x180] =	vst v15  }
0x15c: {  	s29 =	sadd.s32 $0x1, s29;
	[tilespmem:s0+$0xFFFFFE80] =	vst v2;
	v2 =	vmul.f32 v12, v9;
	v10 =	vadd.f32 $1.000000000e-15, v10  }
0x15d: {  	p1 =	sne.s32 s29, $0x8;
	[tilespmem:s0+$0xFFFFFF00] =	vst v61;
	v11 =	vmul.f32 v11, v9;
	v62 =	vadd.f32 $1.000000000e-15, v13  }
.Ltmp4:
0x15e: {  	v63 =	vadd.f32 $1.000000000e-15, v14;
	[tilespmem:s0+$0xFFFFFF80] =	vst v2;
	v2 =	vmul.f32 v10, v9;
	(pc) =	sbr.rel @p1 .LBB2_3-.Ltmp4, $4  }
0x15f: {  	[tilespmem:s0+$0x0] =	vst v11;
	v10 =	vmul.f32 v62, v9  }
0x160: {  	v9 =	vmul.f32 v63, v9;
	[tilespmem:s0+$0x80] =	vst v2  }
0x161: {  	[tilespmem:s0+$0x100] =	vst v10  }
0x162: {  	s28 =	sadd.s32 $0x10, s28;
	[tilespmem:s0+$0xFFFFFE00] =	vst v9  }
0x163: {  	s0 =	sshll.u32 s12, $0x14;
	s1 =	rddreg [dreg:$0x3]  }
0x164: {  	s0 =	sor.u32 s1, s0  }
0x165: {  	s13 =	sshrl.u32 s0, $0x3  }
0x166: {  	s1 =	rddreg [dreg:$0x5];
	s0 =	sadd.s32 s2, s13  }
0x167: {  	[hbm4b:s0+s3] =	stream.linear.scatter [tilespmem:s26], [sflag:$0x5], $0x400, $0x38;
	[tilespmem:$0x12600] =	vst v63  }
0x168: {  	s15 =	rddreg [dreg:$0x6];
	s0 =	sadd.s32 s13, s1  }
0x169: {  	[hbm4b:s0+s3] =	stream.linear.scatter [tilespmem:s31], [sflag:$0x5], $0x400, $0x38;
	[tilespmem:$0x12600] =	vst v63  }
0x16a: {  	s19 =	simm.s32 $0xEE00;
	s28 =	rddreg [dreg:$0x7];
	s0 =	sadd.s32 s13, s15  }
0x16b: {  	[hbm4b:s0+s3] =	stream.linear.scatter [tilespmem:s19], [sflag:$0x5], $0x400, $0x38;
	[tilespmem:$0x12600] =	vst v63  }
0x16c: {  	s29 =	simm.s32 $0xF200;
	s30 =	rddreg [dreg:$0x8];
	s0 =	sadd.s32 s13, s28  }
0x16d: {  	[hbm4b:s0+s3] =	stream.linear.scatter [tilespmem:s29], [sflag:$0x5], $0x400, $0x38;
	[tilespmem:$0x12600] =	vst v63  }
0x16e: {  	s31 =	simm.s32 $0xF600;
	s15 =	rddreg [dreg:$0x9];
	s0 =	sadd.s32 s13, s30  }
0x16f: {  	[hbm4b:s0+s3] =	stream.linear.scatter [tilespmem:s31], [sflag:$0x5], $0x400, $0x38;
	[tilespmem:$0x12600] =	vst v63  }
0x170: {  	p1 =	sne.s32 s12, $0x31;
	s19 =	simm.s32 $0xFA00;
	s0 =	sadd.s32 s13, s15  }
0x171: {  	[hbm4b:s0+s3] =	stream.linear.scatter [tilespmem:s19], [sflag:$0x5], $0x400, $0x38;
	[tilespmem:$0x12600] =	vst v63  }
.Ltmp5:
0x172: {  	s28 =	rddreg [dreg:$0xa];
	(pc) =	sbr.rel @p1 .LBB2_10-.Ltmp5, $4  }
0x173: {  	s29 =	simm.s32 $0xFE00;
	s30 =	rddreg [dreg:$0xb];
	s0 =	sadd.s32 s13, s28  }
0x174: {  	[hbm4b:s0+s3] =	stream.linear.scatter [tilespmem:s29], [sflag:$0x5], $0x400, $0x38;
	[tilespmem:$0x12600] =	vst v63  }
0x175: {  	s31 =	simm.s32 $0x10200;
	s0 =	sadd.s32 s13, s30  }
0x176: {  	[hbm4b:s0+s3] =	stream.linear.scatter [tilespmem:s31], [sflag:$0x5], $0x400, $0x38;
	[tilespmem:$0x12600] =	vst v63  }
.Ltmp6:
0x177: {  	(pc) =	sbr.rel .LBB2_11-.Ltmp6, $4  }
0x178: {  	_ = 	snop  }
0x179: {  	_ =	swait.ge [sflag:s21], $0x2000  }
0x17a: {  	[sflag:s21] =	ssyncset.done $0x0  }
0x17b: {  	[sflag:s21] =	ssyncadd.s32 $0xFFFFE000  }
.LBB2_10:
0x17c: {  	s0 =	sadd.s32 $0x1, s12  }
0x17d: {  	v2 =	vadd.s32 s0, v1  }
0x17e: {  	v3 =	vld [tilespmem:$0x1FED0];
	_ =	sdelay $0x3  }
0x17f: {  	v2 =	vld.idx.msk [tilespmem:v2+s3+$0x0], $0xffff  }
0x180: {  	v9 =	vadd.s32 s0, v3  }
0x181: {  	v3 =	vld [tilespmem:$0x1FEE0];
	_ =	sdelay $0x2  }
0x182: {  	[tilespmem:$0x6400] =	vst v2  }
0x183: {  	v2 =	vld.idx.msk [tilespmem:v9+s3+$0x0], $0xffff  }
0x184: {  	v9 =	vadd.s32 s0, v3;
	_ =	sdelay $0x3  }
0x185: {  	[tilespmem:$0x6410] =	vst v2  }
0x186: {  	v2 =	vld.idx.msk [tilespmem:v9+s3+$0x0], $0xffff  }
0x187: {  	v9 =	vadd.s32 s0, v4;
	_ =	sdelay $0x3  }
0x188: {  	[tilespmem:$0x6420] =	vst v2  }
0x189: {  	v2 =	vld.idx.msk [tilespmem:v9+s3+$0x0], $0xffff  }
0x18a: {  	v9 =	vadd.s32 s0, v5;
	_ =	sdelay $0x3  }
0x18b: {  	[tilespmem:$0x6430] =	vst v2  }
0x18c: {  	v2 =	vld.idx.msk [tilespmem:v9+s3+$0x0], $0xffff  }
0x18d: {  	v9 =	vadd.s32 s0, v6;
	_ =	sdelay $0x3  }
0x18e: {  	[tilespmem:$0x6440] =	vst v2  }
0x18f: {  	v2 =	vld.idx.msk [tilespmem:v9+s3+$0x0], $0xffff  }
0x190: {  	v9 =	vadd.s32 s0, v7;
	_ =	sdelay $0x3  }
0x191: {  	[tilespmem:$0x6450] =	vst v2  }
0x192: {  	v2 =	vld.idx.msk [tilespmem:v9+s3+$0x0], $0xffff  }
0x193: {  	v9 =	vadd.s32 s0, v8;
	_ =	sdelay $0x3  }
0x194: {  	[tilespmem:$0x6460] =	vst v2  }
0x195: {  	v2 =	vld.idx.msk [tilespmem:v9+s3+$0x0], $0xffff;
	_ =	sdelay $0x4  }
.Ltmp7:
0x196: {  	s31 =	simm.s32 $0x80;
	s1 =	simm.s32 $0x6400;
	[tilespmem:$0x6470] =	vst v2;
	(pc) =	sbr.rel @p0 .LBB2_12-.Ltmp7, $4  }
0x197: {  	[tilespmem:s18], [sflag:$0x1] =	stream.indirect.gather [hbm4b:s4+s31], $0x40, s1, s31, $0xb8;
	[tilespmem:$0x12600] =	vst v63  }
0x198: {  	_ =	swait.ge [sflag:s21], $0x2000  }
0x199: {  	[sflag:s21] =	ssyncset.done $0x0  }
0x19a: {  	[sflag:s21] =	ssyncadd.s32 $0xFFFFE000  }
.LBB2_11:
0x19b: {  	_ =	swait.ge [sflag:s6], $0x400  }
0x19c: {  	[sflag:s6] =	ssyncset.done $0x0  }
0x19d: {  	[sflag:s6] =	ssyncadd.s32 $0xFFFFFC00  }
0x19e: {  	_ =	swait.ge [sflag:s6], $0x400  }
0x19f: {  	[sflag:s6] =	ssyncset.done $0x0  }
0x1a0: {  	[sflag:s6] =	ssyncadd.s32 $0xFFFFFC00  }
0x1a1: {  	_ =	swait.ge [sflag:s6], $0x400  }
0x1a2: {  	[sflag:s6] =	ssyncset.done $0x0  }
0x1a3: {  	[sflag:s6] =	ssyncadd.s32 $0xFFFFFC00  }
0x1a4: {  	_ =	swait.ge [sflag:s6], $0x400  }
0x1a5: {  	[sflag:s6] =	ssyncset.done $0x0  }
0x1a6: {  	[sflag:s6] =	ssyncadd.s32 $0xFFFFFC00  }
0x1a7: {  	_ =	swait.ge [sflag:s6], $0x400  }
0x1a8: {  	[sflag:s6] =	ssyncset.done $0x0  }
0x1a9: {  	[sflag:s6] =	ssyncadd.s32 $0xFFFFFC00  }
0x1aa: {  	_ =	swait.ge [sflag:s6], $0x400  }
0x1ab: {  	[sflag:s6] =	ssyncset.done $0x0  }
0x1ac: {  	[sflag:s6] =	ssyncadd.s32 $0xFFFFFC00  }
0x1ad: {  	_ =	swait.ge [sflag:s6], $0x400  }
0x1ae: {  	[sflag:s6] =	ssyncset.done $0x0  }
0x1af: {  	[sflag:s6] =	ssyncadd.s32 $0xFFFFFC00  }
0x1b0: {  	_ =	swait.ge [sflag:s6], $0x400  }
0x1b1: {  	[sflag:s6] =	ssyncset.done $0x0  }
0x1b2: {  	[sflag:s6] =	ssyncadd.s32 $0xFFFFFC00  }
.LBB2_12:
0x1b3: {  	s28 =	simm.s32 $0x0;
	s29 =	simm.s32 $0x10800;
	s30 =	simm.s32 $0x0  }
.LBB2_13:
0x1b4: {  	s0 =	sshll.u32 s30, $0x4  }
0x1b5: {  	v9 =	vadd.s32 s28, v0;
	s19 =	simm.s32 $0x1;
	s1 =	simm.s32 $0x2;
	v2 =	vor.u32 s0, v0  }
0x1b6: {  	s31 =	simm.s32 $0x3;
	v10 =	vand.u32 $0xF, v9;
	v11 =	vadd.s32 s19, v0;
	v12 =	vadd.s32 s1, v0  }
0x1b7: {  	v14 =	vadd.s32 s31, v0;
	v35 =	vshll.u32 v9, $0x7;
	v38 =	vshll.u32 v2, $0x6  }
0x1b8: {  	v23 =	vand.u32 $0x7, v9;
	v36 =	vand.u32 v33, v2;
	v2 =	vor.u32 v38, v10  }
0x1b9: {  	v13 =	vand.u32 $0xF, v11;
	v15 =	vand.u32 $0xF, v12;
	v17 =	vshll.u32 v10, $0x7  }
0x1ba: {  	v18 =	vand.u32 $0xF, v14;
	v42 =	vshll.u32 v14, $0x7;
	v41 =	vshll.u32 v11, $0x7  }
0x1bb: {  	v58 =	vand.u32 $0x7, v12;
	v48 =	vshll.u32 v12, $0x7;
	v16 =	vor.u32 v38, v13  }
0x1bc: {  	v40 =	vor.u32 $0x10, v38;
	v37 =	vor.u32 $0x30, v38;
	v19 =	vor.u32 v38, v15  }
0x1bd: {  	v39 =	vor.u32 $0x800, v36;
	v17 =	vor.u32 v36, v17;
	v20 =	vor.u32 v38, v18;
	v2 =	vld.idx.msk [tilespmem:v2+s20+$0x0], $0xffff  }
0x1be: {  	v22 =	vshll.u32 v13, $0x7;
	v32 =	vshll.u32 v15, $0x7;
	v10 =	vor.u32 $0x20, v10  }
0x1bf: {  	v13 =	vor.u32 $0x20, v13;
	v15 =	vor.u32 $0x20, v15;
	v21 =	vor.u32 v40, v9  }
0x1c0: {  	v22 =	vor.u32 v36, v22;
	v24 =	vor.u32 v40, v11;
	v32 =	vor.u32 v36, v32;
	v16 =	vld.idx.msk [tilespmem:v16+s20+$0x0], $0xffff  }
0x1c1: {  	v43 =	vor.u32 v40, v12;
	v44 =	vor.u32 v39, v35;
	v45 =	vand.u32 $0x28, v10;
	v19 =	vld.idx.msk [tilespmem:v19+s20+$0x0], $0xffff  }
0x1c2: {  	v56 =	vor.u32 v40, v14;
	v46 =	vand.u32 $0x28, v13;
	[tilespmem:v17+s14+$0x0] =	vst.idx.msk $0xffff, v2;
	v17 =	vshll.u32 v18, $0x7  }
0x1c3: {  	v47 =	vor.u32 v39, v41;
	v57 =	vand.u32 $0x28, v15;
	v20 =	vld.idx.msk [tilespmem:v20+s20+$0x0], $0xffff;
	v17 =	vor.u32 v36, v17  }
0x1c4: {  	v59 =	vor.u32 v39, v48;
	v10 =	vshll.u32 v10, $0x7;
	v52 =	vor.u32 v37, v9  }
0x1c5: {  	v23 =	vor.u32 v45, v23;
	v10 =	vor.u32 v36, v10;
	[tilespmem:v22+s14+$0x0] =	vst.idx.msk $0xffff, v16;
	v21 =	vld.idx.msk [tilespmem:v21+s20+$0x0], $0xffff  }
0x1c6: {  	v9 =	vshll.u32 v13, $0x7;
	v23 =	vor.u32 v38, v23;
	v22 =	vand.u32 $0x7, v11;
	[tilespmem:v32+s14+$0x0] =	vst.idx.msk $0xffff, v19;
	v24 =	vld.idx.msk [tilespmem:v24+s20+$0x0], $0xffff  }
0x1c7: {  	v13 =	vor.u32 v36, v9;
	v32 =	vor.u32 v57, v58;
	v22 =	vor.u32 v46, v22;
	v51 =	vld.idx.msk [tilespmem:v43+s20+$0x0], $0xffff  }
0x1c8: {  	v57 =	vand.u32 $0x7, v14;
	v22 =	vor.u32 v38, v22;
	[tilespmem:v17+s14+$0x0] =	vst.idx.msk $0xffff, v20;
	v17 =	vor.u32 $0x20, v18  }
0x1c9: {  	s19 =	simm.s32 $0x6;
	v58 =	vor.u32 v39, v42;
	v18 =	vor.u32 v38, v32;
	v32 =	vld.idx.msk [tilespmem:v56+s20+$0x0], $0xffff;
	v56 =	vand.u32 $0x28, v17  }
0x1ca: {  	v60 =	vmul.f32 v20, v20;
	v46 =	vadd.s32 s19, v0;
	[tilespmem:v44+s14+$0x0] =	vst.idx.msk $0xffff, v21;
	v43 =	vor.u32 v56, v57  }
0x1cb: {  	s15 =	simm.s32 $0x7;
	s1 =	simm.s32 $0x4;
	v34 =	vor.u32 $0x1800, v36;
	v55 =	vand.u32 $0xF, v46;
	[tilespmem:v47+s14+$0x0] =	vst.idx.msk $0xffff, v24;
	v23 =	vld.idx.msk [tilespmem:v23+s20+$0x0], $0xffff;
	v50 =	vor.u32 v38, v43  }
0x1cc: {  	[tilespmem:v59+s14+$0x0] =	vst.idx.msk $0xffff, v51;
	v44 =	vor.u32 v34, v42;
	v47 =	vadd.s32 s1, v0;
	v42 =	vadd.s32 s15, v0  }
0x1cd: {  	v59 =	vor.u32 v37, v14;
	v14 =	vmul.f32 v19, v19;
	v19 =	vmul.f32 v21, v21;
	v63 =	vld.idx.msk [tilespmem:v22+s20+$0x0], $0xffff  }
0x1ce: {  	v22 =	vor.u32 v37, v11;
	v11 =	vshll.u32 v15, $0x7;
	v15 =	vmul.f32 v16, v16  }
0x1cf: {  	v53 =	vand.u32 $0xF, v42;
	v9 =	vld.idx.msk [tilespmem:v18+s20+$0x0], $0xffff;
	v18 =	vor.u32 v36, v11;
	v11 =	vshll.u32 v17, $0x7;
	[tilespmem:v58+s14+$0x0] =	vst.idx.msk $0xffff, v32  }
0x1d0: {  	v49 =	vimm.f32 $0.0e+00;
	s31 =	simm.s32 $0x5;
	v56 =	vor.u32 v37, v12;
	[tilespmem:v10+s14+$0x0] =	vst.idx.msk $0xffff, v23;
	v57 =	vor.u32 v36, v11;
	v54 =	vld.idx.msk [tilespmem:v50+s20+$0x0], $0xffff  }
0x1d1: {  	v43 =	vor.u32 v34, v41;
	v41 =	vor.u32 v34, v48;
	v48 =	vadd.s32 s31, v0;
	v45 =	vld.idx.msk [tilespmem:v52+s20+$0x0], $0xffff  }
0x1d2: {  	v16 =	vmul.f32 v51, v51;
	v62 =	vand.u32 $0xF, v48;
	v17 =	vmul.f32 v2, v2;
	[tilespmem:v13+s14+$0x0] =	vst.idx.msk $0xffff, v63  }
0x1d3: {  	v58 =	vand.u32 $0xF, v47;
	v10 =	vor.u32 v38, v55;
	v61 =	vmul.f32 v32, v32;
	v50 =	vld.idx.msk [tilespmem:v22+s20+$0x0], $0xffff  }
0x1d4: {  	v13 =	vor.u32 v38, v62;
	v20 =	vmul.f32 v23, v23;
	v11 =	vshll.u32 v58, $0x7;
	[tilespmem:v18+s14+$0x0] =	vst.idx.msk $0xffff, v9  }
0x1d5: {  	v12 =	vor.u32 v38, v58;
	v18 =	vmul.f32 v24, v24;
	v51 =	vld.idx.msk [tilespmem:v56+s20+$0x0], $0xffff;
	v56 =	vimm.f32 $0.0e+00;
	[tilespmem:v57+s14+$0x0] =	vst.idx.msk $0xffff, v54  }
0x1d6: {  	s1 =	simm.s32 $0x8;
	v21 =	vmul.f32 v45, v45;
	v57 =	vimm.f32 $0.0e+00;
	v52 =	vld.idx.msk [tilespmem:v59+s20+$0x0], $0xffff;
	v59 =	vimm.f32 $0.0e+00  }
.LBB2_14:
0x1d7: {  	p0 =	slt.u32 s1, $0xC;
	v2 =	vadd.f32 v17, v49;
	v17 =	vadd.f32 v19, v59;
	v19 =	vmul.f32 v63, v63  }
0x1d8: {  	v22 =	vmul.f32 v50, v50;
	v20 =	vadd.f32 v20, v56;
	v21 =	vadd.f32 v21, v57  }
0x1d9: {  	v9 =	vmul.f32 v9, v9;
	v2 =	vadd.f32 v15, v2;
	v15 =	vadd.f32 v18, v17  }
0x1da: {  	v17 =	vadd.f32 v19, v20;
	v18 =	vadd.f32 v22, v21;
	v19 =	vmul.f32 v51, v51  }
0x1db: {  	v2 =	vadd.f32 v14, v2;
	v14 =	vadd.f32 v16, v15;
	v15 =	vmul.f32 v54, v54  }
0x1dc: {  	v9 =	vadd.f32 v9, v17;
	v16 =	vadd.f32 v19, v18;
	v17 =	vmul.f32 v52, v52  }
0x1dd: {  	v11 =	vor.u32 v36, v11;
	v18 =	vld.idx.msk [tilespmem:v12+s20+$0x0], $0xffff;
	v49 =	vadd.f32 v60, v2;
	v59 =	vadd.f32 v61, v14  }
0x1de: {  	v2 =	vor.u32 v38, v53;
	v56 =	vadd.f32 v15, v9;
	v57 =	vadd.f32 v17, v16  }
0x1df: {  	v12 =	vshll.u32 v62, $0x7;
	v14 =	vor.u32 v34, v35;
	v9 =	vor.u32 v40, v47;
	v13 =	vld.idx.msk [tilespmem:v13+s20+$0x0], $0xffff  }
0x1e0: {  	v35 =	vshll.u32 v47, $0x7;
	v15 =	vand.u32 $0x7, v47;
	v12 =	vor.u32 v36, v12;
	[tilespmem:v43+s14+$0x0] =	vst.idx.msk $0xffff, v50  }
0x1e1: {  	v19 =	vshll.u32 v42, $0x7;
	v16 =	vor.u32 v40, v48;
	v17 =	vshll.u32 v55, $0x7;
	v10 =	vld.idx.msk [tilespmem:v10+s20+$0x0], $0xffff;
	[tilespmem:v41+s14+$0x0] =	vst.idx.msk $0xffff, v51  }
0x1e2: {  	v20 =	vshll.u32 v48, $0x7;
	v21 =	vshll.u32 v46, $0x7;
	v17 =	vor.u32 v36, v17;
	[tilespmem:v44+s14+$0x0] =	vst.idx.msk $0xffff, v52  }
0x1e3: {  	v23 =	vshll.u32 v53, $0x7;
	v22 =	vor.u32 v40, v46;
	[tilespmem:v11+s14+$0x0] =	vst.idx.msk $0xffff, v18;
	v11 =	vor.u32 $0x20, v58;
	v2 =	vld.idx.msk [tilespmem:v2+s20+$0x0], $0xffff  }
0x1e4: {  	v23 =	vor.u32 v36, v23;
	v24 =	vld.idx.msk [tilespmem:v9+s20+$0x0], $0xffff;
	v9 =	vor.u32 v39, v35;
	v32 =	vand.u32 $0x28, v11  }
0x1e5: {  	v15 =	vor.u32 v32, v15;
	[tilespmem:v12+s14+$0x0] =	vst.idx.msk $0xffff, v13;
	v12 =	vor.u32 $0x20, v62;
	v32 =	vor.u32 v40, v42  }
0x1e6: {  	v43 =	vand.u32 $0x7, v48;
	v15 =	vor.u32 v38, v15;
	v16 =	vld.idx.msk [tilespmem:v16+s20+$0x0], $0xffff;
	v41 =	vand.u32 $0x28, v12;
	[tilespmem:v14+s14+$0x0] =	vst.idx.msk $0xffff, v45  }
0x1e7: {  	v14 =	vor.u32 v39, v20;
	v41 =	vor.u32 v41, v43;
	[tilespmem:v17+s14+$0x0] =	vst.idx.msk $0xffff, v10;
	v17 =	vor.u32 $0x20, v55  }
0x1e8: {  	v44 =	vand.u32 $0x7, v46;
	v41 =	vor.u32 v38, v41;
	v22 =	vld.idx.msk [tilespmem:v22+s20+$0x0], $0xffff;
	v43 =	vand.u32 $0x28, v17  }
0x1e9: {  	v45 =	vor.u32 v39, v21;
	v43 =	vor.u32 v43, v44;
	[tilespmem:v23+s14+$0x0] =	vst.idx.msk $0xffff, v2;
	v23 =	vor.u32 $0x20, v53  }
0x1ea: {  	v44 =	vand.u32 $0x7, v42;
	[tilespmem:v9+s14+$0x0] =	vst.idx.msk $0xffff, v24;
	v9 =	vor.u32 v38, v43;
	v32 =	vld.idx.msk [tilespmem:v32+s20+$0x0], $0xffff;
	v43 =	vand.u32 $0x28, v23  }
0x1eb: {  	v11 =	vshll.u32 v11, $0x7;
	v52 =	vld.idx.msk [tilespmem:v15+s20+$0x0], $0xffff;
	v15 =	vor.u32 v39, v19;
	v43 =	vor.u32 v43, v44  }
0x1ec: {  	v11 =	vor.u32 v36, v11;
	[tilespmem:v14+s14+$0x0] =	vst.idx.msk $0xffff, v16;
	v14 =	vor.u32 v38, v43  }
0x1ed: {  	v50 =	vor.u32 v37, v47;
	v12 =	vshll.u32 v12, $0x7;
	v43 =	vor.u32 v34, v20;
	v63 =	vld.idx.msk [tilespmem:v41+s20+$0x0], $0xffff  }
0x1ee: {  	v12 =	vor.u32 v36, v12;
	v41 =	vor.u32 v34, v21;
	[tilespmem:v45+s14+$0x0] =	vst.idx.msk $0xffff, v22  }
0x1ef: {  	s0 =	sadd.s32 $0x3, s1;
	v17 =	vshll.u32 v17, $0x7;
	v44 =	vor.u32 v34, v19;
	v20 =	vor.u32 v37, v48;
	v9 =	vld.idx.msk [tilespmem:v9+s20+$0x0], $0xffff  }
0x1f0: {  	s15 =	sadd.s32 $0x2, s1;
	v47 =	vadd.s32 s1, v0;
	v19 =	vadd.s32 s0, v0;
	v21 =	vor.u32 v36, v17;
	[tilespmem:v15+s14+$0x0] =	vst.idx.msk $0xffff, v32  }
0x1f1: {  	v51 =	vor.u32 v37, v46;
	v46 =	vadd.s32 s15, v0;
	s0 =	sadd.s32 $0x1, s1;
	[tilespmem:v11+s14+$0x0] =	vst.idx.msk $0xffff, v52;
	v54 =	vld.idx.msk [tilespmem:v14+s20+$0x0], $0xffff;
	v11 =	vshll.u32 v23, $0x7  }
0x1f2: {  	v58 =	vand.u32 $0xF, v47;
	v48 =	vadd.s32 s0, v0;
	v45 =	vld.idx.msk [tilespmem:v50+s20+$0x0], $0xffff;
	v23 =	vor.u32 v36, v11  }
0x1f3: {  	v3 =	vor.u32 v37, v42;
	v53 =	vand.u32 $0xF, v19;
	v42 =	vmovc v19;
	v11 =	vshll.u32 v58, $0x7;
	[tilespmem:v12+s14+$0x0] =	vst.idx.msk $0xffff, v63  }
.Ltmp8:
0x1f4: {  	v60 =	vmul.f32 v2, v2;
	v17 =	vmul.f32 v18, v18;
	v12 =	vor.u32 v38, v58;
	v50 =	vld.idx.msk [tilespmem:v20+s20+$0x0], $0xffff;
	(pc) =	sbr.rel @p0 .LBB2_14-.Ltmp8, $4  }
0x1f5: {  	v55 =	vand.u32 $0xF, v46;
	v15 =	vmul.f32 v13, v13;
	v14 =	vmul.f32 v10, v10;
	[tilespmem:v21+s14+$0x0] =	vst.idx.msk $0xffff, v9  }
0x1f6: {  	v19 =	vmul.f32 v24, v24;
	v61 =	vmul.f32 v32, v32;
	v10 =	vor.u32 v38, v55;
	v51 =	vld.idx.msk [tilespmem:v51+s20+$0x0], $0xffff  }
0x1f7: {  	v62 =	vand.u32 $0xF, v48;
	v18 =	vmul.f32 v16, v16;
	v16 =	vmul.f32 v22, v22;
	[tilespmem:v23+s14+$0x0] =	vst.idx.msk $0xffff, v54  }
0x1f8: {  	s1 =	sadd.s32 $0x4, s1;
	v13 =	vor.u32 v38, v62;
	v20 =	vmul.f32 v52, v52;
	v21 =	vmul.f32 v45, v45;
	v52 =	vld.idx.msk [tilespmem:v3+s20+$0x0], $0xffff  }
0x1f9: {  	_ = 	snop  }
0x1fa: {  	v2 =	vadd.f32 v17, v49;
	v3 =	vadd.f32 v19, v59  }
0x1fb: {  	v17 =	vmul.f32 v63, v63;
	v9 =	vmul.f32 v9, v9;
	v11 =	vor.u32 v36, v11  }
0x1fc: {  	v49 =	vshll.u32 v47, $0x7;
	v19 =	vadd.f32 v20, v56;
	v3 =	vadd.f32 v18, v3  }
0x1fd: {  	v12 =	vld.idx.msk [tilespmem:v12+s20+$0x0], $0xffff;
	v20 =	vadd.f32 v21, v57;
	v56 =	vmul.f32 v50, v50;
	v2 =	vadd.f32 v15, v2  }
0x1fe: {  	v18 =	vor.u32 v40, v47;
	v3 =	vadd.f32 v16, v3;
	v16 =	vshll.u32 v62, $0x7  }
0x1ff: {  	v13 =	vld.idx.msk [tilespmem:v13+s20+$0x0], $0xffff;
	v2 =	vadd.f32 v14, v2;
	v14 =	vor.u32 v38, v53;
	v16 =	vor.u32 v36, v16  }
0x200: {  	v15 =	vadd.f32 v17, v19;
	v17 =	vadd.f32 v56, v20;
	v20 =	vor.u32 v40, v48  }
0x201: {  	v22 =	vshll.u32 v48, $0x7;
	v23 =	vor.u32 $0x20, v58;
	v10 =	vld.idx.msk [tilespmem:v10+s20+$0x0], $0xffff;
	v57 =	vshll.u32 v55, $0x7  }
0x202: {  	v24 =	vor.u32 v40, v46;
	v32 =	vshll.u32 v53, $0x7;
	v21 =	vor.u32 v36, v57;
	[tilespmem:v11+s14+$0x0] =	vst.idx.msk $0xffff, v12  }
0x203: {  	v32 =	vor.u32 v36, v32;
	v58 =	vor.u32 v39, v22;
	v56 =	vor.u32 v39, v49;
	v18 =	vld.idx.msk [tilespmem:v18+s20+$0x0], $0xffff  }
0x204: {  	v57 =	vor.u32 $0x20, v62;
	v19 =	vand.u32 $0x7, v47;
	v40 =	vor.u32 v40, v42;
	v11 =	vld.idx.msk [tilespmem:v14+s20+$0x0], $0xffff;
	[tilespmem:v16+s14+$0x0] =	vst.idx.msk $0xffff, v13  }
0x205: {  	v62 =	vand.u32 $0x7, v46;
	v53 =	vor.u32 $0x20, v53;
	v14 =	vand.u32 $0x28, v23;
	v20 =	vld.idx.msk [tilespmem:v20+s20+$0x0], $0xffff  }
0x206: {  	v63 =	vand.u32 $0x28, v53;
	v23 =	vshll.u32 v23, $0x7;
	v14 =	vor.u32 v14, v19  }
0x207: {  	[tilespmem:v21+s14+$0x0] =	vst.idx.msk $0xffff, v10;
	v16 =	vand.u32 $0x28, v57;
	v19 =	vand.u32 $0x7, v48;
	v14 =	vor.u32 v38, v14  }
0x208: {  	v16 =	vor.u32 v16, v19;
	v19 =	vor.u32 $0x20, v55;
	v55 =	vshll.u32 v46, $0x7;
	[tilespmem:v56+s14+$0x0] =	vst.idx.msk $0xffff, v18  }
0x209: {  	v24 =	vld.idx.msk [tilespmem:v24+s20+$0x0], $0xffff;
	v16 =	vor.u32 v38, v16;
	v59 =	vand.u32 $0x28, v19;
	v56 =	vshll.u32 v42, $0x7;
	[tilespmem:v32+s14+$0x0] =	vst.idx.msk $0xffff, v11  }
0x20a: {  	v21 =	vor.u32 v59, v62;
	v62 =	vand.u32 $0x7, v42;
	[tilespmem:v58+s14+$0x0] =	vst.idx.msk $0xffff, v20;
	v58 =	vor.u32 v39, v55  }
0x20b: {  	v32 =	vor.u32 v63, v62;
	v21 =	vor.u32 v38, v21;
	v40 =	vld.idx.msk [tilespmem:v40+s20+$0x0], $0xffff;
	v39 =	vor.u32 v39, v56  }
0x20c: {  	v9 =	vadd.f32 v9, v15;
	v23 =	vor.u32 v36, v23;
	v32 =	vor.u32 v38, v32;
	v14 =	vld.idx.msk [tilespmem:v14+s20+$0x0], $0xffff  }
0x20d: {  	v15 =	vor.u32 v37, v47;
	v57 =	vshll.u32 v57, $0x7;
	v63 =	vmul.f32 v51, v51  }
0x20e: {  	v12 =	vmul.f32 v12, v12;
	v2 =	vadd.f32 v60, v2;
	v47 =	vor.u32 v36, v57;
	v16 =	vld.idx.msk [tilespmem:v16+s20+$0x0], $0xffff  }
0x20f: {  	v19 =	vshll.u32 v19, $0x7;
	v17 =	vadd.f32 v63, v17;
	v63 =	vor.u32 v37, v48;
	[tilespmem:v58+s14+$0x0] =	vst.idx.msk $0xffff, v24  }
0x210: {  	v3 =	vadd.f32 v61, v3;
	v19 =	vor.u32 v36, v19;
	[tilespmem:v39+s14+$0x0] =	vst.idx.msk $0xffff, v40;
	v21 =	vld.idx.msk [tilespmem:v21+s20+$0x0], $0xffff  }
0x211: {  	v59 =	vshll.u32 v53, $0x7;
	[tilespmem:v23+s14+$0x0] =	vst.idx.msk $0xffff, v14;
	v58 =	vor.u32 v37, v46;
	v32 =	vld.idx.msk [tilespmem:v32+s20+$0x0], $0xffff  }
0x212: {  	v61 =	vor.u32 v37, v42;
	v62 =	vmul.f32 v54, v54;
	v60 =	vor.u32 v36, v59;
	v15 =	vld.idx.msk [tilespmem:v15+s20+$0x0], $0xffff  }
0x213: {  	v2 =	vadd.f32 v12, v2;
	v13 =	vmul.f32 v13, v13;
	[tilespmem:v47+s14+$0x0] =	vst.idx.msk $0xffff, v16  }
0x214: {  	v10 =	vmul.f32 v10, v10;
	v18 =	vmul.f32 v18, v18;
	v9 =	vadd.f32 v62, v9;
	v62 =	vld.idx.msk [tilespmem:v63+s20+$0x0], $0xffff  }
0x215: {  	v57 =	vmul.f32 v52, v52;
	v2 =	vadd.f32 v13, v2;
	[tilespmem:v19+s14+$0x0] =	vst.idx.msk $0xffff, v21  }
0x216: {  	v11 =	vmul.f32 v11, v11;
	v3 =	vadd.f32 v18, v3;
	v14 =	vmul.f32 v14, v14;
	v23 =	vld.idx.msk [tilespmem:v58+s20+$0x0], $0xffff  }
0x217: {  	v17 =	vadd.f32 v57, v17;
	[tilespmem:v60+s14+$0x0] =	vst.idx.msk $0xffff, v32;
	v63 =	vmul.f32 v15, v15  }
0x218: {  	v20 =	vmul.f32 v20, v20;
	v12 =	vmul.f32 v16, v16;
	v9 =	vadd.f32 v14, v9;
	v37 =	vld.idx.msk [tilespmem:v61+s20+$0x0], $0xffff  }
0x219: {  	v2 =	vadd.f32 v10, v2;
	v16 =	vmul.f32 v62, v62;
	v14 =	vadd.f32 v63, v17  }
0x21a: {  	v3 =	vadd.f32 v20, v3;
	v24 =	vmul.f32 v24, v24;
	v9 =	vadd.f32 v12, v9  }
0x21b: {  	v13 =	vmul.f32 v21, v21;
	v12 =	vadd.f32 v16, v14;
	v14 =	vmul.f32 v23, v23  }
0x21c: {  	v3 =	vadd.f32 v24, v3;
	v19 =	vmul.f32 v40, v40;
	v10 =	vmul.f32 v32, v32  }
0x21d: {  	v9 =	vadd.f32 v13, v9;
	v13 =	vmul.f32 v37, v37;
	v12 =	vadd.f32 v14, v12  }
0x21e: {  	v2 =	vadd.f32 v11, v2;
	v3 =	vadd.f32 v19, v3  }
0x21f: {  	v9 =	vadd.f32 v10, v9;
	v10 =	vadd.f32 v13, v12;
	_ =	sdelay $0x1  }
0x220: {  	v2 =	vadd.f32 v3, v2;
	v3 =	vadd.f32 v10, v9;
	_ =	sdelay $0x1  }
0x221: {  	v2 =	vadd.f32 v3, v2;
	_ =	sdelay $0x1  }
0x222: {  	v3 =	vshra.s32 v2, $0x1;
	v9 =	vmul.f32 $5.000000000e-01, v2  }
0x223: {  	v3 =	vsub.s32 $0x5F3759DF, v3  }
0x224: {  	v10 =	vmul.f32 v3, v9;
	_ =	sdelay $0x1  }
0x225: {  	v10 =	vmul.f32 v3, v10;
	_ =	sdelay $0x1  }
0x226: {  	v10 =	vsub.f32 $1.500000000e+00, v10;
	_ =	sdelay $0x1  }
0x227: {  	v3 =	vmul.f32 v3, v10;
	_ =	sdelay $0x1  }
0x228: {  	v10 =	vmul.f32 v3, v9;
	_ =	sdelay $0x1  }
0x229: {  	v10 =	vmul.f32 v10, v3;
	_ =	sdelay $0x1  }
0x22a: {  	v11 =	vor.u32 v34, v35;
	v10 =	vsub.f32 $1.500000000e+00, v10  }
0x22b: {  	v14 =	vor.u32 v34, v49  }
0x22c: {  	[tilespmem:v43+s14+$0x0] =	vst.idx.msk $0xffff, v50;
	v12 =	vor.u32 v34, v22;
	v3 =	vmul.f32 v10, v3  }
0x22d: {  	[tilespmem:v41+s14+$0x0] =	vst.idx.msk $0xffff, v51;
	v13 =	vor.u32 v34, v55  }
0x22e: {  	[tilespmem:v44+s14+$0x0] =	vst.idx.msk $0xffff, v52;
	v10 =	vor.u32 v34, v56;
	v9 =	vmul.f32 v3, v9  }
0x22f: {  	[tilespmem:v11+s14+$0x0] =	vst.idx.msk $0xffff, v45  }
0x230: {  	[tilespmem:v14+s14+$0x0] =	vst.idx.msk $0xffff, v15;
	v9 =	vmul.f32 v9, v3  }
0x231: {  	[tilespmem:v12+s14+$0x0] =	vst.idx.msk $0xffff, v62  }
0x232: {  	[tilespmem:v13+s14+$0x0] =	vst.idx.msk $0xffff, v23;
	v9 =	vsub.f32 $1.500000000e+00, v9  }
0x233: {  	[tilespmem:v10+s14+$0x0] =	vst.idx.msk $0xffff, v37  }
0x234: {  	v3 =	vmul.f32 v9, v3;
	v9 =	vld [tilespmem:s29+$0x180]  }
0x235: {  	v10 =	vld [tilespmem:s29+$0xFFFFFE80]  }
0x236: {  	v11 =	vld [tilespmem:s29+$0xFFFFFF00];
	v2 =	vmul.f32 v3, v2  }
0x237: {  	v13 =	vld [tilespmem:s29+$0xFFFFFF80];
	v12 =	vmul.f32 $9.999899860e-01, v3  }
0x238: {  	v14 =	vld [tilespmem:s29+$0x0];
	v3 =	vmul.f32 $7.807763810e-01, v3;
	vm0 =	vge.f32 v2, $1.000000000e+00  }
0x239: {  	vm1 =	vle.f32 v2, $7.807763810e-01;
	v2 =	vnsel vm0, $0x3F800000, v12;
	v12 =	vld [tilespmem:s29+$0x80];
	v15 =	vadd.f32 $1.000000000e-15, v9  }
0x23a: {  	v9 =	vsel vm1, v3, v2;
	v2 =	vadd.f32 $1.000000000e-15, v10;
	v3 =	vld [tilespmem:s29+$0x100]  }
0x23b: {  	s0 =	sadd.s32 $0x400, s29;
	v11 =	vadd.f32 $1.000000000e-15, v11;
	v10 =	vld [tilespmem:s29+$0xFFFFFE00];
	v15 =	vmul.f32 v15, v9  }
0x23c: {  	v16 =	vld [tilespmem:s0+$0x180];
	v13 =	vadd.f32 $1.000000000e-15, v13;
	v2 =	vmul.f32 v2, v9  }
0x23d: {  	v17 =	vld [tilespmem:s0+$0xFFFFFE80];
	v14 =	vadd.f32 $1.000000000e-15, v14;
	v11 =	vmul.f32 v11, v9;
	[tilespmem:s29+$0x180] =	vst v15  }
0x23e: {  	v15 =	vld [tilespmem:s0+$0xFFFFFF00];
	[tilespmem:s29+$0xFFFFFE80] =	vst v2;
	v2 =	vmul.f32 v13, v9;
	v13 =	vadd.f32 $1.000000000e-15, v12  }
0x23f: {  	v14 =	vmul.f32 v14, v9;
	[tilespmem:s29+$0xFFFFFF00] =	vst v11;
	v12 =	vld [tilespmem:s0+$0xFFFFFF80];
	v3 =	vadd.f32 $1.000000000e-15, v3  }
0x240: {  	v11 =	vld [tilespmem:s0+$0x0];
	v18 =	vadd.f32 $1.000000000e-15, v10;
	[tilespmem:s29+$0xFFFFFF80] =	vst v2;
	v2 =	vmul.f32 v13, v9  }
0x241: {  	v19 =	vadd.f32 $1.000000000e-15, v16;
	[tilespmem:s29+$0x0] =	vst v14;
	v10 =	vld [tilespmem:s0+$0x80];
	v3 =	vmul.f32 v3, v9  }
0x242: {  	v16 =	vadd.f32 $1.000000000e-15, v17;
	v13 =	vld [tilespmem:s0+$0x100];
	v18 =	vmul.f32 v18, v9;
	[tilespmem:s29+$0x80] =	vst v2  }
0x243: {  	s1 =	simm.s32 $0x8;
	s19 =	smov.u32 s29;
	s15 =	sadd.s32 $0x400, s0;
	v14 =	vld [tilespmem:s0+$0xFFFFFE00];
	v17 =	vadd.f32 $1.000000000e-15, v15;
	v15 =	vmul.f32 v19, v9;
	[tilespmem:s29+$0x100] =	vst v3  }
.LBB2_16:
0x244: {  	v2 =	vld [tilespmem:s15+$0x180];
	s1 =	sadd.s32 $0x8, s1;
	v3 =	vmul.f32 v16, v9;
	v12 =	vadd.f32 $1.000000000e-15, v12;
	[tilespmem:s19+$0xFFFFFE00] =	vst v18;
	s19 =	smov.u32 s0;
	s0 =	smov.u32 s15  }
0x245: {  	v16 =	vld [tilespmem:s15+$0xFFFFFE80];
	p0 =	slt.u32 s1, $0x38;
	v17 =	vmul.f32 v17, v9;
	v11 =	vadd.f32 $1.000000000e-15, v11;
	[tilespmem:s19+$0x180] =	vst v15  }
0x246: {  	v15 =	vld [tilespmem:s15+$0xFFFFFF00];
	[tilespmem:s19+$0xFFFFFE80] =	vst v3;
	v3 =	vmul.f32 v12, v9;
	v10 =	vadd.f32 $1.000000000e-15, v10  }
.Ltmp9:
0x247: {  	v12 =	vld [tilespmem:s15+$0xFFFFFF80];
	[tilespmem:s19+$0xFFFFFF00] =	vst v17;
	v17 =	vmul.f32 v11, v9;
	v13 =	vadd.f32 $1.000000000e-15, v13;
	(pc) =	sbr.rel @p0 .LBB2_16-.Ltmp9, $4  }
0x248: {  	v11 =	vld [tilespmem:s15+$0x0];
	v14 =	vadd.f32 $1.000000000e-15, v14;
	[tilespmem:s19+$0xFFFFFF80] =	vst v3;
	v3 =	vmul.f32 v10, v9  }
0x249: {  	v10 =	vld [tilespmem:s15+$0x80];
	v2 =	vadd.f32 $1.000000000e-15, v2;
	[tilespmem:s19+$0x0] =	vst v17;
	v19 =	vmul.f32 v13, v9  }
0x24a: {  	v16 =	vadd.f32 $1.000000000e-15, v16;
	v13 =	vld [tilespmem:s15+$0x100];
	v18 =	vmul.f32 v14, v9;
	[tilespmem:s19+$0x80] =	vst v3  }
0x24b: {  	s15 =	sadd.s32 $0x400, s15;
	v14 =	vld [tilespmem:s0+$0xFFFFFE00];
	v17 =	vadd.f32 $1.000000000e-15, v15;
	v15 =	vmul.f32 v2, v9;
	[tilespmem:s19+$0x100] =	vst v19  }
0x24c: {  	v2 =	vmul.f32 v16, v9;
	v3 =	vadd.f32 $1.000000000e-15, v12;
	[tilespmem:s19+$0xFFFFFE00] =	vst v18  }
0x24d: {  	v62 =	vmul.f32 v17, v9;
	v11 =	vadd.f32 $1.000000000e-15, v11;
	[tilespmem:s0+$0x180] =	vst v15  }
0x24e: {  	s30 =	sadd.s32 $0x1, s30;
	[tilespmem:s0+$0xFFFFFE80] =	vst v2;
	v2 =	vmul.f32 v3, v9;
	v3 =	vadd.f32 $1.000000000e-15, v10  }
0x24f: {  	p0 =	sne.s32 s30, $0x8;
	[tilespmem:s0+$0xFFFFFF00] =	vst v62;
	v10 =	vmul.f32 v11, v9;
	v11 =	vadd.f32 $1.000000000e-15, v13  }
.Ltmp10:
0x250: {  	v63 =	vadd.f32 $1.000000000e-15, v14;
	[tilespmem:s0+$0xFFFFFF80] =	vst v2;
	v2 =	vmul.f32 v3, v9;
	(pc) =	sbr.rel @p0 .LBB2_13-.Ltmp10, $4  }
0x251: {  	[tilespmem:s0+$0x0] =	vst v10;
	v3 =	vmul.f32 v11, v9  }
0x252: {  	v9 =	vmul.f32 v63, v9;
	[tilespmem:s0+$0x80] =	vst v2  }
0x253: {  	[tilespmem:s0+$0x100] =	vst v3  }
0x254: {  	s29 =	sadd.s32 $0x10, s29;
	[tilespmem:s0+$0xFFFFFE00] =	vst v9  }
0x255: {  	s28 =	sadd.s32 s13, s2  }
0x256: {  	s19 =	sor.u32 $0x4080, s13;
	s0 =	sadd.s32 $0x80, s28  }
0x257: {  	[hbm4b:s0+s3] =	stream.linear.scatter [tilespmem:s14], [sflag:$0x6], $0x400, $0x38;
	[tilespmem:$0x12600] =	vst v63  }
0x258: {  	s31 =	sor.u32 $0x8080, s13;
	s0 =	sadd.s32 s2, s19  }
0x259: {  	[hbm4b:s0+s3] =	stream.linear.scatter [tilespmem:s17], [sflag:$0x6], $0x400, $0x38;
	[tilespmem:$0x12600] =	vst v63  }
0x25a: {  	s1 =	simm.s32 $0x10E00;
	s0 =	sadd.s32 s2, s31  }
0x25b: {  	[hbm4b:s0+s3] =	stream.linear.scatter [tilespmem:s1], [sflag:$0x6], $0x400, $0x38;
	[tilespmem:$0x12600] =	vst v63  }
0x25c: {  	s1 =	sor.u32 $0xC080, s13  }
0x25d: {  	s15 =	sor.u32 $0x10080, s13;
	p0 =	seq.s32 s12, $0x31;
	s0 =	sadd.s32 s2, s1  }
0x25e: {  	[hbm4b:s0+s3] =	stream.linear.scatter [tilespmem:s23], [sflag:$0x6], $0x400, $0x38;
	[tilespmem:$0x12600] =	vst v63  }
0x25f: {  	v2 =	vlaneseq.u32 @!p0;
	s17 =	sor.u32 $0x14080, s13;
	s0 =	sadd.s32 s2, s15  }
0x260: {  	v2 =	vmul.u32 @!p0 $0x32, v2;
	[hbm4b:s0+s3] =	stream.linear.scatter [tilespmem:s16], [sflag:$0x6], $0x400, $0x38;
	[tilespmem:$0x12600] =	vst v63  }
0x261: {  	s29 =	sadd.s32 @!p0 $0x1, s12;
	s19 =	sor.u32 $0x18080, s13;
	s0 =	sadd.s32 s2, s17  }
0x262: {  	v3 =	vadd.s32 @!p0 $0x1900, v2;
	[hbm4b:s0+s3] =	stream.linear.scatter [tilespmem:s5], [sflag:$0x6], $0x400, $0x38;
	[tilespmem:$0x12600] =	vst v63  }
0x263: {  	s31 =	sor.u32 $0x1C080, s13;
	v3 =	vadd.s32 @!p0 s29, v3;
	s0 =	sadd.s32 s2, s19  }
0x264: {  	[hbm4b:s0+s3] =	stream.linear.scatter [tilespmem:s7], [sflag:$0x6], $0x400, $0x38;
	[tilespmem:$0x12600] =	vst v63  }
0x265: {  	s0 =	sadd.s32 s2, s31  }
0x266: {  	[hbm4b:s0+s3] =	stream.linear.scatter [tilespmem:s8], [sflag:$0x6], $0x400, $0x38;
	[tilespmem:$0x12600] =	vst v63  }
0x267: {  	s0 =	simm.s32 @!p0 $0x0  }
0x268: {  	v9 =	vadd.s32 @!p0 $0x1C20, v2;
	v3 =	vld.idx.msk @!p0 [tilespmem:v3+s0+$0x0], $0xffff  }
0x269: {  	v9 =	vadd.s32 @!p0 s29, v9;
	_ =	sdelay $0x3  }
0x26a: {  	[tilespmem:$0x6480] =	vst @!p0 v3  }
0x26b: {  	v3 =	vld.idx.msk @!p0 [tilespmem:v9+s0+$0x0], $0xffff;
	v9 =	vadd.s32 @!p0 $0x1F40, v2  }
0x26c: {  	v9 =	vadd.s32 @!p0 s29, v9;
	_ =	sdelay $0x3  }
0x26d: {  	[tilespmem:$0x6490] =	vst @!p0 v3  }
0x26e: {  	v3 =	vld.idx.msk @!p0 [tilespmem:v9+s0+$0x0], $0xffff;
	v9 =	vadd.s32 @!p0 $0x2260, v2  }
0x26f: {  	v9 =	vadd.s32 @!p0 s29, v9;
	_ =	sdelay $0x3  }
0x270: {  	[tilespmem:$0x64A0] =	vst @!p0 v3  }
0x271: {  	v3 =	vld.idx.msk @!p0 [tilespmem:v9+s0+$0x0], $0xffff;
	v9 =	vadd.s32 @!p0 $0x2580, v2  }
0x272: {  	v9 =	vadd.s32 @!p0 s29, v9;
	_ =	sdelay $0x3  }
0x273: {  	[tilespmem:$0x64B0] =	vst @!p0 v3  }
0x274: {  	v3 =	vld.idx.msk @!p0 [tilespmem:v9+s0+$0x0], $0xffff;
	v9 =	vadd.s32 @!p0 $0x28A0, v2  }
0x275: {  	v9 =	vadd.s32 @!p0 s29, v9;
	_ =	sdelay $0x3  }
0x276: {  	[tilespmem:$0x64C0] =	vst @!p0 v3  }
0x277: {  	v3 =	vld.idx.msk @!p0 [tilespmem:v9+s0+$0x0], $0xffff;
	v9 =	vadd.s32 @!p0 $0x2BC0, v2  }
0x278: {  	v9 =	vadd.s32 @!p0 s29, v9;
	_ =	sdelay $0x3  }
0x279: {  	[tilespmem:$0x64D0] =	vst @!p0 v3  }
0x27a: {  	v2 =	vadd.s32 @!p0 $0x2EE0, v2;
	v3 =	vld.idx.msk @!p0 [tilespmem:v9+s0+$0x0], $0xffff  }
0x27b: {  	v2 =	vadd.s32 @!p0 s29, v2;
	_ =	sdelay $0x3  }
0x27c: {  	[tilespmem:$0x64E0] =	vst @!p0 v3  }
0x27d: {  	v2 =	vld.idx.msk @!p0 [tilespmem:v2+s0+$0x0], $0xffff;
	_ =	sdelay $0x4  }
0x27e: {  	s1 =	simm.s32 @!p0 $0x6480;
	s15 =	simm.s32 @!p0 $0x8600;
	s0 =	simm.s32 @!p0 $0x80;
	[tilespmem:$0x64F0] =	vst @!p0 v2  }
0x27f: {  	[tilespmem:s15], [sflag:$0x2] =	stream.indirect.gather @!p0 [hbm4b:s4+s0], $0x40, s1, s0, $0xb8;
	[tilespmem:$0x12600] =	vst v63  }
0x280: {  	_ =	swait.ge [sflag:s9], $0x2000  }
0x281: {  	[sflag:s9] =	ssyncset.done $0x0  }
0x282: {  	[sflag:s9] =	ssyncadd.s32 $0xFFFFE000  }
0x283: {  	_ =	swait.ge [sflag:s10], $0x400  }
0x284: {  	[sflag:s10] =	ssyncset.done $0x0  }
0x285: {  	[sflag:s10] =	ssyncadd.s32 $0xFFFFFC00  }
0x286: {  	_ =	swait.ge [sflag:s10], $0x400  }
0x287: {  	[sflag:s10] =	ssyncset.done $0x0  }
0x288: {  	[sflag:s10] =	ssyncadd.s32 $0xFFFFFC00  }
0x289: {  	_ =	swait.ge [sflag:s10], $0x400  }
0x28a: {  	[sflag:s10] =	ssyncset.done $0x0  }
0x28b: {  	[sflag:s10] =	ssyncadd.s32 $0xFFFFFC00  }
0x28c: {  	_ =	swait.ge [sflag:s10], $0x400  }
0x28d: {  	[sflag:s10] =	ssyncset.done $0x0  }
0x28e: {  	[sflag:s10] =	ssyncadd.s32 $0xFFFFFC00  }
0x28f: {  	_ =	swait.ge [sflag:s10], $0x400  }
0x290: {  	[sflag:s10] =	ssyncset.done $0x0  }
0x291: {  	[sflag:s10] =	ssyncadd.s32 $0xFFFFFC00  }
0x292: {  	_ =	swait.ge [sflag:s10], $0x400  }
0x293: {  	[sflag:s10] =	ssyncset.done $0x0  }
0x294: {  	[sflag:s10] =	ssyncadd.s32 $0xFFFFFC00  }
0x295: {  	_ =	swait.ge [sflag:s10], $0x400  }
0x296: {  	[sflag:s10] =	ssyncset.done $0x0  }
0x297: {  	[sflag:s10] =	ssyncadd.s32 $0xFFFFFC00  }
0x298: {  	_ =	swait.ge [sflag:s10], $0x400  }
0x299: {  	s30 =	simm.s32 $0x0;
	[sflag:s10] =	ssyncset.done $0x0  }
0x29a: {  	s15 =	simm.s32 $0xE800;
	s1 =	simm.s32 $0x0;
	[sflag:s10] =	ssyncadd.s32 $0xFFFFFC00  }
.LBB2_19:
0x29b: {  	s0 =	sshll.u32 s1, $0x4;
	v3 =	vadd.s32 s30, v0  }
0x29c: {  	s19 =	simm.s32 $0x1;
	s17 =	simm.s32 $0x2;
	s31 =	simm.s32 $0x3;
	v2 =	vor.u32 s0, v0;
	v9 =	vand.u32 $0xF, v3  }
0x29d: {  	v10 =	vadd.s32 s19, v0;
	v11 =	vadd.s32 s17, v0;
	v13 =	vadd.s32 s31, v0  }
0x29e: {  	v35 =	vshll.u32 v3, $0x7;
	v22 =	vand.u32 $0x7, v3;
	v38 =	vshll.u32 v2, $0x6  }
0x29f: {  	v36 =	vand.u32 v33, v2;
	v12 =	vand.u32 $0xF, v10;
	v2 =	vor.u32 v38, v9  }
0x2a0: {  	v14 =	vand.u32 $0xF, v11;
	v16 =	vshll.u32 v9, $0x7;
	v17 =	vand.u32 $0xF, v13  }
0x2a1: {  	v32 =	vshll.u32 v13, $0x7;
	v41 =	vshll.u32 v10, $0x7;
	v55 =	vand.u32 $0x7, v11  }
0x2a2: {  	v47 =	vshll.u32 v11, $0x7;
	v58 =	vand.u32 $0x7, v13;
	v40 =	vor.u32 $0x10, v38  }
0x2a3: {  	v37 =	vor.u32 $0x30, v38;
	v39 =	vor.u32 $0x800, v36;
	v15 =	vor.u32 v38, v12  }
0x2a4: {  	v34 =	vor.u32 $0x1800, v36;
	v18 =	vor.u32 v38, v14;
	v16 =	vor.u32 v36, v16;
	v2 =	vld.idx.msk [tilespmem:v2+s22+$0x0], $0xffff  }
0x2a5: {  	v19 =	vor.u32 v38, v17;
	v21 =	vshll.u32 v12, $0x7;
	v24 =	vshll.u32 v14, $0x7  }
0x2a6: {  	v9 =	vor.u32 $0x20, v9;
	v12 =	vor.u32 $0x20, v12;
	v14 =	vor.u32 $0x20, v14  }
0x2a7: {  	v20 =	vor.u32 v40, v3;
	v21 =	vor.u32 v36, v21;
	v23 =	vor.u32 v40, v10  }
0x2a8: {  	v24 =	vor.u32 v36, v24;
	v42 =	vor.u32 v40, v11;
	v43 =	vor.u32 v39, v35;
	v15 =	vld.idx.msk [tilespmem:v15+s22+$0x0], $0xffff  }
0x2a9: {  	v44 =	vand.u32 $0x28, v9;
	v54 =	vor.u32 v40, v13;
	v18 =	vld.idx.msk [tilespmem:v18+s22+$0x0], $0xffff;
	[tilespmem:v16+s26+$0x0] =	vst.idx.msk $0xffff, v2;
	v16 =	vshll.u32 v17, $0x7  }
0x2aa: {  	v45 =	vand.u32 $0x28, v12;
	v46 =	vor.u32 v39, v41;
	v19 =	vld.idx.msk [tilespmem:v19+s22+$0x0], $0xffff;
	v16 =	vor.u32 v36, v16  }
0x2ab: {  	v56 =	vor.u32 v39, v47;
	v9 =	vshll.u32 v9, $0x7;
	v59 =	vor.u32 v39, v32  }
0x2ac: {  	v3 =	vor.u32 v37, v3;
	v22 =	vor.u32 v44, v22;
	v48 =	vor.u32 v36, v9;
	v20 =	vld.idx.msk [tilespmem:v20+s22+$0x0], $0xffff  }
0x2ad: {  	v9 =	vshll.u32 v12, $0x7;
	v22 =	vor.u32 v38, v22;
	[tilespmem:v21+s26+$0x0] =	vst.idx.msk $0xffff, v15;
	v21 =	vand.u32 $0x7, v10  }
0x2ae: {  	v44 =	vor.u32 v34, v32;
	[tilespmem:v24+s26+$0x0] =	vst.idx.msk $0xffff, v18;
	v23 =	vld.idx.msk [tilespmem:v23+s22+$0x0], $0xffff;
	v21 =	vor.u32 v45, v21  }
0x2af: {  	v24 =	vand.u32 $0x28, v14;
	v21 =	vor.u32 v38, v21;
	[tilespmem:v16+s26+$0x0] =	vst.idx.msk $0xffff, v19;
	v16 =	vor.u32 $0x20, v17  }
0x2b0: {  	v32 =	vor.u32 v37, v11;
	v51 =	vld.idx.msk [tilespmem:v42+s22+$0x0], $0xffff;
	v24 =	vor.u32 v24, v55;
	v57 =	vand.u32 $0x28, v16  }
0x2b1: {  	v17 =	vor.u32 v38, v24;
	[tilespmem:v43+s26+$0x0] =	vst.idx.msk $0xffff, v20;
	v24 =	vld.idx.msk [tilespmem:v54+s22+$0x0], $0xffff;
	v43 =	vor.u32 v57, v58  }
0x2b2: {  	s31 =	simm.s32 $0x7;
	v12 =	vor.u32 v36, v9;
	v10 =	vor.u32 v37, v10;
	v22 =	vld.idx.msk [tilespmem:v22+s22+$0x0], $0xffff;
	v50 =	vor.u32 v38, v43  }
0x2b3: {  	v14 =	vshll.u32 v14, $0x7;
	v60 =	vmul.f32 v19, v19;
	v42 =	vadd.s32 s31, v0;
	[tilespmem:v46+s26+$0x0] =	vst.idx.msk $0xffff, v23  }
0x2b4: {  	v15 =	vmul.f32 v15, v15;
	v53 =	vand.u32 $0xF, v42;
	v19 =	vmul.f32 v20, v20;
	v63 =	vld.idx.msk [tilespmem:v21+s22+$0x0], $0xffff  }
0x2b5: {  	[tilespmem:v56+s26+$0x0] =	vst.idx.msk $0xffff, v51;
	v21 =	vor.u32 v36, v14;
	v11 =	vshll.u32 v16, $0x7;
	v14 =	vmul.f32 v18, v18  }
0x2b6: {  	v49 =	vimm.f32 $0.0e+00;
	v18 =	vmul.f32 v23, v23;
	v16 =	vmul.f32 v51, v51;
	v9 =	vld.idx.msk [tilespmem:v17+s22+$0x0], $0xffff;
	[tilespmem:v59+s26+$0x0] =	vst.idx.msk $0xffff, v24  }
0x2b7: {  	s19 =	simm.s32 $0x4;
	v56 =	vimm.f32 $0.0e+00;
	v52 =	vor.u32 v36, v11;
	v43 =	vor.u32 v34, v41;
	[tilespmem:v48+s26+$0x0] =	vst.idx.msk $0xffff, v22;
	v54 =	vld.idx.msk [tilespmem:v50+s22+$0x0], $0xffff  }
0x2b8: {  	v41 =	vor.u32 v34, v47;
	v47 =	vadd.s32 s19, v0;
	s19 =	simm.s32 $0x6;
	v45 =	vld.idx.msk [tilespmem:v3+s22+$0x0], $0xffff;
	v3 =	vor.u32 v37, v13  }
0x2b9: {  	v57 =	vimm.f32 $0.0e+00;
	v46 =	vadd.s32 s19, v0;
	v58 =	vand.u32 $0xF, v47;
	[tilespmem:v12+s26+$0x0] =	vst.idx.msk $0xffff, v63  }
0x2ba: {  	s31 =	simm.s32 $0x5;
	v11 =	vshll.u32 v58, $0x7;
	v17 =	vmul.f32 v2, v2;
	v55 =	vand.u32 $0xF, v46;
	v50 =	vld.idx.msk [tilespmem:v10+s22+$0x0], $0xffff  }
0x2bb: {  	v48 =	vadd.s32 s31, v0;
	v12 =	vor.u32 v38, v58;
	v61 =	vmul.f32 v24, v24;
	[tilespmem:v21+s26+$0x0] =	vst.idx.msk $0xffff, v9  }
0x2bc: {  	v20 =	vmul.f32 v22, v22;
	v59 =	vimm.f32 $0.0e+00;
	v62 =	vand.u32 $0xF, v48;
	v51 =	vld.idx.msk [tilespmem:v32+s22+$0x0], $0xffff;
	[tilespmem:v52+s26+$0x0] =	vst.idx.msk $0xffff, v54  }
0x2bd: {  	s0 =	simm.s32 $0x8;
	v10 =	vor.u32 v38, v55;
	v13 =	vor.u32 v38, v62;
	v21 =	vmul.f32 v45, v45;
	v52 =	vld.idx.msk [tilespmem:v3+s22+$0x0], $0xffff  }
.LBB2_20:
0x2be: {  	p1 =	slt.u32 s0, $0xC;
	v2 =	vadd.f32 v17, v49;
	v3 =	vadd.f32 v19, v59;
	v17 =	vmul.f32 v63, v63  }
0x2bf: {  	v19 =	vadd.f32 v20, v56;
	v20 =	vadd.f32 v21, v57;
	v21 =	vmul.f32 v50, v50  }
0x2c0: {  	v9 =	vmul.f32 v9, v9;
	v2 =	vadd.f32 v15, v2;
	v3 =	vadd.f32 v18, v3  }
0x2c1: {  	v18 =	vmul.f32 v51, v51;
	v15 =	vadd.f32 v17, v19;
	v17 =	vadd.f32 v21, v20  }
0x2c2: {  	v2 =	vadd.f32 v14, v2;
	v3 =	vadd.f32 v16, v3;
	v14 =	vmul.f32 v54, v54  }
0x2c3: {  	v16 =	vmul.f32 v52, v52;
	v9 =	vadd.f32 v9, v15;
	v15 =	vadd.f32 v18, v17  }
0x2c4: {  	v11 =	vor.u32 v36, v11;
	v17 =	vld.idx.msk [tilespmem:v12+s22+$0x0], $0xffff;
	v49 =	vadd.f32 v60, v2;
	v59 =	vadd.f32 v61, v3  }
0x2c5: {  	v2 =	vor.u32 v38, v53;
	v56 =	vadd.f32 v14, v9;
	v57 =	vadd.f32 v16, v15  }
0x2c6: {  	v3 =	vor.u32 v40, v47;
	v12 =	vor.u32 v34, v35;
	v9 =	vshll.u32 v62, $0x7;
	v13 =	vld.idx.msk [tilespmem:v13+s22+$0x0], $0xffff  }
0x2c7: {  	v35 =	vshll.u32 v47, $0x7;
	v14 =	vand.u32 $0x7, v47;
	v9 =	vor.u32 v36, v9;
	[tilespmem:v43+s26+$0x0] =	vst.idx.msk $0xffff, v50  }
0x2c8: {  	v18 =	vshll.u32 v42, $0x7;
	v15 =	vor.u32 v40, v48;
	v16 =	vshll.u32 v55, $0x7;
	v10 =	vld.idx.msk [tilespmem:v10+s22+$0x0], $0xffff;
	[tilespmem:v41+s26+$0x0] =	vst.idx.msk $0xffff, v51  }
0x2c9: {  	v19 =	vshll.u32 v48, $0x7;
	v20 =	vshll.u32 v46, $0x7;
	v16 =	vor.u32 v36, v16;
	[tilespmem:v44+s26+$0x0] =	vst.idx.msk $0xffff, v52  }
0x2ca: {  	v22 =	vshll.u32 v53, $0x7;
	v21 =	vor.u32 v40, v46;
	[tilespmem:v11+s26+$0x0] =	vst.idx.msk $0xffff, v17;
	v11 =	vor.u32 $0x20, v58;
	v2 =	vld.idx.msk [tilespmem:v2+s22+$0x0], $0xffff  }
0x2cb: {  	v22 =	vor.u32 v36, v22;
	v23 =	vor.u32 v39, v35;
	v3 =	vld.idx.msk [tilespmem:v3+s22+$0x0], $0xffff;
	v24 =	vand.u32 $0x28, v11  }
0x2cc: {  	v14 =	vor.u32 v24, v14;
	[tilespmem:v9+s26+$0x0] =	vst.idx.msk $0xffff, v13;
	v9 =	vor.u32 $0x20, v62;
	v24 =	vor.u32 v40, v42  }
0x2cd: {  	v41 =	vand.u32 $0x7, v48;
	v14 =	vor.u32 v38, v14;
	v32 =	vld.idx.msk [tilespmem:v15+s22+$0x0], $0xffff;
	v15 =	vand.u32 $0x28, v9;
	[tilespmem:v12+s26+$0x0] =	vst.idx.msk $0xffff, v45  }
0x2ce: {  	v12 =	vor.u32 v39, v19;
	v15 =	vor.u32 v15, v41;
	[tilespmem:v16+s26+$0x0] =	vst.idx.msk $0xffff, v10;
	v16 =	vor.u32 $0x20, v55  }
0x2cf: {  	v43 =	vand.u32 $0x7, v46;
	v15 =	vor.u32 v38, v15;
	v21 =	vld.idx.msk [tilespmem:v21+s22+$0x0], $0xffff;
	v41 =	vand.u32 $0x28, v16  }
0x2d0: {  	v44 =	vor.u32 v39, v20;
	v41 =	vor.u32 v41, v43;
	[tilespmem:v22+s26+$0x0] =	vst.idx.msk $0xffff, v2;
	v22 =	vor.u32 $0x20, v53  }
0x2d1: {  	v43 =	vand.u32 $0x7, v42;
	[tilespmem:v23+s26+$0x0] =	vst.idx.msk $0xffff, v3;
	v23 =	vor.u32 v38, v41;
	v24 =	vld.idx.msk [tilespmem:v24+s22+$0x0], $0xffff;
	v41 =	vand.u32 $0x28, v22  }
0x2d2: {  	v11 =	vshll.u32 v11, $0x7;
	v52 =	vld.idx.msk [tilespmem:v14+s22+$0x0], $0xffff;
	v14 =	vor.u32 v39, v18;
	v41 =	vor.u32 v41, v43  }
0x2d3: {  	v11 =	vor.u32 v36, v11;
	[tilespmem:v12+s26+$0x0] =	vst.idx.msk $0xffff, v32;
	v12 =	vor.u32 v38, v41  }
0x2d4: {  	v45 =	vor.u32 v37, v47;
	v9 =	vshll.u32 v9, $0x7;
	v43 =	vor.u32 v34, v19;
	v63 =	vld.idx.msk [tilespmem:v15+s22+$0x0], $0xffff  }
0x2d5: {  	v41 =	vor.u32 v34, v20;
	v15 =	vor.u32 v36, v9;
	[tilespmem:v44+s26+$0x0] =	vst.idx.msk $0xffff, v21  }
0x2d6: {  	s17 =	sadd.s32 $0x3, s0;
	v16 =	vshll.u32 v16, $0x7;
	v19 =	vor.u32 v37, v48;
	v44 =	vor.u32 v34, v18;
	v9 =	vld.idx.msk [tilespmem:v23+s22+$0x0], $0xffff  }
0x2d7: {  	s19 =	sadd.s32 $0x2, s0;
	v47 =	vadd.s32 s0, v0;
	v16 =	vor.u32 v36, v16;
	v18 =	vadd.s32 s17, v0;
	[tilespmem:v14+s26+$0x0] =	vst.idx.msk $0xffff, v24  }
0x2d8: {  	v20 =	vor.u32 v37, v46;
	v46 =	vadd.s32 s19, v0;
	s17 =	sadd.s32 $0x1, s0;
	[tilespmem:v11+s26+$0x0] =	vst.idx.msk $0xffff, v52;
	v54 =	vld.idx.msk [tilespmem:v12+s22+$0x0], $0xffff;
	v11 =	vshll.u32 v22, $0x7  }
0x2d9: {  	v58 =	vand.u32 $0xF, v47;
	v48 =	vadd.s32 s17, v0;
	v45 =	vld.idx.msk [tilespmem:v45+s22+$0x0], $0xffff;
	v22 =	vor.u32 v36, v11  }
0x2da: {  	v53 =	vand.u32 $0xF, v18;
	v23 =	vor.u32 v37, v42;
	v42 =	vmovc v18;
	v11 =	vshll.u32 v58, $0x7;
	[tilespmem:v15+s26+$0x0] =	vst.idx.msk $0xffff, v63  }
.Ltmp11:
0x2db: {  	v17 =	vmul.f32 v17, v17;
	v60 =	vmul.f32 v2, v2;
	v12 =	vor.u32 v38, v58;
	v50 =	vld.idx.msk [tilespmem:v19+s22+$0x0], $0xffff;
	(pc) =	sbr.rel @p1 .LBB2_20-.Ltmp11, $4  }
0x2dc: {  	v55 =	vand.u32 $0xF, v46;
	v14 =	vmul.f32 v10, v10;
	v15 =	vmul.f32 v13, v13;
	[tilespmem:v16+s26+$0x0] =	vst.idx.msk $0xffff, v9  }
0x2dd: {  	v61 =	vmul.f32 v24, v24;
	v10 =	vor.u32 v38, v55;
	v19 =	vmul.f32 v3, v3;
	v51 =	vld.idx.msk [tilespmem:v20+s22+$0x0], $0xffff  }
0x2de: {  	v18 =	vmul.f32 v32, v32;
	v62 =	vand.u32 $0xF, v48;
	v16 =	vmul.f32 v21, v21;
	[tilespmem:v22+s26+$0x0] =	vst.idx.msk $0xffff, v54  }
0x2df: {  	s0 =	sadd.s32 $0x4, s0;
	v13 =	vor.u32 v38, v62;
	v20 =	vmul.f32 v52, v52;
	v21 =	vmul.f32 v45, v45;
	v52 =	vld.idx.msk [tilespmem:v23+s22+$0x0], $0xffff  }
0x2e0: {  	_ = 	snop  }
0x2e1: {  	v2 =	vadd.f32 v17, v49;
	v3 =	vadd.f32 v19, v59  }
0x2e2: {  	v17 =	vmul.f32 v63, v63;
	v9 =	vmul.f32 v9, v9;
	v11 =	vor.u32 v36, v11  }
0x2e3: {  	v49 =	vshll.u32 v47, $0x7;
	v19 =	vadd.f32 v20, v56;
	v3 =	vadd.f32 v18, v3  }
0x2e4: {  	v12 =	vld.idx.msk [tilespmem:v12+s22+$0x0], $0xffff;
	v20 =	vadd.f32 v21, v57;
	v56 =	vmul.f32 v50, v50;
	v2 =	vadd.f32 v15, v2  }
0x2e5: {  	v18 =	vor.u32 v40, v47;
	v3 =	vadd.f32 v16, v3;
	v16 =	vshll.u32 v62, $0x7  }
0x2e6: {  	v13 =	vld.idx.msk [tilespmem:v13+s22+$0x0], $0xffff;
	v2 =	vadd.f32 v14, v2;
	v14 =	vor.u32 v38, v53;
	v16 =	vor.u32 v36, v16  }
0x2e7: {  	v15 =	vadd.f32 v17, v19;
	v17 =	vadd.f32 v56, v20;
	v20 =	vor.u32 v40, v48  }
0x2e8: {  	v22 =	vshll.u32 v48, $0x7;
	v23 =	vor.u32 $0x20, v58;
	v10 =	vld.idx.msk [tilespmem:v10+s22+$0x0], $0xffff;
	v57 =	vshll.u32 v55, $0x7  }
0x2e9: {  	v24 =	vor.u32 v40, v46;
	v32 =	vshll.u32 v53, $0x7;
	v21 =	vor.u32 v36, v57;
	[tilespmem:v11+s26+$0x0] =	vst.idx.msk $0xffff, v12  }
0x2ea: {  	v32 =	vor.u32 v36, v32;
	v58 =	vor.u32 v39, v22;
	v56 =	vor.u32 v39, v49;
	v18 =	vld.idx.msk [tilespmem:v18+s22+$0x0], $0xffff  }
0x2eb: {  	v57 =	vor.u32 $0x20, v62;
	v19 =	vand.u32 $0x7, v47;
	v40 =	vor.u32 v40, v42;
	v11 =	vld.idx.msk [tilespmem:v14+s22+$0x0], $0xffff;
	[tilespmem:v16+s26+$0x0] =	vst.idx.msk $0xffff, v13  }
0x2ec: {  	v62 =	vand.u32 $0x7, v46;
	v53 =	vor.u32 $0x20, v53;
	v14 =	vand.u32 $0x28, v23;
	v20 =	vld.idx.msk [tilespmem:v20+s22+$0x0], $0xffff  }
0x2ed: {  	v63 =	vand.u32 $0x28, v53;
	v23 =	vshll.u32 v23, $0x7;
	v14 =	vor.u32 v14, v19  }
0x2ee: {  	[tilespmem:v21+s26+$0x0] =	vst.idx.msk $0xffff, v10;
	v16 =	vand.u32 $0x28, v57;
	v19 =	vand.u32 $0x7, v48;
	v14 =	vor.u32 v38, v14  }
0x2ef: {  	v16 =	vor.u32 v16, v19;
	v19 =	vor.u32 $0x20, v55;
	v55 =	vshll.u32 v46, $0x7;
	[tilespmem:v56+s26+$0x0] =	vst.idx.msk $0xffff, v18  }
0x2f0: {  	v24 =	vld.idx.msk [tilespmem:v24+s22+$0x0], $0xffff;
	v16 =	vor.u32 v38, v16;
	v59 =	vand.u32 $0x28, v19;
	v56 =	vshll.u32 v42, $0x7;
	[tilespmem:v32+s26+$0x0] =	vst.idx.msk $0xffff, v11  }
0x2f1: {  	v21 =	vor.u32 v59, v62;
	v62 =	vand.u32 $0x7, v42;
	[tilespmem:v58+s26+$0x0] =	vst.idx.msk $0xffff, v20;
	v58 =	vor.u32 v39, v55  }
0x2f2: {  	v32 =	vor.u32 v63, v62;
	v21 =	vor.u32 v38, v21;
	v40 =	vld.idx.msk [tilespmem:v40+s22+$0x0], $0xffff;
	v39 =	vor.u32 v39, v56  }
0x2f3: {  	v9 =	vadd.f32 v9, v15;
	v23 =	vor.u32 v36, v23;
	v32 =	vor.u32 v38, v32;
	v14 =	vld.idx.msk [tilespmem:v14+s22+$0x0], $0xffff  }
0x2f4: {  	v15 =	vor.u32 v37, v47;
	v57 =	vshll.u32 v57, $0x7;
	v63 =	vmul.f32 v51, v51  }
0x2f5: {  	v12 =	vmul.f32 v12, v12;
	v2 =	vadd.f32 v60, v2;
	v47 =	vor.u32 v36, v57;
	v16 =	vld.idx.msk [tilespmem:v16+s22+$0x0], $0xffff  }
0x2f6: {  	v19 =	vshll.u32 v19, $0x7;
	v17 =	vadd.f32 v63, v17;
	v63 =	vor.u32 v37, v48;
	[tilespmem:v58+s26+$0x0] =	vst.idx.msk $0xffff, v24  }
0x2f7: {  	v3 =	vadd.f32 v61, v3;
	v19 =	vor.u32 v36, v19;
	[tilespmem:v39+s26+$0x0] =	vst.idx.msk $0xffff, v40;
	v21 =	vld.idx.msk [tilespmem:v21+s22+$0x0], $0xffff  }
0x2f8: {  	v59 =	vshll.u32 v53, $0x7;
	[tilespmem:v23+s26+$0x0] =	vst.idx.msk $0xffff, v14;
	v58 =	vor.u32 v37, v46;
	v32 =	vld.idx.msk [tilespmem:v32+s22+$0x0], $0xffff  }
0x2f9: {  	v61 =	vor.u32 v37, v42;
	v62 =	vmul.f32 v54, v54;
	v60 =	vor.u32 v36, v59;
	v15 =	vld.idx.msk [tilespmem:v15+s22+$0x0], $0xffff  }
0x2fa: {  	v2 =	vadd.f32 v12, v2;
	v13 =	vmul.f32 v13, v13;
	[tilespmem:v47+s26+$0x0] =	vst.idx.msk $0xffff, v16  }
0x2fb: {  	v10 =	vmul.f32 v10, v10;
	v18 =	vmul.f32 v18, v18;
	v9 =	vadd.f32 v62, v9;
	v62 =	vld.idx.msk [tilespmem:v63+s22+$0x0], $0xffff  }
0x2fc: {  	v57 =	vmul.f32 v52, v52;
	v2 =	vadd.f32 v13, v2;
	[tilespmem:v19+s26+$0x0] =	vst.idx.msk $0xffff, v21  }
0x2fd: {  	v11 =	vmul.f32 v11, v11;
	v3 =	vadd.f32 v18, v3;
	v14 =	vmul.f32 v14, v14;
	v23 =	vld.idx.msk [tilespmem:v58+s22+$0x0], $0xffff  }
0x2fe: {  	v17 =	vadd.f32 v57, v17;
	[tilespmem:v60+s26+$0x0] =	vst.idx.msk $0xffff, v32;
	v63 =	vmul.f32 v15, v15  }
0x2ff: {  	v20 =	vmul.f32 v20, v20;
	v12 =	vmul.f32 v16, v16;
	v9 =	vadd.f32 v14, v9;
	v37 =	vld.idx.msk [tilespmem:v61+s22+$0x0], $0xffff  }
0x300: {  	v2 =	vadd.f32 v10, v2;
	v16 =	vmul.f32 v62, v62;
	v14 =	vadd.f32 v63, v17  }
0x301: {  	v3 =	vadd.f32 v20, v3;
	v24 =	vmul.f32 v24, v24;
	v9 =	vadd.f32 v12, v9  }
0x302: {  	v13 =	vmul.f32 v21, v21;
	v12 =	vadd.f32 v16, v14;
	v14 =	vmul.f32 v23, v23  }
0x303: {  	v3 =	vadd.f32 v24, v3;
	v19 =	vmul.f32 v40, v40;
	v10 =	vmul.f32 v32, v32  }
0x304: {  	v9 =	vadd.f32 v13, v9;
	v13 =	vmul.f32 v37, v37;
	v12 =	vadd.f32 v14, v12  }
0x305: {  	v2 =	vadd.f32 v11, v2;
	v3 =	vadd.f32 v19, v3  }
0x306: {  	v9 =	vadd.f32 v10, v9;
	v10 =	vadd.f32 v13, v12;
	_ =	sdelay $0x1  }
0x307: {  	v2 =	vadd.f32 v3, v2;
	v3 =	vadd.f32 v10, v9;
	_ =	sdelay $0x1  }
0x308: {  	v2 =	vadd.f32 v3, v2;
	_ =	sdelay $0x1  }
0x309: {  	v3 =	vshra.s32 v2, $0x1;
	v9 =	vmul.f32 $5.000000000e-01, v2  }
0x30a: {  	v3 =	vsub.s32 $0x5F3759DF, v3  }
0x30b: {  	v10 =	vmul.f32 v3, v9;
	_ =	sdelay $0x1  }
0x30c: {  	v10 =	vmul.f32 v3, v10;
	_ =	sdelay $0x1  }
0x30d: {  	v10 =	vsub.f32 $1.500000000e+00, v10;
	_ =	sdelay $0x1  }
0x30e: {  	v3 =	vmul.f32 v3, v10;
	_ =	sdelay $0x1  }
0x30f: {  	v10 =	vmul.f32 v3, v9;
	_ =	sdelay $0x1  }
0x310: {  	v10 =	vmul.f32 v10, v3;
	_ =	sdelay $0x1  }
0x311: {  	v11 =	vor.u32 v34, v35;
	v10 =	vsub.f32 $1.500000000e+00, v10  }
0x312: {  	v14 =	vor.u32 v34, v49  }
0x313: {  	[tilespmem:v43+s26+$0x0] =	vst.idx.msk $0xffff, v50;
	v12 =	vor.u32 v34, v22;
	v3 =	vmul.f32 v10, v3  }
0x314: {  	[tilespmem:v41+s26+$0x0] =	vst.idx.msk $0xffff, v51;
	v13 =	vor.u32 v34, v55  }
0x315: {  	[tilespmem:v44+s26+$0x0] =	vst.idx.msk $0xffff, v52;
	v10 =	vor.u32 v34, v56;
	v9 =	vmul.f32 v3, v9  }
0x316: {  	[tilespmem:v11+s26+$0x0] =	vst.idx.msk $0xffff, v45  }
0x317: {  	[tilespmem:v14+s26+$0x0] =	vst.idx.msk $0xffff, v15;
	v9 =	vmul.f32 v9, v3  }
0x318: {  	[tilespmem:v12+s26+$0x0] =	vst.idx.msk $0xffff, v62  }
0x319: {  	[tilespmem:v13+s26+$0x0] =	vst.idx.msk $0xffff, v23;
	v9 =	vsub.f32 $1.500000000e+00, v9  }
0x31a: {  	[tilespmem:v10+s26+$0x0] =	vst.idx.msk $0xffff, v37  }
0x31b: {  	v3 =	vmul.f32 v9, v3;
	v9 =	vld [tilespmem:s15+$0x180]  }
0x31c: {  	v10 =	vld [tilespmem:s15+$0xFFFFFE80]  }
0x31d: {  	v11 =	vld [tilespmem:s15+$0xFFFFFF00];
	v2 =	vmul.f32 v3, v2  }
0x31e: {  	v13 =	vld [tilespmem:s15+$0xFFFFFF80];
	v12 =	vmul.f32 $9.999899860e-01, v3  }
0x31f: {  	v14 =	vld [tilespmem:s15+$0x0];
	v3 =	vmul.f32 $7.807763810e-01, v3;
	vm0 =	vge.f32 v2, $1.000000000e+00  }
0x320: {  	vm1 =	vle.f32 v2, $7.807763810e-01;
	v2 =	vnsel vm0, $0x3F800000, v12;
	v12 =	vld [tilespmem:s15+$0x80];
	v15 =	vadd.f32 $1.000000000e-15, v9  }
0x321: {  	v9 =	vsel vm1, v3, v2;
	v2 =	vadd.f32 $1.000000000e-15, v10;
	v3 =	vld [tilespmem:s15+$0x100]  }
0x322: {  	s0 =	sadd.s32 $0x400, s15;
	v11 =	vadd.f32 $1.000000000e-15, v11;
	v10 =	vld [tilespmem:s15+$0xFFFFFE00];
	v15 =	vmul.f32 v15, v9  }
0x323: {  	v16 =	vld [tilespmem:s0+$0x180];
	v13 =	vadd.f32 $1.000000000e-15, v13;
	v2 =	vmul.f32 v2, v9  }
0x324: {  	v17 =	vld [tilespmem:s0+$0xFFFFFE80];
	v14 =	vadd.f32 $1.000000000e-15, v14;
	v11 =	vmul.f32 v11, v9;
	[tilespmem:s15+$0x180] =	vst v15  }
0x325: {  	v15 =	vld [tilespmem:s0+$0xFFFFFF00];
	[tilespmem:s15+$0xFFFFFE80] =	vst v2;
	v2 =	vmul.f32 v13, v9;
	v13 =	vadd.f32 $1.000000000e-15, v12  }
0x326: {  	v14 =	vmul.f32 v14, v9;
	[tilespmem:s15+$0xFFFFFF00] =	vst v11;
	v12 =	vld [tilespmem:s0+$0xFFFFFF80];
	v3 =	vadd.f32 $1.000000000e-15, v3  }
0x327: {  	v11 =	vld [tilespmem:s0+$0x0];
	v18 =	vadd.f32 $1.000000000e-15, v10;
	[tilespmem:s15+$0xFFFFFF80] =	vst v2;
	v2 =	vmul.f32 v13, v9  }
0x328: {  	v19 =	vadd.f32 $1.000000000e-15, v16;
	[tilespmem:s15+$0x0] =	vst v14;
	v10 =	vld [tilespmem:s0+$0x80];
	v3 =	vmul.f32 v3, v9  }
0x329: {  	v16 =	vadd.f32 $1.000000000e-15, v17;
	v13 =	vld [tilespmem:s0+$0x100];
	v18 =	vmul.f32 v18, v9;
	[tilespmem:s15+$0x80] =	vst v2  }
0x32a: {  	s19 =	simm.s32 $0x8;
	s31 =	smov.u32 s15;
	s17 =	sadd.s32 $0x400, s0;
	v14 =	vld [tilespmem:s0+$0xFFFFFE00];
	v17 =	vadd.f32 $1.000000000e-15, v15;
	v15 =	vmul.f32 v19, v9;
	[tilespmem:s15+$0x100] =	vst v3  }
.LBB2_22:
0x32b: {  	v2 =	vld [tilespmem:s17+$0x180];
	s19 =	sadd.s32 $0x8, s19;
	v3 =	vmul.f32 v16, v9;
	v12 =	vadd.f32 $1.000000000e-15, v12;
	[tilespmem:s31+$0xFFFFFE00] =	vst v18;
	s31 =	smov.u32 s0;
	s0 =	smov.u32 s17  }
0x32c: {  	v16 =	vld [tilespmem:s17+$0xFFFFFE80];
	p1 =	slt.u32 s19, $0x38;
	v17 =	vmul.f32 v17, v9;
	v11 =	vadd.f32 $1.000000000e-15, v11;
	[tilespmem:s31+$0x180] =	vst v15  }
0x32d: {  	v15 =	vld [tilespmem:s17+$0xFFFFFF00];
	[tilespmem:s31+$0xFFFFFE80] =	vst v3;
	v3 =	vmul.f32 v12, v9;
	v10 =	vadd.f32 $1.000000000e-15, v10  }
.Ltmp12:
0x32e: {  	v12 =	vld [tilespmem:s17+$0xFFFFFF80];
	[tilespmem:s31+$0xFFFFFF00] =	vst v17;
	v17 =	vmul.f32 v11, v9;
	v13 =	vadd.f32 $1.000000000e-15, v13;
	(pc) =	sbr.rel @p1 .LBB2_22-.Ltmp12, $4  }
0x32f: {  	v11 =	vld [tilespmem:s17+$0x0];
	v14 =	vadd.f32 $1.000000000e-15, v14;
	[tilespmem:s31+$0xFFFFFF80] =	vst v3;
	v3 =	vmul.f32 v10, v9  }
0x330: {  	v10 =	vld [tilespmem:s17+$0x80];
	v2 =	vadd.f32 $1.000000000e-15, v2;
	[tilespmem:s31+$0x0] =	vst v17;
	v19 =	vmul.f32 v13, v9  }
0x331: {  	v16 =	vadd.f32 $1.000000000e-15, v16;
	v13 =	vld [tilespmem:s17+$0x100];
	v18 =	vmul.f32 v14, v9;
	[tilespmem:s31+$0x80] =	vst v3  }
0x332: {  	s17 =	sadd.s32 $0x400, s17;
	v14 =	vld [tilespmem:s0+$0xFFFFFE00];
	v17 =	vadd.f32 $1.000000000e-15, v15;
	v15 =	vmul.f32 v2, v9;
	[tilespmem:s31+$0x100] =	vst v19  }
0x333: {  	v2 =	vmul.f32 v16, v9;
	v3 =	vadd.f32 $1.000000000e-15, v12;
	[tilespmem:s31+$0xFFFFFE00] =	vst v18  }
0x334: {  	v62 =	vmul.f32 v17, v9;
	v11 =	vadd.f32 $1.000000000e-15, v11;
	[tilespmem:s0+$0x180] =	vst v15  }
0x335: {  	s1 =	sadd.s32 $0x1, s1;
	[tilespmem:s0+$0xFFFFFE80] =	vst v2;
	v2 =	vmul.f32 v3, v9;
	v3 =	vadd.f32 $1.000000000e-15, v10  }
0x336: {  	p1 =	sne.s32 s1, $0x8;
	[tilespmem:s0+$0xFFFFFF00] =	vst v62;
	v10 =	vmul.f32 v11, v9;
	v11 =	vadd.f32 $1.000000000e-15, v13  }
.Ltmp13:
0x337: {  	v63 =	vadd.f32 $1.000000000e-15, v14;
	[tilespmem:s0+$0xFFFFFF80] =	vst v2;
	v2 =	vmul.f32 v3, v9;
	(pc) =	sbr.rel @p1 .LBB2_19-.Ltmp13, $4  }
0x338: {  	[tilespmem:s0+$0x0] =	vst v10;
	v3 =	vmul.f32 v11, v9  }
0x339: {  	v9 =	vmul.f32 v63, v9;
	[tilespmem:s0+$0x80] =	vst v2  }
0x33a: {  	[tilespmem:s0+$0x100] =	vst v3  }
0x33b: {  	s15 =	sadd.s32 $0x10, s15;
	[tilespmem:s0+$0xFFFFFE00] =	vst v9  }
0x33c: {  	s0 =	sadd.s32 $0x100, s28;
	s1 =	sor.u32 $0x4100, s13  }
0x33d: {  	[hbm4b:s0+s3] =	stream.linear.scatter [tilespmem:s26], [sflag:$0x5], $0x400, $0x38;
	[tilespmem:$0x12600] =	vst v63  }
0x33e: {  	s31 =	simm.s32 $0xEA00;
	s15 =	sor.u32 $0x8100, s13;
	s0 =	sadd.s32 s2, s1  }
0x33f: {  	[hbm4b:s0+s3] =	stream.linear.scatter [tilespmem:s31], [sflag:$0x5], $0x400, $0x38;
	[tilespmem:$0x12600] =	vst v63  }
0x340: {  	s17 =	sor.u32 $0xC100, s13;
	s1 =	simm.s32 $0xEE00;
	s0 =	sadd.s32 s2, s15  }
0x341: {  	[hbm4b:s0+s3] =	stream.linear.scatter [tilespmem:s1], [sflag:$0x5], $0x400, $0x38;
	[tilespmem:$0x12600] =	vst v63  }
0x342: {  	s19 =	simm.s32 $0xF200;
	s0 =	sadd.s32 s2, s17;
	s1 =	sor.u32 $0x10100, s13  }
0x343: {  	[hbm4b:s0+s3] =	stream.linear.scatter [tilespmem:s19], [sflag:$0x5], $0x400, $0x38;
	[tilespmem:$0x12600] =	vst v63  }
0x344: {  	v2 =	vlaneseq.u32 @!p0;
	s15 =	simm.s32 $0xF600;
	s17 =	sor.u32 $0x14100, s13;
	s0 =	sadd.s32 s2, s1  }
0x345: {  	v2 =	vmul.u32 @!p0 $0x32, v2;
	[hbm4b:s0+s3] =	stream.linear.scatter [tilespmem:s15], [sflag:$0x5], $0x400, $0x38;
	[tilespmem:$0x12600] =	vst v63  }
0x346: {  	s19 =	simm.s32 $0xFA00;
	s1 =	sor.u32 $0x18100, s13;
	s0 =	sadd.s32 s2, s17  }
0x347: {  	v3 =	vadd.s32 @!p0 $0x3200, v2;
	[hbm4b:s0+s3] =	stream.linear.scatter [tilespmem:s19], [sflag:$0x5], $0x400, $0x38;
	[tilespmem:$0x12600] =	vst v63  }
0x348: {  	v3 =	vadd.s32 @!p0 s29, v3;
	s15 =	simm.s32 $0xFE00;
	s17 =	sor.u32 $0x1C100, s13;
	s0 =	sadd.s32 s2, s1  }
0x349: {  	[hbm4b:s0+s3] =	stream.linear.scatter [tilespmem:s15], [sflag:$0x5], $0x400, $0x38;
	[tilespmem:$0x12600] =	vst v63  }
0x34a: {  	s19 =	simm.s32 $0x10200;
	s0 =	sadd.s32 s2, s17  }
0x34b: {  	[hbm4b:s0+s3] =	stream.linear.scatter [tilespmem:s19], [sflag:$0x5], $0x400, $0x38;
	[tilespmem:$0x12600] =	vst v63  }
0x34c: {  	s0 =	simm.s32 @!p0 $0x0  }
0x34d: {  	v9 =	vadd.s32 @!p0 $0x3520, v2;
	v3 =	vld.idx.msk @!p0 [tilespmem:v3+s0+$0x0], $0xffff  }
0x34e: {  	v9 =	vadd.s32 @!p0 s29, v9;
	_ =	sdelay $0x3  }
0x34f: {  	[tilespmem:$0x6500] =	vst @!p0 v3  }
0x350: {  	v3 =	vld.idx.msk @!p0 [tilespmem:v9+s0+$0x0], $0xffff;
	v9 =	vadd.s32 @!p0 $0x3840, v2  }
0x351: {  	v9 =	vadd.s32 @!p0 s29, v9;
	_ =	sdelay $0x3  }
0x352: {  	[tilespmem:$0x6510] =	vst @!p0 v3  }
0x353: {  	v3 =	vld.idx.msk @!p0 [tilespmem:v9+s0+$0x0], $0xffff;
	v9 =	vadd.s32 @!p0 $0x3B60, v2  }
0x354: {  	v9 =	vadd.s32 @!p0 s29, v9;
	_ =	sdelay $0x3  }
0x355: {  	[tilespmem:$0x6520] =	vst @!p0 v3  }
0x356: {  	v3 =	vld.idx.msk @!p0 [tilespmem:v9+s0+$0x0], $0xffff;
	v9 =	vadd.s32 @!p0 $0x3E80, v2  }
0x357: {  	v9 =	vadd.s32 @!p0 s29, v9;
	_ =	sdelay $0x3  }
0x358: {  	[tilespmem:$0x6530] =	vst @!p0 v3  }
0x359: {  	v3 =	vld.idx.msk @!p0 [tilespmem:v9+s0+$0x0], $0xffff;
	v9 =	vadd.s32 @!p0 $0x41A0, v2  }
0x35a: {  	v9 =	vadd.s32 @!p0 s29, v9;
	_ =	sdelay $0x3  }
0x35b: {  	[tilespmem:$0x6540] =	vst @!p0 v3  }
0x35c: {  	v3 =	vld.idx.msk @!p0 [tilespmem:v9+s0+$0x0], $0xffff;
	v9 =	vadd.s32 @!p0 $0x44C0, v2  }
0x35d: {  	v9 =	vadd.s32 @!p0 s29, v9;
	_ =	sdelay $0x3  }
0x35e: {  	[tilespmem:$0x6550] =	vst @!p0 v3  }
0x35f: {  	v2 =	vadd.s32 @!p0 $0x47E0, v2;
	v3 =	vld.idx.msk @!p0 [tilespmem:v9+s0+$0x0], $0xffff  }
0x360: {  	v2 =	vadd.s32 @!p0 s29, v2;
	_ =	sdelay $0x3  }
0x361: {  	[tilespmem:$0x6560] =	vst @!p0 v3  }
0x362: {  	v2 =	vld.idx.msk @!p0 [tilespmem:v2+s0+$0x0], $0xffff;
	_ =	sdelay $0x4  }
0x363: {  	s1 =	simm.s32 @!p0 $0x6500;
	s15 =	simm.s32 @!p0 $0xA600;
	s0 =	simm.s32 @!p0 $0x80;
	[tilespmem:$0x6570] =	vst @!p0 v2  }
0x364: {  	[tilespmem:s15], [sflag:$0x3] =	stream.indirect.gather @!p0 [hbm4b:s4+s0], $0x40, s1, s0, $0xb8;
	[tilespmem:$0x12600] =	vst v63  }
0x365: {  	_ =	swait.ge [sflag:s11], $0x2000  }
0x366: {  	[sflag:s11] =	ssyncset.done $0x0  }
0x367: {  	[sflag:s11] =	ssyncadd.s32 $0xFFFFE000  }
0x368: {  	_ =	swait.ge [sflag:s6], $0x400  }
0x369: {  	[sflag:s6] =	ssyncset.done $0x0  }
0x36a: {  	[sflag:s6] =	ssyncadd.s32 $0xFFFFFC00  }
0x36b: {  	_ =	swait.ge [sflag:s6], $0x400  }
0x36c: {  	[sflag:s6] =	ssyncset.done $0x0  }
0x36d: {  	[sflag:s6] =	ssyncadd.s32 $0xFFFFFC00  }
0x36e: {  	_ =	swait.ge [sflag:s6], $0x400  }
0x36f: {  	[sflag:s6] =	ssyncset.done $0x0  }
0x370: {  	[sflag:s6] =	ssyncadd.s32 $0xFFFFFC00  }
0x371: {  	_ =	swait.ge [sflag:s6], $0x400  }
0x372: {  	[sflag:s6] =	ssyncset.done $0x0  }
0x373: {  	[sflag:s6] =	ssyncadd.s32 $0xFFFFFC00  }
0x374: {  	_ =	swait.ge [sflag:s6], $0x400  }
0x375: {  	[sflag:s6] =	ssyncset.done $0x0  }
0x376: {  	[sflag:s6] =	ssyncadd.s32 $0xFFFFFC00  }
0x377: {  	_ =	swait.ge [sflag:s6], $0x400  }
0x378: {  	[sflag:s6] =	ssyncset.done $0x0  }
0x379: {  	[sflag:s6] =	ssyncadd.s32 $0xFFFFFC00  }
0x37a: {  	_ =	swait.ge [sflag:s6], $0x400  }
0x37b: {  	[sflag:s6] =	ssyncset.done $0x0  }
0x37c: {  	[sflag:s6] =	ssyncadd.s32 $0xFFFFFC00  }
0x37d: {  	_ =	swait.ge [sflag:s6], $0x400  }
0x37e: {  	s30 =	simm.s32 $0x10800;
	[sflag:s6] =	ssyncset.done $0x0  }
0x37f: {  	s29 =	simm.s32 $0x0;
	s1 =	simm.s32 $0x0;
	[sflag:s6] =	ssyncadd.s32 $0xFFFFFC00  }
.LBB2_25:
0x380: {  	s0 =	sshll.u32 s1, $0x4;
	v3 =	vadd.s32 s29, v0  }
0x381: {  	s17 =	simm.s32 $0x1;
	s15 =	simm.s32 $0x2;
	s19 =	simm.s32 $0x3;
	v2 =	vor.u32 s0, v0;
	v9 =	vand.u32 $0xF, v3  }
0x382: {  	v10 =	vadd.s32 s17, v0;
	v11 =	vadd.s32 s15, v0;
	v13 =	vadd.s32 s19, v0  }
0x383: {  	v35 =	vshll.u32 v3, $0x7;
	v22 =	vand.u32 $0x7, v3;
	v38 =	vshll.u32 v2, $0x6  }
0x384: {  	v36 =	vand.u32 v33, v2;
	v12 =	vand.u32 $0xF, v10;
	v2 =	vor.u32 v38, v9  }
0x385: {  	v14 =	vand.u32 $0xF, v11;
	v16 =	vshll.u32 v9, $0x7;
	v17 =	vand.u32 $0xF, v13  }
0x386: {  	v32 =	vshll.u32 v13, $0x7;
	v41 =	vshll.u32 v10, $0x7;
	v55 =	vand.u32 $0x7, v11  }
0x387: {  	v47 =	vshll.u32 v11, $0x7;
	v58 =	vand.u32 $0x7, v13;
	v40 =	vor.u32 $0x10, v38  }
0x388: {  	v37 =	vor.u32 $0x30, v38;
	v39 =	vor.u32 $0x800, v36;
	v15 =	vor.u32 v38, v12  }
0x389: {  	v34 =	vor.u32 $0x1800, v36;
	v18 =	vor.u32 v38, v14;
	v16 =	vor.u32 v36, v16;
	v2 =	vld.idx.msk [tilespmem:v2+s24+$0x0], $0xffff  }
0x38a: {  	v19 =	vor.u32 v38, v17;
	v21 =	vshll.u32 v12, $0x7;
	v24 =	vshll.u32 v14, $0x7  }
0x38b: {  	v9 =	vor.u32 $0x20, v9;
	v12 =	vor.u32 $0x20, v12;
	v14 =	vor.u32 $0x20, v14  }
0x38c: {  	v20 =	vor.u32 v40, v3;
	v21 =	vor.u32 v36, v21;
	v23 =	vor.u32 v40, v10  }
0x38d: {  	v24 =	vor.u32 v36, v24;
	v42 =	vor.u32 v40, v11;
	v43 =	vor.u32 v39, v35;
	v15 =	vld.idx.msk [tilespmem:v15+s24+$0x0], $0xffff  }
0x38e: {  	v44 =	vand.u32 $0x28, v9;
	v54 =	vor.u32 v40, v13;
	v18 =	vld.idx.msk [tilespmem:v18+s24+$0x0], $0xffff;
	[tilespmem:v16+s14+$0x0] =	vst.idx.msk $0xffff, v2;
	v16 =	vshll.u32 v17, $0x7  }
0x38f: {  	v45 =	vand.u32 $0x28, v12;
	v46 =	vor.u32 v39, v41;
	v19 =	vld.idx.msk [tilespmem:v19+s24+$0x0], $0xffff;
	v16 =	vor.u32 v36, v16  }
0x390: {  	v56 =	vor.u32 v39, v47;
	v9 =	vshll.u32 v9, $0x7;
	v59 =	vor.u32 v39, v32  }
0x391: {  	v3 =	vor.u32 v37, v3;
	v22 =	vor.u32 v44, v22;
	v48 =	vor.u32 v36, v9;
	v20 =	vld.idx.msk [tilespmem:v20+s24+$0x0], $0xffff  }
0x392: {  	v9 =	vshll.u32 v12, $0x7;
	v22 =	vor.u32 v38, v22;
	[tilespmem:v21+s14+$0x0] =	vst.idx.msk $0xffff, v15;
	v21 =	vand.u32 $0x7, v10  }
0x393: {  	v44 =	vor.u32 v34, v32;
	[tilespmem:v24+s14+$0x0] =	vst.idx.msk $0xffff, v18;
	v23 =	vld.idx.msk [tilespmem:v23+s24+$0x0], $0xffff;
	v21 =	vor.u32 v45, v21  }
0x394: {  	v24 =	vand.u32 $0x28, v14;
	v21 =	vor.u32 v38, v21;
	[tilespmem:v16+s14+$0x0] =	vst.idx.msk $0xffff, v19;
	v16 =	vor.u32 $0x20, v17  }
0x395: {  	v32 =	vor.u32 v37, v11;
	v51 =	vld.idx.msk [tilespmem:v42+s24+$0x0], $0xffff;
	v24 =	vor.u32 v24, v55;
	v57 =	vand.u32 $0x28, v16  }
0x396: {  	v17 =	vor.u32 v38, v24;
	[tilespmem:v43+s14+$0x0] =	vst.idx.msk $0xffff, v20;
	v24 =	vld.idx.msk [tilespmem:v54+s24+$0x0], $0xffff;
	v43 =	vor.u32 v57, v58  }
0x397: {  	s19 =	simm.s32 $0x7;
	v12 =	vor.u32 v36, v9;
	v10 =	vor.u32 v37, v10;
	v22 =	vld.idx.msk [tilespmem:v22+s24+$0x0], $0xffff;
	v50 =	vor.u32 v38, v43  }
0x398: {  	v14 =	vshll.u32 v14, $0x7;
	v60 =	vmul.f32 v19, v19;
	v42 =	vadd.s32 s19, v0;
	[tilespmem:v46+s14+$0x0] =	vst.idx.msk $0xffff, v23  }
0x399: {  	v15 =	vmul.f32 v15, v15;
	v53 =	vand.u32 $0xF, v42;
	v19 =	vmul.f32 v20, v20;
	v63 =	vld.idx.msk [tilespmem:v21+s24+$0x0], $0xffff  }
0x39a: {  	[tilespmem:v56+s14+$0x0] =	vst.idx.msk $0xffff, v51;
	v21 =	vor.u32 v36, v14;
	v11 =	vshll.u32 v16, $0x7;
	v14 =	vmul.f32 v18, v18  }
0x39b: {  	v49 =	vimm.f32 $0.0e+00;
	v18 =	vmul.f32 v23, v23;
	v16 =	vmul.f32 v51, v51;
	v9 =	vld.idx.msk [tilespmem:v17+s24+$0x0], $0xffff;
	[tilespmem:v59+s14+$0x0] =	vst.idx.msk $0xffff, v24  }
0x39c: {  	s17 =	simm.s32 $0x4;
	v56 =	vimm.f32 $0.0e+00;
	v52 =	vor.u32 v36, v11;
	v43 =	vor.u32 v34, v41;
	[tilespmem:v48+s14+$0x0] =	vst.idx.msk $0xffff, v22;
	v54 =	vld.idx.msk [tilespmem:v50+s24+$0x0], $0xffff  }
0x39d: {  	v41 =	vor.u32 v34, v47;
	v47 =	vadd.s32 s17, v0;
	s17 =	simm.s32 $0x6;
	v45 =	vld.idx.msk [tilespmem:v3+s24+$0x0], $0xffff;
	v3 =	vor.u32 v37, v13  }
0x39e: {  	v57 =	vimm.f32 $0.0e+00;
	v46 =	vadd.s32 s17, v0;
	v58 =	vand.u32 $0xF, v47;
	[tilespmem:v12+s14+$0x0] =	vst.idx.msk $0xffff, v63  }
0x39f: {  	s19 =	simm.s32 $0x5;
	v11 =	vshll.u32 v58, $0x7;
	v17 =	vmul.f32 v2, v2;
	v55 =	vand.u32 $0xF, v46;
	v50 =	vld.idx.msk [tilespmem:v10+s24+$0x0], $0xffff  }
0x3a0: {  	v48 =	vadd.s32 s19, v0;
	v12 =	vor.u32 v38, v58;
	v61 =	vmul.f32 v24, v24;
	[tilespmem:v21+s14+$0x0] =	vst.idx.msk $0xffff, v9  }
0x3a1: {  	v20 =	vmul.f32 v22, v22;
	v59 =	vimm.f32 $0.0e+00;
	v62 =	vand.u32 $0xF, v48;
	v51 =	vld.idx.msk [tilespmem:v32+s24+$0x0], $0xffff;
	[tilespmem:v52+s14+$0x0] =	vst.idx.msk $0xffff, v54  }
0x3a2: {  	s0 =	simm.s32 $0x8;
	v10 =	vor.u32 v38, v55;
	v13 =	vor.u32 v38, v62;
	v21 =	vmul.f32 v45, v45;
	v52 =	vld.idx.msk [tilespmem:v3+s24+$0x0], $0xffff  }
.LBB2_26:
0x3a3: {  	p1 =	slt.u32 s0, $0xC;
	v2 =	vadd.f32 v17, v49;
	v3 =	vadd.f32 v19, v59;
	v17 =	vmul.f32 v63, v63  }
0x3a4: {  	v19 =	vadd.f32 v20, v56;
	v20 =	vadd.f32 v21, v57;
	v21 =	vmul.f32 v50, v50  }
0x3a5: {  	v9 =	vmul.f32 v9, v9;
	v2 =	vadd.f32 v15, v2;
	v3 =	vadd.f32 v18, v3  }
0x3a6: {  	v18 =	vmul.f32 v51, v51;
	v15 =	vadd.f32 v17, v19;
	v17 =	vadd.f32 v21, v20  }
0x3a7: {  	v2 =	vadd.f32 v14, v2;
	v3 =	vadd.f32 v16, v3;
	v14 =	vmul.f32 v54, v54  }
0x3a8: {  	v16 =	vmul.f32 v52, v52;
	v9 =	vadd.f32 v9, v15;
	v15 =	vadd.f32 v18, v17  }
0x3a9: {  	v11 =	vor.u32 v36, v11;
	v17 =	vld.idx.msk [tilespmem:v12+s24+$0x0], $0xffff;
	v49 =	vadd.f32 v60, v2;
	v59 =	vadd.f32 v61, v3  }
0x3aa: {  	v2 =	vor.u32 v38, v53;
	v56 =	vadd.f32 v14, v9;
	v57 =	vadd.f32 v16, v15  }
0x3ab: {  	v3 =	vor.u32 v40, v47;
	v12 =	vor.u32 v34, v35;
	v9 =	vshll.u32 v62, $0x7;
	v13 =	vld.idx.msk [tilespmem:v13+s24+$0x0], $0xffff  }
0x3ac: {  	v35 =	vshll.u32 v47, $0x7;
	v14 =	vand.u32 $0x7, v47;
	v9 =	vor.u32 v36, v9;
	[tilespmem:v43+s14+$0x0] =	vst.idx.msk $0xffff, v50  }
0x3ad: {  	v18 =	vshll.u32 v42, $0x7;
	v15 =	vor.u32 v40, v48;
	v16 =	vshll.u32 v55, $0x7;
	v10 =	vld.idx.msk [tilespmem:v10+s24+$0x0], $0xffff;
	[tilespmem:v41+s14+$0x0] =	vst.idx.msk $0xffff, v51  }
0x3ae: {  	v19 =	vshll.u32 v48, $0x7;
	v20 =	vshll.u32 v46, $0x7;
	v16 =	vor.u32 v36, v16;
	[tilespmem:v44+s14+$0x0] =	vst.idx.msk $0xffff, v52  }
0x3af: {  	v22 =	vshll.u32 v53, $0x7;
	v21 =	vor.u32 v40, v46;
	[tilespmem:v11+s14+$0x0] =	vst.idx.msk $0xffff, v17;
	v11 =	vor.u32 $0x20, v58;
	v2 =	vld.idx.msk [tilespmem:v2+s24+$0x0], $0xffff  }
0x3b0: {  	v22 =	vor.u32 v36, v22;
	v23 =	vor.u32 v39, v35;
	v3 =	vld.idx.msk [tilespmem:v3+s24+$0x0], $0xffff;
	v24 =	vand.u32 $0x28, v11  }
0x3b1: {  	v14 =	vor.u32 v24, v14;
	[tilespmem:v9+s14+$0x0] =	vst.idx.msk $0xffff, v13;
	v9 =	vor.u32 $0x20, v62;
	v24 =	vor.u32 v40, v42  }
0x3b2: {  	v41 =	vand.u32 $0x7, v48;
	v14 =	vor.u32 v38, v14;
	v32 =	vld.idx.msk [tilespmem:v15+s24+$0x0], $0xffff;
	v15 =	vand.u32 $0x28, v9;
	[tilespmem:v12+s14+$0x0] =	vst.idx.msk $0xffff, v45  }
0x3b3: {  	v12 =	vor.u32 v39, v19;
	v15 =	vor.u32 v15, v41;
	[tilespmem:v16+s14+$0x0] =	vst.idx.msk $0xffff, v10;
	v16 =	vor.u32 $0x20, v55  }
0x3b4: {  	v43 =	vand.u32 $0x7, v46;
	v15 =	vor.u32 v38, v15;
	v21 =	vld.idx.msk [tilespmem:v21+s24+$0x0], $0xffff;
	v41 =	vand.u32 $0x28, v16  }
0x3b5: {  	v44 =	vor.u32 v39, v20;
	v41 =	vor.u32 v41, v43;
	[tilespmem:v22+s14+$0x0] =	vst.idx.msk $0xffff, v2;
	v22 =	vor.u32 $0x20, v53  }
0x3b6: {  	v43 =	vand.u32 $0x7, v42;
	[tilespmem:v23+s14+$0x0] =	vst.idx.msk $0xffff, v3;
	v23 =	vor.u32 v38, v41;
	v24 =	vld.idx.msk [tilespmem:v24+s24+$0x0], $0xffff;
	v41 =	vand.u32 $0x28, v22  }
0x3b7: {  	v11 =	vshll.u32 v11, $0x7;
	v52 =	vld.idx.msk [tilespmem:v14+s24+$0x0], $0xffff;
	v14 =	vor.u32 v39, v18;
	v41 =	vor.u32 v41, v43  }
0x3b8: {  	v11 =	vor.u32 v36, v11;
	[tilespmem:v12+s14+$0x0] =	vst.idx.msk $0xffff, v32;
	v12 =	vor.u32 v38, v41  }
0x3b9: {  	v45 =	vor.u32 v37, v47;
	v9 =	vshll.u32 v9, $0x7;
	v43 =	vor.u32 v34, v19;
	v63 =	vld.idx.msk [tilespmem:v15+s24+$0x0], $0xffff  }
0x3ba: {  	v41 =	vor.u32 v34, v20;
	v15 =	vor.u32 v36, v9;
	[tilespmem:v44+s14+$0x0] =	vst.idx.msk $0xffff, v21  }
0x3bb: {  	s15 =	sadd.s32 $0x3, s0;
	v16 =	vshll.u32 v16, $0x7;
	v19 =	vor.u32 v37, v48;
	v44 =	vor.u32 v34, v18;
	v9 =	vld.idx.msk [tilespmem:v23+s24+$0x0], $0xffff  }
0x3bc: {  	s17 =	sadd.s32 $0x2, s0;
	v47 =	vadd.s32 s0, v0;
	v16 =	vor.u32 v36, v16;
	v18 =	vadd.s32 s15, v0;
	[tilespmem:v14+s14+$0x0] =	vst.idx.msk $0xffff, v24  }
0x3bd: {  	v20 =	vor.u32 v37, v46;
	v46 =	vadd.s32 s17, v0;
	s15 =	sadd.s32 $0x1, s0;
	[tilespmem:v11+s14+$0x0] =	vst.idx.msk $0xffff, v52;
	v54 =	vld.idx.msk [tilespmem:v12+s24+$0x0], $0xffff;
	v11 =	vshll.u32 v22, $0x7  }
0x3be: {  	v58 =	vand.u32 $0xF, v47;
	v48 =	vadd.s32 s15, v0;
	v45 =	vld.idx.msk [tilespmem:v45+s24+$0x0], $0xffff;
	v22 =	vor.u32 v36, v11  }
0x3bf: {  	v53 =	vand.u32 $0xF, v18;
	v23 =	vor.u32 v37, v42;
	v42 =	vmovc v18;
	v11 =	vshll.u32 v58, $0x7;
	[tilespmem:v15+s14+$0x0] =	vst.idx.msk $0xffff, v63  }
.Ltmp14:
0x3c0: {  	v17 =	vmul.f32 v17, v17;
	v60 =	vmul.f32 v2, v2;
	v12 =	vor.u32 v38, v58;
	v50 =	vld.idx.msk [tilespmem:v19+s24+$0x0], $0xffff;
	(pc) =	sbr.rel @p1 .LBB2_26-.Ltmp14, $4  }
0x3c1: {  	v55 =	vand.u32 $0xF, v46;
	v14 =	vmul.f32 v10, v10;
	v15 =	vmul.f32 v13, v13;
	[tilespmem:v16+s14+$0x0] =	vst.idx.msk $0xffff, v9  }
0x3c2: {  	v61 =	vmul.f32 v24, v24;
	v10 =	vor.u32 v38, v55;
	v19 =	vmul.f32 v3, v3;
	v51 =	vld.idx.msk [tilespmem:v20+s24+$0x0], $0xffff  }
0x3c3: {  	v18 =	vmul.f32 v32, v32;
	v62 =	vand.u32 $0xF, v48;
	v16 =	vmul.f32 v21, v21;
	[tilespmem:v22+s14+$0x0] =	vst.idx.msk $0xffff, v54  }
0x3c4: {  	s0 =	sadd.s32 $0x4, s0;
	v13 =	vor.u32 v38, v62;
	v20 =	vmul.f32 v52, v52;
	v21 =	vmul.f32 v45, v45;
	v52 =	vld.idx.msk [tilespmem:v23+s24+$0x0], $0xffff  }
0x3c5: {  	_ = 	snop  }
0x3c6: {  	v2 =	vadd.f32 v17, v49;
	v3 =	vadd.f32 v19, v59  }
0x3c7: {  	v17 =	vmul.f32 v63, v63;
	v9 =	vmul.f32 v9, v9;
	v11 =	vor.u32 v36, v11  }
0x3c8: {  	v49 =	vshll.u32 v47, $0x7;
	v19 =	vadd.f32 v20, v56;
	v3 =	vadd.f32 v18, v3  }
0x3c9: {  	v12 =	vld.idx.msk [tilespmem:v12+s24+$0x0], $0xffff;
	v20 =	vadd.f32 v21, v57;
	v56 =	vmul.f32 v50, v50;
	v2 =	vadd.f32 v15, v2  }
0x3ca: {  	v18 =	vor.u32 v40, v47;
	v3 =	vadd.f32 v16, v3;
	v16 =	vshll.u32 v62, $0x7  }
0x3cb: {  	v13 =	vld.idx.msk [tilespmem:v13+s24+$0x0], $0xffff;
	v2 =	vadd.f32 v14, v2;
	v14 =	vor.u32 v38, v53;
	v16 =	vor.u32 v36, v16  }
0x3cc: {  	v15 =	vadd.f32 v17, v19;
	v17 =	vadd.f32 v56, v20;
	v20 =	vor.u32 v40, v48  }
0x3cd: {  	v22 =	vshll.u32 v48, $0x7;
	v23 =	vor.u32 $0x20, v58;
	v10 =	vld.idx.msk [tilespmem:v10+s24+$0x0], $0xffff;
	v57 =	vshll.u32 v55, $0x7  }
0x3ce: {  	v24 =	vor.u32 v40, v46;
	v32 =	vshll.u32 v53, $0x7;
	v21 =	vor.u32 v36, v57;
	[tilespmem:v11+s14+$0x0] =	vst.idx.msk $0xffff, v12  }
0x3cf: {  	v32 =	vor.u32 v36, v32;
	v58 =	vor.u32 v39, v22;
	v56 =	vor.u32 v39, v49;
	v18 =	vld.idx.msk [tilespmem:v18+s24+$0x0], $0xffff  }
0x3d0: {  	v57 =	vor.u32 $0x20, v62;
	v19 =	vand.u32 $0x7, v47;
	v40 =	vor.u32 v40, v42;
	v11 =	vld.idx.msk [tilespmem:v14+s24+$0x0], $0xffff;
	[tilespmem:v16+s14+$0x0] =	vst.idx.msk $0xffff, v13  }
0x3d1: {  	v62 =	vand.u32 $0x7, v46;
	v53 =	vor.u32 $0x20, v53;
	v14 =	vand.u32 $0x28, v23;
	v20 =	vld.idx.msk [tilespmem:v20+s24+$0x0], $0xffff  }
0x3d2: {  	v63 =	vand.u32 $0x28, v53;
	v23 =	vshll.u32 v23, $0x7;
	v14 =	vor.u32 v14, v19  }
0x3d3: {  	[tilespmem:v21+s14+$0x0] =	vst.idx.msk $0xffff, v10;
	v16 =	vand.u32 $0x28, v57;
	v19 =	vand.u32 $0x7, v48;
	v14 =	vor.u32 v38, v14  }
0x3d4: {  	v16 =	vor.u32 v16, v19;
	v19 =	vor.u32 $0x20, v55;
	v55 =	vshll.u32 v46, $0x7;
	[tilespmem:v56+s14+$0x0] =	vst.idx.msk $0xffff, v18  }
0x3d5: {  	v24 =	vld.idx.msk [tilespmem:v24+s24+$0x0], $0xffff;
	v16 =	vor.u32 v38, v16;
	v59 =	vand.u32 $0x28, v19;
	v56 =	vshll.u32 v42, $0x7;
	[tilespmem:v32+s14+$0x0] =	vst.idx.msk $0xffff, v11  }
0x3d6: {  	v21 =	vor.u32 v59, v62;
	v62 =	vand.u32 $0x7, v42;
	[tilespmem:v58+s14+$0x0] =	vst.idx.msk $0xffff, v20;
	v58 =	vor.u32 v39, v55  }
0x3d7: {  	v32 =	vor.u32 v63, v62;
	v21 =	vor.u32 v38, v21;
	v40 =	vld.idx.msk [tilespmem:v40+s24+$0x0], $0xffff;
	v39 =	vor.u32 v39, v56  }
0x3d8: {  	v9 =	vadd.f32 v9, v15;
	v23 =	vor.u32 v36, v23;
	v32 =	vor.u32 v38, v32;
	v14 =	vld.idx.msk [tilespmem:v14+s24+$0x0], $0xffff  }
0x3d9: {  	v15 =	vor.u32 v37, v47;
	v57 =	vshll.u32 v57, $0x7;
	v63 =	vmul.f32 v51, v51  }
0x3da: {  	v12 =	vmul.f32 v12, v12;
	v2 =	vadd.f32 v60, v2;
	v47 =	vor.u32 v36, v57;
	v16 =	vld.idx.msk [tilespmem:v16+s24+$0x0], $0xffff  }
0x3db: {  	v19 =	vshll.u32 v19, $0x7;
	v17 =	vadd.f32 v63, v17;
	v63 =	vor.u32 v37, v48;
	[tilespmem:v58+s14+$0x0] =	vst.idx.msk $0xffff, v24  }
0x3dc: {  	v3 =	vadd.f32 v61, v3;
	v19 =	vor.u32 v36, v19;
	[tilespmem:v39+s14+$0x0] =	vst.idx.msk $0xffff, v40;
	v21 =	vld.idx.msk [tilespmem:v21+s24+$0x0], $0xffff  }
0x3dd: {  	v59 =	vshll.u32 v53, $0x7;
	[tilespmem:v23+s14+$0x0] =	vst.idx.msk $0xffff, v14;
	v58 =	vor.u32 v37, v46;
	v32 =	vld.idx.msk [tilespmem:v32+s24+$0x0], $0xffff  }
0x3de: {  	v61 =	vor.u32 v37, v42;
	v62 =	vmul.f32 v54, v54;
	v60 =	vor.u32 v36, v59;
	v15 =	vld.idx.msk [tilespmem:v15+s24+$0x0], $0xffff  }
0x3df: {  	v2 =	vadd.f32 v12, v2;
	v13 =	vmul.f32 v13, v13;
	[tilespmem:v47+s14+$0x0] =	vst.idx.msk $0xffff, v16  }
0x3e0: {  	v10 =	vmul.f32 v10, v10;
	v18 =	vmul.f32 v18, v18;
	v9 =	vadd.f32 v62, v9;
	v62 =	vld.idx.msk [tilespmem:v63+s24+$0x0], $0xffff  }
0x3e1: {  	v57 =	vmul.f32 v52, v52;
	v2 =	vadd.f32 v13, v2;
	[tilespmem:v19+s14+$0x0] =	vst.idx.msk $0xffff, v21  }
0x3e2: {  	v11 =	vmul.f32 v11, v11;
	v3 =	vadd.f32 v18, v3;
	v14 =	vmul.f32 v14, v14;
	v23 =	vld.idx.msk [tilespmem:v58+s24+$0x0], $0xffff  }
0x3e3: {  	v17 =	vadd.f32 v57, v17;
	[tilespmem:v60+s14+$0x0] =	vst.idx.msk $0xffff, v32;
	v63 =	vmul.f32 v15, v15  }
0x3e4: {  	v20 =	vmul.f32 v20, v20;
	v12 =	vmul.f32 v16, v16;
	v9 =	vadd.f32 v14, v9;
	v37 =	vld.idx.msk [tilespmem:v61+s24+$0x0], $0xffff  }
0x3e5: {  	v2 =	vadd.f32 v10, v2;
	v16 =	vmul.f32 v62, v62;
	v14 =	vadd.f32 v63, v17  }
0x3e6: {  	v3 =	vadd.f32 v20, v3;
	v24 =	vmul.f32 v24, v24;
	v9 =	vadd.f32 v12, v9  }
0x3e7: {  	v13 =	vmul.f32 v21, v21;
	v12 =	vadd.f32 v16, v14;
	v14 =	vmul.f32 v23, v23  }
0x3e8: {  	v3 =	vadd.f32 v24, v3;
	v19 =	vmul.f32 v40, v40;
	v10 =	vmul.f32 v32, v32  }
0x3e9: {  	v9 =	vadd.f32 v13, v9;
	v13 =	vmul.f32 v37, v37;
	v12 =	vadd.f32 v14, v12  }
0x3ea: {  	v2 =	vadd.f32 v11, v2;
	v3 =	vadd.f32 v19, v3  }
0x3eb: {  	v9 =	vadd.f32 v10, v9;
	v10 =	vadd.f32 v13, v12;
	_ =	sdelay $0x1  }
0x3ec: {  	v2 =	vadd.f32 v3, v2;
	v3 =	vadd.f32 v10, v9;
	_ =	sdelay $0x1  }
0x3ed: {  	v2 =	vadd.f32 v3, v2;
	_ =	sdelay $0x1  }
0x3ee: {  	v3 =	vshra.s32 v2, $0x1;
	v9 =	vmul.f32 $5.000000000e-01, v2  }
0x3ef: {  	v3 =	vsub.s32 $0x5F3759DF, v3  }
0x3f0: {  	v10 =	vmul.f32 v3, v9;
	_ =	sdelay $0x1  }
0x3f1: {  	v10 =	vmul.f32 v3, v10;
	_ =	sdelay $0x1  }
0x3f2: {  	v10 =	vsub.f32 $1.500000000e+00, v10;
	_ =	sdelay $0x1  }
0x3f3: {  	v3 =	vmul.f32 v3, v10;
	_ =	sdelay $0x1  }
0x3f4: {  	v10 =	vmul.f32 v3, v9;
	_ =	sdelay $0x1  }
0x3f5: {  	v10 =	vmul.f32 v10, v3;
	_ =	sdelay $0x1  }
0x3f6: {  	v11 =	vor.u32 v34, v35;
	v10 =	vsub.f32 $1.500000000e+00, v10  }
0x3f7: {  	v14 =	vor.u32 v34, v49  }
0x3f8: {  	[tilespmem:v43+s14+$0x0] =	vst.idx.msk $0xffff, v50;
	v12 =	vor.u32 v34, v22;
	v3 =	vmul.f32 v10, v3  }
0x3f9: {  	[tilespmem:v41+s14+$0x0] =	vst.idx.msk $0xffff, v51;
	v13 =	vor.u32 v34, v55  }
0x3fa: {  	[tilespmem:v44+s14+$0x0] =	vst.idx.msk $0xffff, v52;
	v10 =	vor.u32 v34, v56;
	v9 =	vmul.f32 v3, v9  }
0x3fb: {  	[tilespmem:v11+s14+$0x0] =	vst.idx.msk $0xffff, v45  }
0x3fc: {  	[tilespmem:v14+s14+$0x0] =	vst.idx.msk $0xffff, v15;
	v9 =	vmul.f32 v9, v3  }
0x3fd: {  	[tilespmem:v12+s14+$0x0] =	vst.idx.msk $0xffff, v62  }
0x3fe: {  	[tilespmem:v13+s14+$0x0] =	vst.idx.msk $0xffff, v23;
	v9 =	vsub.f32 $1.500000000e+00, v9  }
0x3ff: {  	[tilespmem:v10+s14+$0x0] =	vst.idx.msk $0xffff, v37  }
0x400: {  	v3 =	vmul.f32 v9, v3;
	v9 =	vld [tilespmem:s30+$0x180]  }
0x401: {  	v10 =	vld [tilespmem:s30+$0xFFFFFE80]  }
0x402: {  	v11 =	vld [tilespmem:s30+$0xFFFFFF00];
	v2 =	vmul.f32 v3, v2  }
0x403: {  	v13 =	vld [tilespmem:s30+$0xFFFFFF80];
	v12 =	vmul.f32 $9.999899860e-01, v3  }
0x404: {  	v14 =	vld [tilespmem:s30+$0x0];
	v3 =	vmul.f32 $7.807763810e-01, v3;
	vm0 =	vge.f32 v2, $1.000000000e+00  }
0x405: {  	vm1 =	vle.f32 v2, $7.807763810e-01;
	v2 =	vnsel vm0, $0x3F800000, v12;
	v12 =	vld [tilespmem:s30+$0x80];
	v15 =	vadd.f32 $1.000000000e-15, v9  }
0x406: {  	v9 =	vsel vm1, v3, v2;
	v2 =	vadd.f32 $1.000000000e-15, v10;
	v3 =	vld [tilespmem:s30+$0x100]  }
0x407: {  	s0 =	sadd.s32 $0x400, s30;
	v11 =	vadd.f32 $1.000000000e-15, v11;
	v10 =	vld [tilespmem:s30+$0xFFFFFE00];
	v15 =	vmul.f32 v15, v9  }
0x408: {  	v16 =	vld [tilespmem:s0+$0x180];
	v13 =	vadd.f32 $1.000000000e-15, v13;
	v2 =	vmul.f32 v2, v9  }
0x409: {  	v17 =	vld [tilespmem:s0+$0xFFFFFE80];
	v14 =	vadd.f32 $1.000000000e-15, v14;
	v11 =	vmul.f32 v11, v9;
	[tilespmem:s30+$0x180] =	vst v15  }
0x40a: {  	v15 =	vld [tilespmem:s0+$0xFFFFFF00];
	[tilespmem:s30+$0xFFFFFE80] =	vst v2;
	v2 =	vmul.f32 v13, v9;
	v13 =	vadd.f32 $1.000000000e-15, v12  }
0x40b: {  	v14 =	vmul.f32 v14, v9;
	[tilespmem:s30+$0xFFFFFF00] =	vst v11;
	v12 =	vld [tilespmem:s0+$0xFFFFFF80];
	v3 =	vadd.f32 $1.000000000e-15, v3  }
0x40c: {  	v11 =	vld [tilespmem:s0+$0x0];
	v18 =	vadd.f32 $1.000000000e-15, v10;
	[tilespmem:s30+$0xFFFFFF80] =	vst v2;
	v2 =	vmul.f32 v13, v9  }
0x40d: {  	v19 =	vadd.f32 $1.000000000e-15, v16;
	[tilespmem:s30+$0x0] =	vst v14;
	v10 =	vld [tilespmem:s0+$0x80];
	v3 =	vmul.f32 v3, v9  }
0x40e: {  	v16 =	vadd.f32 $1.000000000e-15, v17;
	v13 =	vld [tilespmem:s0+$0x100];
	v18 =	vmul.f32 v18, v9;
	[tilespmem:s30+$0x80] =	vst v2  }
0x40f: {  	s19 =	simm.s32 $0x8;
	s15 =	smov.u32 s30;
	s17 =	sadd.s32 $0x400, s0;
	v14 =	vld [tilespmem:s0+$0xFFFFFE00];
	v17 =	vadd.f32 $1.000000000e-15, v15;
	v15 =	vmul.f32 v19, v9;
	[tilespmem:s30+$0x100] =	vst v3  }
.LBB2_28:
0x410: {  	v2 =	vld [tilespmem:s17+$0x180];
	s19 =	sadd.s32 $0x8, s19;
	v3 =	vmul.f32 v16, v9;
	v12 =	vadd.f32 $1.000000000e-15, v12;
	[tilespmem:s15+$0xFFFFFE00] =	vst v18;
	s15 =	smov.u32 s0;
	s0 =	smov.u32 s17  }
0x411: {  	v16 =	vld [tilespmem:s17+$0xFFFFFE80];
	p1 =	slt.u32 s19, $0x38;
	v17 =	vmul.f32 v17, v9;
	v11 =	vadd.f32 $1.000000000e-15, v11;
	[tilespmem:s15+$0x180] =	vst v15  }
0x412: {  	v15 =	vld [tilespmem:s17+$0xFFFFFF00];
	[tilespmem:s15+$0xFFFFFE80] =	vst v3;
	v3 =	vmul.f32 v12, v9;
	v10 =	vadd.f32 $1.000000000e-15, v10  }
.Ltmp15:
0x413: {  	v12 =	vld [tilespmem:s17+$0xFFFFFF80];
	[tilespmem:s15+$0xFFFFFF00] =	vst v17;
	v17 =	vmul.f32 v11, v9;
	v13 =	vadd.f32 $1.000000000e-15, v13;
	(pc) =	sbr.rel @p1 .LBB2_28-.Ltmp15, $4  }
0x414: {  	v11 =	vld [tilespmem:s17+$0x0];
	v14 =	vadd.f32 $1.000000000e-15, v14;
	[tilespmem:s15+$0xFFFFFF80] =	vst v3;
	v3 =	vmul.f32 v10, v9  }
0x415: {  	v10 =	vld [tilespmem:s17+$0x80];
	v2 =	vadd.f32 $1.000000000e-15, v2;
	[tilespmem:s15+$0x0] =	vst v17;
	v19 =	vmul.f32 v13, v9  }
0x416: {  	v16 =	vadd.f32 $1.000000000e-15, v16;
	v13 =	vld [tilespmem:s17+$0x100];
	v18 =	vmul.f32 v14, v9;
	[tilespmem:s15+$0x80] =	vst v3  }
0x417: {  	s17 =	sadd.s32 $0x400, s17;
	v14 =	vld [tilespmem:s0+$0xFFFFFE00];
	v17 =	vadd.f32 $1.000000000e-15, v15;
	v15 =	vmul.f32 v2, v9;
	[tilespmem:s15+$0x100] =	vst v19  }
0x418: {  	v2 =	vmul.f32 v16, v9;
	v3 =	vadd.f32 $1.000000000e-15, v12;
	[tilespmem:s15+$0xFFFFFE00] =	vst v18  }
0x419: {  	v62 =	vmul.f32 v17, v9;
	v11 =	vadd.f32 $1.000000000e-15, v11;
	[tilespmem:s0+$0x180] =	vst v15  }
0x41a: {  	s1 =	sadd.s32 $0x1, s1;
	[tilespmem:s0+$0xFFFFFE80] =	vst v2;
	v2 =	vmul.f32 v3, v9;
	v3 =	vadd.f32 $1.000000000e-15, v10  }
0x41b: {  	p1 =	sne.s32 s1, $0x8;
	[tilespmem:s0+$0xFFFFFF00] =	vst v62;
	v10 =	vmul.f32 v11, v9;
	v11 =	vadd.f32 $1.000000000e-15, v13  }
.Ltmp16:
0x41c: {  	v63 =	vadd.f32 $1.000000000e-15, v14;
	[tilespmem:s0+$0xFFFFFF80] =	vst v2;
	v2 =	vmul.f32 v3, v9;
	(pc) =	sbr.rel @p1 .LBB2_25-.Ltmp16, $4  }
0x41d: {  	[tilespmem:s0+$0x0] =	vst v10;
	v3 =	vmul.f32 v11, v9  }
0x41e: {  	v9 =	vmul.f32 v63, v9;
	[tilespmem:s0+$0x80] =	vst v2  }
0x41f: {  	[tilespmem:s0+$0x100] =	vst v3  }
0x420: {  	s30 =	sadd.s32 $0x10, s30;
	[tilespmem:s0+$0xFFFFFE00] =	vst v9  }
0x421: {  	s0 =	sadd.s32 $0x180, s28;
	s30 =	sor.u32 $0x4180, s13  }
0x422: {  	[hbm4b:s0+s3] =	stream.linear.scatter [tilespmem:s14], [sflag:$0x6], $0x400, $0x38;
	[tilespmem:$0x12600] =	vst v63  }
0x423: {  	s17 =	simm.s32 $0x10A00;
	s1 =	sor.u32 $0x8180, s13;
	s0 =	sadd.s32 s2, s30  }
0x424: {  	[hbm4b:s0+s3] =	stream.linear.scatter [tilespmem:s17], [sflag:$0x6], $0x400, $0x38;
	[tilespmem:$0x12600] =	vst v63  }
0x425: {  	s15 =	sor.u32 $0xC180, s13;
	s0 =	sadd.s32 s2, s1;
	s1 =	simm.s32 $0x10E00  }
0x426: {  	[hbm4b:s0+s3] =	stream.linear.scatter [tilespmem:s1], [sflag:$0x6], $0x400, $0x38;
	[tilespmem:$0x12600] =	vst v63  }
0x427: {  	s19 =	sor.u32 $0x10180, s13;
	s0 =	sadd.s32 s2, s15  }
0x428: {  	[hbm4b:s0+s3] =	stream.linear.scatter [tilespmem:s23], [sflag:$0x6], $0x400, $0x38;
	[tilespmem:$0x12600] =	vst v63  }
0x429: {  	s28 =	sor.u32 $0x14180, s13;
	s0 =	sadd.s32 s2, s19  }
0x42a: {  	[hbm4b:s0+s3] =	stream.linear.scatter [tilespmem:s16], [sflag:$0x6], $0x400, $0x38;
	[tilespmem:$0x12600] =	vst v63  }
0x42b: {  	s0 =	sadd.s32 s2, s28  }
0x42c: {  	[hbm4b:s0+s3] =	stream.linear.scatter [tilespmem:s5], [sflag:$0x6], $0x400, $0x38;
	[tilespmem:$0x12600] =	vst v63  }
.Ltmp17:
0x42d: {  	s29 =	sor.u32 $0x18180, s13;
	(pc) =	sbr.rel @p0 .LBB2_32-.Ltmp17, $4  }
0x42e: {  	s30 =	sor.u32 $0x1C180, s13;
	s0 =	sadd.s32 s2, s29  }
0x42f: {  	[hbm4b:s0+s3] =	stream.linear.scatter [tilespmem:s7], [sflag:$0x6], $0x400, $0x38;
	[tilespmem:$0x12600] =	vst v63  }
0x430: {  	s0 =	sadd.s32 s2, s30  }
0x431: {  	[hbm4b:s0+s3] =	stream.linear.scatter [tilespmem:s8], [sflag:$0x6], $0x400, $0x38;
	[tilespmem:$0x12600] =	vst v63  }
0x432: {  	s12 =	sadd.s32 $0x1, s12  }
0x433: {  	v2 =	vadd.s32 s12, v25;
	_ =	sdelay $0x4  }
0x434: {  	v2 =	vld.idx.msk [tilespmem:v2+s3+$0x0], $0xffff  }
0x435: {  	v3 =	vadd.s32 s12, v26;
	_ =	sdelay $0x3  }
0x436: {  	[tilespmem:$0x6580] =	vst v2  }
0x437: {  	v2 =	vld.idx.msk [tilespmem:v3+s3+$0x0], $0xffff  }
0x438: {  	v3 =	vadd.s32 s12, v27;
	_ =	sdelay $0x3  }
0x439: {  	[tilespmem:$0x6590] =	vst v2  }
0x43a: {  	v2 =	vld.idx.msk [tilespmem:v3+s3+$0x0], $0xffff  }
0x43b: {  	v3 =	vadd.s32 s12, v28;
	_ =	sdelay $0x3  }
0x43c: {  	[tilespmem:$0x65A0] =	vst v2  }
0x43d: {  	v2 =	vld.idx.msk [tilespmem:v3+s3+$0x0], $0xffff  }
0x43e: {  	v3 =	vadd.s32 s12, v29;
	_ =	sdelay $0x3  }
0x43f: {  	[tilespmem:$0x65B0] =	vst v2  }
0x440: {  	v2 =	vld.idx.msk [tilespmem:v3+s3+$0x0], $0xffff  }
0x441: {  	v3 =	vadd.s32 s12, v30;
	_ =	sdelay $0x3  }
0x442: {  	[tilespmem:$0x65C0] =	vst v2  }
0x443: {  	v2 =	vld.idx.msk [tilespmem:v3+s3+$0x0], $0xffff  }
0x444: {  	v3 =	vadd.s32 s12, v31;
	_ =	sdelay $0x3  }
0x445: {  	[tilespmem:$0x65D0] =	vst v2  }
0x446: {  	v2 =	vld.idx.msk [tilespmem:v3+s3+$0x0], $0xffff  }
.Ltmp18:
0x447: {  	_ = 	snop;
	(pc) =	sbr.rel .LBB2_2-.Ltmp18, $3  }
0x448: {  	_ =	sdelay $0x1  }
0x449: {  	v3 =	vadd.s32 $0x60E0, v1  }
0x44a: {  	v9 =	vadd.s32 s12, v3;
	[tilespmem:$0x65E0] =	vst v2  }
.LBB2_33:
0x44b: {  	_ =	sfence.sel $0x180000  }
0x44c: {  	[bflag:$0x0] =	sbarrier.arrive $0xFFFF  }
0x44d: {  	_ =	strace $0x90000047  }
0x44e: {  	s0 =	stileid.u32;
	[bflag:$0x2] =	sbarrier.arrive $0xFFFF  }
0x44f: {  	p0 =	sne.s32 s0, $0x0;
	s0 =	rddreg [dreg:$0x2]  }
0x450: {  	s0 =	sadd.s32 @!p0 $0x100000, s0  }
0x451: {  	[sflag:s0] =	ssyncadd.tile.s32 @!p0 $0x1;
	_ =	shalt  }
.Lfunc_end2:
_tile_overlayer_lowered:
.L_overlay_start_2:
0x452: {  	(tag) =	ssettag $0x2  }
0x453: {  	s0 =	rddreg [dreg:$0x0];
	s2 =	stileid.u32  }
0x454: {  	s1 =	rddreg [dreg:$0x1];
	p0 =	sne.s32 s2, $0x0  }
0x455: {  	s3 =	rddreg [dreg:$0x2];
	[bflag:$0x3] =	sbarrier.arrive $0xFFFF;
	s2 =	simm.s32 @!p0 $0x1C07  }
0x456: {  	[timem:s3], [sflag:s2] =	dma.local @!p0 [hbm:s0], s1  }
0x457: {  	s0 =	simm.s32 @!p0 $0x7  }
0x458: {  	_ =	swait.ge @!p0 [sflag:s0], s1  }
0x459: {  	s1 =	ssub.s32 @!p0 $0x0, s1;
	[sflag:s0] =	ssyncset.done @!p0 $0x0  }
0x45a: {  	[sflag:s0] =	ssyncadd.s32 @!p0 s1  }
0x45b: {  	[bflag:$0x3] =	sbarrier.arrive $0xFFFF  }
0x45c: {  	_ =	shalt  }

</sc_bundles>
